<compile_context>
chip_gen: v7x
topology: tpu7x:2x2x1
jax: 0.10.2.dev20260603
libtpu: 0.0.44.dev20260713+nightly
codegen_flags: <defaults>
</compile_context>

<pallas_src>
import functools

import jax
import jax.numpy as jnp
import numpy as np
from jax import lax
from jax.experimental import pallas as pl
from jax.experimental.pallas import tpu as pltpu
from jax.experimental.pallas import tpu_sc as plsc

_N_FFT = 4410
_SAMPLING_RATE = 44100
_N_CHROMA = 12


def _semitone_bins() -> list[int]:
    freq = np.linspace(0.0, _SAMPLING_RATE / 2, _N_FFT // 2 + 1, dtype=np.float32)
    with np.errstate(divide="ignore", invalid="ignore"):
        mapping = (
            np.float32(_N_CHROMA) * np.log2(freq / np.float32(440.0))
        ) % np.float32(_N_CHROMA)
    return [int(i) for i in np.argwhere(mapping == np.float32(0.0)).ravel()]


_BINS = _semitone_bins()


@jax.jit
def kernel(X):
    B, C, F, T = X.shape
    K = len(_BINS)
    NW = 32
    CHUNKS = NW // B
    TW = T // CHUNKS
    L = 16

    mesh = plsc.VectorSubcoreMesh(core_axis_name="c", subcore_axis_name="s")

    @functools.partial(
        pl.kernel,
        out_type=jax.ShapeDtypeStruct((B, C, _N_CHROMA, T), jnp.float32),
        mesh=mesh,
        scratch_types=[
            pltpu.VMEM((K, TW), jnp.float32),
            pltpu.VMEM((_N_CHROMA, TW), jnp.float32),
            pltpu.SemaphoreType.DMA,
        ],
        compiler_params=pltpu.CompilerParams(use_tc_tiling_on_sc=False),
    )
    def chroma_sc(x_hbm, out_hbm, rows_v, out_v, sem):
        wid = lax.axis_index("s") * 2 + lax.axis_index("c")
        b = wid // CHUNKS
        t0 = (wid % CHUNKS) * TW

        handles = [
            pltpu.make_async_copy(
                x_hbm.at[b, 0, _BINS[k], pl.ds(t0, TW)], rows_v.at[k], sem
            )
            for k in range(K)
        ]
        for h in handles:
            h.start()
        for h in handles:
            h.wait()

        for i in range(TW // L):
            s = pl.ds(i * L, L)
            acc = rows_v[0, s]
            for k in range(1, K):
                acc = acc + rows_v[k, s]
            for j in range(_N_CHROMA):
                out_v[j, s] = acc

        pltpu.sync_copy(out_v, out_hbm.at[b, 0, :, pl.ds(t0, TW)])

    return chroma_sc(X)

# --- scband reference (transcript-rebuilt; emitter-appended) ---
"""Pipeline reference for scband-chroma-48765058679388 (READ-ONLY COPY).

The authoritative reference and input builder live on the scoring server;
editing this copy changes nothing except your own understanding.
"""

import jax, jax.numpy as jnp
import numpy as np

N_FFT = 4410
SAMPLING_RATE = 44100
N_CHROMA = 12


def _semitone_bins_0():
    # Mirrors torch: freq_bins = linspace(0, sr/2, n_fft//2+1) in float32,
    # mapping = n_chroma * log2(freq/440) % n_chroma, argwhere(mapping == 0)
    freq = np.linspace(0.0, SAMPLING_RATE / 2, N_FFT // 2 + 1, dtype=np.float32)
    with np.errstate(divide='ignore', invalid='ignore'):
        mapping = (np.float32(N_CHROMA) * np.log2(freq / np.float32(440.0))) % np.float32(N_CHROMA)
    idx = np.argwhere(mapping == np.float32(0.0))  # shape [K, 1], matches torch.argwhere
    return jnp.asarray(idx, dtype=jnp.int32)


def setup_inputs(seed: int = 0) -> dict:
    key = jax.random.key(seed)
    # X: [batch, channels, n_fft//2+1 freq bins, time frames]
    X = jax.random.normal(key, (8, 1, N_FFT // 2 + 1, 2048), dtype=jnp.float32)
    return {"X": X}


def reference(X):
    idx = _semitone_bins_0()  # [K, 1]
    chromas = []
    for i in range(12):
        # NOTE: original module uses semitone_bins[0] for every i (bug preserved)
        # X[:, :, idx, :] -> [B, C, K, 1, T]; sum over dim=2 -> [B, C, 1, T]
        chromas.append(jnp.sum(X[:, :, idx, :], axis=2))
    chromas = jnp.concatenate(chromas, axis=2)  # [B, C, 12, T]
    return chromas

if __name__ == "__main__":
    import jax
    _d = setup_inputs()
    print(jax.jit(kernel)(*tuple(_d.values())))

</pallas_src>

<mosaic_0001>
#map = affine_map<(d0, d1) -> (0, 0, 0, 0)>
module attributes {stable_mosaic.version = 14 : i64} {
  func.func @chroma_sc(%arg0: i32, %arg1: i32, %arg2: memref<8x1x2206x2048xf32, #tpu.memory_space<hbm>>, %arg3: memref<8x1x12x2048xf32, #tpu.memory_space<hbm>>, %arg4: memref<8x512xf32, #tpu.memory_space<vmem>>, %arg5: memref<12x512xf32, #tpu.memory_space<vmem>>, %arg6: memref<!tpu.dma_semaphore, #tpu.memory_space<semaphore_mem>>) attributes {dimension_semantics = [#tpu.dimension_semantics<core_parallel>, #tpu.dimension_semantics<subcore_parallel>], iteration_bounds = array<i64: 2, 16>, scalar_prefetch = 0 : i64, scratch_operands = 3 : i64, tpu.core_type = #tpu.core_type<sc_vector_subcore>, window_params = [{transform_indices = #map}, {transform_indices = #map}]} {
    %mul3A = arith.constant 2 : i32
    %mul3A_0 = arith.muli %arg1, %mul3A : i32
    %add3A = arith.addi %mul3A_0, %arg0 : i32
    %jit3A = arith.constant 4 : i32
    %div3A = arith.divsi %add3A, %jit3A : i32
    %sign3A = arith.constant 0 : i32
    %sign3A_1 = arith.cmpi sgt, %add3A, %sign3A : i32
    %sign3A_2 = arith.extui %sign3A_1 : i1 to i32
    %sign3A_3 = arith.constant 0 : i32
    %sign3A_4 = arith.cmpi slt, %add3A, %sign3A_3 : i32
    %sign3A_5 = arith.extui %sign3A_4 : i1 to i32
    %sign3A_6 = arith.subi %sign3A_2, %sign3A_5 : i32
    %sign3A_7 = arith.constant 0 : i32
    %sign3A_8 = arith.cmpi sgt, %jit3A, %sign3A_7 : i32
    %sign3A_9 = arith.extui %sign3A_8 : i1 to i32
    %sign3A_10 = arith.constant 0 : i32
    %sign3A_11 = arith.cmpi slt, %jit3A, %sign3A_10 : i32
    %sign3A_12 = arith.extui %sign3A_11 : i1 to i32
    %sign3A_13 = arith.subi %sign3A_9, %sign3A_12 : i32
    %ne3A = arith.cmpi ne, %sign3A_6, %sign3A_13 : i32
    %rem3A = arith.remsi %add3A, %jit3A : i32
    %ne3A_14 = arith.constant 0 : i32
    %ne3A_15 = arith.cmpi ne, %rem3A, %ne3A_14 : i32
    %and3A = arith.andi %ne3A, %ne3A_15 : i1
    %sub3A = arith.constant 1 : i32
    %sub3A_16 = arith.subi %div3A, %sub3A : i32
    %select_n3A = arith.select %and3A, %sub3A_16, %div3A : i32
    %jit3A_17 = arith.constant 4 : i32
    %eq3A = arith.constant 0 : i32
    %eq3A_18 = arith.cmpi eq, %jit3A_17, %eq3A : i32
    %jit3A_19 = arith.constant 1 : i32
    %select_n3A_20 = arith.select %eq3A_18, %jit3A_19, %jit3A_17 : i32
    %rem3A_21 = arith.remsi %add3A, %select_n3A_20 : i32
    %ne3A_22 = arith.constant 0 : i32
    %ne3A_23 = arith.cmpi ne, %rem3A_21, %ne3A_22 : i32
    %lt3A = arith.constant 0 : i32
    %lt3A_24 = arith.cmpi slt, %rem3A_21, %lt3A : i32
    %lt3A_25 = arith.constant 0 : i32
    %lt3A_26 = arith.cmpi slt, %select_n3A_20, %lt3A_25 : i32
    %ne3A_27 = arith.xori %lt3A_24, %lt3A_26 : i1
    %and3A_28 = arith.andi %ne3A_27, %ne3A_23 : i1
    %add3A_29 = arith.addi %rem3A_21, %select_n3A_20 : i32
    %select_n3A_30 = arith.select %and3A_28, %add3A_29, %rem3A_21 : i32
    %mul3A_31 = arith.constant 512 : i32
    %mul3A_32 = arith.muli %select_n3A_30, %mul3A_31 : i32
    %dma_start3A = arith.constant 0 : i32
    %dma_start3A_33 = arith.constant 11 : i32
    %dma_start3A_34 = arith.constant 0 : i32
    %dma_start3A_35 = arith.constant 0 : i32
    %dma_start3A_36 = tpu.memref_slice %arg4[%dma_start3A_34, %dma_start3A_35] : memref<8x512xf32, #tpu.memory_space<vmem>> -> memref<1x512xf32, #tpu.memory_space<vmem>>
    %dma_start3A_37 = tpu.memref_squeeze %dma_start3A_36 : memref<1x512xf32, #tpu.memory_space<vmem>> -> memref<512xf32, #tpu.memory_space<vmem>>
    %dma_start3A_38 = tpu.memref_slice %arg2[%select_n3A, %dma_start3A, %dma_start3A_33, %mul3A_32] : memref<8x1x2206x2048xf32, #tpu.memory_space<hbm>> -> memref<1x1x1x512xf32, #tpu.memory_space<hbm>>
    %dma_start3A_39 = tpu.memref_squeeze %dma_start3A_38 : memref<1x1x1x512xf32, #tpu.memory_space<hbm>> -> memref<512xf32, #tpu.memory_space<hbm>>
    %dma_start3A_40 = arith.constant 0 : i32
    %dma_start3A_41 = tpu.memref_slice %arg4[%dma_start3A_34, %dma_start3A_40] : memref<8x512xf32, #tpu.memory_space<vmem>> -> memref<1x512xf32, #tpu.memory_space<vmem>>
    %dma_start3A_42 = tpu.memref_squeeze %dma_start3A_41 : memref<1x512xf32, #tpu.memory_space<vmem>> -> memref<512xf32, #tpu.memory_space<vmem>>
    %dma_start3A_43 = tpu.memref_slice %arg2[%select_n3A, %dma_start3A, %dma_start3A_33, %mul3A_32] : memref<8x1x2206x2048xf32, #tpu.memory_space<hbm>> -> memref<1x1x1x512xf32, #tpu.memory_space<hbm>>
    %dma_start3A_44 = tpu.memref_squeeze %dma_start3A_43 : memref<1x1x1x512xf32, #tpu.memory_space<hbm>> -> memref<512xf32, #tpu.memory_space<hbm>>
    tpu.enqueue_dma source(%dma_start3A_44 : memref<512xf32, #tpu.memory_space<hbm>>) target(%dma_start3A_42 : memref<512xf32, #tpu.memory_space<vmem>>) target_semaphore(%arg6 : memref<!tpu.dma_semaphore, #tpu.memory_space<semaphore_mem>>)
    %dma_start3A_45 = arith.constant 0 : i32
    %dma_start3A_46 = arith.constant 22 : i32
    %dma_start3A_47 = arith.constant 1 : i32
    %dma_start3A_48 = arith.constant 0 : i32
    %dma_start3A_49 = tpu.memref_slice %arg4[%dma_start3A_47, %dma_start3A_48] : memref<8x512xf32, #tpu.memory_space<vmem>> -> memref<1x512xf32, #tpu.memory_space<vmem>>
    %dma_start3A_50 = tpu.memref_squeeze %dma_start3A_49 : memref<1x512xf32, #tpu.memory_space<vmem>> -> memref<512xf32, #tpu.memory_space<vmem>>
    %dma_start3A_51 = tpu.memref_slice %arg2[%select_n3A, %dma_start3A_45, %dma_start3A_46, %mul3A_32] : memref<8x1x2206x2048xf32, #tpu.memory_space<hbm>> -> memref<1x1x1x512xf32, #tpu.memory_space<hbm>>
    %dma_start3A_52 = tpu.memref_squeeze %dma_start3A_51 : memref<1x1x1x512xf32, #tpu.memory_space<hbm>> -> memref<512xf32, #tpu.memory_space<hbm>>
    %dma_start3A_53 = arith.constant 0 : i32
    %dma_start3A_54 = tpu.memref_slice %arg4[%dma_start3A_47, %dma_start3A_53] : memref<8x512xf32, #tpu.memory_space<vmem>> -> memref<1x512xf32, #tpu.memory_space<vmem>>
    %dma_start3A_55 = tpu.memref_squeeze %dma_start3A_54 : memref<1x512xf32, #tpu.memory_space<vmem>> -> memref<512xf32, #tpu.memory_space<vmem>>
    %dma_start3A_56 = tpu.memref_slice %arg2[%select_n3A, %dma_start3A_45, %dma_start3A_46, %mul3A_32] : memref<8x1x2206x2048xf32, #tpu.memory_space<hbm>> -> memref<1x1x1x512xf32, #tpu.memory_space<hbm>>
    %dma_start3A_57 = tpu.memref_squeeze %dma_start3A_56 : memref<1x1x1x512xf32, #tpu.memory_space<hbm>> -> memref<512xf32, #tpu.memory_space<hbm>>
    tpu.enqueue_dma source(%dma_start3A_57 : memref<512xf32, #tpu.memory_space<hbm>>) target(%dma_start3A_55 : memref<512xf32, #tpu.memory_space<vmem>>) target_semaphore(%arg6 : memref<!tpu.dma_semaphore, #tpu.memory_space<semaphore_mem>>)
    %dma_start3A_58 = arith.constant 0 : i32
    %dma_start3A_59 = arith.constant 44 : i32
    %dma_start3A_60 = arith.constant 2 : i32
    %dma_start3A_61 = arith.constant 0 : i32
    %dma_start3A_62 = tpu.memref_slice %arg4[%dma_start3A_60, %dma_start3A_61] : memref<8x512xf32, #tpu.memory_space<vmem>> -> memref<1x512xf32, #tpu.memory_space<vmem>>
    %dma_start3A_63 = tpu.memref_squeeze %dma_start3A_62 : memref<1x512xf32, #tpu.memory_space<vmem>> -> memref<512xf32, #tpu.memory_space<vmem>>
    %dma_start3A_64 = tpu.memref_slice %arg2[%select_n3A, %dma_start3A_58, %dma_start3A_59, %mul3A_32] : memref<8x1x2206x2048xf32, #tpu.memory_space<hbm>> -> memref<1x1x1x512xf32, #tpu.memory_space<hbm>>
    %dma_start3A_65 = tpu.memref_squeeze %dma_start3A_64 : memref<1x1x1x512xf32, #tpu.memory_space<hbm>> -> memref<512xf32, #tpu.memory_space<hbm>>
    %dma_start3A_66 = arith.constant 0 : i32
    %dma_start3A_67 = tpu.memref_slice %arg4[%dma_start3A_60, %dma_start3A_66] : memref<8x512xf32, #tpu.memory_space<vmem>> -> memref<1x512xf32, #tpu.memory_space<vmem>>
    %dma_start3A_68 = tpu.memref_squeeze %dma_start3A_67 : memref<1x512xf32, #tpu.memory_space<vmem>> -> memref<512xf32, #tpu.memory_space<vmem>>
    %dma_start3A_69 = tpu.memref_slice %arg2[%select_n3A, %dma_start3A_58, %dma_start3A_59, %mul3A_32] : memref<8x1x2206x2048xf32, #tpu.memory_space<hbm>> -> memref<1x1x1x512xf32, #tpu.memory_space<hbm>>
    %dma_start3A_70 = tpu.memref_squeeze %dma_start3A_69 : memref<1x1x1x512xf32, #tpu.memory_space<hbm>> -> memref<512xf32, #tpu.memory_space<hbm>>
    tpu.enqueue_dma source(%dma_start3A_70 : memref<512xf32, #tpu.memory_space<hbm>>) target(%dma_start3A_68 : memref<512xf32, #tpu.memory_space<vmem>>) target_semaphore(%arg6 : memref<!tpu.dma_semaphore, #tpu.memory_space<semaphore_mem>>)
    %dma_start3A_71 = arith.constant 0 : i32
    %dma_start3A_72 = arith.constant 88 : i32
    %dma_start3A_73 = arith.constant 3 : i32
    %dma_start3A_74 = arith.constant 0 : i32
    %dma_start3A_75 = tpu.memref_slice %arg4[%dma_start3A_73, %dma_start3A_74] : memref<8x512xf32, #tpu.memory_space<vmem>> -> memref<1x512xf32, #tpu.memory_space<vmem>>
    %dma_start3A_76 = tpu.memref_squeeze %dma_start3A_75 : memref<1x512xf32, #tpu.memory_space<vmem>> -> memref<512xf32, #tpu.memory_space<vmem>>
    %dma_start3A_77 = tpu.memref_slice %arg2[%select_n3A, %dma_start3A_71, %dma_start3A_72, %mul3A_32] : memref<8x1x2206x2048xf32, #tpu.memory_space<hbm>> -> memref<1x1x1x512xf32, #tpu.memory_space<hbm>>
    %dma_start3A_78 = tpu.memref_squeeze %dma_start3A_77 : memref<1x1x1x512xf32, #tpu.memory_space<hbm>> -> memref<512xf32, #tpu.memory_space<hbm>>
    %dma_start3A_79 = arith.constant 0 : i32
    %dma_start3A_80 = tpu.memref_slice %arg4[%dma_start3A_73, %dma_start3A_79] : memref<8x512xf32, #tpu.memory_space<vmem>> -> memref<1x512xf32, #tpu.memory_space<vmem>>
    %dma_start3A_81 = tpu.memref_squeeze %dma_start3A_80 : memref<1x512xf32, #tpu.memory_space<vmem>> -> memref<512xf32, #tpu.memory_space<vmem>>
    %dma_start3A_82 = tpu.memref_slice %arg2[%select_n3A, %dma_start3A_71, %dma_start3A_72, %mul3A_32] : memref<8x1x2206x2048xf32, #tpu.memory_space<hbm>> -> memref<1x1x1x512xf32, #tpu.memory_space<hbm>>
    %dma_start3A_83 = tpu.memref_squeeze %dma_start3A_82 : memref<1x1x1x512xf32, #tpu.memory_space<hbm>> -> memref<512xf32, #tpu.memory_space<hbm>>
    tpu.enqueue_dma source(%dma_start3A_83 : memref<512xf32, #tpu.memory_space<hbm>>) target(%dma_start3A_81 : memref<512xf32, #tpu.memory_space<vmem>>) target_semaphore(%arg6 : memref<!tpu.dma_semaphore, #tpu.memory_space<semaphore_mem>>)
    %dma_start3A_84 = arith.constant 0 : i32
    %dma_start3A_85 = arith.constant 176 : i32
    %dma_start3A_86 = arith.constant 4 : i32
    %dma_start3A_87 = arith.constant 0 : i32
    %dma_start3A_88 = tpu.memref_slice %arg4[%dma_start3A_86, %dma_start3A_87] : memref<8x512xf32, #tpu.memory_space<vmem>> -> memref<1x512xf32, #tpu.memory_space<vmem>>
    %dma_start3A_89 = tpu.memref_squeeze %dma_start3A_88 : memref<1x512xf32, #tpu.memory_space<vmem>> -> memref<512xf32, #tpu.memory_space<vmem>>
    %dma_start3A_90 = tpu.memref_slice %arg2[%select_n3A, %dma_start3A_84, %dma_start3A_85, %mul3A_32] : memref<8x1x2206x2048xf32, #tpu.memory_space<hbm>> -> memref<1x1x1x512xf32, #tpu.memory_space<hbm>>
    %dma_start3A_91 = tpu.memref_squeeze %dma_start3A_90 : memref<1x1x1x512xf32, #tpu.memory_space<hbm>> -> memref<512xf32, #tpu.memory_space<hbm>>
    %dma_start3A_92 = arith.constant 0 : i32
    %dma_start3A_93 = tpu.memref_slice %arg4[%dma_start3A_86, %dma_start3A_92] : memref<8x512xf32, #tpu.memory_space<vmem>> -> memref<1x512xf32, #tpu.memory_space<vmem>>
    %dma_start3A_94 = tpu.memref_squeeze %dma_start3A_93 : memref<1x512xf32, #tpu.memory_space<vmem>> -> memref<512xf32, #tpu.memory_space<vmem>>
    %dma_start3A_95 = tpu.memref_slice %arg2[%select_n3A, %dma_start3A_84, %dma_start3A_85, %mul3A_32] : memref<8x1x2206x2048xf32, #tpu.memory_space<hbm>> -> memref<1x1x1x512xf32, #tpu.memory_space<hbm>>
    %dma_start3A_96 = tpu.memref_squeeze %dma_start3A_95 : memref<1x1x1x512xf32, #tpu.memory_space<hbm>> -> memref<512xf32, #tpu.memory_space<hbm>>
    tpu.enqueue_dma source(%dma_start3A_96 : memref<512xf32, #tpu.memory_space<hbm>>) target(%dma_start3A_94 : memref<512xf32, #tpu.memory_space<vmem>>) target_semaphore(%arg6 : memref<!tpu.dma_semaphore, #tpu.memory_space<semaphore_mem>>)
    %dma_start3A_97 = arith.constant 0 : i32
    %dma_start3A_98 = arith.constant 352 : i32
    %dma_start3A_99 = arith.constant 5 : i32
    %dma_start3A_100 = arith.constant 0 : i32
    %dma_start3A_101 = tpu.memref_slice %arg4[%dma_start3A_99, %dma_start3A_100] : memref<8x512xf32, #tpu.memory_space<vmem>> -> memref<1x512xf32, #tpu.memory_space<vmem>>
    %dma_start3A_102 = tpu.memref_squeeze %dma_start3A_101 : memref<1x512xf32, #tpu.memory_space<vmem>> -> memref<512xf32, #tpu.memory_space<vmem>>
    %dma_start3A_103 = tpu.memref_slice %arg2[%select_n3A, %dma_start3A_97, %dma_start3A_98, %mul3A_32] : memref<8x1x2206x2048xf32, #tpu.memory_space<hbm>> -> memref<1x1x1x512xf32, #tpu.memory_space<hbm>>
    %dma_start3A_104 = tpu.memref_squeeze %dma_start3A_103 : memref<1x1x1x512xf32, #tpu.memory_space<hbm>> -> memref<512xf32, #tpu.memory_space<hbm>>
    %dma_start3A_105 = arith.constant 0 : i32
    %dma_start3A_106 = tpu.memref_slice %arg4[%dma_start3A_99, %dma_start3A_105] : memref<8x512xf32, #tpu.memory_space<vmem>> -> memref<1x512xf32, #tpu.memory_space<vmem>>
    %dma_start3A_107 = tpu.memref_squeeze %dma_start3A_106 : memref<1x512xf32, #tpu.memory_space<vmem>> -> memref<512xf32, #tpu.memory_space<vmem>>
    %dma_start3A_108 = tpu.memref_slice %arg2[%select_n3A, %dma_start3A_97, %dma_start3A_98, %mul3A_32] : memref<8x1x2206x2048xf32, #tpu.memory_space<hbm>> -> memref<1x1x1x512xf32, #tpu.memory_space<hbm>>
    %dma_start3A_109 = tpu.memref_squeeze %dma_start3A_108 : memref<1x1x1x512xf32, #tpu.memory_space<hbm>> -> memref<512xf32, #tpu.memory_space<hbm>>
    tpu.enqueue_dma source(%dma_start3A_109 : memref<512xf32, #tpu.memory_space<hbm>>) target(%dma_start3A_107 : memref<512xf32, #tpu.memory_space<vmem>>) target_semaphore(%arg6 : memref<!tpu.dma_semaphore, #tpu.memory_space<semaphore_mem>>)
    %dma_start3A_110 = arith.constant 0 : i32
    %dma_start3A_111 = arith.constant 704 : i32
    %dma_start3A_112 = arith.constant 6 : i32
    %dma_start3A_113 = arith.constant 0 : i32
    %dma_start3A_114 = tpu.memref_slice %arg4[%dma_start3A_112, %dma_start3A_113] : memref<8x512xf32, #tpu.memory_space<vmem>> -> memref<1x512xf32, #tpu.memory_space<vmem>>
    %dma_start3A_115 = tpu.memref_squeeze %dma_start3A_114 : memref<1x512xf32, #tpu.memory_space<vmem>> -> memref<512xf32, #tpu.memory_space<vmem>>
    %dma_start3A_116 = tpu.memref_slice %arg2[%select_n3A, %dma_start3A_110, %dma_start3A_111, %mul3A_32] : memref<8x1x2206x2048xf32, #tpu.memory_space<hbm>> -> memref<1x1x1x512xf32, #tpu.memory_space<hbm>>
    %dma_start3A_117 = tpu.memref_squeeze %dma_start3A_116 : memref<1x1x1x512xf32, #tpu.memory_space<hbm>> -> memref<512xf32, #tpu.memory_space<hbm>>
    %dma_start3A_118 = arith.constant 0 : i32
    %dma_start3A_119 = tpu.memref_slice %arg4[%dma_start3A_112, %dma_start3A_118] : memref<8x512xf32, #tpu.memory_space<vmem>> -> memref<1x512xf32, #tpu.memory_space<vmem>>
    %dma_start3A_120 = tpu.memref_squeeze %dma_start3A_119 : memref<1x512xf32, #tpu.memory_space<vmem>> -> memref<512xf32, #tpu.memory_space<vmem>>
    %dma_start3A_121 = tpu.memref_slice %arg2[%select_n3A, %dma_start3A_110, %dma_start3A_111, %mul3A_32] : memref<8x1x2206x2048xf32, #tpu.memory_space<hbm>> -> memref<1x1x1x512xf32, #tpu.memory_space<hbm>>
    %dma_start3A_122 = tpu.memref_squeeze %dma_start3A_121 : memref<1x1x1x512xf32, #tpu.memory_space<hbm>> -> memref<512xf32, #tpu.memory_space<hbm>>
    tpu.enqueue_dma source(%dma_start3A_122 : memref<512xf32, #tpu.memory_space<hbm>>) target(%dma_start3A_120 : memref<512xf32, #tpu.memory_space<vmem>>) target_semaphore(%arg6 : memref<!tpu.dma_semaphore, #tpu.memory_space<semaphore_mem>>)
    %dma_start3A_123 = arith.constant 0 : i32
    %dma_start3A_124 = arith.constant 1408 : i32
    %dma_start3A_125 = arith.constant 7 : i32
    %dma_start3A_126 = arith.constant 0 : i32
    %dma_start3A_127 = tpu.memref_slice %arg4[%dma_start3A_125, %dma_start3A_126] : memref<8x512xf32, #tpu.memory_space<vmem>> -> memref<1x512xf32, #tpu.memory_space<vmem>>
    %dma_start3A_128 = tpu.memref_squeeze %dma_start3A_127 : memref<1x512xf32, #tpu.memory_space<vmem>> -> memref<512xf32, #tpu.memory_space<vmem>>
    %dma_start3A_129 = tpu.memref_slice %arg2[%select_n3A, %dma_start3A_123, %dma_start3A_124, %mul3A_32] : memref<8x1x2206x2048xf32, #tpu.memory_space<hbm>> -> memref<1x1x1x512xf32, #tpu.memory_space<hbm>>
    %dma_start3A_130 = tpu.memref_squeeze %dma_start3A_129 : memref<1x1x1x512xf32, #tpu.memory_space<hbm>> -> memref<512xf32, #tpu.memory_space<hbm>>
    %dma_start3A_131 = arith.constant 0 : i32
    %dma_start3A_132 = tpu.memref_slice %arg4[%dma_start3A_125, %dma_start3A_131] : memref<8x512xf32, #tpu.memory_space<vmem>> -> memref<1x512xf32, #tpu.memory_space<vmem>>
    %dma_start3A_133 = tpu.memref_squeeze %dma_start3A_132 : memref<1x512xf32, #tpu.memory_space<vmem>> -> memref<512xf32, #tpu.memory_space<vmem>>
    %dma_start3A_134 = tpu.memref_slice %arg2[%select_n3A, %dma_start3A_123, %dma_start3A_124, %mul3A_32] : memref<8x1x2206x2048xf32, #tpu.memory_space<hbm>> -> memref<1x1x1x512xf32, #tpu.memory_space<hbm>>
    %dma_start3A_135 = tpu.memref_squeeze %dma_start3A_134 : memref<1x1x1x512xf32, #tpu.memory_space<hbm>> -> memref<512xf32, #tpu.memory_space<hbm>>
    tpu.enqueue_dma source(%dma_start3A_135 : memref<512xf32, #tpu.memory_space<hbm>>) target(%dma_start3A_133 : memref<512xf32, #tpu.memory_space<vmem>>) target_semaphore(%arg6 : memref<!tpu.dma_semaphore, #tpu.memory_space<semaphore_mem>>)
    %dma_wait3A = arith.constant 0 : i32
    %dma_wait3A_136 = arith.constant 11 : i32
    %dma_wait3A_137 = arith.constant 0 : i32
    %dma_wait3A_138 = arith.constant 0 : i32
    %dma_wait3A_139 = tpu.memref_slice %arg4[%dma_wait3A_137, %dma_wait3A_138] : memref<8x512xf32, #tpu.memory_space<vmem>> -> memref<1x512xf32, #tpu.memory_space<vmem>>
    %dma_wait3A_140 = tpu.memref_squeeze %dma_wait3A_139 : memref<1x512xf32, #tpu.memory_space<vmem>> -> memref<512xf32, #tpu.memory_space<vmem>>
    %dma_wait3A_141 = tpu.memref_slice %arg2[%select_n3A, %dma_wait3A, %dma_wait3A_136, %mul3A_32] : memref<8x1x2206x2048xf32, #tpu.memory_space<hbm>> -> memref<1x1x1x512xf32, #tpu.memory_space<hbm>>
    %dma_wait3A_142 = tpu.memref_squeeze %dma_wait3A_141 : memref<1x1x1x512xf32, #tpu.memory_space<hbm>> -> memref<512xf32, #tpu.memory_space<hbm>>
    %dma_wait3A_143 = arith.constant 0 : i32
    %dma_wait3A_144 = tpu.memref_slice %arg4[%dma_wait3A_137, %dma_wait3A_143] : memref<8x512xf32, #tpu.memory_space<vmem>> -> memref<1x512xf32, #tpu.memory_space<vmem>>
    %dma_wait3A_145 = tpu.memref_squeeze %dma_wait3A_144 : memref<1x512xf32, #tpu.memory_space<vmem>> -> memref<512xf32, #tpu.memory_space<vmem>>
    %dma_wait3A_146 = tpu.memref_slice %arg2[%select_n3A, %dma_wait3A, %dma_wait3A_136, %mul3A_32] : memref<8x1x2206x2048xf32, #tpu.memory_space<hbm>> -> memref<1x1x1x512xf32, #tpu.memory_space<hbm>>
    %dma_wait3A_147 = tpu.memref_squeeze %dma_wait3A_146 : memref<1x1x1x512xf32, #tpu.memory_space<hbm>> -> memref<512xf32, #tpu.memory_space<hbm>>
    tpu.wait_dma2 semaphore(%arg6 : memref<!tpu.dma_semaphore, #tpu.memory_space<semaphore_mem>>) src(%dma_wait3A_147 : memref<512xf32, #tpu.memory_space<hbm>>) dst(%dma_wait3A_145 : memref<512xf32, #tpu.memory_space<vmem>>)
    %dma_wait3A_148 = arith.constant 0 : i32
    %dma_wait3A_149 = arith.constant 22 : i32
    %dma_wait3A_150 = arith.constant 1 : i32
    %dma_wait3A_151 = arith.constant 0 : i32
    %dma_wait3A_152 = tpu.memref_slice %arg4[%dma_wait3A_150, %dma_wait3A_151] : memref<8x512xf32, #tpu.memory_space<vmem>> -> memref<1x512xf32, #tpu.memory_space<vmem>>
    %dma_wait3A_153 = tpu.memref_squeeze %dma_wait3A_152 : memref<1x512xf32, #tpu.memory_space<vmem>> -> memref<512xf32, #tpu.memory_space<vmem>>
    %dma_wait3A_154 = tpu.memref_slice %arg2[%select_n3A, %dma_wait3A_148, %dma_wait3A_149, %mul3A_32] : memref<8x1x2206x2048xf32, #tpu.memory_space<hbm>> -> memref<1x1x1x512xf32, #tpu.memory_space<hbm>>
    %dma_wait3A_155 = tpu.memref_squeeze %dma_wait3A_154 : memref<1x1x1x512xf32, #tpu.memory_space<hbm>> -> memref<512xf32, #tpu.memory_space<hbm>>
    %dma_wait3A_156 = arith.constant 0 : i32
    %dma_wait3A_157 = tpu.memref_slice %arg4[%dma_wait3A_150, %dma_wait3A_156] : memref<8x512xf32, #tpu.memory_space<vmem>> -> memref<1x512xf32, #tpu.memory_space<vmem>>
    %dma_wait3A_158 = tpu.memref_squeeze %dma_wait3A_157 : memref<1x512xf32, #tpu.memory_space<vmem>> -> memref<512xf32, #tpu.memory_space<vmem>>
    %dma_wait3A_159 = tpu.memref_slice %arg2[%select_n3A, %dma_wait3A_148, %dma_wait3A_149, %mul3A_32] : memref<8x1x2206x2048xf32, #tpu.memory_space<hbm>> -> memref<1x1x1x512xf32, #tpu.memory_space<hbm>>
    %dma_wait3A_160 = tpu.memref_squeeze %dma_wait3A_159 : memref<1x1x1x512xf32, #tpu.memory_space<hbm>> -> memref<512xf32, #tpu.memory_space<hbm>>
    tpu.wait_dma2 semaphore(%arg6 : memref<!tpu.dma_semaphore, #tpu.memory_space<semaphore_mem>>) src(%dma_wait3A_160 : memref<512xf32, #tpu.memory_space<hbm>>) dst(%dma_wait3A_158 : memref<512xf32, #tpu.memory_space<vmem>>)
    %dma_wait3A_161 = arith.constant 0 : i32
    %dma_wait3A_162 = arith.constant 44 : i32
    %dma_wait3A_163 = arith.constant 2 : i32
    %dma_wait3A_164 = arith.constant 0 : i32
    %dma_wait3A_165 = tpu.memref_slice %arg4[%dma_wait3A_163, %dma_wait3A_164] : memref<8x512xf32, #tpu.memory_space<vmem>> -> memref<1x512xf32, #tpu.memory_space<vmem>>
    %dma_wait3A_166 = tpu.memref_squeeze %dma_wait3A_165 : memref<1x512xf32, #tpu.memory_space<vmem>> -> memref<512xf32, #tpu.memory_space<vmem>>
    %dma_wait3A_167 = tpu.memref_slice %arg2[%select_n3A, %dma_wait3A_161, %dma_wait3A_162, %mul3A_32] : memref<8x1x2206x2048xf32, #tpu.memory_space<hbm>> -> memref<1x1x1x512xf32, #tpu.memory_space<hbm>>
    %dma_wait3A_168 = tpu.memref_squeeze %dma_wait3A_167 : memref<1x1x1x512xf32, #tpu.memory_space<hbm>> -> memref<512xf32, #tpu.memory_space<hbm>>
    %dma_wait3A_169 = arith.constant 0 : i32
    %dma_wait3A_170 = tpu.memref_slice %arg4[%dma_wait3A_163, %dma_wait3A_169] : memref<8x512xf32, #tpu.memory_space<vmem>> -> memref<1x512xf32, #tpu.memory_space<vmem>>
    %dma_wait3A_171 = tpu.memref_squeeze %dma_wait3A_170 : memref<1x512xf32, #tpu.memory_space<vmem>> -> memref<512xf32, #tpu.memory_space<vmem>>
    %dma_wait3A_172 = tpu.memref_slice %arg2[%select_n3A, %dma_wait3A_161, %dma_wait3A_162, %mul3A_32] : memref<8x1x2206x2048xf32, #tpu.memory_space<hbm>> -> memref<1x1x1x512xf32, #tpu.memory_space<hbm>>
    %dma_wait3A_173 = tpu.memref_squeeze %dma_wait3A_172 : memref<1x1x1x512xf32, #tpu.memory_space<hbm>> -> memref<512xf32, #tpu.memory_space<hbm>>
    tpu.wait_dma2 semaphore(%arg6 : memref<!tpu.dma_semaphore, #tpu.memory_space<semaphore_mem>>) src(%dma_wait3A_173 : memref<512xf32, #tpu.memory_space<hbm>>) dst(%dma_wait3A_171 : memref<512xf32, #tpu.memory_space<vmem>>)
    %dma_wait3A_174 = arith.constant 0 : i32
    %dma_wait3A_175 = arith.constant 88 : i32
    %dma_wait3A_176 = arith.constant 3 : i32
    %dma_wait3A_177 = arith.constant 0 : i32
    %dma_wait3A_178 = tpu.memref_slice %arg4[%dma_wait3A_176, %dma_wait3A_177] : memref<8x512xf32, #tpu.memory_space<vmem>> -> memref<1x512xf32, #tpu.memory_space<vmem>>
    %dma_wait3A_179 = tpu.memref_squeeze %dma_wait3A_178 : memref<1x512xf32, #tpu.memory_space<vmem>> -> memref<512xf32, #tpu.memory_space<vmem>>
    %dma_wait3A_180 = tpu.memref_slice %arg2[%select_n3A, %dma_wait3A_174, %dma_wait3A_175, %mul3A_32] : memref<8x1x2206x2048xf32, #tpu.memory_space<hbm>> -> memref<1x1x1x512xf32, #tpu.memory_space<hbm>>
    %dma_wait3A_181 = tpu.memref_squeeze %dma_wait3A_180 : memref<1x1x1x512xf32, #tpu.memory_space<hbm>> -> memref<512xf32, #tpu.memory_space<hbm>>
    %dma_wait3A_182 = arith.constant 0 : i32
    %dma_wait3A_183 = tpu.memref_slice %arg4[%dma_wait3A_176, %dma_wait3A_182] : memref<8x512xf32, #tpu.memory_space<vmem>> -> memref<1x512xf32, #tpu.memory_space<vmem>>
    %dma_wait3A_184 = tpu.memref_squeeze %dma_wait3A_183 : memref<1x512xf32, #tpu.memory_space<vmem>> -> memref<512xf32, #tpu.memory_space<vmem>>
    %dma_wait3A_185 = tpu.memref_slice %arg2[%select_n3A, %dma_wait3A_174, %dma_wait3A_175, %mul3A_32] : memref<8x1x2206x2048xf32, #tpu.memory_space<hbm>> -> memref<1x1x1x512xf32, #tpu.memory_space<hbm>>
    %dma_wait3A_186 = tpu.memref_squeeze %dma_wait3A_185 : memref<1x1x1x512xf32, #tpu.memory_space<hbm>> -> memref<512xf32, #tpu.memory_space<hbm>>
    tpu.wait_dma2 semaphore(%arg6 : memref<!tpu.dma_semaphore, #tpu.memory_space<semaphore_mem>>) src(%dma_wait3A_186 : memref<512xf32, #tpu.memory_space<hbm>>) dst(%dma_wait3A_184 : memref<512xf32, #tpu.memory_space<vmem>>)
    %dma_wait3A_187 = arith.constant 0 : i32
    %dma_wait3A_188 = arith.constant 176 : i32
    %dma_wait3A_189 = arith.constant 4 : i32
    %dma_wait3A_190 = arith.constant 0 : i32
    %dma_wait3A_191 = tpu.memref_slice %arg4[%dma_wait3A_189, %dma_wait3A_190] : memref<8x512xf32, #tpu.memory_space<vmem>> -> memref<1x512xf32, #tpu.memory_space<vmem>>
    %dma_wait3A_192 = tpu.memref_squeeze %dma_wait3A_191 : memref<1x512xf32, #tpu.memory_space<vmem>> -> memref<512xf32, #tpu.memory_space<vmem>>
    %dma_wait3A_193 = tpu.memref_slice %arg2[%select_n3A, %dma_wait3A_187, %dma_wait3A_188, %mul3A_32] : memref<8x1x2206x2048xf32, #tpu.memory_space<hbm>> -> memref<1x1x1x512xf32, #tpu.memory_space<hbm>>
    %dma_wait3A_194 = tpu.memref_squeeze %dma_wait3A_193 : memref<1x1x1x512xf32, #tpu.memory_space<hbm>> -> memref<512xf32, #tpu.memory_space<hbm>>
    %dma_wait3A_195 = arith.constant 0 : i32
    %dma_wait3A_196 = tpu.memref_slice %arg4[%dma_wait3A_189, %dma_wait3A_195] : memref<8x512xf32, #tpu.memory_space<vmem>> -> memref<1x512xf32, #tpu.memory_space<vmem>>
    %dma_wait3A_197 = tpu.memref_squeeze %dma_wait3A_196 : memref<1x512xf32, #tpu.memory_space<vmem>> -> memref<512xf32, #tpu.memory_space<vmem>>
    %dma_wait3A_198 = tpu.memref_slice %arg2[%select_n3A, %dma_wait3A_187, %dma_wait3A_188, %mul3A_32] : memref<8x1x2206x2048xf32, #tpu.memory_space<hbm>> -> memref<1x1x1x512xf32, #tpu.memory_space<hbm>>
    %dma_wait3A_199 = tpu.memref_squeeze %dma_wait3A_198 : memref<1x1x1x512xf32, #tpu.memory_space<hbm>> -> memref<512xf32, #tpu.memory_space<hbm>>
    tpu.wait_dma2 semaphore(%arg6 : memref<!tpu.dma_semaphore, #tpu.memory_space<semaphore_mem>>) src(%dma_wait3A_199 : memref<512xf32, #tpu.memory_space<hbm>>) dst(%dma_wait3A_197 : memref<512xf32, #tpu.memory_space<vmem>>)
    %dma_wait3A_200 = arith.constant 0 : i32
    %dma_wait3A_201 = arith.constant 352 : i32
    %dma_wait3A_202 = arith.constant 5 : i32
    %dma_wait3A_203 = arith.constant 0 : i32
    %dma_wait3A_204 = tpu.memref_slice %arg4[%dma_wait3A_202, %dma_wait3A_203] : memref<8x512xf32, #tpu.memory_space<vmem>> -> memref<1x512xf32, #tpu.memory_space<vmem>>
    %dma_wait3A_205 = tpu.memref_squeeze %dma_wait3A_204 : memref<1x512xf32, #tpu.memory_space<vmem>> -> memref<512xf32, #tpu.memory_space<vmem>>
    %dma_wait3A_206 = tpu.memref_slice %arg2[%select_n3A, %dma_wait3A_200, %dma_wait3A_201, %mul3A_32] : memref<8x1x2206x2048xf32, #tpu.memory_space<hbm>> -> memref<1x1x1x512xf32, #tpu.memory_space<hbm>>
    %dma_wait3A_207 = tpu.memref_squeeze %dma_wait3A_206 : memref<1x1x1x512xf32, #tpu.memory_space<hbm>> -> memref<512xf32, #tpu.memory_space<hbm>>
    %dma_wait3A_208 = arith.constant 0 : i32
    %dma_wait3A_209 = tpu.memref_slice %arg4[%dma_wait3A_202, %dma_wait3A_208] : memref<8x512xf32, #tpu.memory_space<vmem>> -> memref<1x512xf32, #tpu.memory_space<vmem>>
    %dma_wait3A_210 = tpu.memref_squeeze %dma_wait3A_209 : memref<1x512xf32, #tpu.memory_space<vmem>> -> memref<512xf32, #tpu.memory_space<vmem>>
    %dma_wait3A_211 = tpu.memref_slice %arg2[%select_n3A, %dma_wait3A_200, %dma_wait3A_201, %mul3A_32] : memref<8x1x2206x2048xf32, #tpu.memory_space<hbm>> -> memref<1x1x1x512xf32, #tpu.memory_space<hbm>>
    %dma_wait3A_212 = tpu.memref_squeeze %dma_wait3A_211 : memref<1x1x1x512xf32, #tpu.memory_space<hbm>> -> memref<512xf32, #tpu.memory_space<hbm>>
    tpu.wait_dma2 semaphore(%arg6 : memref<!tpu.dma_semaphore, #tpu.memory_space<semaphore_mem>>) src(%dma_wait3A_212 : memref<512xf32, #tpu.memory_space<hbm>>) dst(%dma_wait3A_210 : memref<512xf32, #tpu.memory_space<vmem>>)
    %dma_wait3A_213 = arith.constant 0 : i32
    %dma_wait3A_214 = arith.constant 704 : i32
    %dma_wait3A_215 = arith.constant 6 : i32
    %dma_wait3A_216 = arith.constant 0 : i32
    %dma_wait3A_217 = tpu.memref_slice %arg4[%dma_wait3A_215, %dma_wait3A_216] : memref<8x512xf32, #tpu.memory_space<vmem>> -> memref<1x512xf32, #tpu.memory_space<vmem>>
    %dma_wait3A_218 = tpu.memref_squeeze %dma_wait3A_217 : memref<1x512xf32, #tpu.memory_space<vmem>> -> memref<512xf32, #tpu.memory_space<vmem>>
    %dma_wait3A_219 = tpu.memref_slice %arg2[%select_n3A, %dma_wait3A_213, %dma_wait3A_214, %mul3A_32] : memref<8x1x2206x2048xf32, #tpu.memory_space<hbm>> -> memref<1x1x1x512xf32, #tpu.memory_space<hbm>>
    %dma_wait3A_220 = tpu.memref_squeeze %dma_wait3A_219 : memref<1x1x1x512xf32, #tpu.memory_space<hbm>> -> memref<512xf32, #tpu.memory_space<hbm>>
    %dma_wait3A_221 = arith.constant 0 : i32
    %dma_wait3A_222 = tpu.memref_slice %arg4[%dma_wait3A_215, %dma_wait3A_221] : memref<8x512xf32, #tpu.memory_space<vmem>> -> memref<1x512xf32, #tpu.memory_space<vmem>>
    %dma_wait3A_223 = tpu.memref_squeeze %dma_wait3A_222 : memref<1x512xf32, #tpu.memory_space<vmem>> -> memref<512xf32, #tpu.memory_space<vmem>>
    %dma_wait3A_224 = tpu.memref_slice %arg2[%select_n3A, %dma_wait3A_213, %dma_wait3A_214, %mul3A_32] : memref<8x1x2206x2048xf32, #tpu.memory_space<hbm>> -> memref<1x1x1x512xf32, #tpu.memory_space<hbm>>
    %dma_wait3A_225 = tpu.memref_squeeze %dma_wait3A_224 : memref<1x1x1x512xf32, #tpu.memory_space<hbm>> -> memref<512xf32, #tpu.memory_space<hbm>>
    tpu.wait_dma2 semaphore(%arg6 : memref<!tpu.dma_semaphore, #tpu.memory_space<semaphore_mem>>) src(%dma_wait3A_225 : memref<512xf32, #tpu.memory_space<hbm>>) dst(%dma_wait3A_223 : memref<512xf32, #tpu.memory_space<vmem>>)
    %dma_wait3A_226 = arith.constant 0 : i32
    %dma_wait3A_227 = arith.constant 1408 : i32
    %dma_wait3A_228 = arith.constant 7 : i32
    %dma_wait3A_229 = arith.constant 0 : i32
    %dma_wait3A_230 = tpu.memref_slice %arg4[%dma_wait3A_228, %dma_wait3A_229] : memref<8x512xf32, #tpu.memory_space<vmem>> -> memref<1x512xf32, #tpu.memory_space<vmem>>
    %dma_wait3A_231 = tpu.memref_squeeze %dma_wait3A_230 : memref<1x512xf32, #tpu.memory_space<vmem>> -> memref<512xf32, #tpu.memory_space<vmem>>
    %dma_wait3A_232 = tpu.memref_slice %arg2[%select_n3A, %dma_wait3A_226, %dma_wait3A_227, %mul3A_32] : memref<8x1x2206x2048xf32, #tpu.memory_space<hbm>> -> memref<1x1x1x512xf32, #tpu.memory_space<hbm>>
    %dma_wait3A_233 = tpu.memref_squeeze %dma_wait3A_232 : memref<1x1x1x512xf32, #tpu.memory_space<hbm>> -> memref<512xf32, #tpu.memory_space<hbm>>
    %dma_wait3A_234 = arith.constant 0 : i32
    %dma_wait3A_235 = tpu.memref_slice %arg4[%dma_wait3A_228, %dma_wait3A_234] : memref<8x512xf32, #tpu.memory_space<vmem>> -> memref<1x512xf32, #tpu.memory_space<vmem>>
    %dma_wait3A_236 = tpu.memref_squeeze %dma_wait3A_235 : memref<1x512xf32, #tpu.memory_space<vmem>> -> memref<512xf32, #tpu.memory_space<vmem>>
    %dma_wait3A_237 = tpu.memref_slice %arg2[%select_n3A, %dma_wait3A_226, %dma_wait3A_227, %mul3A_32] : memref<8x1x2206x2048xf32, #tpu.memory_space<hbm>> -> memref<1x1x1x512xf32, #tpu.memory_space<hbm>>
    %dma_wait3A_238 = tpu.memref_squeeze %dma_wait3A_237 : memref<1x1x1x512xf32, #tpu.memory_space<hbm>> -> memref<512xf32, #tpu.memory_space<hbm>>
    tpu.wait_dma2 semaphore(%arg6 : memref<!tpu.dma_semaphore, #tpu.memory_space<semaphore_mem>>) src(%dma_wait3A_238 : memref<512xf32, #tpu.memory_space<hbm>>) dst(%dma_wait3A_236 : memref<512xf32, #tpu.memory_space<vmem>>)
    %get3A = arith.constant 0 : i32
    %get3A_239 = arith.index_cast %get3A : i32 to index
    %get3A_240 = arith.constant 0 : index
    %get3A_241 = tpu.vector_load %arg4[%get3A_239, %get3A_240] {strides = array<i32>} : memref<8x512xf32, #tpu.memory_space<vmem>>, vector<1x16xf32>,
    %get3A_242 = vector.shape_cast %get3A_241 : vector<1x16xf32> to vector<16xf32>
    %get3A_243 = arith.constant 1 : i32
    %get3A_244 = arith.index_cast %get3A_243 : i32 to index
    %get3A_245 = arith.constant 0 : index
    %get3A_246 = tpu.vector_load %arg4[%get3A_244, %get3A_245] {strides = array<i32>} : memref<8x512xf32, #tpu.memory_space<vmem>>, vector<1x16xf32>,
    %get3A_247 = vector.shape_cast %get3A_246 : vector<1x16xf32> to vector<16xf32>
    %add3A_248 = arith.addf %get3A_242, %get3A_247 : vector<16xf32>
    %get3A_249 = arith.constant 2 : i32
    %get3A_250 = arith.index_cast %get3A_249 : i32 to index
    %get3A_251 = arith.constant 0 : index
    %get3A_252 = tpu.vector_load %arg4[%get3A_250, %get3A_251] {strides = array<i32>} : memref<8x512xf32, #tpu.memory_space<vmem>>, vector<1x16xf32>,
    %get3A_253 = vector.shape_cast %get3A_252 : vector<1x16xf32> to vector<16xf32>
    %add3A_254 = arith.addf %add3A_248, %get3A_253 : vector<16xf32>
    %get3A_255 = arith.constant 3 : i32
    %get3A_256 = arith.index_cast %get3A_255 : i32 to index
    %get3A_257 = arith.constant 0 : index
    %get3A_258 = tpu.vector_load %arg4[%get3A_256, %get3A_257] {strides = array<i32>} : memref<8x512xf32, #tpu.memory_space<vmem>>, vector<1x16xf32>,
    %get3A_259 = vector.shape_cast %get3A_258 : vector<1x16xf32> to vector<16xf32>
    %add3A_260 = arith.addf %add3A_254, %get3A_259 : vector<16xf32>
    %get3A_261 = arith.constant 4 : i32
    %get3A_262 = arith.index_cast %get3A_261 : i32 to index
    %get3A_263 = arith.constant 0 : index
    %get3A_264 = tpu.vector_load %arg4[%get3A_262, %get3A_263] {strides = array<i32>} : memref<8x512xf32, #tpu.memory_space<vmem>>, vector<1x16xf32>,
    %get3A_265 = vector.shape_cast %get3A_264 : vector<1x16xf32> to vector<16xf32>
    %add3A_266 = arith.addf %add3A_260, %get3A_265 : vector<16xf32>
    %get3A_267 = arith.constant 5 : i32
    %get3A_268 = arith.index_cast %get3A_267 : i32 to index
    %get3A_269 = arith.constant 0 : index
    %get3A_270 = tpu.vector_load %arg4[%get3A_268, %get3A_269] {strides = array<i32>} : memref<8x512xf32, #tpu.memory_space<vmem>>, vector<1x16xf32>,
    %get3A_271 = vector.shape_cast %get3A_270 : vector<1x16xf32> to vector<16xf32>
    %add3A_272 = arith.addf %add3A_266, %get3A_271 : vector<16xf32>
    %get3A_273 = arith.constant 6 : i32
    %get3A_274 = arith.index_cast %get3A_273 : i32 to index
    %get3A_275 = arith.constant 0 : index
    %get3A_276 = tpu.vector_load %arg4[%get3A_274, %get3A_275] {strides = array<i32>} : memref<8x512xf32, #tpu.memory_space<vmem>>, vector<1x16xf32>,
    %get3A_277 = vector.shape_cast %get3A_276 : vector<1x16xf32> to vector<16xf32>
    %add3A_278 = arith.addf %add3A_272, %get3A_277 : vector<16xf32>
    %get3A_279 = arith.constant 7 : i32
    %get3A_280 = arith.index_cast %get3A_279 : i32 to index
    %get3A_281 = arith.constant 0 : index
    %get3A_282 = tpu.vector_load %arg4[%get3A_280, %get3A_281] {strides = array<i32>} : memref<8x512xf32, #tpu.memory_space<vmem>>, vector<1x16xf32>,
    %get3A_283 = vector.shape_cast %get3A_282 : vector<1x16xf32> to vector<16xf32>
    %add3A_284 = arith.addf %add3A_278, %get3A_283 : vector<16xf32>
    %swap3A = arith.constant 0 : i32
    %swap3A_285 = arith.index_cast %swap3A : i32 to index
    %swap3A_286 = arith.constant 0 : index
    %swap3A_287 = tpu.vector_load %arg5[%swap3A_285, %swap3A_286] {strides = array<i32>} : memref<12x512xf32, #tpu.memory_space<vmem>>, vector<1x16xf32>,
    %swap3A_288 = vector.shape_cast %swap3A_287 : vector<1x16xf32> to vector<16xf32>
    %swap3A_289 = vector.shape_cast %add3A_284 : vector<16xf32> to vector<1x16xf32>
    tpu.vector_store %arg5[%swap3A_285, %swap3A_286], %swap3A_289 {strides = array<i32>} : memref<12x512xf32, #tpu.memory_space<vmem>>, vector<1x16xf32>,
    %swap3A_290 = arith.constant 1 : i32
    %swap3A_291 = arith.index_cast %swap3A_290 : i32 to index
    %swap3A_292 = arith.constant 0 : index
    %swap3A_293 = tpu.vector_load %arg5[%swap3A_291, %swap3A_292] {strides = array<i32>} : memref<12x512xf32, #tpu.memory_space<vmem>>, vector<1x16xf32>,
    %swap3A_294 = vector.shape_cast %swap3A_293 : vector<1x16xf32> to vector<16xf32>
    %swap3A_295 = vector.shape_cast %add3A_284 : vector<16xf32> to vector<1x16xf32>
    tpu.vector_store %arg5[%swap3A_291, %swap3A_292], %swap3A_295 {strides = array<i32>} : memref<12x512xf32, #tpu.memory_space<vmem>>, vector<1x16xf32>,
    %swap3A_296 = arith.constant 2 : i32
    %swap3A_297 = arith.index_cast %swap3A_296 : i32 to index
    %swap3A_298 = arith.constant 0 : index
    %swap3A_299 = tpu.vector_load %arg5[%swap3A_297, %swap3A_298] {strides = array<i32>} : memref<12x512xf32, #tpu.memory_space<vmem>>, vector<1x16xf32>,
    %swap3A_300 = vector.shape_cast %swap3A_299 : vector<1x16xf32> to vector<16xf32>
    %swap3A_301 = vector.shape_cast %add3A_284 : vector<16xf32> to vector<1x16xf32>
    tpu.vector_store %arg5[%swap3A_297, %swap3A_298], %swap3A_301 {strides = array<i32>} : memref<12x512xf32, #tpu.memory_space<vmem>>, vector<1x16xf32>,
    %swap3A_302 = arith.constant 3 : i32
    %swap3A_303 = arith.index_cast %swap3A_302 : i32 to index
    %swap3A_304 = arith.constant 0 : index
    %swap3A_305 = tpu.vector_load %arg5[%swap3A_303, %swap3A_304] {strides = array<i32>} : memref<12x512xf32, #tpu.memory_space<vmem>>, vector<1x16xf32>,
    %swap3A_306 = vector.shape_cast %swap3A_305 : vector<1x16xf32> to vector<16xf32>
    %swap3A_307 = vector.shape_cast %add3A_284 : vector<16xf32> to vector<1x16xf32>
    tpu.vector_store %arg5[%swap3A_303, %swap3A_304], %swap3A_307 {strides = array<i32>} : memref<12x512xf32, #tpu.memory_space<vmem>>, vector<1x16xf32>,
    %swap3A_308 = arith.constant 4 : i32
    %swap3A_309 = arith.index_cast %swap3A_308 : i32 to index
    %swap3A_310 = arith.constant 0 : index
    %swap3A_311 = tpu.vector_load %arg5[%swap3A_309, %swap3A_310] {strides = array<i32>} : memref<12x512xf32, #tpu.memory_space<vmem>>, vector<1x16xf32>,
    %swap3A_312 = vector.shape_cast %swap3A_311 : vector<1x16xf32> to vector<16xf32>
    %swap3A_313 = vector.shape_cast %add3A_284 : vector<16xf32> to vector<1x16xf32>
    tpu.vector_store %arg5[%swap3A_309, %swap3A_310], %swap3A_313 {strides = array<i32>} : memref<12x512xf32, #tpu.memory_space<vmem>>, vector<1x16xf32>,
    %swap3A_314 = arith.constant 5 : i32
    %swap3A_315 = arith.index_cast %swap3A_314 : i32 to index
    %swap3A_316 = arith.constant 0 : index
    %swap3A_317 = tpu.vector_load %arg5[%swap3A_315, %swap3A_316] {strides = array<i32>} : memref<12x512xf32, #tpu.memory_space<vmem>>, vector<1x16xf32>,
    %swap3A_318 = vector.shape_cast %swap3A_317 : vector<1x16xf32> to vector<16xf32>
    %swap3A_319 = vector.shape_cast %add3A_284 : vector<16xf32> to vector<1x16xf32>
    tpu.vector_store %arg5[%swap3A_315, %swap3A_316], %swap3A_319 {strides = array<i32>} : memref<12x512xf32, #tpu.memory_space<vmem>>, vector<1x16xf32>,
    %swap3A_320 = arith.constant 6 : i32
    %swap3A_321 = arith.index_cast %swap3A_320 : i32 to index
    %swap3A_322 = arith.constant 0 : index
    %swap3A_323 = tpu.vector_load %arg5[%swap3A_321, %swap3A_322] {strides = array<i32>} : memref<12x512xf32, #tpu.memory_space<vmem>>, vector<1x16xf32>,
    %swap3A_324 = vector.shape_cast %swap3A_323 : vector<1x16xf32> to vector<16xf32>
    %swap3A_325 = vector.shape_cast %add3A_284 : vector<16xf32> to vector<1x16xf32>
    tpu.vector_store %arg5[%swap3A_321, %swap3A_322], %swap3A_325 {strides = array<i32>} : memref<12x512xf32, #tpu.memory_space<vmem>>, vector<1x16xf32>,
    %swap3A_326 = arith.constant 7 : i32
    %swap3A_327 = arith.index_cast %swap3A_326 : i32 to index
    %swap3A_328 = arith.constant 0 : index
    %swap3A_329 = tpu.vector_load %arg5[%swap3A_327, %swap3A_328] {strides = array<i32>} : memref<12x512xf32, #tpu.memory_space<vmem>>, vector<1x16xf32>,
    %swap3A_330 = vector.shape_cast %swap3A_329 : vector<1x16xf32> to vector<16xf32>
    %swap3A_331 = vector.shape_cast %add3A_284 : vector<16xf32> to vector<1x16xf32>
    tpu.vector_store %arg5[%swap3A_327, %swap3A_328], %swap3A_331 {strides = array<i32>} : memref<12x512xf32, #tpu.memory_space<vmem>>, vector<1x16xf32>,
    %swap3A_332 = arith.constant 8 : i32
    %swap3A_333 = arith.index_cast %swap3A_332 : i32 to index
    %swap3A_334 = arith.constant 0 : index
    %swap3A_335 = tpu.vector_load %arg5[%swap3A_333, %swap3A_334] {strides = array<i32>} : memref<12x512xf32, #tpu.memory_space<vmem>>, vector<1x16xf32>,
    %swap3A_336 = vector.shape_cast %swap3A_335 : vector<1x16xf32> to vector<16xf32>
    %swap3A_337 = vector.shape_cast %add3A_284 : vector<16xf32> to vector<1x16xf32>
    tpu.vector_store %arg5[%swap3A_333, %swap3A_334], %swap3A_337 {strides = array<i32>} : memref<12x512xf32, #tpu.memory_space<vmem>>, vector<1x16xf32>,
    %swap3A_338 = arith.constant 9 : i32
    %swap3A_339 = arith.index_cast %swap3A_338 : i32 to index
    %swap3A_340 = arith.constant 0 : index
    %swap3A_341 = tpu.vector_load %arg5[%swap3A_339, %swap3A_340] {strides = array<i32>} : memref<12x512xf32, #tpu.memory_space<vmem>>, vector<1x16xf32>,
    %swap3A_342 = vector.shape_cast %swap3A_341 : vector<1x16xf32> to vector<16xf32>
    %swap3A_343 = vector.shape_cast %add3A_284 : vector<16xf32> to vector<1x16xf32>
    tpu.vector_store %arg5[%swap3A_339, %swap3A_340], %swap3A_343 {strides = array<i32>} : memref<12x512xf32, #tpu.memory_space<vmem>>, vector<1x16xf32>,
    %swap3A_344 = arith.constant 10 : i32
    %swap3A_345 = arith.index_cast %swap3A_344 : i32 to index
    %swap3A_346 = arith.constant 0 : index
    %swap3A_347 = tpu.vector_load %arg5[%swap3A_345, %swap3A_346] {strides = array<i32>} : memref<12x512xf32, #tpu.memory_space<vmem>>, vector<1x16xf32>,
    %swap3A_348 = vector.shape_cast %swap3A_347 : vector<1x16xf32> to vector<16xf32>
    %swap3A_349 = vector.shape_cast %add3A_284 : vector<16xf32> to vector<1x16xf32>
    tpu.vector_store %arg5[%swap3A_345, %swap3A_346], %swap3A_349 {strides = array<i32>} : memref<12x512xf32, #tpu.memory_space<vmem>>, vector<1x16xf32>,
    %swap3A_350 = arith.constant 11 : i32
    %swap3A_351 = arith.index_cast %swap3A_350 : i32 to index
    %swap3A_352 = arith.constant 0 : index
    %swap3A_353 = tpu.vector_load %arg5[%swap3A_351, %swap3A_352] {strides = array<i32>} : memref<12x512xf32, #tpu.memory_space<vmem>>, vector<1x16xf32>,
    %swap3A_354 = vector.shape_cast %swap3A_353 : vector<1x16xf32> to vector<16xf32>
    %swap3A_355 = vector.shape_cast %add3A_284 : vector<16xf32> to vector<1x16xf32>
    tpu.vector_store %arg5[%swap3A_351, %swap3A_352], %swap3A_355 {strides = array<i32>} : memref<12x512xf32, #tpu.memory_space<vmem>>, vector<1x16xf32>,
    %get3A_356 = arith.constant 0 : i32
    %get3A_357 = arith.index_cast %get3A_356 : i32 to index
    %get3A_358 = arith.constant 16 : index
    %get3A_359 = tpu.vector_load %arg4[%get3A_357, %get3A_358] {strides = array<i32>} : memref<8x512xf32, #tpu.memory_space<vmem>>, vector<1x16xf32>,
    %get3A_360 = vector.shape_cast %get3A_359 : vector<1x16xf32> to vector<16xf32>
    %get3A_361 = arith.constant 1 : i32
    %get3A_362 = arith.index_cast %get3A_361 : i32 to index
    %get3A_363 = arith.constant 16 : index
    %get3A_364 = tpu.vector_load %arg4[%get3A_362, %get3A_363] {strides = array<i32>} : memref<8x512xf32, #tpu.memory_space<vmem>>, vector<1x16xf32>,
    %get3A_365 = vector.shape_cast %get3A_364 : vector<1x16xf32> to vector<16xf32>
    %add3A_366 = arith.addf %get3A_360, %get3A_365 : vector<16xf32>
    %get3A_367 = arith.constant 2 : i32
    %get3A_368 = arith.index_cast %get3A_367 : i32 to index
    %get3A_369 = arith.constant 16 : index
    %get3A_370 = tpu.vector_load %arg4[%get3A_368, %get3A_369] {strides = array<i32>} : memref<8x512xf32, #tpu.memory_space<vmem>>, vector<1x16xf32>,
    %get3A_371 = vector.shape_cast %get3A_370 : vector<1x16xf32> to vector<16xf32>
    %add3A_372 = arith.addf %add3A_366, %get3A_371 : vector<16xf32>
    %get3A_373 = arith.constant 3 : i32
    %get3A_374 = arith.index_cast %get3A_373 : i32 to index
    %get3A_375 = arith.constant 16 : index
    %get3A_376 = tpu.vector_load %arg4[%get3A_374, %get3A_375] {strides = array<i32>} : memref<8x512xf32, #tpu.memory_space<vmem>>, vector<1x16xf32>,
    %get3A_377 = vector.shape_cast %get3A_376 : vector<1x16xf32> to vector<16xf32>
    %add3A_378 = arith.addf %add3A_372, %get3A_377 : vector<16xf32>
    %get3A_379 = arith.constant 4 : i32
    %get3A_380 = arith.index_cast %get3A_379 : i32 to index
    %get3A_381 = arith.constant 16 : index
    %get3A_382 = tpu.vector_load %arg4[%get3A_380, %get3A_381] {strides = array<i32>} : memref<8x512xf32, #tpu.memory_space<vmem>>, vector<1x16xf32>,
    %get3A_383 = vector.shape_cast %get3A_382 : vector<1x16xf32> to vector<16xf32>
    %add3A_384 = arith.addf %add3A_378, %get3A_383 : vector<16xf32>
    %get3A_385 = arith.constant 5 : i32
    %get3A_386 = arith.index_cast %get3A_385 : i32 to index
    %get3A_387 = arith.constant 16 : index
    %get3A_388 = tpu.vector_load %arg4[%get3A_386, %get3A_387] {strides = array<i32>} : memref<8x512xf32, #tpu.memory_space<vmem>>, vector<1x16xf32>,
    %get3A_389 = vector.shape_cast %get3A_388 : vector<1x16xf32> to vector<16xf32>
    %add3A_390 = arith.addf %add3A_384, %get3A_389 : vector<16xf32>
    %get3A_391 = arith.constant 6 : i32
    %get3A_392 = arith.index_cast %get3A_391 : i32 to index
    %get3A_393 = arith.constant 16 : index
    %get3A_394 = tpu.vector_load %arg4[%get3A_392, %get3A_393] {strides = array<i32>} : memref<8x512xf32, #tpu.memory_space<vmem>>, vector<1x16xf32>,
    %get3A_395 = vector.shape_cast %get3A_394 : vector<1x16xf32> to vector<16xf32>
    %add3A_396 = arith.addf %add3A_390, %get3A_395 : vector<16xf32>
    %get3A_397 = arith.constant 7 : i32
    %get3A_398 = arith.index_cast %get3A_397 : i32 to index
    %get3A_399 = arith.constant 16 : index
    %get3A_400 = tpu.vector_load %arg4[%get3A_398, %get3A_399] {strides = array<i32>} : memref<8x512xf32, #tpu.memory_space<vmem>>, vector<1x16xf32>,
    %get3A_401 = vector.shape_cast %get3A_400 : vector<1x16xf32> to vector<16xf32>
    %add3A_402 = arith.addf %add3A_396, %get3A_401 : vector<16xf32>
    %swap3A_403 = arith.constant 0 : i32
    %swap3A_404 = arith.index_cast %swap3A_403 : i32 to index
    %swap3A_405 = arith.constant 16 : index
    %swap3A_406 = tpu.vector_load %arg5[%swap3A_404, %swap3A_405] {strides = array<i32>} : memref<12x512xf32, #tpu.memory_space<vmem>>, vector<1x16xf32>,
    %swap3A_407 = vector.shape_cast %swap3A_406 : vector<1x16xf32> to vector<16xf32>
    %swap3A_408 = vector.shape_cast %add3A_402 : vector<16xf32> to vector<1x16xf32>
    tpu.vector_store %arg5[%swap3A_404, %swap3A_405], %swap3A_408 {strides = array<i32>} : memref<12x512xf32, #tpu.memory_space<vmem>>, vector<1x16xf32>,
    %swap3A_409 = arith.constant 1 : i32
    %swap3A_410 = arith.index_cast %swap3A_409 : i32 to index
    %swap3A_411 = arith.constant 16 : index
    %swap3A_412 = tpu.vector_load %arg5[%swap3A_410, %swap3A_411] {strides = array<i32>} : memref<12x512xf32, #tpu.memory_space<vmem>>, vector<1x16xf32>,
    %swap3A_413 = vector.shape_cast %swap3A_412 : vector<1x16xf32> to vector<16xf32>
    %swap3A_414 = vector.shape_cast %add3A_402 : vector<16xf32> to vector<1x16xf32>
    tpu.vector_store %arg5[%swap3A_410, %swap3A_411], %swap3A_414 {strides = array<i32>} : memref<12x512xf32, #tpu.memory_space<vmem>>, vector<1x16xf32>,
    %swap3A_415 = arith.constant 2 : i32
    %swap3A_416 = arith.index_cast %swap3A_415 : i32 to index
    %swap3A_417 = arith.constant 16 : index
    %swap3A_418 = tpu.vector_load %arg5[%swap3A_416, %swap3A_417] {strides = array<i32>} : memref<12x512xf32, #tpu.memory_space<vmem>>, vector<1x16xf32>,
    %swap3A_419 = vector.shape_cast %swap3A_418 : vector<1x16xf32> to vector<16xf32>
    %swap3A_420 = vector.shape_cast %add3A_402 : vector<16xf32> to vector<1x16xf32>
    tpu.vector_store %arg5[%swap3A_416, %swap3A_417], %swap3A_420 {strides = array<i32>} : memref<12x512xf32, #tpu.memory_space<vmem>>, vector<1x16xf32>,
    %swap3A_421 = arith.constant 3 : i32
    %swap3A_422 = arith.index_cast %swap3A_421 : i32 to index
    %swap3A_423 = arith.constant 16 : index
    %swap3A_424 = tpu.vector_load %arg5[%swap3A_422, %swap3A_423] {strides = array<i32>} : memref<12x512xf32, #tpu.memory_space<vmem>>, vector<1x16xf32>,
    %swap3A_425 = vector.shape_cast %swap3A_424 : vector<1x16xf32> to vector<16xf32>
    %swap3A_426 = vector.shape_cast %add3A_402 : vector<16xf32> to vector<1x16xf32>
    tpu.vector_store %arg5[%swap3A_422, %swap3A_423], %swap3A_426 {strides = array<i32>} : memref<12x512xf32, #tpu.memory_space<vmem>>, vector<1x16xf32>,
    %swap3A_427 = arith.constant 4 : i32
    %swap3A_428 = arith.index_cast %swap3A_427 : i32 to index
    %swap3A_429 = arith.constant 16 : index
    %swap3A_430 = tpu.vector_load %arg5[%swap3A_428, %swap3A_429] {strides = array<i32>} : memref<12x512xf32, #tpu.memory_space<vmem>>, vector<1x16xf32>,
    %swap3A_431 = vector.shape_cast %swap3A_430 : vector<1x16xf32> to vector<16xf32>
    %swap3A_432 = vector.shape_cast %add3A_402 : vector<16xf32> to vector<1x16xf32>
    tpu.vector_store %arg5[%swap3A_428, %swap3A_429], %swap3A_432 {strides = array<i32>} : memref<12x512xf32, #tpu.memory_space<vmem>>, vector<1x16xf32>,
    %swap3A_433 = arith.constant 5 : i32
    %swap3A_434 = arith.index_cast %swap3A_433 : i32 to index
    %swap3A_435 = arith.constant 16 : index
    %swap3A_436 = tpu.vector_load %arg5[%swap3A_434, %swap3A_435] {strides = array<i32>} : memref<12x512xf32, #tpu.memory_space<vmem>>, vector<1x16xf32>,
    %swap3A_437 = vector.shape_cast %swap3A_436 : vector<1x16xf32> to vector<16xf32>
    %swap3A_438 = vector.shape_cast %add3A_402 : vector<16xf32> to vector<1x16xf32>
    tpu.vector_store %arg5[%swap3A_434, %swap3A_435], %swap3A_438 {strides = array<i32>} : memref<12x512xf32, #tpu.memory_space<vmem>>, vector<1x16xf32>,
    %swap3A_439 = arith.constant 6 : i32
    %swap3A_440 = arith.index_cast %swap3A_439 : i32 to index
    %swap3A_441 = arith.constant 16 : index
    %swap3A_442 = tpu.vector_load %arg5[%swap3A_440, %swap3A_441] {strides = array<i32>} : memref<12x512xf32, #tpu.memory_space<vmem>>, vector<1x16xf32>,
    %swap3A_443 = vector.shape_cast %swap3A_442 : vector<1x16xf32> to vector<16xf32>
    %swap3A_444 = vector.shape_cast %add3A_402 : vector<16xf32> to vector<1x16xf32>
    tpu.vector_store %arg5[%swap3A_440, %swap3A_441], %swap3A_444 {strides = array<i32>} : memref<12x512xf32, #tpu.memory_space<vmem>>, vector<1x16xf32>,
    %swap3A_445 = arith.constant 7 : i32
    %swap3A_446 = arith.index_cast %swap3A_445 : i32 to index
    %swap3A_447 = arith.constant 16 : index
    %swap3A_448 = tpu.vector_load %arg5[%swap3A_446, %swap3A_447] {strides = array<i32>} : memref<12x512xf32, #tpu.memory_space<vmem>>, vector<1x16xf32>,
    %swap3A_449 = vector.shape_cast %swap3A_448 : vector<1x16xf32> to vector<16xf32>
    %swap3A_450 = vector.shape_cast %add3A_402 : vector<16xf32> to vector<1x16xf32>
    tpu.vector_store %arg5[%swap3A_446, %swap3A_447], %swap3A_450 {strides = array<i32>} : memref<12x512xf32, #tpu.memory_space<vmem>>, vector<1x16xf32>,
    %swap3A_451 = arith.constant 8 : i32
    %swap3A_452 = arith.index_cast %swap3A_451 : i32 to index
    %swap3A_453 = arith.constant 16 : index
    %swap3A_454 = tpu.vector_load %arg5[%swap3A_452, %swap3A_453] {strides = array<i32>} : memref<12x512xf32, #tpu.memory_space<vmem>>, vector<1x16xf32>,
    %swap3A_455 = vector.shape_cast %swap3A_454 : vector<1x16xf32> to vector<16xf32>
    %swap3A_456 = vector.shape_cast %add3A_402 : vector<16xf32> to vector<1x16xf32>
    tpu.vector_store %arg5[%swap3A_452, %swap3A_453], %swap3A_456 {strides = array<i32>} : memref<12x512xf32, #tpu.memory_space<vmem>>, vector<1x16xf32>,
    %swap3A_457 = arith.constant 9 : i32
    %swap3A_458 = arith.index_cast %swap3A_457 : i32 to index
    %swap3A_459 = arith.constant 16 : index
    %swap3A_460 = tpu.vector_load %arg5[%swap3A_458, %swap3A_459] {strides = array<i32>} : memref<12x512xf32, #tpu.memory_space<vmem>>, vector<1x16xf32>,
    %swap3A_461 = vector.shape_cast %swap3A_460 : vector<1x16xf32> to vector<16xf32>
    %swap3A_462 = vector.shape_cast %add3A_402 : vector<16xf32> to vector<1x16xf32>
    tpu.vector_store %arg5[%swap3A_458, %swap3A_459], %swap3A_462 {strides = array<i32>} : memref<12x512xf32, #tpu.memory_space<vmem>>, vector<1x16xf32>,
    %swap3A_463 = arith.constant 10 : i32
    %swap3A_464 = arith.index_cast %swap3A_463 : i32 to index
    %swap3A_465 = arith.constant 16 : index
    %swap3A_466 = tpu.vector_load %arg5[%swap3A_464, %swap3A_465] {strides = array<i32>} : memref<12x512xf32, #tpu.memory_space<vmem>>, vector<1x16xf32>,
    %swap3A_467 = vector.shape_cast %swap3A_466 : vector<1x16xf32> to vector<16xf32>
    %swap3A_468 = vector.shape_cast %add3A_402 : vector<16xf32> to vector<1x16xf32>
    tpu.vector_store %arg5[%swap3A_464, %swap3A_465], %swap3A_468 {strides = array<i32>} : memref<12x512xf32, #tpu.memory_space<vmem>>, vector<1x16xf32>,
    %swap3A_469 = arith.constant 11 : i32
    %swap3A_470 = arith.index_cast %swap3A_469 : i32 to index
    %swap3A_471 = arith.constant 16 : index
    %swap3A_472 = tpu.vector_load %arg5[%swap3A_470, %swap3A_471] {strides = array<i32>} : memref<12x512xf32, #tpu.memory_space<vmem>>, vector<1x16xf32>,
    %swap3A_473 = vector.shape_cast %swap3A_472 : vector<1x16xf32> to vector<16xf32>
    %swap3A_474 = vector.shape_cast %add3A_402 : vector<16xf32> to vector<1x16xf32>
    tpu.vector_store %arg5[%swap3A_470, %swap3A_471], %swap3A_474 {strides = array<i32>} : memref<12x512xf32, #tpu.memory_space<vmem>>, vector<1x16xf32>,
    %get3A_475 = arith.constant 0 : i32
    %get3A_476 = arith.index_cast %get3A_475 : i32 to index
    %get3A_477 = arith.constant 32 : index
    %get3A_478 = tpu.vector_load %arg4[%get3A_476, %get3A_477] {strides = array<i32>} : memref<8x512xf32, #tpu.memory_space<vmem>>, vector<1x16xf32>,
    %get3A_479 = vector.shape_cast %get3A_478 : vector<1x16xf32> to vector<16xf32>
    %get3A_480 = arith.constant 1 : i32
    %get3A_481 = arith.index_cast %get3A_480 : i32 to index
    %get3A_482 = arith.constant 32 : index
    %get3A_483 = tpu.vector_load %arg4[%get3A_481, %get3A_482] {strides = array<i32>} : memref<8x512xf32, #tpu.memory_space<vmem>>, vector<1x16xf32>,
    %get3A_484 = vector.shape_cast %get3A_483 : vector<1x16xf32> to vector<16xf32>
    %add3A_485 = arith.addf %get3A_479, %get3A_484 : vector<16xf32>
    %get3A_486 = arith.constant 2 : i32
    %get3A_487 = arith.index_cast %get3A_486 : i32 to index
    %get3A_488 = arith.constant 32 : index
    %get3A_489 = tpu.vector_load %arg4[%get3A_487, %get3A_488] {strides = array<i32>} : memref<8x512xf32, #tpu.memory_space<vmem>>, vector<1x16xf32>,
    %get3A_490 = vector.shape_cast %get3A_489 : vector<1x16xf32> to vector<16xf32>
    %add3A_491 = arith.addf %add3A_485, %get3A_490 : vector<16xf32>
    %get3A_492 = arith.constant 3 : i32
    %get3A_493 = arith.index_cast %get3A_492 : i32 to index
    %get3A_494 = arith.constant 32 : index
    %get3A_495 = tpu.vector_load %arg4[%get3A_493, %get3A_494] {strides = array<i32>} : memref<8x512xf32, #tpu.memory_space<vmem>>, vector<1x16xf32>,
    %get3A_496 = vector.shape_cast %get3A_495 : vector<1x16xf32> to vector<16xf32>
    %add3A_497 = arith.addf %add3A_491, %get3A_496 : vector<16xf32>
    %get3A_498 = arith.constant 4 : i32
    %get3A_499 = arith.index_cast %get3A_498 : i32 to index
    %get3A_500 = arith.constant 32 : index
    %get3A_501 = tpu.vector_load %arg4[%get3A_499, %get3A_500] {strides = array<i32>} : memref<8x512xf32, #tpu.memory_space<vmem>>, vector<1x16xf32>,
    %get3A_502 = vector.shape_cast %get3A_501 : vector<1x16xf32> to vector<16xf32>
    %add3A_503 = arith.addf %add3A_497, %get3A_502 : vector<16xf32>
    %get3A_504 = arith.constant 5 : i32
    %get3A_505 = arith.index_cast %get3A_504 : i32 to index
    %get3A_506 = arith.constant 32 : index
    %get3A_507 = tpu.vector_load %arg4[%get3A_505, %get3A_506] {strides = array<i32>} : memref<8x512xf32, #tpu.memory_space<vmem>>, vector<1x16xf32>,
    %get3A_508 = vector.shape_cast %get3A_507 : vector<1x16xf32> to vector<16xf32>
    %add3A_509 = arith.addf %add3A_503, %get3A_508 : vector<16xf32>
    %get3A_510 = arith.constant 6 : i32
    %get3A_511 = arith.index_cast %get3A_510 : i32 to index
    %get3A_512 = arith.constant 32 : index
    %get3A_513 = tpu.vector_load %arg4[%get3A_511, %get3A_512] {strides = array<i32>} : memref<8x512xf32, #tpu.memory_space<vmem>>, vector<1x16xf32>,
    %get3A_514 = vector.shape_cast %get3A_513 : vector<1x16xf32> to vector<16xf32>
    %add3A_515 = arith.addf %add3A_509, %get3A_514 : vector<16xf32>
    %get3A_516 = arith.constant 7 : i32
    %get3A_517 = arith.index_cast %get3A_516 : i32 to index
    %get3A_518 = arith.constant 32 : index
    %get3A_519 = tpu.vector_load %arg4[%get3A_517, %get3A_518] {strides = array<i32>} : memref<8x512xf32, #tpu.memory_space<vmem>>, vector<1x16xf32>,
    %get3A_520 = vector.shape_cast %get3A_519 : vector<1x16xf32> to vector<16xf32>
    %add3A_521 = arith.addf %add3A_515, %get3A_520 : vector<16xf32>
    %swap3A_522 = arith.constant 0 : i32
    %swap3A_523 = arith.index_cast %swap3A_522 : i32 to index
    %swap3A_524 = arith.constant 32 : index
    %swap3A_525 = tpu.vector_load %arg5[%swap3A_523, %swap3A_524] {strides = array<i32>} : memref<12x512xf32, #tpu.memory_space<vmem>>, vector<1x16xf32>,
    %swap3A_526 = vector.shape_cast %swap3A_525 : vector<1x16xf32> to vector<16xf32>
    %swap3A_527 = vector.shape_cast %add3A_521 : vector<16xf32> to vector<1x16xf32>
    tpu.vector_store %arg5[%swap3A_523, %swap3A_524], %swap3A_527 {strides = array<i32>} : memref<12x512xf32, #tpu.memory_space<vmem>>, vector<1x16xf32>,
    %swap3A_528 = arith.constant 1 : i32
    %swap3A_529 = arith.index_cast %swap3A_528 : i32 to index
    %swap3A_530 = arith.constant 32 : index
    %swap3A_531 = tpu.vector_load %arg5[%swap3A_529, %swap3A_530] {strides = array<i32>} : memref<12x512xf32, #tpu.memory_space<vmem>>, vector<1x16xf32>,
    %swap3A_532 = vector.shape_cast %swap3A_531 : vector<1x16xf32> to vector<16xf32>
    %swap3A_533 = vector.shape_cast %add3A_521 : vector<16xf32> to vector<1x16xf32>
    tpu.vector_store %arg5[%swap3A_529, %swap3A_530], %swap3A_533 {strides = array<i32>} : memref<12x512xf32, #tpu.memory_space<vmem>>, vector<1x16xf32>,
    %swap3A_534 = arith.constant 2 : i32
    %swap3A_535 = arith.index_cast %swap3A_534 : i32 to index
    %swap3A_536 = arith.constant 32 : index
    %swap3A_537 = tpu.vector_load %arg5[%swap3A_535, %swap3A_536] {strides = array<i32>} : memref<12x512xf32, #tpu.memory_space<vmem>>, vector<1x16xf32>,
    %swap3A_538 = vector.shape_cast %swap3A_537 : vector<1x16xf32> to vector<16xf32>
    %swap3A_539 = vector.shape_cast %add3A_521 : vector<16xf32> to vector<1x16xf32>
    tpu.vector_store %arg5[%swap3A_535, %swap3A_536], %swap3A_539 {strides = array<i32>} : memref<12x512xf32, #tpu.memory_space<vmem>>, vector<1x16xf32>,
    %swap3A_540 = arith.constant 3 : i32
    %swap3A_541 = arith.index_cast %swap3A_540 : i32 to index
    %swap3A_542 = arith.constant 32 : index
    %swap3A_543 = tpu.vector_load %arg5[%swap3A_541, %swap3A_542] {strides = array<i32>} : memref<12x512xf32, #tpu.memory_space<vmem>>, vector<1x16xf32>,
    %swap3A_544 = vector.shape_cast %swap3A_543 : vector<1x16xf32> to vector<16xf32>
    %swap3A_545 = vector.shape_cast %add3A_521 : vector<16xf32> to vector<1x16xf32>
    tpu.vector_store %arg5[%swap3A_541, %swap3A_542], %swap3A_545 {strides = array<i32>} : memref<12x512xf32, #tpu.memory_space<vmem>>, vector<1x16xf32>,
    %swap3A_546 = arith.constant 4 : i32
    %swap3A_547 = arith.index_cast %swap3A_546 : i32 to index
    %swap3A_548 = arith.constant 32 : index
    %swap3A_549 = tpu.vector_load %arg5[%swap3A_547, %swap3A_548] {strides = array<i32>} : memref<12x512xf32, #tpu.memory_space<vmem>>, vector<1x16xf32>,
    %swap3A_550 = vector.shape_cast %swap3A_549 : vector<1x16xf32> to vector<16xf32>
    %swap3A_551 = vector.shape_cast %add3A_521 : vector<16xf32> to vector<1x16xf32>
    tpu.vector_store %arg5[%swap3A_547, %swap3A_548], %swap3A_551 {strides = array<i32>} : memref<12x512xf32, #tpu.memory_space<vmem>>, vector<1x16xf32>,
    %swap3A_552 = arith.constant 5 : i32
    %swap3A_553 = arith.index_cast %swap3A_552 : i32 to index
    %swap3A_554 = arith.constant 32 : index
    %swap3A_555 = tpu.vector_load %arg5[%swap3A_553, %swap3A_554] {strides = array<i32>} : memref<12x512xf32, #tpu.memory_space<vmem>>, vector<1x16xf32>,
    %swap3A_556 = vector.shape_cast %swap3A_555 : vector<1x16xf32> to vector<16xf32>
    %swap3A_557 = vector.shape_cast %add3A_521 : vector<16xf32> to vector<1x16xf32>
    tpu.vector_store %arg5[%swap3A_553, %swap3A_554], %swap3A_557 {strides = array<i32>} : memref<12x512xf32, #tpu.memory_space<vmem>>, vector<1x16xf32>,
    %swap3A_558 = arith.constant 6 : i32
    %swap3A_559 = arith.index_cast %swap3A_558 : i32 to index
    %swap3A_560 = arith.constant 32 : index
    %swap3A_561 = tpu.vector_load %arg5[%swap3A_559, %swap3A_560] {strides = array<i32>} : memref<12x512xf32, #tpu.memory_space<vmem>>, vector<1x16xf32>,
    %swap3A_562 = vector.shape_cast %swap3A_561 : vector<1x16xf32> to vector<16xf32>
    %swap3A_563 = vector.shape_cast %add3A_521 : vector<16xf32> to vector<1x16xf32>
    tpu.vector_store %arg5[%swap3A_559, %swap3A_560], %swap3A_563 {strides = array<i32>} : memref<12x512xf32, #tpu.memory_space<vmem>>, vector<1x16xf32>,
    %swap3A_564 = arith.constant 7 : i32
    %swap3A_565 = arith.index_cast %swap3A_564 : i32 to index
    %swap3A_566 = arith.constant 32 : index
    %swap3A_567 = tpu.vector_load %arg5[%swap3A_565, %swap3A_566] {strides = array<i32>} : memref<12x512xf32, #tpu.memory_space<vmem>>, vector<1x16xf32>,
    %swap3A_568 = vector.shape_cast %swap3A_567 : vector<1x16xf32> to vector<16xf32>
    %swap3A_569 = vector.shape_cast %add3A_521 : vector<16xf32> to vector<1x16xf32>
    tpu.vector_store %arg5[%swap3A_565, %swap3A_566], %swap3A_569 {strides = array<i32>} : memref<12x512xf32, #tpu.memory_space<vmem>>, vector<1x16xf32>,
    %swap3A_570 = arith.constant 8 : i32
    %swap3A_571 = arith.index_cast %swap3A_570 : i32 to index
    %swap3A_572 = arith.constant 32 : index
    %swap3A_573 = tpu.vector_load %arg5[%swap3A_571, %swap3A_572] {strides = array<i32>} : memref<12x512xf32, #tpu.memory_space<vmem>>, vector<1x16xf32>,
    %swap3A_574 = vector.shape_cast %swap3A_573 : vector<1x16xf32> to vector<16xf32>
    %swap3A_575 = vector.shape_cast %add3A_521 : vector<16xf32> to vector<1x16xf32>
    tpu.vector_store %arg5[%swap3A_571, %swap3A_572], %swap3A_575 {strides = array<i32>} : memref<12x512xf32, #tpu.memory_space<vmem>>, vector<1x16xf32>,
    %swap3A_576 = arith.constant 9 : i32
    %swap3A_577 = arith.index_cast %swap3A_576 : i32 to index
    %swap3A_578 = arith.constant 32 : index
    %swap3A_579 = tpu.vector_load %arg5[%swap3A_577, %swap3A_578] {strides = array<i32>} : memref<12x512xf32, #tpu.memory_space<vmem>>, vector<1x16xf32>,
    %swap3A_580 = vector.shape_cast %swap3A_579 : vector<1x16xf32> to vector<16xf32>
    %swap3A_581 = vector.shape_cast %add3A_521 : vector<16xf32> to vector<1x16xf32>
    tpu.vector_store %arg5[%swap3A_577, %swap3A_578], %swap3A_581 {strides = array<i32>} : memref<12x512xf32, #tpu.memory_space<vmem>>, vector<1x16xf32>,
    %swap3A_582 = arith.constant 10 : i32
    %swap3A_583 = arith.index_cast %swap3A_582 : i32 to index
    %swap3A_584 = arith.constant 32 : index
    %swap3A_585 = tpu.vector_load %arg5[%swap3A_583, %swap3A_584] {strides = array<i32>} : memref<12x512xf32, #tpu.memory_space<vmem>>, vector<1x16xf32>,
    %swap3A_586 = vector.shape_cast %swap3A_585 : vector<1x16xf32> to vector<16xf32>
    %swap3A_587 = vector.shape_cast %add3A_521 : vector<16xf32> to vector<1x16xf32>
    tpu.vector_store %arg5[%swap3A_583, %swap3A_584], %swap3A_587 {strides = array<i32>} : memref<12x512xf32, #tpu.memory_space<vmem>>, vector<1x16xf32>,
    %swap3A_588 = arith.constant 11 : i32
    %swap3A_589 = arith.index_cast %swap3A_588 : i32 to index
    %swap3A_590 = arith.constant 32 : index
    %swap3A_591 = tpu.vector_load %arg5[%swap3A_589, %swap3A_590] {strides = array<i32>} : memref<12x512xf32, #tpu.memory_space<vmem>>, vector<1x16xf32>,
    %swap3A_592 = vector.shape_cast %swap3A_591 : vector<1x16xf32> to vector<16xf32>
    %swap3A_593 = vector.shape_cast %add3A_521 : vector<16xf32> to vector<1x16xf32>
    tpu.vector_store %arg5[%swap3A_589, %swap3A_590], %swap3A_593 {strides = array<i32>} : memref<12x512xf32, #tpu.memory_space<vmem>>, vector<1x16xf32>,
    %get3A_594 = arith.constant 0 : i32
    %get3A_595 = arith.index_cast %get3A_594 : i32 to index
    %get3A_596 = arith.constant 48 : index
    %get3A_597 = tpu.vector_load %arg4[%get3A_595, %get3A_596] {strides = array<i32>} : memref<8x512xf32, #tpu.memory_space<vmem>>, vector<1x16xf32>,
    %get3A_598 = vector.shape_cast %get3A_597 : vector<1x16xf32> to vector<16xf32>
    %get3A_599 = arith.constant 1 : i32
    %get3A_600 = arith.index_cast %get3A_599 : i32 to index
    %get3A_601 = arith.constant 48 : index
    %get3A_602 = tpu.vector_load %arg4[%get3A_600, %get3A_601] {strides = array<i32>} : memref<8x512xf32, #tpu.memory_space<vmem>>, vector<1x16xf32>,
    %get3A_603 = vector.shape_cast %get3A_602 : vector<1x16xf32> to vector<16xf32>
    %add3A_604 = arith.addf %get3A_598, %get3A_603 : vector<16xf32>
    %get3A_605 = arith.constant 2 : i32
    %get3A_606 = arith.index_cast %get3A_605 : i32 to index
    %get3A_607 = arith.constant 48 : index
    %get3A_608 = tpu.vector_load %arg4[%get3A_606, %get3A_607] {strides = array<i32>} : memref<8x512xf32, #tpu.memory_space<vmem>>, vector<1x16xf32>,
    %get3A_609 = vector.shape_cast %get3A_608 : vector<1x16xf32> to vector<16xf32>
    %add3A_610 = arith.addf %add3A_604, %get3A_609 : vector<16xf32>
    %get3A_611 = arith.constant 3 : i32
    %get3A_612 = arith.index_cast %get3A_611 : i32 to index
    %get3A_613 = arith.constant 48 : index
    %get3A_614 = tpu.vector_load %arg4[%get3A_612, %get3A_613] {strides = array<i32>} : memref<8x512xf32, #tpu.memory_space<vmem>>, vector<1x16xf32>,
    %get3A_615 = vector.shape_cast %get3A_614 : vector<1x16xf32> to vector<16xf32>
    %add3A_616 = arith.addf %add3A_610, %get3A_615 : vector<16xf32>
    %get3A_617 = arith.constant 4 : i32
    %get3A_618 = arith.index_cast %get3A_617 : i32 to index
    %get3A_619 = arith.constant 48 : index
    %get3A_620 = tpu.vector_load %arg4[%get3A_618, %get3A_619] {strides = array<i32>} : memref<8x512xf32, #tpu.memory_space<vmem>>, vector<1x16xf32>,
    %get3A_621 = vector.shape_cast %get3A_620 : vector<1x16xf32> to vector<16xf32>
    %add3A_622 = arith.addf %add3A_616, %get3A_621 : vector<16xf32>
    %get3A_623 = arith.constant 5 : i32
    %get3A_624 = arith.index_cast %get3A_623 : i32 to index
    %get3A_625 = arith.constant 48 : index
    %get3A_626 = tpu.vector_load %arg4[%get3A_624, %get3A_625] {strides = array<i32>} : memref<8x512xf32, #tpu.memory_space<vmem>>, vector<1x16xf32>,
    %get3A_627 = vector.shape_cast %get3A_626 : vector<1x16xf32> to vector<16xf32>
    %add3A_628 = arith.addf %add3A_622, %get3A_627 : vector<16xf32>
    %get3A_629 = arith.constant 6 : i32
    %get3A_630 = arith.index_cast %get3A_629 : i32 to index
    %get3A_631 = arith.constant 48 : index
    %get3A_632 = tpu.vector_load %arg4[%get3A_630, %get3A_631] {strides = array<i32>} : memref<8x512xf32, #tpu.memory_space<vmem>>, vector<1x16xf32>,
    %get3A_633 = vector.shape_cast %get3A_632 : vector<1x16xf32> to vector<16xf32>
    %add3A_634 = arith.addf %add3A_628, %get3A_633 : vector<16xf32>
    %get3A_635 = arith.constant 7 : i32
    %get3A_636 = arith.index_cast %get3A_635 : i32 to index
    %get3A_637 = arith.constant 48 : index
    %get3A_638 = tpu.vector_load %arg4[%get3A_636, %get3A_637] {strides = array<i32>} : memref<8x512xf32, #tpu.memory_space<vmem>>, vector<1x16xf32>,
    %get3A_639 = vector.shape_cast %get3A_638 : vector<1x16xf32> to vector<16xf32>
    %add3A_640 = arith.addf %add3A_634, %get3A_639 : vector<16xf32>
    %swap3A_641 = arith.constant 0 : i32
    %swap3A_642 = arith.index_cast %swap3A_641 : i32 to index
    %swap3A_643 = arith.constant 48 : index
    %swap3A_644 = tpu.vector_load %arg5[%swap3A_642, %swap3A_643] {strides = array<i32>} : memref<12x512xf32, #tpu.memory_space<vmem>>, vector<1x16xf32>,
    %swap3A_645 = vector.shape_cast %swap3A_644 : vector<1x16xf32> to vector<16xf32>
    %swap3A_646 = vector.shape_cast %add3A_640 : vector<16xf32> to vector<1x16xf32>
    tpu.vector_store %arg5[%swap3A_642, %swap3A_643], %swap3A_646 {strides = array<i32>} : memref<12x512xf32, #tpu.memory_space<vmem>>, vector<1x16xf32>,
    %swap3A_647 = arith.constant 1 : i32
    %swap3A_648 = arith.index_cast %swap3A_647 : i32 to index
    %swap3A_649 = arith.constant 48 : index
    %swap3A_650 = tpu.vector_load %arg5[%swap3A_648, %swap3A_649] {strides = array<i32>} : memref<12x512xf32, #tpu.memory_space<vmem>>, vector<1x16xf32>,
    %swap3A_651 = vector.shape_cast %swap3A_650 : vector<1x16xf32> to vector<16xf32>
    %swap3A_652 = vector.shape_cast %add3A_640 : vector<16xf32> to vector<1x16xf32>
    tpu.vector_store %arg5[%swap3A_648, %swap3A_649], %swap3A_652 {strides = array<i32>} : memref<12x512xf32, #tpu.memory_space<vmem>>, vector<1x16xf32>,
    %swap3A_653 = arith.constant 2 : i32
    %swap3A_654 = arith.index_cast %swap3A_653 : i32 to index
    %swap3A_655 = arith.constant 48 : index
    %swap3A_656 = tpu.vector_load %arg5[%swap3A_654, %swap3A_655] {strides = array<i32>} : memref<12x512xf32, #tpu.memory_space<vmem>>, vector<1x16xf32>,
    %swap3A_657 = vector.shape_cast %swap3A_656 : vector<1x16xf32> to vector<16xf32>
    %swap3A_658 = vector.shape_cast %add3A_640 : vector<16xf32> to vector<1x16xf32>
    tpu.vector_store %arg5[%swap3A_654, %swap3A_655], %swap3A_658 {strides = array<i32>} : memref<12x512xf32, #tpu.memory_space<vmem>>, vector<1x16xf32>,
    %swap3A_659 = arith.constant 3 : i32
    %swap3A_660 = arith.index_cast %swap3A_659 : i32 to index
    %swap3A_661 = arith.constant 48 : index
    %swap3A_662 = tpu.vector_load %arg5[%swap3A_660, %swap3A_661] {strides = array<i32>} : memref<12x512xf32, #tpu.memory_space<vmem>>, vector<1x16xf32>,
    %swap3A_663 = vector.shape_cast %swap3A_662 : vector<1x16xf32> to vector<16xf32>
    %swap3A_664 = vector.shape_cast %add3A_640 : vector<16xf32> to vector<1x16xf32>
    tpu.vector_store %arg5[%swap3A_660, %swap3A_661], %swap3A_664 {strides = array<i32>} : memref<12x512xf32, #tpu.memory_space<vmem>>, vector<1x16xf32>,
    %swap3A_665 = arith.constant 4 : i32
    %swap3A_666 = arith.index_cast %swap3A_665 : i32 to index
    %swap3A_667 = arith.constant 48 : index
    %swap3A_668 = tpu.vector_load %arg5[%swap3A_666, %swap3A_667] {strides = array<i32>} : memref<12x512xf32, #tpu.memory_space<vmem>>, vector<1x16xf32>,
    %swap3A_669 = vector.shape_cast %swap3A_668 : vector<1x16xf32> to vector<16xf32>
    %swap3A_670 = vector.shape_cast %add3A_640 : vector<16xf32> to vector<1x16xf32>
    tpu.vector_store %arg5[%swap3A_666, %swap3A_667], %swap3A_670 {strides = array<i32>} : memref<12x512xf32, #tpu.memory_space<vmem>>, vector<1x16xf32>,
    %swap3A_671 = arith.constant 5 : i32
    %swap3A_672 = arith.index_cast %swap3A_671 : i32 to index
    %swap3A_673 = arith.constant 48 : index
    %swap3A_674 = tpu.vector_load %arg5[%swap3A_672, %swap3A_673] {strides = array<i32>} : memref<12x512xf32, #tpu.memory_space<vmem>>, vector<1x16xf32>,
    %swap3A_675 = vector.shape_cast %swap3A_674 : vector<1x16xf32> to vector<16xf32>
    %swap3A_676 = vector.shape_cast %add3A_640 : vector<16xf32> to vector<1x16xf32>
    tpu.vector_store %arg5[%swap3A_672, %swap3A_673], %swap3A_676 {strides = array<i32>} : memref<12x512xf32, #tpu.memory_space<vmem>>, vector<1x16xf32>,
    %swap3A_677 = arith.constant 6 : i32
    %swap3A_678 = arith.index_cast %swap3A_677 : i32 to index
    %swap3A_679 = arith.constant 48 : index
    %swap3A_680 = tpu.vector_load %arg5[%swap3A_678, %swap3A_679] {strides = array<i32>} : memref<12x512xf32, #tpu.memory_space<vmem>>, vector<1x16xf32>,
    %swap3A_681 = vector.shape_cast %swap3A_680 : vector<1x16xf32> to vector<16xf32>
    %swap3A_682 = vector.shape_cast %add3A_640 : vector<16xf32> to vector<1x16xf32>
    tpu.vector_store %arg5[%swap3A_678, %swap3A_679], %swap3A_682 {strides = array<i32>} : memref<12x512xf32, #tpu.memory_space<vmem>>, vector<1x16xf32>,
    %swap3A_683 = arith.constant 7 : i32
    %swap3A_684 = arith.index_cast %swap3A_683 : i32 to index
    %swap3A_685 = arith.constant 48 : index
    %swap3A_686 = tpu.vector_load %arg5[%swap3A_684, %swap3A_685] {strides = array<i32>} : memref<12x512xf32, #tpu.memory_space<vmem>>, vector<1x16xf32>,
    %swap3A_687 = vector.shape_cast %swap3A_686 : vector<1x16xf32> to vector<16xf32>
    %swap3A_688 = vector.shape_cast %add3A_640 : vector<16xf32> to vector<1x16xf32>
    tpu.vector_store %arg5[%swap3A_684, %swap3A_685], %swap3A_688 {strides = array<i32>} : memref<12x512xf32, #tpu.memory_space<vmem>>, vector<1x16xf32>,
    %swap3A_689 = arith.constant 8 : i32
    %swap3A_690 = arith.index_cast %swap3A_689 : i32 to index
    %swap3A_691 = arith.constant 48 : index
    %swap3A_692 = tpu.vector_load %arg5[%swap3A_690, %swap3A_691] {strides = array<i32>} : memref<12x512xf32, #tpu.memory_space<vmem>>, vector<1x16xf32>,
    %swap3A_693 = vector.shape_cast %swap3A_692 : vector<1x16xf32> to vector<16xf32>
    %swap3A_694 = vector.shape_cast %add3A_640 : vector<16xf32> to vector<1x16xf32>
    tpu.vector_store %arg5[%swap3A_690, %swap3A_691], %swap3A_694 {strides = array<i32>} : memref<12x512xf32, #tpu.memory_space<vmem>>, vector<1x16xf32>,
    %swap3A_695 = arith.constant 9 : i32
    %swap3A_696 = arith.index_cast %swap3A_695 : i32 to index
    %swap3A_697 = arith.constant 48 : index
    %swap3A_698 = tpu.vector_load %arg5[%swap3A_696, %swap3A_697] {strides = array<i32>} : memref<12x512xf32, #tpu.memory_space<vmem>>, vector<1x16xf32>,
    %swap3A_699 = vector.shape_cast %swap3A_698 : vector<1x16xf32> to vector<16xf32>
    %swap3A_700 = vector.shape_cast %add3A_640 : vector<16xf32> to vector<1x16xf32>
    tpu.vector_store %arg5[%swap3A_696, %swap3A_697], %swap3A_700 {strides = array<i32>} : memref<12x512xf32, #tpu.memory_space<vmem>>, vector<1x16xf32>,
    %swap3A_701 = arith.constant 10 : i32
    %swap3A_702 = arith.index_cast %swap3A_701 : i32 to index
    %swap3A_703 = arith.constant 48 : index
    %swap3A_704 = tpu.vector_load %arg5[%swap3A_702, %swap3A_703] {strides = array<i32>} : memref<12x512xf32, #tpu.memory_space<vmem>>, vector<1x16xf32>,
    %swap3A_705 = vector.shape_cast %swap3A_704 : vector<1x16xf32> to vector<16xf32>
    %swap3A_706 = vector.shape_cast %add3A_640 : vector<16xf32> to vector<1x16xf32>
    tpu.vector_store %arg5[%swap3A_702, %swap3A_703], %swap3A_706 {strides = array<i32>} : memref<12x512xf32, #tpu.memory_space<vmem>>, vector<1x16xf32>,
    %swap3A_707 = arith.constant 11 : i32
    %swap3A_708 = arith.index_cast %swap3A_707 : i32 to index
    %swap3A_709 = arith.constant 48 : index
    %swap3A_710 = tpu.vector_load %arg5[%swap3A_708, %swap3A_709] {strides = array<i32>} : memref<12x512xf32, #tpu.memory_space<vmem>>, vector<1x16xf32>,
    %swap3A_711 = vector.shape_cast %swap3A_710 : vector<1x16xf32> to vector<16xf32>
    %swap3A_712 = vector.shape_cast %add3A_640 : vector<16xf32> to vector<1x16xf32>
    tpu.vector_store %arg5[%swap3A_708, %swap3A_709], %swap3A_712 {strides = array<i32>} : memref<12x512xf32, #tpu.memory_space<vmem>>, vector<1x16xf32>,
    %get3A_713 = arith.constant 0 : i32
    %get3A_714 = arith.index_cast %get3A_713 : i32 to index
    %get3A_715 = arith.constant 64 : index
    %get3A_716 = tpu.vector_load %arg4[%get3A_714, %get3A_715] {strides = array<i32>} : memref<8x512xf32, #tpu.memory_space<vmem>>, vector<1x16xf32>,
    %get3A_717 = vector.shape_cast %get3A_716 : vector<1x16xf32> to vector<16xf32>
    %get3A_718 = arith.constant 1 : i32
    %get3A_719 = arith.index_cast %get3A_718 : i32 to index
    %get3A_720 = arith.constant 64 : index
    %get3A_721 = tpu.vector_load %arg4[%get3A_719, %get3A_720] {strides = array<i32>} : memref<8x512xf32, #tpu.memory_space<vmem>>, vector<1x16xf32>,
    %get3A_722 = vector.shape_cast %get3A_721 : vector<1x16xf32> to vector<16xf32>
    %add3A_723 = arith.addf %get3A_717, %get3A_722 : vector<16xf32>
    %get3A_724 = arith.constant 2 : i32
    %get3A_725 = arith.index_cast %get3A_724 : i32 to index
    %get3A_726 = arith.constant 64 : index
    %get3A_727 = tpu.vector_load %arg4[%get3A_725, %get3A_726] {strides = array<i32>} : memref<8x512xf32, #tpu.memory_space<vmem>>, vector<1x16xf32>,
    %get3A_728 = vector.shape_cast %get3A_727 : vector<1x16xf32> to vector<16xf32>
    %add3A_729 = arith.addf %add3A_723, %get3A_728 : vector<16xf32>
    %get3A_730 = arith.constant 3 : i32
    %get3A_731 = arith.index_cast %get3A_730 : i32 to index
    %get3A_732 = arith.constant 64 : index
    %get3A_733 = tpu.vector_load %arg4[%get3A_731, %get3A_732] {strides = array<i32>} : memref<8x512xf32, #tpu.memory_space<vmem>>, vector<1x16xf32>,
    %get3A_734 = vector.shape_cast %get3A_733 : vector<1x16xf32> to vector<16xf32>
    %add3A_735 = arith.addf %add3A_729, %get3A_734 : vector<16xf32>
    %get3A_736 = arith.constant 4 : i32
    %get3A_737 = arith.index_cast %get3A_736 : i32 to index
    %get3A_738 = arith.constant 64 : index
    %get3A_739 = tpu.vector_load %arg4[%get3A_737, %get3A_738] {strides = array<i32>} : memref<8x512xf32, #tpu.memory_space<vmem>>, vector<1x16xf32>,
    %get3A_740 = vector.shape_cast %get3A_739 : vector<1x16xf32> to vector<16xf32>
    %add3A_741 = arith.addf %add3A_735, %get3A_740 : vector<16xf32>
    %get3A_742 = arith.constant 5 : i32
    %get3A_743 = arith.index_cast %get3A_742 : i32 to index
    %get3A_744 = arith.constant 64 : index
    %get3A_745 = tpu.vector_load %arg4[%get3A_743, %get3A_744] {strides = array<i32>} : memref<8x512xf32, #tpu.memory_space<vmem>>, vector<1x16xf32>,
    %get3A_746 = vector.shape_cast %get3A_745 : vector<1x16xf32> to vector<16xf32>
    %add3A_747 = arith.addf %add3A_741, %get3A_746 : vector<16xf32>
    %get3A_748 = arith.constant 6 : i32
    %get3A_749 = arith.index_cast %get3A_748 : i32 to index
    %get3A_750 = arith.constant 64 : index
    %get3A_751 = tpu.vector_load %arg4[%get3A_749, %get3A_750] {strides = array<i32>} : memref<8x512xf32, #tpu.memory_space<vmem>>, vector<1x16xf32>,
    %get3A_752 = vector.shape_cast %get3A_751 : vector<1x16xf32> to vector<16xf32>
    %add3A_753 = arith.addf %add3A_747, %get3A_752 : vector<16xf32>
    %get3A_754 = arith.constant 7 : i32
    %get3A_755 = arith.index_cast %get3A_754 : i32 to index
    %get3A_756 = arith.constant 64 : index
    %get3A_757 = tpu.vector_load %arg4[%get3A_755, %get3A_756] {strides = array<i32>} : memref<8x512xf32, #tpu.memory_space<vmem>>, vector<1x16xf32>,
    %get3A_758 = vector.shape_cast %get3A_757 : vector<1x16xf32> to vector<16xf32>
    %add3A_759 = arith.addf %add3A_753, %get3A_758 : vector<16xf32>
    %swap3A_760 = arith.constant 0 : i32
    %swap3A_761 = arith.index_cast %swap3A_760 : i32 to index
    %swap3A_762 = arith.constant 64 : index
    %swap3A_763 = tpu.vector_load %arg5[%swap3A_761, %swap3A_762] {strides = array<i32>} : memref<12x512xf32, #tpu.memory_space<vmem>>, vector<1x16xf32>,
    %swap3A_764 = vector.shape_cast %swap3A_763 : vector<1x16xf32> to vector<16xf32>
    %swap3A_765 = vector.shape_cast %add3A_759 : vector<16xf32> to vector<1x16xf32>
    tpu.vector_store %arg5[%swap3A_761, %swap3A_762], %swap3A_765 {strides = array<i32>} : memref<12x512xf32, #tpu.memory_space<vmem>>, vector<1x16xf32>,
    %swap3A_766 = arith.constant 1 : i32
    %swap3A_767 = arith.index_cast %swap3A_766 : i32 to index
    %swap3A_768 = arith.constant 64 : index
    %swap3A_769 = tpu.vector_load %arg5[%swap3A_767, %swap3A_768] {strides = array<i32>} : memref<12x512xf32, #tpu.memory_space<vmem>>, vector<1x16xf32>,
    %swap3A_770 = vector.shape_cast %swap3A_769 : vector<1x16xf32> to vector<16xf32>
    %swap3A_771 = vector.shape_cast %add3A_759 : vector<16xf32> to vector<1x16xf32>
    tpu.vector_store %arg5[%swap3A_767, %swap3A_768], %swap3A_771 {strides = array<i32>} : memref<12x512xf32, #tpu.memory_space<vmem>>, vector<1x16xf32>,
    %swap3A_772 = arith.constant 2 : i32
    %swap3A_773 = arith.index_cast %swap3A_772 : i32 to index
    %swap3A_774 = arith.constant 64 : index
    %swap3A_775 = tpu.vector_load %arg5[%swap3A_773, %swap3A_774] {strides = array<i32>} : memref<12x512xf32, #tpu.memory_space<vmem>>, vector<1x16xf32>,
    %swap3A_776 = vector.shape_cast %swap3A_775 : vector<1x16xf32> to vector<16xf32>
    %swap3A_777 = vector.shape_cast %add3A_759 : vector<16xf32> to vector<1x16xf32>
    tpu.vector_store %arg5[%swap3A_773, %swap3A_774], %swap3A_777 {strides = array<i32>} : memref<12x512xf32, #tpu.memory_space<vmem>>, vector<1x16xf32>,
    %swap3A_778 = arith.constant 3 : i32
    %swap3A_779 = arith.index_cast %swap3A_778 : i32 to index
    %swap3A_780 = arith.constant 64 : index
    %swap3A_781 = tpu.vector_load %arg5[%swap3A_779, %swap3A_780] {strides = array<i32>} : memref<12x512xf32, #tpu.memory_space<vmem>>, vector<1x16xf32>,
    %swap3A_782 = vector.shape_cast %swap3A_781 : vector<1x16xf32> to vector<16xf32>
    %swap3A_783 = vector.shape_cast %add3A_759 : vector<16xf32> to vector<1x16xf32>
    tpu.vector_store %arg5[%swap3A_779, %swap3A_780], %swap3A_783 {strides = array<i32>} : memref<12x512xf32, #tpu.memory_space<vmem>>, vector<1x16xf32>,
    %swap3A_784 = arith.constant 4 : i32
    %swap3A_785 = arith.index_cast %swap3A_784 : i32 to index
    %swap3A_786 = arith.constant 64 : index
    %swap3A_787 = tpu.vector_load %arg5[%swap3A_785, %swap3A_786] {strides = array<i32>} : memref<12x512xf32, #tpu.memory_space<vmem>>, vector<1x16xf32>,
    %swap3A_788 = vector.shape_cast %swap3A_787 : vector<1x16xf32> to vector<16xf32>
    %swap3A_789 = vector.shape_cast %add3A_759 : vector<16xf32> to vector<1x16xf32>
    tpu.vector_store %arg5[%swap3A_785, %swap3A_786], %swap3A_789 {strides = array<i32>} : memref<12x512xf32, #tpu.memory_space<vmem>>, vector<1x16xf32>,
    %swap3A_790 = arith.constant 5 : i32
    %swap3A_791 = arith.index_cast %swap3A_790 : i32 to index
    %swap3A_792 = arith.constant 64 : index
    %swap3A_793 = tpu.vector_load %arg5[%swap3A_791, %swap3A_792] {strides = array<i32>} : memref<12x512xf32, #tpu.memory_space<vmem>>, vector<1x16xf32>,
    %swap3A_794 = vector.shape_cast %swap3A_793 : vector<1x16xf32> to vector<16xf32>
    %swap3A_795 = vector.shape_cast %add3A_759 : vector<16xf32> to vector<1x16xf32>
    tpu.vector_store %arg5[%swap3A_791, %swap3A_792], %swap3A_795 {strides = array<i32>} : memref<12x512xf32, #tpu.memory_space<vmem>>, vector<1x16xf32>,
    %swap3A_796 = arith.constant 6 : i32
    %swap3A_797 = arith.index_cast %swap3A_796 : i32 to index
    %swap3A_798 = arith.constant 64 : index
    %swap3A_799 = tpu.vector_load %arg5[%swap3A_797, %swap3A_798] {strides = array<i32>} : memref<12x512xf32, #tpu.memory_space<vmem>>, vector<1x16xf32>,
    %swap3A_800 = vector.shape_cast %swap3A_799 : vector<1x16xf32> to vector<16xf32>
    %swap3A_801 = vector.shape_cast %add3A_759 : vector<16xf32> to vector<1x16xf32>
    tpu.vector_store %arg5[%swap3A_797, %swap3A_798], %swap3A_801 {strides = array<i32>} : memref<12x512xf32, #tpu.memory_space<vmem>>, vector<1x16xf32>,
    %swap3A_802 = arith.constant 7 : i32
    %swap3A_803 = arith.index_cast %swap3A_802 : i32 to index
    %swap3A_804 = arith.constant 64 : index
    %swap3A_805 = tpu.vector_load %arg5[%swap3A_803, %swap3A_804] {strides = array<i32>} : memref<12x512xf32, #tpu.memory_space<vmem>>, vector<1x16xf32>,
    %swap3A_806 = vector.shape_cast %swap3A_805 : vector<1x16xf32> to vector<16xf32>
    %swap3A_807 = vector.shape_cast %add3A_759 : vector<16xf32> to vector<1x16xf32>
    tpu.vector_store %arg5[%swap3A_803, %swap3A_804], %swap3A_807 {strides = array<i32>} : memref<12x512xf32, #tpu.memory_space<vmem>>, vector<1x16xf32>,
    %swap3A_808 = arith.constant 8 : i32
    %swap3A_809 = arith.index_cast %swap3A_808 : i32 to index
    %swap3A_810 = arith.constant 64 : index
    %swap3A_811 = tpu.vector_load %arg5[%swap3A_809, %swap3A_810] {strides = array<i32>} : memref<12x512xf32, #tpu.memory_space<vmem>>, vector<1x16xf32>,
    %swap3A_812 = vector.shape_cast %swap3A_811 : vector<1x16xf32> to vector<16xf32>
    %swap3A_813 = vector.shape_cast %add3A_759 : vector<16xf32> to vector<1x16xf32>
    tpu.vector_store %arg5[%swap3A_809, %swap3A_810], %swap3A_813 {strides = array<i32>} : memref<12x512xf32, #tpu.memory_space<vmem>>, vector<1x16xf32>,
    %swap3A_814 = arith.constant 9 : i32
    %swap3A_815 = arith.index_cast %swap3A_814 : i32 to index
    %swap3A_816 = arith.constant 64 : index
    %swap3A_817 = tpu.vector_load %arg5[%swap3A_815, %swap3A_816] {strides = array<i32>} : memref<12x512xf32, #tpu.memory_space<vmem>>, vector<1x16xf32>,
    %swap3A_818 = vector.shape_cast %swap3A_817 : vector<1x16xf32> to vector<16xf32>
    %swap3A_819 = vector.shape_cast %add3A_759 : vector<16xf32> to vector<1x16xf32>
    tpu.vector_store %arg5[%swap3A_815, %swap3A_816], %swap3A_819 {strides = array<i32>} : memref<12x512xf32, #tpu.memory_space<vmem>>, vector<1x16xf32>,
    %swap3A_820 = arith.constant 10 : i32
    %swap3A_821 = arith.index_cast %swap3A_820 : i32 to index
    %swap3A_822 = arith.constant 64 : index
    %swap3A_823 = tpu.vector_load %arg5[%swap3A_821, %swap3A_822] {strides = array<i32>} : memref<12x512xf32, #tpu.memory_space<vmem>>, vector<1x16xf32>,
    %swap3A_824 = vector.shape_cast %swap3A_823 : vector<1x16xf32> to vector<16xf32>
    %swap3A_825 = vector.shape_cast %add3A_759 : vector<16xf32> to vector<1x16xf32>
    tpu.vector_store %arg5[%swap3A_821, %swap3A_822], %swap3A_825 {strides = array<i32>} : memref<12x512xf32, #tpu.memory_space<vmem>>, vector<1x16xf32>,
    %swap3A_826 = arith.constant 11 : i32
    %swap3A_827 = arith.index_cast %swap3A_826 : i32 to index
    %swap3A_828 = arith.constant 64 : index
    %swap3A_829 = tpu.vector_load %arg5[%swap3A_827, %swap3A_828] {strides = array<i32>} : memref<12x512xf32, #tpu.memory_space<vmem>>, vector<1x16xf32>,
    %swap3A_830 = vector.shape_cast %swap3A_829 : vector<1x16xf32> to vector<16xf32>
    %swap3A_831 = vector.shape_cast %add3A_759 : vector<16xf32> to vector<1x16xf32>
    tpu.vector_store %arg5[%swap3A_827, %swap3A_828], %swap3A_831 {strides = array<i32>} : memref<12x512xf32, #tpu.memory_space<vmem>>, vector<1x16xf32>,
    %get3A_832 = arith.constant 0 : i32
    %get3A_833 = arith.index_cast %get3A_832 : i32 to index
    %get3A_834 = arith.constant 80 : index
    %get3A_835 = tpu.vector_load %arg4[%get3A_833, %get3A_834] {strides = array<i32>} : memref<8x512xf32, #tpu.memory_space<vmem>>, vector<1x16xf32>,
    %get3A_836 = vector.shape_cast %get3A_835 : vector<1x16xf32> to vector<16xf32>
    %get3A_837 = arith.constant 1 : i32
    %get3A_838 = arith.index_cast %get3A_837 : i32 to index
    %get3A_839 = arith.constant 80 : index
    %get3A_840 = tpu.vector_load %arg4[%get3A_838, %get3A_839] {strides = array<i32>} : memref<8x512xf32, #tpu.memory_space<vmem>>, vector<1x16xf32>,
    %get3A_841 = vector.shape_cast %get3A_840 : vector<1x16xf32> to vector<16xf32>
    %add3A_842 = arith.addf %get3A_836, %get3A_841 : vector<16xf32>
    %get3A_843 = arith.constant 2 : i32
    %get3A_844 = arith.index_cast %get3A_843 : i32 to index
    %get3A_845 = arith.constant 80 : index
    %get3A_846 = tpu.vector_load %arg4[%get3A_844, %get3A_845] {strides = array<i32>} : memref<8x512xf32, #tpu.memory_space<vmem>>, vector<1x16xf32>,
    %get3A_847 = vector.shape_cast %get3A_846 : vector<1x16xf32> to vector<16xf32>
    %add3A_848 = arith.addf %add3A_842, %get3A_847 : vector<16xf32>
    %get3A_849 = arith.constant 3 : i32
    %get3A_850 = arith.index_cast %get3A_849 : i32 to index
    %get3A_851 = arith.constant 80 : index
    %get3A_852 = tpu.vector_load %arg4[%get3A_850, %get3A_851] {strides = array<i32>} : memref<8x512xf32, #tpu.memory_space<vmem>>, vector<1x16xf32>,
    %get3A_853 = vector.shape_cast %get3A_852 : vector<1x16xf32> to vector<16xf32>
    %add3A_854 = arith.addf %add3A_848, %get3A_853 : vector<16xf32>
    %get3A_855 = arith.constant 4 : i32
    %get3A_856 = arith.index_cast %get3A_855 : i32 to index
    %get3A_857 = arith.constant 80 : index
    %get3A_858 = tpu.vector_load %arg4[%get3A_856, %get3A_857] {strides = array<i32>} : memref<8x512xf32, #tpu.memory_space<vmem>>, vector<1x16xf32>,
    %get3A_859 = vector.shape_cast %get3A_858 : vector<1x16xf32> to vector<16xf32>
    %add3A_860 = arith.addf %add3A_854, %get3A_859 : vector<16xf32>
    %get3A_861 = arith.constant 5 : i32
    %get3A_862 = arith.index_cast %get3A_861 : i32 to index
    %get3A_863 = arith.constant 80 : index
    %get3A_864 = tpu.vector_load %arg4[%get3A_862, %get3A_863] {strides = array<i32>} : memref<8x512xf32, #tpu.memory_space<vmem>>, vector<1x16xf32>,
    %get3A_865 = vector.shape_cast %get3A_864 : vector<1x16xf32> to vector<16xf32>
    %add3A_866 = arith.addf %add3A_860, %get3A_865 : vector<16xf32>
    %get3A_867 = arith.constant 6 : i32
    %get3A_868 = arith.index_cast %get3A_867 : i32 to index
    %get3A_869 = arith.constant 80 : index
    %get3A_870 = tpu.vector_load %arg4[%get3A_868, %get3A_869] {strides = array<i32>} : memref<8x512xf32, #tpu.memory_space<vmem>>, vector<1x16xf32>,
    %get3A_871 = vector.shape_cast %get3A_870 : vector<1x16xf32> to vector<16xf32>
    %add3A_872 = arith.addf %add3A_866, %get3A_871 : vector<16xf32>
    %get3A_873 = arith.constant 7 : i32
    %get3A_874 = arith.index_cast %get3A_873 : i32 to index
    %get3A_875 = arith.constant 80 : index
    %get3A_876 = tpu.vector_load %arg4[%get3A_874, %get3A_875] {strides = array<i32>} : memref<8x512xf32, #tpu.memory_space<vmem>>, vector<1x16xf32>,
    %get3A_877 = vector.shape_cast %get3A_876 : vector<1x16xf32> to vector<16xf32>
    %add3A_878 = arith.addf %add3A_872, %get3A_877 : vector<16xf32>
    %swap3A_879 = arith.constant 0 : i32
    %swap3A_880 = arith.index_cast %swap3A_879 : i32 to index
    %swap3A_881 = arith.constant 80 : index
    %swap3A_882 = tpu.vector_load %arg5[%swap3A_880, %swap3A_881] {strides = array<i32>} : memref<12x512xf32, #tpu.memory_space<vmem>>, vector<1x16xf32>,
    %swap3A_883 = vector.shape_cast %swap3A_882 : vector<1x16xf32> to vector<16xf32>
    %swap3A_884 = vector.shape_cast %add3A_878 : vector<16xf32> to vector<1x16xf32>
    tpu.vector_store %arg5[%swap3A_880, %swap3A_881], %swap3A_884 {strides = array<i32>} : memref<12x512xf32, #tpu.memory_space<vmem>>, vector<1x16xf32>,
    %swap3A_885 = arith.constant 1 : i32
    %swap3A_886 = arith.index_cast %swap3A_885 : i32 to index
    %swap3A_887 = arith.constant 80 : index
    %swap3A_888 = tpu.vector_load %arg5[%swap3A_886, %swap3A_887] {strides = array<i32>} : memref<12x512xf32, #tpu.memory_space<vmem>>, vector<1x16xf32>,
    %swap3A_889 = vector.shape_cast %swap3A_888 : vector<1x16xf32> to vector<16xf32>
    %swap3A_890 = vector.shape_cast %add3A_878 : vector<16xf32> to vector<1x16xf32>
    tpu.vector_store %arg5[%swap3A_886, %swap3A_887], %swap3A_890 {strides = array<i32>} : memref<12x512xf32, #tpu.memory_space<vmem>>, vector<1x16xf32>,
    %swap3A_891 = arith.constant 2 : i32
    %swap3A_892 = arith.index_cast %swap3A_891 : i32 to index
    %swap3A_893 = arith.constant 80 : index
    %swap3A_894 = tpu.vector_load %arg5[%swap3A_892, %swap3A_893] {strides = array<i32>} : memref<12x512xf32, #tpu.memory_space<vmem>>, vector<1x16xf32>,
    %swap3A_895 = vector.shape_cast %swap3A_894 : vector<1x16xf32> to vector<16xf32>
    %swap3A_896 = vector.shape_cast %add3A_878 : vector<16xf32> to vector<1x16xf32>
    tpu.vector_store %arg5[%swap3A_892, %swap3A_893], %swap3A_896 {strides = array<i32>} : memref<12x512xf32, #tpu.memory_space<vmem>>, vector<1x16xf32>,
    %swap3A_897 = arith.constant 3 : i32
    %swap3A_898 = arith.index_cast %swap3A_897 : i32 to index
    %swap3A_899 = arith.constant 80 : index
    %swap3A_900 = tpu.vector_load %arg5[%swap3A_898, %swap3A_899] {strides = array<i32>} : memref<12x512xf32, #tpu.memory_space<vmem>>, vector<1x16xf32>,
    %swap3A_901 = vector.shape_cast %swap3A_900 : vector<1x16xf32> to vector<16xf32>
    %swap3A_902 = vector.shape_cast %add3A_878 : vector<16xf32> to vector<1x16xf32>
    tpu.vector_store %arg5[%swap3A_898, %swap3A_899], %swap3A_902 {strides = array<i32>} : memref<12x512xf32, #tpu.memory_space<vmem>>, vector<1x16xf32>,
    %swap3A_903 = arith.constant 4 : i32
    %swap3A_904 = arith.index_cast %swap3A_903 : i32 to index
    %swap3A_905 = arith.constant 80 : index
    %swap3A_906 = tpu.vector_load %arg5[%swap3A_904, %swap3A_905] {strides = array<i32>} : memref<12x512xf32, #tpu.memory_space<vmem>>, vector<1x16xf32>,
    %swap3A_907 = vector.shape_cast %swap3A_906 : vector<1x16xf32> to vector<16xf32>
    %swap3A_908 = vector.shape_cast %add3A_878 : vector<16xf32> to vector<1x16xf32>
    tpu.vector_store %arg5[%swap3A_904, %swap3A_905], %swap3A_908 {strides = array<i32>} : memref<12x512xf32, #tpu.memory_space<vmem>>, vector<1x16xf32>,
    %swap3A_909 = arith.constant 5 : i32
    %swap3A_910 = arith.index_cast %swap3A_909 : i32 to index
    %swap3A_911 = arith.constant 80 : index
    %swap3A_912 = tpu.vector_load %arg5[%swap3A_910, %swap3A_911] {strides = array<i32>} : memref<12x512xf32, #tpu.memory_space<vmem>>, vector<1x16xf32>,
    %swap3A_913 = vector.shape_cast %swap3A_912 : vector<1x16xf32> to vector<16xf32>
    %swap3A_914 = vector.shape_cast %add3A_878 : vector<16xf32> to vector<1x16xf32>
    tpu.vector_store %arg5[%swap3A_910, %swap3A_911], %swap3A_914 {strides = array<i32>} : memref<12x512xf32, #tpu.memory_space<vmem>>, vector<1x16xf32>,
    %swap3A_915 = arith.constant 6 : i32
    %swap3A_916 = arith.index_cast %swap3A_915 : i32 to index
    %swap3A_917 = arith.constant 80 : index
    %swap3A_918 = tpu.vector_load %arg5[%swap3A_916, %swap3A_917] {strides = array<i32>} : memref<12x512xf32, #tpu.memory_space<vmem>>, vector<1x16xf32>,
    %swap3A_919 = vector.shape_cast %swap3A_918 : vector<1x16xf32> to vector<16xf32>
    %swap3A_920 = vector.shape_cast %add3A_878 : vector<16xf32> to vector<1x16xf32>
    tpu.vector_store %arg5[%swap3A_916, %swap3A_917], %swap3A_920 {strides = array<i32>} : memref<12x512xf32, #tpu.memory_space<vmem>>, vector<1x16xf32>,
    %swap3A_921 = arith.constant 7 : i32
    %swap3A_922 = arith.index_cast %swap3A_921 : i32 to index
    %swap3A_923 = arith.constant 80 : index
    %swap3A_924 = tpu.vector_load %arg5[%swap3A_922, %swap3A_923] {strides = array<i32>} : memref<12x512xf32, #tpu.memory_space<vmem>>, vector<1x16xf32>,
    %swap3A_925 = vector.shape_cast %swap3A_924 : vector<1x16xf32> to vector<16xf32>
    %swap3A_926 = vector.shape_cast %add3A_878 : vector<16xf32> to vector<1x16xf32>
    tpu.vector_store %arg5[%swap3A_922, %swap3A_923], %swap3A_926 {strides = array<i32>} : memref<12x512xf32, #tpu.memory_space<vmem>>, vector<1x16xf32>,
    %swap3A_927 = arith.constant 8 : i32
    %swap3A_928 = arith.index_cast %swap3A_927 : i32 to index
    %swap3A_929 = arith.constant 80 : index
    %swap3A_930 = tpu.vector_load %arg5[%swap3A_928, %swap3A_929] {strides = array<i32>} : memref<12x512xf32, #tpu.memory_space<vmem>>, vector<1x16xf32>,
    %swap3A_931 = vector.shape_cast %swap3A_930 : vector<1x16xf32> to vector<16xf32>
    %swap3A_932 = vector.shape_cast %add3A_878 : vector<16xf32> to vector<1x16xf32>
    tpu.vector_store %arg5[%swap3A_928, %swap3A_929], %swap3A_932 {strides = array<i32>} : memref<12x512xf32, #tpu.memory_space<vmem>>, vector<1x16xf32>,
    %swap3A_933 = arith.constant 9 : i32
    %swap3A_934 = arith.index_cast %swap3A_933 : i32 to index
    %swap3A_935 = arith.constant 80 : index
    %swap3A_936 = tpu.vector_load %arg5[%swap3A_934, %swap3A_935] {strides = array<i32>} : memref<12x512xf32, #tpu.memory_space<vmem>>, vector<1x16xf32>,
    %swap3A_937 = vector.shape_cast %swap3A_936 : vector<1x16xf32> to vector<16xf32>
    %swap3A_938 = vector.shape_cast %add3A_878 : vector<16xf32> to vector<1x16xf32>
    tpu.vector_store %arg5[%swap3A_934, %swap3A_935], %swap3A_938 {strides = array<i32>} : memref<12x512xf32, #tpu.memory_space<vmem>>, vector<1x16xf32>,
    %swap3A_939 = arith.constant 10 : i32
    %swap3A_940 = arith.index_cast %swap3A_939 : i32 to index
    %swap3A_941 = arith.constant 80 : index
    %swap3A_942 = tpu.vector_load %arg5[%swap3A_940, %swap3A_941] {strides = array<i32>} : memref<12x512xf32, #tpu.memory_space<vmem>>, vector<1x16xf32>,
    %swap3A_943 = vector.shape_cast %swap3A_942 : vector<1x16xf32> to vector<16xf32>
    %swap3A_944 = vector.shape_cast %add3A_878 : vector<16xf32> to vector<1x16xf32>
    tpu.vector_store %arg5[%swap3A_940, %swap3A_941], %swap3A_944 {strides = array<i32>} : memref<12x512xf32, #tpu.memory_space<vmem>>, vector<1x16xf32>,
    %swap3A_945 = arith.constant 11 : i32
    %swap3A_946 = arith.index_cast %swap3A_945 : i32 to index
    %swap3A_947 = arith.constant 80 : index
    %swap3A_948 = tpu.vector_load %arg5[%swap3A_946, %swap3A_947] {strides = array<i32>} : memref<12x512xf32, #tpu.memory_space<vmem>>, vector<1x16xf32>,
    %swap3A_949 = vector.shape_cast %swap3A_948 : vector<1x16xf32> to vector<16xf32>
    %swap3A_950 = vector.shape_cast %add3A_878 : vector<16xf32> to vector<1x16xf32>
    tpu.vector_store %arg5[%swap3A_946, %swap3A_947], %swap3A_950 {strides = array<i32>} : memref<12x512xf32, #tpu.memory_space<vmem>>, vector<1x16xf32>,
    %get3A_951 = arith.constant 0 : i32
    %get3A_952 = arith.index_cast %get3A_951 : i32 to index
    %get3A_953 = arith.constant 96 : index
    %get3A_954 = tpu.vector_load %arg4[%get3A_952, %get3A_953] {strides = array<i32>} : memref<8x512xf32, #tpu.memory_space<vmem>>, vector<1x16xf32>,
    %get3A_955 = vector.shape_cast %get3A_954 : vector<1x16xf32> to vector<16xf32>
    %get3A_956 = arith.constant 1 : i32
    %get3A_957 = arith.index_cast %get3A_956 : i32 to index
    %get3A_958 = arith.constant 96 : index
    %get3A_959 = tpu.vector_load %arg4[%get3A_957, %get3A_958] {strides = array<i32>} : memref<8x512xf32, #tpu.memory_space<vmem>>, vector<1x16xf32>,
    %get3A_960 = vector.shape_cast %get3A_959 : vector<1x16xf32> to vector<16xf32>
    %add3A_961 = arith.addf %get3A_955, %get3A_960 : vector<16xf32>
    %get3A_962 = arith.constant 2 : i32
    %get3A_963 = arith.index_cast %get3A_962 : i32 to index
    %get3A_964 = arith.constant 96 : index
    %get3A_965 = tpu.vector_load %arg4[%get3A_963, %get3A_964] {strides = array<i32>} : memref<8x512xf32, #tpu.memory_space<vmem>>, vector<1x16xf32>,
    %get3A_966 = vector.shape_cast %get3A_965 : vector<1x16xf32> to vector<16xf32>
    %add3A_967 = arith.addf %add3A_961, %get3A_966 : vector<16xf32>
    %get3A_968 = arith.constant 3 : i32
    %get3A_969 = arith.index_cast %get3A_968 : i32 to index
    %get3A_970 = arith.constant 96 : index
    %get3A_971 = tpu.vector_load %arg4[%get3A_969, %get3A_970] {strides = array<i32>} : memref<8x512xf32, #tpu.memory_space<vmem>>, vector<1x16xf32>,
    %get3A_972 = vector.shape_cast %get3A_971 : vector<1x16xf32> to vector<16xf32>
    %add3A_973 = arith.addf %add3A_967, %get3A_972 : vector<16xf32>
    %get3A_974 = arith.constant 4 : i32
    %get3A_975 = arith.index_cast %get3A_974 : i32 to index
    %get3A_976 = arith.constant 96 : index
    %get3A_977 = tpu.vector_load %arg4[%get3A_975, %get3A_976] {strides = array<i32>} : memref<8x512xf32, #tpu.memory_space<vmem>>, vector<1x16xf32>,
    %get3A_978 = vector.shape_cast %get3A_977 : vector<1x16xf32> to vector<16xf32>
    %add3A_979 = arith.addf %add3A_973, %get3A_978 : vector<16xf32>
    %get3A_980 = arith.constant 5 : i32
    %get3A_981 = arith.index_cast %get3A_980 : i32 to index
    %get3A_982 = arith.constant 96 : index
    %get3A_983 = tpu.vector_load %arg4[%get3A_981, %get3A_982] {strides = array<i32>} : memref<8x512xf32, #tpu.memory_space<vmem>>, vector<1x16xf32>,
    %get3A_984 = vector.shape_cast %get3A_983 : vector<1x16xf32> to vector<16xf32>
    %add3A_985 = arith.addf %add3A_979, %get3A_984 : vector<16xf32>
    %get3A_986 = arith.constant 6 : i32
    %get3A_987 = arith.index_cast %get3A_986 : i32 to index
    %get3A_988 = arith.constant 96 : index
    %get3A_989 = tpu.vector_load %arg4[%get3A_987, %get3A_988] {strides = array<i32>} : memref<8x512xf32, #tpu.memory_space<vmem>>, vector<1x16xf32>,
    %get3A_990 = vector.shape_cast %get3A_989 : vector<1x16xf32> to vector<16xf32>
    %add3A_991 = arith.addf %add3A_985, %get3A_990 : vector<16xf32>
    %get3A_992 = arith.constant 7 : i32
    %get3A_993 = arith.index_cast %get3A_992 : i32 to index
    %get3A_994 = arith.constant 96 : index
    %get3A_995 = tpu.vector_load %arg4[%get3A_993, %get3A_994] {strides = array<i32>} : memref<8x512xf32, #tpu.memory_space<vmem>>, vector<1x16xf32>,
    %get3A_996 = vector.shape_cast %get3A_995 : vector<1x16xf32> to vector<16xf32>
    %add3A_997 = arith.addf %add3A_991, %get3A_996 : vector<16xf32>
    %swap3A_998 = arith.constant 0 : i32
    %swap3A_999 = arith.index_cast %swap3A_998 : i32 to index
    %swap3A_1000 = arith.constant 96 : index
    %swap3A_1001 = tpu.vector_load %arg5[%swap3A_999, %swap3A_1000] {strides = array<i32>} : memref<12x512xf32, #tpu.memory_space<vmem>>, vector<1x16xf32>,
    %swap3A_1002 = vector.shape_cast %swap3A_1001 : vector<1x16xf32> to vector<16xf32>
    %swap3A_1003 = vector.shape_cast %add3A_997 : vector<16xf32> to vector<1x16xf32>
    tpu.vector_store %arg5[%swap3A_999, %swap3A_1000], %swap3A_1003 {strides = array<i32>} : memref<12x512xf32, #tpu.memory_space<vmem>>, vector<1x16xf32>,
    %swap3A_1004 = arith.constant 1 : i32
    %swap3A_1005 = arith.index_cast %swap3A_1004 : i32 to index
    %swap3A_1006 = arith.constant 96 : index
    %swap3A_1007 = tpu.vector_load %arg5[%swap3A_1005, %swap3A_1006] {strides = array<i32>} : memref<12x512xf32, #tpu.memory_space<vmem>>, vector<1x16xf32>,
    %swap3A_1008 = vector.shape_cast %swap3A_1007 : vector<1x16xf32> to vector<16xf32>
    %swap3A_1009 = vector.shape_cast %add3A_997 : vector<16xf32> to vector<1x16xf32>
    tpu.vector_store %arg5[%swap3A_1005, %swap3A_1006], %swap3A_1009 {strides = array<i32>} : memref<12x512xf32, #tpu.memory_space<vmem>>, vector<1x16xf32>,
    %swap3A_1010 = arith.constant 2 : i32
    %swap3A_1011 = arith.index_cast %swap3A_1010 : i32 to index
    %swap3A_1012 = arith.constant 96 : index
    %swap3A_1013 = tpu.vector_load %arg5[%swap3A_1011, %swap3A_1012] {strides = array<i32>} : memref<12x512xf32, #tpu.memory_space<vmem>>, vector<1x16xf32>,
    %swap3A_1014 = vector.shape_cast %swap3A_1013 : vector<1x16xf32> to vector<16xf32>
    %swap3A_1015 = vector.shape_cast %add3A_997 : vector<16xf32> to vector<1x16xf32>
    tpu.vector_store %arg5[%swap3A_1011, %swap3A_1012], %swap3A_1015 {strides = array<i32>} : memref<12x512xf32, #tpu.memory_space<vmem>>, vector<1x16xf32>,
    %swap3A_1016 = arith.constant 3 : i32
    %swap3A_1017 = arith.index_cast %swap3A_1016 : i32 to index
    %swap3A_1018 = arith.constant 96 : index
    %swap3A_1019 = tpu.vector_load %arg5[%swap3A_1017, %swap3A_1018] {strides = array<i32>} : memref<12x512xf32, #tpu.memory_space<vmem>>, vector<1x16xf32>,
    %swap3A_1020 = vector.shape_cast %swap3A_1019 : vector<1x16xf32> to vector<16xf32>
    %swap3A_1021 = vector.shape_cast %add3A_997 : vector<16xf32> to vector<1x16xf32>
    tpu.vector_store %arg5[%swap3A_1017, %swap3A_1018], %swap3A_1021 {strides = array<i32>} : memref<12x512xf32, #tpu.memory_space<vmem>>, vector<1x16xf32>,
    %swap3A_1022 = arith.constant 4 : i32
    %swap3A_1023 = arith.index_cast %swap3A_1022 : i32 to index
    %swap3A_1024 = arith.constant 96 : index
    %swap3A_1025 = tpu.vector_load %arg5[%swap3A_1023, %swap3A_1024] {strides = array<i32>} : memref<12x512xf32, #tpu.memory_space<vmem>>, vector<1x16xf32>,
    %swap3A_1026 = vector.shape_cast %swap3A_1025 : vector<1x16xf32> to vector<16xf32>
    %swap3A_1027 = vector.shape_cast %add3A_997 : vector<16xf32> to vector<1x16xf32>
    tpu.vector_store %arg5[%swap3A_1023, %swap3A_1024], %swap3A_1027 {strides = array<i32>} : memref<12x512xf32, #tpu.memory_space<vmem>>, vector<1x16xf32>,
    %swap3A_1028 = arith.constant 5 : i32
    %swap3A_1029 = arith.index_cast %swap3A_1028 : i32 to index
    %swap3A_1030 = arith.constant 96 : index
    %swap3A_1031 = tpu.vector_load %arg5[%swap3A_1029, %swap3A_1030] {strides = array<i32>} : memref<12x512xf32, #tpu.memory_space<vmem>>, vector<1x16xf32>,
    %swap3A_1032 = vector.shape_cast %swap3A_1031 : vector<1x16xf32> to vector<16xf32>
    %swap3A_1033 = vector.shape_cast %add3A_997 : vector<16xf32> to vector<1x16xf32>
    tpu.vector_store %arg5[%swap3A_1029, %swap3A_1030], %swap3A_1033 {strides = array<i32>} : memref<12x512xf32, #tpu.memory_space<vmem>>, vector<1x16xf32>,
    %swap3A_1034 = arith.constant 6 : i32
    %swap3A_1035 = arith.index_cast %swap3A_1034 : i32 to index
    %swap3A_1036 = arith.constant 96 : index
    %swap3A_1037 = tpu.vector_load %arg5[%swap3A_1035, %swap3A_1036] {strides = array<i32>} : memref<12x512xf32, #tpu.memory_space<vmem>>, vector<1x16xf32>,
    %swap3A_1038 = vector.shape_cast %swap3A_1037 : vector<1x16xf32> to vector<16xf32>
    %swap3A_1039 = vector.shape_cast %add3A_997 : vector<16xf32> to vector<1x16xf32>
    tpu.vector_store %arg5[%swap3A_1035, %swap3A_1036], %swap3A_1039 {strides = array<i32>} : memref<12x512xf32, #tpu.memory_space<vmem>>, vector<1x16xf32>,
    %swap3A_1040 = arith.constant 7 : i32
    %swap3A_1041 = arith.index_cast %swap3A_1040 : i32 to index
    %swap3A_1042 = arith.constant 96 : index
    %swap3A_1043 = tpu.vector_load %arg5[%swap3A_1041, %swap3A_1042] {strides = array<i32>} : memref<12x512xf32, #tpu.memory_space<vmem>>, vector<1x16xf32>,
    %swap3A_1044 = vector.shape_cast %swap3A_1043 : vector<1x16xf32> to vector<16xf32>
    %swap3A_1045 = vector.shape_cast %add3A_997 : vector<16xf32> to vector<1x16xf32>
    tpu.vector_store %arg5[%swap3A_1041, %swap3A_1042], %swap3A_1045 {strides = array<i32>} : memref<12x512xf32, #tpu.memory_space<vmem>>, vector<1x16xf32>,
    %swap3A_1046 = arith.constant 8 : i32
    %swap3A_1047 = arith.index_cast %swap3A_1046 : i32 to index
    %swap3A_1048 = arith.constant 96 : index
    %swap3A_1049 = tpu.vector_load %arg5[%swap3A_1047, %swap3A_1048] {strides = array<i32>} : memref<12x512xf32, #tpu.memory_space<vmem>>, vector<1x16xf32>,
    %swap3A_1050 = vector.shape_cast %swap3A_1049 : vector<1x16xf32> to vector<16xf32>
    %swap3A_1051 = vector.shape_cast %add3A_997 : vector<16xf32> to vector<1x16xf32>
    tpu.vector_store %arg5[%swap3A_1047, %swap3A_1048], %swap3A_1051 {strides = array<i32>} : memref<12x512xf32, #tpu.memory_space<vmem>>, vector<1x16xf32>,
    %swap3A_1052 = arith.constant 9 : i32
    %swap3A_1053 = arith.index_cast %swap3A_1052 : i32 to index
    %swap3A_1054 = arith.constant 96 : index
    %swap3A_1055 = tpu.vector_load %arg5[%swap3A_1053, %swap3A_1054] {strides = array<i32>} : memref<12x512xf32, #tpu.memory_space<vmem>>, vector<1x16xf32>,
    %swap3A_1056 = vector.shape_cast %swap3A_1055 : vector<1x16xf32> to vector<16xf32>
    %swap3A_1057 = vector.shape_cast %add3A_997 : vector<16xf32> to vector<1x16xf32>
    tpu.vector_store %arg5[%swap3A_1053, %swap3A_1054], %swap3A_1057 {strides = array<i32>} : memref<12x512xf32, #tpu.memory_space<vmem>>, vector<1x16xf32>,
    %swap3A_1058 = arith.constant 10 : i32
    %swap3A_1059 = arith.index_cast %swap3A_1058 : i32 to index
    %swap3A_1060 = arith.constant 96 : index
    %swap3A_1061 = tpu.vector_load %arg5[%swap3A_1059, %swap3A_1060] {strides = array<i32>} : memref<12x512xf32, #tpu.memory_space<vmem>>, vector<1x16xf32>,
    %swap3A_1062 = vector.shape_cast %swap3A_1061 : vector<1x16xf32> to vector<16xf32>
    %swap3A_1063 = vector.shape_cast %add3A_997 : vector<16xf32> to vector<1x16xf32>
    tpu.vector_store %arg5[%swap3A_1059, %swap3A_1060], %swap3A_1063 {strides = array<i32>} : memref<12x512xf32, #tpu.memory_space<vmem>>, vector<1x16xf32>,
    %swap3A_1064 = arith.constant 11 : i32
    %swap3A_1065 = arith.index_cast %swap3A_1064 : i32 to index
    %swap3A_1066 = arith.constant 96 : index
    %swap3A_1067 = tpu.vector_load %arg5[%swap3A_1065, %swap3A_1066] {strides = array<i32>} : memref<12x512xf32, #tpu.memory_space<vmem>>, vector<1x16xf32>,
    %swap3A_1068 = vector.shape_cast %swap3A_1067 : vector<1x16xf32> to vector<16xf32>
    %swap3A_1069 = vector.shape_cast %add3A_997 : vector<16xf32> to vector<1x16xf32>
    tpu.vector_store %arg5[%swap3A_1065, %swap3A_1066], %swap3A_1069 {strides = array<i32>} : memref<12x512xf32, #tpu.memory_space<vmem>>, vector<1x16xf32>,
    %get3A_1070 = arith.constant 0 : i32
    %get3A_1071 = arith.index_cast %get3A_1070 : i32 to index
    %get3A_1072 = arith.constant 112 : index
    %get3A_1073 = tpu.vector_load %arg4[%get3A_1071, %get3A_1072] {strides = array<i32>} : memref<8x512xf32, #tpu.memory_space<vmem>>, vector<1x16xf32>,
    %get3A_1074 = vector.shape_cast %get3A_1073 : vector<1x16xf32> to vector<16xf32>
    %get3A_1075 = arith.constant 1 : i32
    %get3A_1076 = arith.index_cast %get3A_1075 : i32 to index
    %get3A_1077 = arith.constant 112 : index
    %get3A_1078 = tpu.vector_load %arg4[%get3A_1076, %get3A_1077] {strides = array<i32>} : memref<8x512xf32, #tpu.memory_space<vmem>>, vector<1x16xf32>,
    %get3A_1079 = vector.shape_cast %get3A_1078 : vector<1x16xf32> to vector<16xf32>
    %add3A_1080 = arith.addf %get3A_1074, %get3A_1079 : vector<16xf32>
    %get3A_1081 = arith.constant 2 : i32
    %get3A_1082 = arith.index_cast %get3A_1081 : i32 to index
    %get3A_1083 = arith.constant 112 : index
    %get3A_1084 = tpu.vector_load %arg4[%get3A_1082, %get3A_1083] {strides = array<i32>} : memref<8x512xf32, #tpu.memory_space<vmem>>, vector<1x16xf32>,
    %get3A_1085 = vector.shape_cast %get3A_1084 : vector<1x16xf32> to vector<16xf32>
    %add3A_1086 = arith.addf %add3A_1080, %get3A_1085 : vector<16xf32>
    %get3A_1087 = arith.constant 3 : i32
    %get3A_1088 = arith.index_cast %get3A_1087 : i32 to index
    %get3A_1089 = arith.constant 112 : index
    %get3A_1090 = tpu.vector_load %arg4[%get3A_1088, %get3A_1089] {strides = array<i32>} : memref<8x512xf32, #tpu.memory_space<vmem>>, vector<1x16xf32>,
    %get3A_1091 = vector.shape_cast %get3A_1090 : vector<1x16xf32> to vector<16xf32>
    %add3A_1092 = arith.addf %add3A_1086, %get3A_1091 : vector<16xf32>
    %get3A_1093 = arith.constant 4 : i32
    %get3A_1094 = arith.index_cast %get3A_1093 : i32 to index
    %get3A_1095 = arith.constant 112 : index
    %get3A_1096 = tpu.vector_load %arg4[%get3A_1094, %get3A_1095] {strides = array<i32>} : memref<8x512xf32, #tpu.memory_space<vmem>>, vector<1x16xf32>,
    %get3A_1097 = vector.shape_cast %get3A_1096 : vector<1x16xf32> to vector<16xf32>
    %add3A_1098 = arith.addf %add3A_1092, %get3A_1097 : vector<16xf32>
    %get3A_1099 = arith.constant 5 : i32
    %get3A_1100 = arith.index_cast %get3A_1099 : i32 to index
    %get3A_1101 = arith.constant 112 : index
    %get3A_1102 = tpu.vector_load %arg4[%get3A_1100, %get3A_1101] {strides = array<i32>} : memref<8x512xf32, #tpu.memory_space<vmem>>, vector<1x16xf32>,
    %get3A_1103 = vector.shape_cast %get3A_1102 : vector<1x16xf32> to vector<16xf32>
    %add3A_1104 = arith.addf %add3A_1098, %get3A_1103 : vector<16xf32>
    %get3A_1105 = arith.constant 6 : i32
    %get3A_1106 = arith.index_cast %get3A_1105 : i32 to index
    %get3A_1107 = arith.constant 112 : index
    %get3A_1108 = tpu.vector_load %arg4[%get3A_1106, %get3A_1107] {strides = array<i32>} : memref<8x512xf32, #tpu.memory_space<vmem>>, vector<1x16xf32>,
    %get3A_1109 = vector.shape_cast %get3A_1108 : vector<1x16xf32> to vector<16xf32>
    %add3A_1110 = arith.addf %add3A_1104, %get3A_1109 : vector<16xf32>
    %get3A_1111 = arith.constant 7 : i32
    %get3A_1112 = arith.index_cast %get3A_1111 : i32 to index
    %get3A_1113 = arith.constant 112 : index
    %get3A_1114 = tpu.vector_load %arg4[%get3A_1112, %get3A_1113] {strides = array<i32>} : memref<8x512xf32, #tpu.memory_space<vmem>>, vector<1x16xf32>,
    %get3A_1115 = vector.shape_cast %get3A_1114 : vector<1x16xf32> to vector<16xf32>
    %add3A_1116 = arith.addf %add3A_1110, %get3A_1115 : vector<16xf32>
    %swap3A_1117 = arith.constant 0 : i32
    %swap3A_1118 = arith.index_cast %swap3A_1117 : i32 to index
    %swap3A_1119 = arith.constant 112 : index
    %swap3A_1120 = tpu.vector_load %arg5[%swap3A_1118, %swap3A_1119] {strides = array<i32>} : memref<12x512xf32, #tpu.memory_space<vmem>>, vector<1x16xf32>,
    %swap3A_1121 = vector.shape_cast %swap3A_1120 : vector<1x16xf32> to vector<16xf32>
    %swap3A_1122 = vector.shape_cast %add3A_1116 : vector<16xf32> to vector<1x16xf32>
    tpu.vector_store %arg5[%swap3A_1118, %swap3A_1119], %swap3A_1122 {strides = array<i32>} : memref<12x512xf32, #tpu.memory_space<vmem>>, vector<1x16xf32>,
    %swap3A_1123 = arith.constant 1 : i32
    %swap3A_1124 = arith.index_cast %swap3A_1123 : i32 to index
    %swap3A_1125 = arith.constant 112 : index
    %swap3A_1126 = tpu.vector_load %arg5[%swap3A_1124, %swap3A_1125] {strides = array<i32>} : memref<12x512xf32, #tpu.memory_space<vmem>>, vector<1x16xf32>,
    %swap3A_1127 = vector.shape_cast %swap3A_1126 : vector<1x16xf32> to vector<16xf32>
    %swap3A_1128 = vector.shape_cast %add3A_1116 : vector<16xf32> to vector<1x16xf32>
    tpu.vector_store %arg5[%swap3A_1124, %swap3A_1125], %swap3A_1128 {strides = array<i32>} : memref<12x512xf32, #tpu.memory_space<vmem>>, vector<1x16xf32>,
    %swap3A_1129 = arith.constant 2 : i32
    %swap3A_1130 = arith.index_cast %swap3A_1129 : i32 to index
    %swap3A_1131 = arith.constant 112 : index
    %swap3A_1132 = tpu.vector_load %arg5[%swap3A_1130, %swap3A_1131] {strides = array<i32>} : memref<12x512xf32, #tpu.memory_space<vmem>>, vector<1x16xf32>,
    %swap3A_1133 = vector.shape_cast %swap3A_1132 : vector<1x16xf32> to vector<16xf32>
    %swap3A_1134 = vector.shape_cast %add3A_1116 : vector<16xf32> to vector<1x16xf32>
    tpu.vector_store %arg5[%swap3A_1130, %swap3A_1131], %swap3A_1134 {strides = array<i32>} : memref<12x512xf32, #tpu.memory_space<vmem>>, vector<1x16xf32>,
    %swap3A_1135 = arith.constant 3 : i32
    %swap3A_1136 = arith.index_cast %swap3A_1135 : i32 to index
    %swap3A_1137 = arith.constant 112 : index
    %swap3A_1138 = tpu.vector_load %arg5[%swap3A_1136, %swap3A_1137] {strides = array<i32>} : memref<12x512xf32, #tpu.memory_space<vmem>>, vector<1x16xf32>,
    %swap3A_1139 = vector.shape_cast %swap3A_1138 : vector<1x16xf32> to vector<16xf32>
    %swap3A_1140 = vector.shape_cast %add3A_1116 : vector<16xf32> to vector<1x16xf32>
    tpu.vector_store %arg5[%swap3A_1136, %swap3A_1137], %swap3A_1140 {strides = array<i32>} : memref<12x512xf32, #tpu.memory_space<vmem>>, vector<1x16xf32>,
    %swap3A_1141 = arith.constant 4 : i32
    %swap3A_1142 = arith.index_cast %swap3A_1141 : i32 to index
    %swap3A_1143 = arith.constant 112 : index
    %swap3A_1144 = tpu.vector_load %arg5[%swap3A_1142, %swap3A_1143] {strides = array<i32>} : memref<12x512xf32, #tpu.memory_space<vmem>>, vector<1x16xf32>,
    %swap3A_1145 = vector.shape_cast %swap3A_1144 : vector<1x16xf32> to vector<16xf32>
    %swap3A_1146 = vector.shape_cast %add3A_1116 : vector<16xf32> to vector<1x16xf32>
    tpu.vector_store %arg5[%swap3A_1142, %swap3A_1143], %swap3A_1146 {strides = array<i32>} : memref<12x512xf32, #tpu.memory_space<vmem>>, vector<1x16xf32>,
    %swap3A_1147 = arith.constant 5 : i32
    %swap3A_1148 = arith.index_cast %swap3A_1147 : i32 to index
    %swap3A_1149 = arith.constant 112 : index
    %swap3A_1150 = tpu.vector_load %arg5[%swap3A_1148, %swap3A_1149] {strides = array<i32>} : memref<12x512xf32, #tpu.memory_space<vmem>>, vector<1x16xf32>,
    %swap3A_1151 = vector.shape_cast %swap3A_1150 : vector<1x16xf32> to vector<16xf32>
    %swap3A_1152 = vector.shape_cast %add3A_1116 : vector<16xf32> to vector<1x16xf32>
    tpu.vector_store %arg5[%swap3A_1148, %swap3A_1149], %swap3A_1152 {strides = array<i32>} : memref<12x512xf32, #tpu.memory_space<vmem>>, vector<1x16xf32>,
    %swap3A_1153 = arith.constant 6 : i32
    %swap3A_1154 = arith.index_cast %swap3A_1153 : i32 to index
    %swap3A_1155 = arith.constant 112 : index
    %swap3A_1156 = tpu.vector_load %arg5[%swap3A_1154, %swap3A_1155] {strides = array<i32>} : memref<12x512xf32, #tpu.memory_space<vmem>>, vector<1x16xf32>,
    %swap3A_1157 = vector.shape_cast %swap3A_1156 : vector<1x16xf32> to vector<16xf32>
    %swap3A_1158 = vector.shape_cast %add3A_1116 : vector<16xf32> to vector<1x16xf32>
    tpu.vector_store %arg5[%swap3A_1154, %swap3A_1155], %swap3A_1158 {strides = array<i32>} : memref<12x512xf32, #tpu.memory_space<vmem>>, vector<1x16xf32>,
    %swap3A_1159 = arith.constant 7 : i32
    %swap3A_1160 = arith.index_cast %swap3A_1159 : i32 to index
    %swap3A_1161 = arith.constant 112 : index
    %swap3A_1162 = tpu.vector_load %arg5[%swap3A_1160, %swap3A_1161] {strides = array<i32>} : memref<12x512xf32, #tpu.memory_space<vmem>>, vector<1x16xf32>,
    %swap3A_1163 = vector.shape_cast %swap3A_1162 : vector<1x16xf32> to vector<16xf32>
    %swap3A_1164 = vector.shape_cast %add3A_1116 : vector<16xf32> to vector<1x16xf32>
    tpu.vector_store %arg5[%swap3A_1160, %swap3A_1161], %swap3A_1164 {strides = array<i32>} : memref<12x512xf32, #tpu.memory_space<vmem>>, vector<1x16xf32>,
    %swap3A_1165 = arith.constant 8 : i32
    %swap3A_1166 = arith.index_cast %swap3A_1165 : i32 to index
    %swap3A_1167 = arith.constant 112 : index
    %swap3A_1168 = tpu.vector_load %arg5[%swap3A_1166, %swap3A_1167] {strides = array<i32>} : memref<12x512xf32, #tpu.memory_space<vmem>>, vector<1x16xf32>,
    %swap3A_1169 = vector.shape_cast %swap3A_1168 : vector<1x16xf32> to vector<16xf32>
    %swap3A_1170 = vector.shape_cast %add3A_1116 : vector<16xf32> to vector<1x16xf32>
    tpu.vector_store %arg5[%swap3A_1166, %swap3A_1167], %swap3A_1170 {strides = array<i32>} : memref<12x512xf32, #tpu.memory_space<vmem>>, vector<1x16xf32>,
    %swap3A_1171 = arith.constant 9 : i32
    %swap3A_1172 = arith.index_cast %swap3A_1171 : i32 to index
    %swap3A_1173 = arith.constant 112 : index
    %swap3A_1174 = tpu.vector_load %arg5[%swap3A_1172, %swap3A_1173] {strides = array<i32>} : memref<12x512xf32, #tpu.memory_space<vmem>>, vector<1x16xf32>,
    %swap3A_1175 = vector.shape_cast %swap3A_1174 : vector<1x16xf32> to vector<16xf32>
    %swap3A_1176 = vector.shape_cast %add3A_1116 : vector<16xf32> to vector<1x16xf32>
    tpu.vector_store %arg5[%swap3A_1172, %swap3A_1173], %swap3A_1176 {strides = array<i32>} : memref<12x512xf32, #tpu.memory_space<vmem>>, vector<1x16xf32>,
    %swap3A_1177 = arith.constant 10 : i32
    %swap3A_1178 = arith.index_cast %swap3A_1177 : i32 to index
    %swap3A_1179 = arith.constant 112 : index
    %swap3A_1180 = tpu.vector_load %arg5[%swap3A_1178, %swap3A_1179] {strides = array<i32>} : memref<12x512xf32, #tpu.memory_space<vmem>>, vector<1x16xf32>,
    %swap3A_1181 = vector.shape_cast %swap3A_1180 : vector<1x16xf32> to vector<16xf32>
    %swap3A_1182 = vector.shape_cast %add3A_1116 : vector<16xf32> to vector<1x16xf32>
    tpu.vector_store %arg5[%swap3A_1178, %swap3A_1179], %swap3A_1182 {strides = array<i32>} : memref<12x512xf32, #tpu.memory_space<vmem>>, vector<1x16xf32>,
    %swap3A_1183 = arith.constant 11 : i32
    %swap3A_1184 = arith.index_cast %swap3A_1183 : i32 to index
    %swap3A_1185 = arith.constant 112 : index
    %swap3A_1186 = tpu.vector_load %arg5[%swap3A_1184, %swap3A_1185] {strides = array<i32>} : memref<12x512xf32, #tpu.memory_space<vmem>>, vector<1x16xf32>,
    %swap3A_1187 = vector.shape_cast %swap3A_1186 : vector<1x16xf32> to vector<16xf32>
    %swap3A_1188 = vector.shape_cast %add3A_1116 : vector<16xf32> to vector<1x16xf32>
    tpu.vector_store %arg5[%swap3A_1184, %swap3A_1185], %swap3A_1188 {strides = array<i32>} : memref<12x512xf32, #tpu.memory_space<vmem>>, vector<1x16xf32>,
    %get3A_1189 = arith.constant 0 : i32
    %get3A_1190 = arith.index_cast %get3A_1189 : i32 to index
    %get3A_1191 = arith.constant 128 : index
    %get3A_1192 = tpu.vector_load %arg4[%get3A_1190, %get3A_1191] {strides = array<i32>} : memref<8x512xf32, #tpu.memory_space<vmem>>, vector<1x16xf32>,
    %get3A_1193 = vector.shape_cast %get3A_1192 : vector<1x16xf32> to vector<16xf32>
    %get3A_1194 = arith.constant 1 : i32
    %get3A_1195 = arith.index_cast %get3A_1194 : i32 to index
    %get3A_1196 = arith.constant 128 : index
    %get3A_1197 = tpu.vector_load %arg4[%get3A_1195, %get3A_1196] {strides = array<i32>} : memref<8x512xf32, #tpu.memory_space<vmem>>, vector<1x16xf32>,
    %get3A_1198 = vector.shape_cast %get3A_1197 : vector<1x16xf32> to vector<16xf32>
    %add3A_1199 = arith.addf %get3A_1193, %get3A_1198 : vector<16xf32>
    %get3A_1200 = arith.constant 2 : i32
    %get3A_1201 = arith.index_cast %get3A_1200 : i32 to index
    %get3A_1202 = arith.constant 128 : index
    %get3A_1203 = tpu.vector_load %arg4[%get3A_1201, %get3A_1202] {strides = array<i32>} : memref<8x512xf32, #tpu.memory_space<vmem>>, vector<1x16xf32>,
    %get3A_1204 = vector.shape_cast %get3A_1203 : vector<1x16xf32> to vector<16xf32>
    %add3A_1205 = arith.addf %add3A_1199, %get3A_1204 : vector<16xf32>
    %get3A_1206 = arith.constant 3 : i32
    %get3A_1207 = arith.index_cast %get3A_1206 : i32 to index
    %get3A_1208 = arith.constant 128 : index
    %get3A_1209 = tpu.vector_load %arg4[%get3A_1207, %get3A_1208] {strides = array<i32>} : memref<8x512xf32, #tpu.memory_space<vmem>>, vector<1x16xf32>,
    %get3A_1210 = vector.shape_cast %get3A_1209 : vector<1x16xf32> to vector<16xf32>
    %add3A_1211 = arith.addf %add3A_1205, %get3A_1210 : vector<16xf32>
    %get3A_1212 = arith.constant 4 : i32
    %get3A_1213 = arith.index_cast %get3A_1212 : i32 to index
    %get3A_1214 = arith.constant 128 : index
    %get3A_1215 = tpu.vector_load %arg4[%get3A_1213, %get3A_1214] {strides = array<i32>} : memref<8x512xf32, #tpu.memory_space<vmem>>, vector<1x16xf32>,
    %get3A_1216 = vector.shape_cast %get3A_1215 : vector<1x16xf32> to vector<16xf32>
    %add3A_1217 = arith.addf %add3A_1211, %get3A_1216 : vector<16xf32>
    %get3A_1218 = arith.constant 5 : i32
    %get3A_1219 = arith.index_cast %get3A_1218 : i32 to index
    %get3A_1220 = arith.constant 128 : index
    %get3A_1221 = tpu.vector_load %arg4[%get3A_1219, %get3A_1220] {strides = array<i32>} : memref<8x512xf32, #tpu.memory_space<vmem>>, vector<1x16xf32>,
    %get3A_1222 = vector.shape_cast %get3A_1221 : vector<1x16xf32> to vector<16xf32>
    %add3A_1223 = arith.addf %add3A_1217, %get3A_1222 : vector<16xf32>
    %get3A_1224 = arith.constant 6 : i32
    %get3A_1225 = arith.index_cast %get3A_1224 : i32 to index
    %get3A_1226 = arith.constant 128 : index
    %get3A_1227 = tpu.vector_load %arg4[%get3A_1225, %get3A_1226] {strides = array<i32>} : memref<8x512xf32, #tpu.memory_space<vmem>>, vector<1x16xf32>,
    %get3A_1228 = vector.shape_cast %get3A_1227 : vector<1x16xf32> to vector<16xf32>
    %add3A_1229 = arith.addf %add3A_1223, %get3A_1228 : vector<16xf32>
    %get3A_1230 = arith.constant 7 : i32
    %get3A_1231 = arith.index_cast %get3A_1230 : i32 to index
    %get3A_1232 = arith.constant 128 : index
    %get3A_1233 = tpu.vector_load %arg4[%get3A_1231, %get3A_1232] {strides = array<i32>} : memref<8x512xf32, #tpu.memory_space<vmem>>, vector<1x16xf32>,
    %get3A_1234 = vector.shape_cast %get3A_1233 : vector<1x16xf32> to vector<16xf32>
    %add3A_1235 = arith.addf %add3A_1229, %get3A_1234 : vector<16xf32>
    %swap3A_1236 = arith.constant 0 : i32
    %swap3A_1237 = arith.index_cast %swap3A_1236 : i32 to index
    %swap3A_1238 = arith.constant 128 : index
    %swap3A_1239 = tpu.vector_load %arg5[%swap3A_1237, %swap3A_1238] {strides = array<i32>} : memref<12x512xf32, #tpu.memory_space<vmem>>, vector<1x16xf32>,
    %swap3A_1240 = vector.shape_cast %swap3A_1239 : vector<1x16xf32> to vector<16xf32>
    %swap3A_1241 = vector.shape_cast %add3A_1235 : vector<16xf32> to vector<1x16xf32>
    tpu.vector_store %arg5[%swap3A_1237, %swap3A_1238], %swap3A_1241 {strides = array<i32>} : memref<12x512xf32, #tpu.memory_space<vmem>>, vector<1x16xf32>,
    %swap3A_1242 = arith.constant 1 : i32
    %swap3A_1243 = arith.index_cast %swap3A_1242 : i32 to index
    %swap3A_1244 = arith.constant 128 : index
    %swap3A_1245 = tpu.vector_load %arg5[%swap3A_1243, %swap3A_1244] {strides = array<i32>} : memref<12x512xf32, #tpu.memory_space<vmem>>, vector<1x16xf32>,
    %swap3A_1246 = vector.shape_cast %swap3A_1245 : vector<1x16xf32> to vector<16xf32>
    %swap3A_1247 = vector.shape_cast %add3A_1235 : vector<16xf32> to vector<1x16xf32>
    tpu.vector_store %arg5[%swap3A_1243, %swap3A_1244], %swap3A_1247 {strides = array<i32>} : memref<12x512xf32, #tpu.memory_space<vmem>>, vector<1x16xf32>,
    %swap3A_1248 = arith.constant 2 : i32
    %swap3A_1249 = arith.index_cast %swap3A_1248 : i32 to index
    %swap3A_1250 = arith.constant 128 : index
    %swap3A_1251 = tpu.vector_load %arg5[%swap3A_1249, %swap3A_1250] {strides = array<i32>} : memref<12x512xf32, #tpu.memory_space<vmem>>, vector<1x16xf32>,
    %swap3A_1252 = vector.shape_cast %swap3A_1251 : vector<1x16xf32> to vector<16xf32>
    %swap3A_1253 = vector.shape_cast %add3A_1235 : vector<16xf32> to vector<1x16xf32>
    tpu.vector_store %arg5[%swap3A_1249, %swap3A_1250], %swap3A_1253 {strides = array<i32>} : memref<12x512xf32, #tpu.memory_space<vmem>>, vector<1x16xf32>,
    %swap3A_1254 = arith.constant 3 : i32
    %swap3A_1255 = arith.index_cast %swap3A_1254 : i32 to index
    %swap3A_1256 = arith.constant 128 : index
    %swap3A_1257 = tpu.vector_load %arg5[%swap3A_1255, %swap3A_1256] {strides = array<i32>} : memref<12x512xf32, #tpu.memory_space<vmem>>, vector<1x16xf32>,
    %swap3A_1258 = vector.shape_cast %swap3A_1257 : vector<1x16xf32> to vector<16xf32>
    %swap3A_1259 = vector.shape_cast %add3A_1235 : vector<16xf32> to vector<1x16xf32>
    tpu.vector_store %arg5[%swap3A_1255, %swap3A_1256], %swap3A_1259 {strides = array<i32>} : memref<12x512xf32, #tpu.memory_space<vmem>>, vector<1x16xf32>,
    %swap3A_1260 = arith.constant 4 : i32
    %swap3A_1261 = arith.index_cast %swap3A_1260 : i32 to index
    %swap3A_1262 = arith.constant 128 : index
    %swap3A_1263 = tpu.vector_load %arg5[%swap3A_1261, %swap3A_1262] {strides = array<i32>} : memref<12x512xf32, #tpu.memory_space<vmem>>, vector<1x16xf32>,
    %swap3A_1264 = vector.shape_cast %swap3A_1263 : vector<1x16xf32> to vector<16xf32>
    %swap3A_1265 = vector.shape_cast %add3A_1235 : vector<16xf32> to vector<1x16xf32>
    tpu.vector_store %arg5[%swap3A_1261, %swap3A_1262], %swap3A_1265 {strides = array<i32>} : memref<12x512xf32, #tpu.memory_space<vmem>>, vector<1x16xf32>,
    %swap3A_1266 = arith.constant 5 : i32
    %swap3A_1267 = arith.index_cast %swap3A_1266 : i32 to index
    %swap3A_1268 = arith.constant 128 : index
    %swap3A_1269 = tpu.vector_load %arg5[%swap3A_1267, %swap3A_1268] {strides = array<i32>} : memref<12x512xf32, #tpu.memory_space<vmem>>, vector<1x16xf32>,
    %swap3A_1270 = vector.shape_cast %swap3A_1269 : vector<1x16xf32> to vector<16xf32>
    %swap3A_1271 = vector.shape_cast %add3A_1235 : vector<16xf32> to vector<1x16xf32>
    tpu.vector_store %arg5[%swap3A_1267, %swap3A_1268], %swap3A_1271 {strides = array<i32>} : memref<12x512xf32, #tpu.memory_space<vmem>>, vector<1x16xf32>,
    %swap3A_1272 = arith.constant 6 : i32
    %swap3A_1273 = arith.index_cast %swap3A_1272 : i32 to index
    %swap3A_1274 = arith.constant 128 : index
    %swap3A_1275 = tpu.vector_load %arg5[%swap3A_1273, %swap3A_1274] {strides = array<i32>} : memref<12x512xf32, #tpu.memory_space<vmem>>, vector<1x16xf32>,
    %swap3A_1276 = vector.shape_cast %swap3A_1275 : vector<1x16xf32> to vector<16xf32>
    %swap3A_1277 = vector.shape_cast %add3A_1235 : vector<16xf32> to vector<1x16xf32>
    tpu.vector_store %arg5[%swap3A_1273, %swap3A_1274], %swap3A_1277 {strides = array<i32>} : memref<12x512xf32, #tpu.memory_space<vmem>>, vector<1x16xf32>,
    %swap3A_1278 = arith.constant 7 : i32
    %swap3A_1279 = arith.index_cast %swap3A_1278 : i32 to index
    %swap3A_1280 = arith.constant 128 : index
    %swap3A_1281 = tpu.vector_load %arg5[%swap3A_1279, %swap3A_1280] {strides = array<i32>} : memref<12x512xf32, #tpu.memory_space<vmem>>, vector<1x16xf32>,
    %swap3A_1282 = vector.shape_cast %swap3A_1281 : vector<1x16xf32> to vector<16xf32>
    %swap3A_1283 = vector.shape_cast %add3A_1235 : vector<16xf32> to vector<1x16xf32>
    tpu.vector_store %arg5[%swap3A_1279, %swap3A_1280], %swap3A_1283 {strides = array<i32>} : memref<12x512xf32, #tpu.memory_space<vmem>>, vector<1x16xf32>,
    %swap3A_1284 = arith.constant 8 : i32
    %swap3A_1285 = arith.index_cast %swap3A_1284 : i32 to index
    %swap3A_1286 = arith.constant 128 : index
    %swap3A_1287 = tpu.vector_load %arg5[%swap3A_1285, %swap3A_1286] {strides = array<i32>} : memref<12x512xf32, #tpu.memory_space<vmem>>, vector<1x16xf32>,
    %swap3A_1288 = vector.shape_cast %swap3A_1287 : vector<1x16xf32> to vector<16xf32>
    %swap3A_1289 = vector.shape_cast %add3A_1235 : vector<16xf32> to vector<1x16xf32>
    tpu.vector_store %arg5[%swap3A_1285, %swap3A_1286], %swap3A_1289 {strides = array<i32>} : memref<12x512xf32, #tpu.memory_space<vmem>>, vector<1x16xf32>,
    %swap3A_1290 = arith.constant 9 : i32
    %swap3A_1291 = arith.index_cast %swap3A_1290 : i32 to index
    %swap3A_1292 = arith.constant 128 : index
    %swap3A_1293 = tpu.vector_load %arg5[%swap3A_1291, %swap3A_1292] {strides = array<i32>} : memref<12x512xf32, #tpu.memory_space<vmem>>, vector<1x16xf32>,
    %swap3A_1294 = vector.shape_cast %swap3A_1293 : vector<1x16xf32> to vector<16xf32>
    %swap3A_1295 = vector.shape_cast %add3A_1235 : vector<16xf32> to vector<1x16xf32>
    tpu.vector_store %arg5[%swap3A_1291, %swap3A_1292], %swap3A_1295 {strides = array<i32>} : memref<12x512xf32, #tpu.memory_space<vmem>>, vector<1x16xf32>,
    %swap3A_1296 = arith.constant 10 : i32
    %swap3A_1297 = arith.index_cast %swap3A_1296 : i32 to index
    %swap3A_1298 = arith.constant 128 : index
    %swap3A_1299 = tpu.vector_load %arg5[%swap3A_1297, %swap3A_1298] {strides = array<i32>} : memref<12x512xf32, #tpu.memory_space<vmem>>, vector<1x16xf32>,
    %swap3A_1300 = vector.shape_cast %swap3A_1299 : vector<1x16xf32> to vector<16xf32>
    %swap3A_1301 = vector.shape_cast %add3A_1235 : vector<16xf32> to vector<1x16xf32>
    tpu.vector_store %arg5[%swap3A_1297, %swap3A_1298], %swap3A_1301 {strides = array<i32>} : memref<12x512xf32, #tpu.memory_space<vmem>>, vector<1x16xf32>,
    %swap3A_1302 = arith.constant 11 : i32
    %swap3A_1303 = arith.index_cast %swap3A_1302 : i32 to index
    %swap3A_1304 = arith.constant 128 : index
    %swap3A_1305 = tpu.vector_load %arg5[%swap3A_1303, %swap3A_1304] {strides = array<i32>} : memref<12x512xf32, #tpu.memory_space<vmem>>, vector<1x16xf32>,
    %swap3A_1306 = vector.shape_cast %swap3A_1305 : vector<1x16xf32> to vector<16xf32>
    %swap3A_1307 = vector.shape_cast %add3A_1235 : vector<16xf32> to vector<1x16xf32>
    tpu.vector_store %arg5[%swap3A_1303, %swap3A_1304], %swap3A_1307 {strides = array<i32>} : memref<12x512xf32, #tpu.memory_space<vmem>>, vector<1x16xf32>,
    %get3A_1308 = arith.constant 0 : i32
    %get3A_1309 = arith.index_cast %get3A_1308 : i32 to index
    %get3A_1310 = arith.constant 144 : index
    %get3A_1311 = tpu.vector_load %arg4[%get3A_1309, %get3A_1310] {strides = array<i32>} : memref<8x512xf32, #tpu.memory_space<vmem>>, vector<1x16xf32>,
    %get3A_1312 = vector.shape_cast %get3A_1311 : vector<1x16xf32> to vector<16xf32>
    %get3A_1313 = arith.constant 1 : i32
    %get3A_1314 = arith.index_cast %get3A_1313 : i32 to index
    %get3A_1315 = arith.constant 144 : index
    %get3A_1316 = tpu.vector_load %arg4[%get3A_1314, %get3A_1315] {strides = array<i32>} : memref<8x512xf32, #tpu.memory_space<vmem>>, vector<1x16xf32>,
    %get3A_1317 = vector.shape_cast %get3A_1316 : vector<1x16xf32> to vector<16xf32>
    %add3A_1318 = arith.addf %get3A_1312, %get3A_1317 : vector<16xf32>
    %get3A_1319 = arith.constant 2 : i32
    %get3A_1320 = arith.index_cast %get3A_1319 : i32 to index
    %get3A_1321 = arith.constant 144 : index
    %get3A_1322 = tpu.vector_load %arg4[%get3A_1320, %get3A_1321] {strides = array<i32>} : memref<8x512xf32, #tpu.memory_space<vmem>>, vector<1x16xf32>,
    %get3A_1323 = vector.shape_cast %get3A_1322 : vector<1x16xf32> to vector<16xf32>
    %add3A_1324 = arith.addf %add3A_1318, %get3A_1323 : vector<16xf32>
    %get3A_1325 = arith.constant 3 : i32
    %get3A_1326 = arith.index_cast %get3A_1325 : i32 to index
    %get3A_1327 = arith.constant 144 : index
    %get3A_1328 = tpu.vector_load %arg4[%get3A_1326, %get3A_1327] {strides = array<i32>} : memref<8x512xf32, #tpu.memory_space<vmem>>, vector<1x16xf32>,
    %get3A_1329 = vector.shape_cast %get3A_1328 : vector<1x16xf32> to vector<16xf32>
    %add3A_1330 = arith.addf %add3A_1324, %get3A_1329 : vector<16xf32>
    %get3A_1331 = arith.constant 4 : i32
    %get3A_1332 = arith.index_cast %get3A_1331 : i32 to index
    %get3A_1333 = arith.constant 144 : index
    %get3A_1334 = tpu.vector_load %arg4[%get3A_1332, %get3A_1333] {strides = array<i32>} : memref<8x512xf32, #tpu.memory_space<vmem>>, vector<1x16xf32>,
    %get3A_1335 = vector.shape_cast %get3A_1334 : vector<1x16xf32> to vector<16xf32>
    %add3A_1336 = arith.addf %add3A_1330, %get3A_1335 : vector<16xf32>
    %get3A_1337 = arith.constant 5 : i32
    %get3A_1338 = arith.index_cast %get3A_1337 : i32 to index
    %get3A_1339 = arith.constant 144 : index
    %get3A_1340 = tpu.vector_load %arg4[%get3A_1338, %get3A_1339] {strides = array<i32>} : memref<8x512xf32, #tpu.memory_space<vmem>>, vector<1x16xf32>,
    %get3A_1341 = vector.shape_cast %get3A_1340 : vector<1x16xf32> to vector<16xf32>
    %add3A_1342 = arith.addf %add3A_1336, %get3A_1341 : vector<16xf32>
    %get3A_1343 = arith.constant 6 : i32
    %get3A_1344 = arith.index_cast %get3A_1343 : i32 to index
    %get3A_1345 = arith.constant 144 : index
    %get3A_1346 = tpu.vector_load %arg4[%get3A_1344, %get3A_1345] {strides = array<i32>} : memref<8x512xf32, #tpu.memory_space<vmem>>, vector<1x16xf32>,
    %get3A_1347 = vector.shape_cast %get3A_1346 : vector<1x16xf32> to vector<16xf32>
    %add3A_1348 = arith.addf %add3A_1342, %get3A_1347 : vector<16xf32>
    %get3A_1349 = arith.constant 7 : i32
    %get3A_1350 = arith.index_cast %get3A_1349 : i32 to index
    %get3A_1351 = arith.constant 144 : index
    %get3A_1352 = tpu.vector_load %arg4[%get3A_1350, %get3A_1351] {strides = array<i32>} : memref<8x512xf32, #tpu.memory_space<vmem>>, vector<1x16xf32>,
    %get3A_1353 = vector.shape_cast %get3A_1352 : vector<1x16xf32> to vector<16xf32>
    %add3A_1354 = arith.addf %add3A_1348, %get3A_1353 : vector<16xf32>
    %swap3A_1355 = arith.constant 0 : i32
    %swap3A_1356 = arith.index_cast %swap3A_1355 : i32 to index
    %swap3A_1357 = arith.constant 144 : index
    %swap3A_1358 = tpu.vector_load %arg5[%swap3A_1356, %swap3A_1357] {strides = array<i32>} : memref<12x512xf32, #tpu.memory_space<vmem>>, vector<1x16xf32>,
    %swap3A_1359 = vector.shape_cast %swap3A_1358 : vector<1x16xf32> to vector<16xf32>
    %swap3A_1360 = vector.shape_cast %add3A_1354 : vector<16xf32> to vector<1x16xf32>
    tpu.vector_store %arg5[%swap3A_1356, %swap3A_1357], %swap3A_1360 {strides = array<i32>} : memref<12x512xf32, #tpu.memory_space<vmem>>, vector<1x16xf32>,
    %swap3A_1361 = arith.constant 1 : i32
    %swap3A_1362 = arith.index_cast %swap3A_1361 : i32 to index
    %swap3A_1363 = arith.constant 144 : index
    %swap3A_1364 = tpu.vector_load %arg5[%swap3A_1362, %swap3A_1363] {strides = array<i32>} : memref<12x512xf32, #tpu.memory_space<vmem>>, vector<1x16xf32>,
    %swap3A_1365 = vector.shape_cast %swap3A_1364 : vector<1x16xf32> to vector<16xf32>
    %swap3A_1366 = vector.shape_cast %add3A_1354 : vector<16xf32> to vector<1x16xf32>
    tpu.vector_store %arg5[%swap3A_1362, %swap3A_1363], %swap3A_1366 {strides = array<i32>} : memref<12x512xf32, #tpu.memory_space<vmem>>, vector<1x16xf32>,
    %swap3A_1367 = arith.constant 2 : i32
    %swap3A_1368 = arith.index_cast %swap3A_1367 : i32 to index
    %swap3A_1369 = arith.constant 144 : index
    %swap3A_1370 = tpu.vector_load %arg5[%swap3A_1368, %swap3A_1369] {strides = array<i32>} : memref<12x512xf32, #tpu.memory_space<vmem>>, vector<1x16xf32>,
    %swap3A_1371 = vector.shape_cast %swap3A_1370 : vector<1x16xf32> to vector<16xf32>
    %swap3A_1372 = vector.shape_cast %add3A_1354 : vector<16xf32> to vector<1x16xf32>
    tpu.vector_store %arg5[%swap3A_1368, %swap3A_1369], %swap3A_1372 {strides = array<i32>} : memref<12x512xf32, #tpu.memory_space<vmem>>, vector<1x16xf32>,
    %swap3A_1373 = arith.constant 3 : i32
    %swap3A_1374 = arith.index_cast %swap3A_1373 : i32 to index
    %swap3A_1375 = arith.constant 144 : index
    %swap3A_1376 = tpu.vector_load %arg5[%swap3A_1374, %swap3A_1375] {strides = array<i32>} : memref<12x512xf32, #tpu.memory_space<vmem>>, vector<1x16xf32>,
    %swap3A_1377 = vector.shape_cast %swap3A_1376 : vector<1x16xf32> to vector<16xf32>
    %swap3A_1378 = vector.shape_cast %add3A_1354 : vector<16xf32> to vector<1x16xf32>
    tpu.vector_store %arg5[%swap3A_1374, %swap3A_1375], %swap3A_1378 {strides = array<i32>} : memref<12x512xf32, #tpu.memory_space<vmem>>, vector<1x16xf32>,
    %swap3A_1379 = arith.constant 4 : i32
    %swap3A_1380 = arith.index_cast %swap3A_1379 : i32 to index
    %swap3A_1381 = arith.constant 144 : index
    %swap3A_1382 = tpu.vector_load %arg5[%swap3A_1380, %swap3A_1381] {strides = array<i32>} : memref<12x512xf32, #tpu.memory_space<vmem>>, vector<1x16xf32>,
    %swap3A_1383 = vector.shape_cast %swap3A_1382 : vector<1x16xf32> to vector<16xf32>
    %swap3A_1384 = vector.shape_cast %add3A_1354 : vector<16xf32> to vector<1x16xf32>
    tpu.vector_store %arg5[%swap3A_1380, %swap3A_1381], %swap3A_1384 {strides = array<i32>} : memref<12x512xf32, #tpu.memory_space<vmem>>, vector<1x16xf32>,
    %swap3A_1385 = arith.constant 5 : i32
    %swap3A_1386 = arith.index_cast %swap3A_1385 : i32 to index
    %swap3A_1387 = arith.constant 144 : index
    %swap3A_1388 = tpu.vector_load %arg5[%swap3A_1386, %swap3A_1387] {strides = array<i32>} : memref<12x512xf32, #tpu.memory_space<vmem>>, vector<1x16xf32>,
    %swap3A_1389 = vector.shape_cast %swap3A_1388 : vector<1x16xf32> to vector<16xf32>
    %swap3A_1390 = vector.shape_cast %add3A_1354 : vector<16xf32> to vector<1x16xf32>
    tpu.vector_store %arg5[%swap3A_1386, %swap3A_1387], %swap3A_1390 {strides = array<i32>} : memref<12x512xf32, #tpu.memory_space<vmem>>, vector<1x16xf32>,
    %swap3A_1391 = arith.constant 6 : i32
    %swap3A_1392 = arith.index_cast %swap3A_1391 : i32 to index
    %swap3A_1393 = arith.constant 144 : index
    %swap3A_1394 = tpu.vector_load %arg5[%swap3A_1392, %swap3A_1393] {strides = array<i32>} : memref<12x512xf32, #tpu.memory_space<vmem>>, vector<1x16xf32>,
    %swap3A_1395 = vector.shape_cast %swap3A_1394 : vector<1x16xf32> to vector<16xf32>
    %swap3A_1396 = vector.shape_cast %add3A_1354 : vector<16xf32> to vector<1x16xf32>
    tpu.vector_store %arg5[%swap3A_1392, %swap3A_1393], %swap3A_1396 {strides = array<i32>} : memref<12x512xf32, #tpu.memory_space<vmem>>, vector<1x16xf32>,
    %swap3A_1397 = arith.constant 7 : i32
    %swap3A_1398 = arith.index_cast %swap3A_1397 : i32 to index
    %swap3A_1399 = arith.constant 144 : index
    %swap3A_1400 = tpu.vector_load %arg5[%swap3A_1398, %swap3A_1399] {strides = array<i32>} : memref<12x512xf32, #tpu.memory_space<vmem>>, vector<1x16xf32>,
    %swap3A_1401 = vector.shape_cast %swap3A_1400 : vector<1x16xf32> to vector<16xf32>
    %swap3A_1402 = vector.shape_cast %add3A_1354 : vector<16xf32> to vector<1x16xf32>
    tpu.vector_store %arg5[%swap3A_1398, %swap3A_1399], %swap3A_1402 {strides = array<i32>} : memref<12x512xf32, #tpu.memory_space<vmem>>, vector<1x16xf32>,
    %swap3A_1403 = arith.constant 8 : i32
    %swap3A_1404 = arith.index_cast %swap3A_1403 : i32 to index
    %swap3A_1405 = arith.constant 144 : index
    %swap3A_1406 = tpu.vector_load %arg5[%swap3A_1404, %swap3A_1405] {strides = array<i32>} : memref<12x512xf32, #tpu.memory_space<vmem>>, vector<1x16xf32>,
    %swap3A_1407 = vector.shape_cast %swap3A_1406 : vector<1x16xf32> to vector<16xf32>
    %swap3A_1408 = vector.shape_cast %add3A_1354 : vector<16xf32> to vector<1x16xf32>
    tpu.vector_store %arg5[%swap3A_1404, %swap3A_1405], %swap3A_1408 {strides = array<i32>} : memref<12x512xf32, #tpu.memory_space<vmem>>, vector<1x16xf32>,
    %swap3A_1409 = arith.constant 9 : i32
    %swap3A_1410 = arith.index_cast %swap3A_1409 : i32 to index
    %swap3A_1411 = arith.constant 144 : index
    %swap3A_1412 = tpu.vector_load %arg5[%swap3A_1410, %swap3A_1411] {strides = array<i32>} : memref<12x512xf32, #tpu.memory_space<vmem>>, vector<1x16xf32>,
    %swap3A_1413 = vector.shape_cast %swap3A_1412 : vector<1x16xf32> to vector<16xf32>
    %swap3A_1414 = vector.shape_cast %add3A_1354 : vector<16xf32> to vector<1x16xf32>
    tpu.vector_store %arg5[%swap3A_1410, %swap3A_1411], %swap3A_1414 {strides = array<i32>} : memref<12x512xf32, #tpu.memory_space<vmem>>, vector<1x16xf32>,
    %swap3A_1415 = arith.constant 10 : i32
    %swap3A_1416 = arith.index_cast %swap3A_1415 : i32 to index
    %swap3A_1417 = arith.constant 144 : index
    %swap3A_1418 = tpu.vector_load %arg5[%swap3A_1416, %swap3A_1417] {strides = array<i32>} : memref<12x512xf32, #tpu.memory_space<vmem>>, vector<1x16xf32>,
    %swap3A_1419 = vector.shape_cast %swap3A_1418 : vector<1x16xf32> to vector<16xf32>
    %swap3A_1420 = vector.shape_cast %add3A_1354 : vector<16xf32> to vector<1x16xf32>
    tpu.vector_store %arg5[%swap3A_1416, %swap3A_1417], %swap3A_1420 {strides = array<i32>} : memref<12x512xf32, #tpu.memory_space<vmem>>, vector<1x16xf32>,
    %swap3A_1421 = arith.constant 11 : i32
    %swap3A_1422 = arith.index_cast %swap3A_1421 : i32 to index
    %swap3A_1423 = arith.constant 144 : index
    %swap3A_1424 = tpu.vector_load %arg5[%swap3A_1422, %swap3A_1423] {strides = array<i32>} : memref<12x512xf32, #tpu.memory_space<vmem>>, vector<1x16xf32>,
    %swap3A_1425 = vector.shape_cast %swap3A_1424 : vector<1x16xf32> to vector<16xf32>
    %swap3A_1426 = vector.shape_cast %add3A_1354 : vector<16xf32> to vector<1x16xf32>
    tpu.vector_store %arg5[%swap3A_1422, %swap3A_1423], %swap3A_1426 {strides = array<i32>} : memref<12x512xf32, #tpu.memory_space<vmem>>, vector<1x16xf32>,
    %get3A_1427 = arith.constant 0 : i32
    %get3A_1428 = arith.index_cast %get3A_1427 : i32 to index
    %get3A_1429 = arith.constant 160 : index
    %get3A_1430 = tpu.vector_load %arg4[%get3A_1428, %get3A_1429] {strides = array<i32>} : memref<8x512xf32, #tpu.memory_space<vmem>>, vector<1x16xf32>,
    %get3A_1431 = vector.shape_cast %get3A_1430 : vector<1x16xf32> to vector<16xf32>
    %get3A_1432 = arith.constant 1 : i32
    %get3A_1433 = arith.index_cast %get3A_1432 : i32 to index
    %get3A_1434 = arith.constant 160 : index
    %get3A_1435 = tpu.vector_load %arg4[%get3A_1433, %get3A_1434] {strides = array<i32>} : memref<8x512xf32, #tpu.memory_space<vmem>>, vector<1x16xf32>,
    %get3A_1436 = vector.shape_cast %get3A_1435 : vector<1x16xf32> to vector<16xf32>
    %add3A_1437 = arith.addf %get3A_1431, %get3A_1436 : vector<16xf32>
    %get3A_1438 = arith.constant 2 : i32
    %get3A_1439 = arith.index_cast %get3A_1438 : i32 to index
    %get3A_1440 = arith.constant 160 : index
    %get3A_1441 = tpu.vector_load %arg4[%get3A_1439, %get3A_1440] {strides = array<i32>} : memref<8x512xf32, #tpu.memory_space<vmem>>, vector<1x16xf32>,
    %get3A_1442 = vector.shape_cast %get3A_1441 : vector<1x16xf32> to vector<16xf32>
    %add3A_1443 = arith.addf %add3A_1437, %get3A_1442 : vector<16xf32>
    %get3A_1444 = arith.constant 3 : i32
    %get3A_1445 = arith.index_cast %get3A_1444 : i32 to index
    %get3A_1446 = arith.constant 160 : index
    %get3A_1447 = tpu.vector_load %arg4[%get3A_1445, %get3A_1446] {strides = array<i32>} : memref<8x512xf32, #tpu.memory_space<vmem>>, vector<1x16xf32>,
    %get3A_1448 = vector.shape_cast %get3A_1447 : vector<1x16xf32> to vector<16xf32>
    %add3A_1449 = arith.addf %add3A_1443, %get3A_1448 : vector<16xf32>
    %get3A_1450 = arith.constant 4 : i32
    %get3A_1451 = arith.index_cast %get3A_1450 : i32 to index
    %get3A_1452 = arith.constant 160 : index
    %get3A_1453 = tpu.vector_load %arg4[%get3A_1451, %get3A_1452] {strides = array<i32>} : memref<8x512xf32, #tpu.memory_space<vmem>>, vector<1x16xf32>,
    %get3A_1454 = vector.shape_cast %get3A_1453 : vector<1x16xf32> to vector<16xf32>
    %add3A_1455 = arith.addf %add3A_1449, %get3A_1454 : vector<16xf32>
    %get3A_1456 = arith.constant 5 : i32
    %get3A_1457 = arith.index_cast %get3A_1456 : i32 to index
    %get3A_1458 = arith.constant 160 : index
    %get3A_1459 = tpu.vector_load %arg4[%get3A_1457, %get3A_1458] {strides = array<i32>} : memref<8x512xf32, #tpu.memory_space<vmem>>, vector<1x16xf32>,
    %get3A_1460 = vector.shape_cast %get3A_1459 : vector<1x16xf32> to vector<16xf32>
    %add3A_1461 = arith.addf %add3A_1455, %get3A_1460 : vector<16xf32>
    %get3A_1462 = arith.constant 6 : i32
    %get3A_1463 = arith.index_cast %get3A_1462 : i32 to index
    %get3A_1464 = arith.constant 160 : index
    %get3A_1465 = tpu.vector_load %arg4[%get3A_1463, %get3A_1464] {strides = array<i32>} : memref<8x512xf32, #tpu.memory_space<vmem>>, vector<1x16xf32>,
    %get3A_1466 = vector.shape_cast %get3A_1465 : vector<1x16xf32> to vector<16xf32>
    %add3A_1467 = arith.addf %add3A_1461, %get3A_1466 : vector<16xf32>
    %get3A_1468 = arith.constant 7 : i32
    %get3A_1469 = arith.index_cast %get3A_1468 : i32 to index
    %get3A_1470 = arith.constant 160 : index
    %get3A_1471 = tpu.vector_load %arg4[%get3A_1469, %get3A_1470] {strides = array<i32>} : memref<8x512xf32, #tpu.memory_space<vmem>>, vector<1x16xf32>,
    %get3A_1472 = vector.shape_cast %get3A_1471 : vector<1x16xf32> to vector<16xf32>
    %add3A_1473 = arith.addf %add3A_1467, %get3A_1472 : vector<16xf32>
    %swap3A_1474 = arith.constant 0 : i32
    %swap3A_1475 = arith.index_cast %swap3A_1474 : i32 to index
    %swap3A_1476 = arith.constant 160 : index
    %swap3A_1477 = tpu.vector_load %arg5[%swap3A_1475, %swap3A_1476] {strides = array<i32>} : memref<12x512xf32, #tpu.memory_space<vmem>>, vector<1x16xf32>,
    %swap3A_1478 = vector.shape_cast %swap3A_1477 : vector<1x16xf32> to vector<16xf32>
    %swap3A_1479 = vector.shape_cast %add3A_1473 : vector<16xf32> to vector<1x16xf32>
    tpu.vector_store %arg5[%swap3A_1475, %swap3A_1476], %swap3A_1479 {strides = array<i32>} : memref<12x512xf32, #tpu.memory_space<vmem>>, vector<1x16xf32>,
    %swap3A_1480 = arith.constant 1 : i32
    %swap3A_1481 = arith.index_cast %swap3A_1480 : i32 to index
    %swap3A_1482 = arith.constant 160 : index
    %swap3A_1483 = tpu.vector_load %arg5[%swap3A_1481, %swap3A_1482] {strides = array<i32>} : memref<12x512xf32, #tpu.memory_space<vmem>>, vector<1x16xf32>,
    %swap3A_1484 = vector.shape_cast %swap3A_1483 : vector<1x16xf32> to vector<16xf32>
    %swap3A_1485 = vector.shape_cast %add3A_1473 : vector<16xf32> to vector<1x16xf32>
    tpu.vector_store %arg5[%swap3A_1481, %swap3A_1482], %swap3A_1485 {strides = array<i32>} : memref<12x512xf32, #tpu.memory_space<vmem>>, vector<1x16xf32>,
    %swap3A_1486 = arith.constant 2 : i32
    %swap3A_1487 = arith.index_cast %swap3A_1486 : i32 to index
    %swap3A_1488 = arith.constant 160 : index
    %swap3A_1489 = tpu.vector_load %arg5[%swap3A_1487, %swap3A_1488] {strides = array<i32>} : memref<12x512xf32, #tpu.memory_space<vmem>>, vector<1x16xf32>,
    %swap3A_1490 = vector.shape_cast %swap3A_1489 : vector<1x16xf32> to vector<16xf32>
    %swap3A_1491 = vector.shape_cast %add3A_1473 : vector<16xf32> to vector<1x16xf32>
    tpu.vector_store %arg5[%swap3A_1487, %swap3A_1488], %swap3A_1491 {strides = array<i32>} : memref<12x512xf32, #tpu.memory_space<vmem>>, vector<1x16xf32>,
    %swap3A_1492 = arith.constant 3 : i32
    %swap3A_1493 = arith.index_cast %swap3A_1492 : i32 to index
    %swap3A_1494 = arith.constant 160 : index
    %swap3A_1495 = tpu.vector_load %arg5[%swap3A_1493, %swap3A_1494] {strides = array<i32>} : memref<12x512xf32, #tpu.memory_space<vmem>>, vector<1x16xf32>,
    %swap3A_1496 = vector.shape_cast %swap3A_1495 : vector<1x16xf32> to vector<16xf32>
    %swap3A_1497 = vector.shape_cast %add3A_1473 : vector<16xf32> to vector<1x16xf32>
    tpu.vector_store %arg5[%swap3A_1493, %swap3A_1494], %swap3A_1497 {strides = array<i32>} : memref<12x512xf32, #tpu.memory_space<vmem>>, vector<1x16xf32>,
    %swap3A_1498 = arith.constant 4 : i32
    %swap3A_1499 = arith.index_cast %swap3A_1498 : i32 to index
    %swap3A_1500 = arith.constant 160 : index
    %swap3A_1501 = tpu.vector_load %arg5[%swap3A_1499, %swap3A_1500] {strides = array<i32>} : memref<12x512xf32, #tpu.memory_space<vmem>>, vector<1x16xf32>,
    %swap3A_1502 = vector.shape_cast %swap3A_1501 : vector<1x16xf32> to vector<16xf32>
    %swap3A_1503 = vector.shape_cast %add3A_1473 : vector<16xf32> to vector<1x16xf32>
    tpu.vector_store %arg5[%swap3A_1499, %swap3A_1500], %swap3A_1503 {strides = array<i32>} : memref<12x512xf32, #tpu.memory_space<vmem>>, vector<1x16xf32>,
    %swap3A_1504 = arith.constant 5 : i32
    %swap3A_1505 = arith.index_cast %swap3A_1504 : i32 to index
    %swap3A_1506 = arith.constant 160 : index
    %swap3A_1507 = tpu.vector_load %arg5[%swap3A_1505, %swap3A_1506] {strides = array<i32>} : memref<12x512xf32, #tpu.memory_space<vmem>>, vector<1x16xf32>,
    %swap3A_1508 = vector.shape_cast %swap3A_1507 : vector<1x16xf32> to vector<16xf32>
    %swap3A_1509 = vector.shape_cast %add3A_1473 : vector<16xf32> to vector<1x16xf32>
    tpu.vector_store %arg5[%swap3A_1505, %swap3A_1506], %swap3A_1509 {strides = array<i32>} : memref<12x512xf32, #tpu.memory_space<vmem>>, vector<1x16xf32>,
    %swap3A_1510 = arith.constant 6 : i32
    %swap3A_1511 = arith.index_cast %swap3A_1510 : i32 to index
    %swap3A_1512 = arith.constant 160 : index
    %swap3A_1513 = tpu.vector_load %arg5[%swap3A_1511, %swap3A_1512] {strides = array<i32>} : memref<12x512xf32, #tpu.memory_space<vmem>>, vector<1x16xf32>,
    %swap3A_1514 = vector.shape_cast %swap3A_1513 : vector<1x16xf32> to vector<16xf32>
    %swap3A_1515 = vector.shape_cast %add3A_1473 : vector<16xf32> to vector<1x16xf32>
    tpu.vector_store %arg5[%swap3A_1511, %swap3A_1512], %swap3A_1515 {strides = array<i32>} : memref<12x512xf32, #tpu.memory_space<vmem>>, vector<1x16xf32>,
    %swap3A_1516 = arith.constant 7 : i32
    %swap3A_1517 = arith.index_cast %swap3A_1516 : i32 to index
    %swap3A_1518 = arith.constant 160 : index
    %swap3A_1519 = tpu.vector_load %arg5[%swap3A_1517, %swap3A_1518] {strides = array<i32>} : memref<12x512xf32, #tpu.memory_space<vmem>>, vector<1x16xf32>,
    %swap3A_1520 = vector.shape_cast %swap3A_1519 : vector<1x16xf32> to vector<16xf32>
    %swap3A_1521 = vector.shape_cast %add3A_1473 : vector<16xf32> to vector<1x16xf32>
    tpu.vector_store %arg5[%swap3A_1517, %swap3A_1518], %swap3A_1521 {strides = array<i32>} : memref<12x512xf32, #tpu.memory_space<vmem>>, vector<1x16xf32>,
    %swap3A_1522 = arith.constant 8 : i32
    %swap3A_1523 = arith.index_cast %swap3A_1522 : i32 to index
    %swap3A_1524 = arith.constant 160 : index
    %swap3A_1525 = tpu.vector_load %arg5[%swap3A_1523, %swap3A_1524] {strides = array<i32>} : memref<12x512xf32, #tpu.memory_space<vmem>>, vector<1x16xf32>,
    %swap3A_1526 = vector.shape_cast %swap3A_1525 : vector<1x16xf32> to vector<16xf32>
    %swap3A_1527 = vector.shape_cast %add3A_1473 : vector<16xf32> to vector<1x16xf32>
    tpu.vector_store %arg5[%swap3A_1523, %swap3A_1524], %swap3A_1527 {strides = array<i32>} : memref<12x512xf32, #tpu.memory_space<vmem>>, vector<1x16xf32>,
    %swap3A_1528 = arith.constant 9 : i32
    %swap3A_1529 = arith.index_cast %swap3A_1528 : i32 to index
    %swap3A_1530 = arith.constant 160 : index
    %swap3A_1531 = tpu.vector_load %arg5[%swap3A_1529, %swap3A_1530] {strides = array<i32>} : memref<12x512xf32, #tpu.memory_space<vmem>>, vector<1x16xf32>,
    %swap3A_1532 = vector.shape_cast %swap3A_1531 : vector<1x16xf32> to vector<16xf32>
    %swap3A_1533 = vector.shape_cast %add3A_1473 : vector<16xf32> to vector<1x16xf32>
    tpu.vector_store %arg5[%swap3A_1529, %swap3A_1530], %swap3A_1533 {strides = array<i32>} : memref<12x512xf32, #tpu.memory_space<vmem>>, vector<1x16xf32>,
    %swap3A_1534 = arith.constant 10 : i32
    %swap3A_1535 = arith.index_cast %swap3A_1534 : i32 to index
    %swap3A_1536 = arith.constant 160 : index
    %swap3A_1537 = tpu.vector_load %arg5[%swap3A_1535, %swap3A_1536] {strides = array<i32>} : memref<12x512xf32, #tpu.memory_space<vmem>>, vector<1x16xf32>,
    %swap3A_1538 = vector.shape_cast %swap3A_1537 : vector<1x16xf32> to vector<16xf32>
    %swap3A_1539 = vector.shape_cast %add3A_1473 : vector<16xf32> to vector<1x16xf32>
    tpu.vector_store %arg5[%swap3A_1535, %swap3A_1536], %swap3A_1539 {strides = array<i32>} : memref<12x512xf32, #tpu.memory_space<vmem>>, vector<1x16xf32>,
    %swap3A_1540 = arith.constant 11 : i32
    %swap3A_1541 = arith.index_cast %swap3A_1540 : i32 to index
    %swap3A_1542 = arith.constant 160 : index
    %swap3A_1543 = tpu.vector_load %arg5[%swap3A_1541, %swap3A_1542] {strides = array<i32>} : memref<12x512xf32, #tpu.memory_space<vmem>>, vector<1x16xf32>,
    %swap3A_1544 = vector.shape_cast %swap3A_1543 : vector<1x16xf32> to vector<16xf32>
    %swap3A_1545 = vector.shape_cast %add3A_1473 : vector<16xf32> to vector<1x16xf32>
    tpu.vector_store %arg5[%swap3A_1541, %swap3A_1542], %swap3A_1545 {strides = array<i32>} : memref<12x512xf32, #tpu.memory_space<vmem>>, vector<1x16xf32>,
    %get3A_1546 = arith.constant 0 : i32
    %get3A_1547 = arith.index_cast %get3A_1546 : i32 to index
    %get3A_1548 = arith.constant 176 : index
    %get3A_1549 = tpu.vector_load %arg4[%get3A_1547, %get3A_1548] {strides = array<i32>} : memref<8x512xf32, #tpu.memory_space<vmem>>, vector<1x16xf32>,
    %get3A_1550 = vector.shape_cast %get3A_1549 : vector<1x16xf32> to vector<16xf32>
    %get3A_1551 = arith.constant 1 : i32
    %get3A_1552 = arith.index_cast %get3A_1551 : i32 to index
    %get3A_1553 = arith.constant 176 : index
    %get3A_1554 = tpu.vector_load %arg4[%get3A_1552, %get3A_1553] {strides = array<i32>} : memref<8x512xf32, #tpu.memory_space<vmem>>, vector<1x16xf32>,
    %get3A_1555 = vector.shape_cast %get3A_1554 : vector<1x16xf32> to vector<16xf32>
    %add3A_1556 = arith.addf %get3A_1550, %get3A_1555 : vector<16xf32>
    %get3A_1557 = arith.constant 2 : i32
    %get3A_1558 = arith.index_cast %get3A_1557 : i32 to index
    %get3A_1559 = arith.constant 176 : index
    %get3A_1560 = tpu.vector_load %arg4[%get3A_1558, %get3A_1559] {strides = array<i32>} : memref<8x512xf32, #tpu.memory_space<vmem>>, vector<1x16xf32>,
    %get3A_1561 = vector.shape_cast %get3A_1560 : vector<1x16xf32> to vector<16xf32>
    %add3A_1562 = arith.addf %add3A_1556, %get3A_1561 : vector<16xf32>
    %get3A_1563 = arith.constant 3 : i32
    %get3A_1564 = arith.index_cast %get3A_1563 : i32 to index
    %get3A_1565 = arith.constant 176 : index
    %get3A_1566 = tpu.vector_load %arg4[%get3A_1564, %get3A_1565] {strides = array<i32>} : memref<8x512xf32, #tpu.memory_space<vmem>>, vector<1x16xf32>,
    %get3A_1567 = vector.shape_cast %get3A_1566 : vector<1x16xf32> to vector<16xf32>
    %add3A_1568 = arith.addf %add3A_1562, %get3A_1567 : vector<16xf32>
    %get3A_1569 = arith.constant 4 : i32
    %get3A_1570 = arith.index_cast %get3A_1569 : i32 to index
    %get3A_1571 = arith.constant 176 : index
    %get3A_1572 = tpu.vector_load %arg4[%get3A_1570, %get3A_1571] {strides = array<i32>} : memref<8x512xf32, #tpu.memory_space<vmem>>, vector<1x16xf32>,
    %get3A_1573 = vector.shape_cast %get3A_1572 : vector<1x16xf32> to vector<16xf32>
    %add3A_1574 = arith.addf %add3A_1568, %get3A_1573 : vector<16xf32>
    %get3A_1575 = arith.constant 5 : i32
    %get3A_1576 = arith.index_cast %get3A_1575 : i32 to index
    %get3A_1577 = arith.constant 176 : index
    %get3A_1578 = tpu.vector_load %arg4[%get3A_1576, %get3A_1577] {strides = array<i32>} : memref<8x512xf32, #tpu.memory_space<vmem>>, vector<1x16xf32>,
    %get3A_1579 = vector.shape_cast %get3A_1578 : vector<1x16xf32> to vector<16xf32>
    %add3A_1580 = arith.addf %add3A_1574, %get3A_1579 : vector<16xf32>
    %get3A_1581 = arith.constant 6 : i32
    %get3A_1582 = arith.index_cast %get3A_1581 : i32 to index
    %get3A_1583 = arith.constant 176 : index
    %get3A_1584 = tpu.vector_load %arg4[%get3A_1582, %get3A_1583] {strides = array<i32>} : memref<8x512xf32, #tpu.memory_space<vmem>>, vector<1x16xf32>,
    %get3A_1585 = vector.shape_cast %get3A_1584 : vector<1x16xf32> to vector<16xf32>
    %add3A_1586 = arith.addf %add3A_1580, %get3A_1585 : vector<16xf32>
    %get3A_1587 = arith.constant 7 : i32
    %get3A_1588 = arith.index_cast %get3A_1587 : i32 to index
    %get3A_1589 = arith.constant 176 : index
    %get3A_1590 = tpu.vector_load %arg4[%get3A_1588, %get3A_1589] {strides = array<i32>} : memref<8x512xf32, #tpu.memory_space<vmem>>, vector<1x16xf32>,
    %get3A_1591 = vector.shape_cast %get3A_1590 : vector<1x16xf32> to vector<16xf32>
    %add3A_1592 = arith.addf %add3A_1586, %get3A_1591 : vector<16xf32>
    %swap3A_1593 = arith.constant 0 : i32
    %swap3A_1594 = arith.index_cast %swap3A_1593 : i32 to index
    %swap3A_1595 = arith.constant 176 : index
    %swap3A_1596 = tpu.vector_load %arg5[%swap3A_1594, %swap3A_1595] {strides = array<i32>} : memref<12x512xf32, #tpu.memory_space<vmem>>, vector<1x16xf32>,
    %swap3A_1597 = vector.shape_cast %swap3A_1596 : vector<1x16xf32> to vector<16xf32>
    %swap3A_1598 = vector.shape_cast %add3A_1592 : vector<16xf32> to vector<1x16xf32>
    tpu.vector_store %arg5[%swap3A_1594, %swap3A_1595], %swap3A_1598 {strides = array<i32>} : memref<12x512xf32, #tpu.memory_space<vmem>>, vector<1x16xf32>,
    %swap3A_1599 = arith.constant 1 : i32
    %swap3A_1600 = arith.index_cast %swap3A_1599 : i32 to index
    %swap3A_1601 = arith.constant 176 : index
    %swap3A_1602 = tpu.vector_load %arg5[%swap3A_1600, %swap3A_1601] {strides = array<i32>} : memref<12x512xf32, #tpu.memory_space<vmem>>, vector<1x16xf32>,
    %swap3A_1603 = vector.shape_cast %swap3A_1602 : vector<1x16xf32> to vector<16xf32>
    %swap3A_1604 = vector.shape_cast %add3A_1592 : vector<16xf32> to vector<1x16xf32>
    tpu.vector_store %arg5[%swap3A_1600, %swap3A_1601], %swap3A_1604 {strides = array<i32>} : memref<12x512xf32, #tpu.memory_space<vmem>>, vector<1x16xf32>,
    %swap3A_1605 = arith.constant 2 : i32
    %swap3A_1606 = arith.index_cast %swap3A_1605 : i32 to index
    %swap3A_1607 = arith.constant 176 : index
    %swap3A_1608 = tpu.vector_load %arg5[%swap3A_1606, %swap3A_1607] {strides = array<i32>} : memref<12x512xf32, #tpu.memory_space<vmem>>, vector<1x16xf32>,
    %swap3A_1609 = vector.shape_cast %swap3A_1608 : vector<1x16xf32> to vector<16xf32>
    %swap3A_1610 = vector.shape_cast %add3A_1592 : vector<16xf32> to vector<1x16xf32>
    tpu.vector_store %arg5[%swap3A_1606, %swap3A_1607], %swap3A_1610 {strides = array<i32>} : memref<12x512xf32, #tpu.memory_space<vmem>>, vector<1x16xf32>,
    %swap3A_1611 = arith.constant 3 : i32
    %swap3A_1612 = arith.index_cast %swap3A_1611 : i32 to index
    %swap3A_1613 = arith.constant 176 : index
    %swap3A_1614 = tpu.vector_load %arg5[%swap3A_1612, %swap3A_1613] {strides = array<i32>} : memref<12x512xf32, #tpu.memory_space<vmem>>, vector<1x16xf32>,
    %swap3A_1615 = vector.shape_cast %swap3A_1614 : vector<1x16xf32> to vector<16xf32>
    %swap3A_1616 = vector.shape_cast %add3A_1592 : vector<16xf32> to vector<1x16xf32>
    tpu.vector_store %arg5[%swap3A_1612, %swap3A_1613], %swap3A_1616 {strides = array<i32>} : memref<12x512xf32, #tpu.memory_space<vmem>>, vector<1x16xf32>,
    %swap3A_1617 = arith.constant 4 : i32
    %swap3A_1618 = arith.index_cast %swap3A_1617 : i32 to index
    %swap3A_1619 = arith.constant 176 : index
    %swap3A_1620 = tpu.vector_load %arg5[%swap3A_1618, %swap3A_1619] {strides = array<i32>} : memref<12x512xf32, #tpu.memory_space<vmem>>, vector<1x16xf32>,
    %swap3A_1621 = vector.shape_cast %swap3A_1620 : vector<1x16xf32> to vector<16xf32>
    %swap3A_1622 = vector.shape_cast %add3A_1592 : vector<16xf32> to vector<1x16xf32>
    tpu.vector_store %arg5[%swap3A_1618, %swap3A_1619], %swap3A_1622 {strides = array<i32>} : memref<12x512xf32, #tpu.memory_space<vmem>>, vector<1x16xf32>,
    %swap3A_1623 = arith.constant 5 : i32
    %swap3A_1624 = arith.index_cast %swap3A_1623 : i32 to index
    %swap3A_1625 = arith.constant 176 : index
    %swap3A_1626 = tpu.vector_load %arg5[%swap3A_1624, %swap3A_1625] {strides = array<i32>} : memref<12x512xf32, #tpu.memory_space<vmem>>, vector<1x16xf32>,
    %swap3A_1627 = vector.shape_cast %swap3A_1626 : vector<1x16xf32> to vector<16xf32>
    %swap3A_1628 = vector.shape_cast %add3A_1592 : vector<16xf32> to vector<1x16xf32>
    tpu.vector_store %arg5[%swap3A_1624, %swap3A_1625], %swap3A_1628 {strides = array<i32>} : memref<12x512xf32, #tpu.memory_space<vmem>>, vector<1x16xf32>,
    %swap3A_1629 = arith.constant 6 : i32
    %swap3A_1630 = arith.index_cast %swap3A_1629 : i32 to index
    %swap3A_1631 = arith.constant 176 : index
    %swap3A_1632 = tpu.vector_load %arg5[%swap3A_1630, %swap3A_1631] {strides = array<i32>} : memref<12x512xf32, #tpu.memory_space<vmem>>, vector<1x16xf32>,
    %swap3A_1633 = vector.shape_cast %swap3A_1632 : vector<1x16xf32> to vector<16xf32>
    %swap3A_1634 = vector.shape_cast %add3A_1592 : vector<16xf32> to vector<1x16xf32>
    tpu.vector_store %arg5[%swap3A_1630, %swap3A_1631], %swap3A_1634 {strides = array<i32>} : memref<12x512xf32, #tpu.memory_space<vmem>>, vector<1x16xf32>,
    %swap3A_1635 = arith.constant 7 : i32
    %swap3A_1636 = arith.index_cast %swap3A_1635 : i32 to index
    %swap3A_1637 = arith.constant 176 : index
    %swap3A_1638 = tpu.vector_load %arg5[%swap3A_1636, %swap3A_1637] {strides = array<i32>} : memref<12x512xf32, #tpu.memory_space<vmem>>, vector<1x16xf32>,
    %swap3A_1639 = vector.shape_cast %swap3A_1638 : vector<1x16xf32> to vector<16xf32>
    %swap3A_1640 = vector.shape_cast %add3A_1592 : vector<16xf32> to vector<1x16xf32>
    tpu.vector_store %arg5[%swap3A_1636, %swap3A_1637], %swap3A_1640 {strides = array<i32>} : memref<12x512xf32, #tpu.memory_space<vmem>>, vector<1x16xf32>,
    %swap3A_1641 = arith.constant 8 : i32
    %swap3A_1642 = arith.index_cast %swap3A_1641 : i32 to index
    %swap3A_1643 = arith.constant 176 : index
    %swap3A_1644 = tpu.vector_load %arg5[%swap3A_1642, %swap3A_1643] {strides = array<i32>} : memref<12x512xf32, #tpu.memory_space<vmem>>, vector<1x16xf32>,
    %swap3A_1645 = vector.shape_cast %swap3A_1644 : vector<1x16xf32> to vector<16xf32>
    %swap3A_1646 = vector.shape_cast %add3A_1592 : vector<16xf32> to vector<1x16xf32>
    tpu.vector_store %arg5[%swap3A_1642, %swap3A_1643], %swap3A_1646 {strides = array<i32>} : memref<12x512xf32, #tpu.memory_space<vmem>>, vector<1x16xf32>,
    %swap3A_1647 = arith.constant 9 : i32
    %swap3A_1648 = arith.index_cast %swap3A_1647 : i32 to index
    %swap3A_1649 = arith.constant 176 : index
    %swap3A_1650 = tpu.vector_load %arg5[%swap3A_1648, %swap3A_1649] {strides = array<i32>} : memref<12x512xf32, #tpu.memory_space<vmem>>, vector<1x16xf32>,
    %swap3A_1651 = vector.shape_cast %swap3A_1650 : vector<1x16xf32> to vector<16xf32>
    %swap3A_1652 = vector.shape_cast %add3A_1592 : vector<16xf32> to vector<1x16xf32>
    tpu.vector_store %arg5[%swap3A_1648, %swap3A_1649], %swap3A_1652 {strides = array<i32>} : memref<12x512xf32, #tpu.memory_space<vmem>>, vector<1x16xf32>,
    %swap3A_1653 = arith.constant 10 : i32
    %swap3A_1654 = arith.index_cast %swap3A_1653 : i32 to index
    %swap3A_1655 = arith.constant 176 : index
    %swap3A_1656 = tpu.vector_load %arg5[%swap3A_1654, %swap3A_1655] {strides = array<i32>} : memref<12x512xf32, #tpu.memory_space<vmem>>, vector<1x16xf32>,
    %swap3A_1657 = vector.shape_cast %swap3A_1656 : vector<1x16xf32> to vector<16xf32>
    %swap3A_1658 = vector.shape_cast %add3A_1592 : vector<16xf32> to vector<1x16xf32>
    tpu.vector_store %arg5[%swap3A_1654, %swap3A_1655], %swap3A_1658 {strides = array<i32>} : memref<12x512xf32, #tpu.memory_space<vmem>>, vector<1x16xf32>,
    %swap3A_1659 = arith.constant 11 : i32
    %swap3A_1660 = arith.index_cast %swap3A_1659 : i32 to index
    %swap3A_1661 = arith.constant 176 : index
    %swap3A_1662 = tpu.vector_load %arg5[%swap3A_1660, %swap3A_1661] {strides = array<i32>} : memref<12x512xf32, #tpu.memory_space<vmem>>, vector<1x16xf32>,
    %swap3A_1663 = vector.shape_cast %swap3A_1662 : vector<1x16xf32> to vector<16xf32>
    %swap3A_1664 = vector.shape_cast %add3A_1592 : vector<16xf32> to vector<1x16xf32>
    tpu.vector_store %arg5[%swap3A_1660, %swap3A_1661], %swap3A_1664 {strides = array<i32>} : memref<12x512xf32, #tpu.memory_space<vmem>>, vector<1x16xf32>,
    %get3A_1665 = arith.constant 0 : i32
    %get3A_1666 = arith.index_cast %get3A_1665 : i32 to index
    %get3A_1667 = arith.constant 192 : index
    %get3A_1668 = tpu.vector_load %arg4[%get3A_1666, %get3A_1667] {strides = array<i32>} : memref<8x512xf32, #tpu.memory_space<vmem>>, vector<1x16xf32>,
    %get3A_1669 = vector.shape_cast %get3A_1668 : vector<1x16xf32> to vector<16xf32>
    %get3A_1670 = arith.constant 1 : i32
    %get3A_1671 = arith.index_cast %get3A_1670 : i32 to index
    %get3A_1672 = arith.constant 192 : index
    %get3A_1673 = tpu.vector_load %arg4[%get3A_1671, %get3A_1672] {strides = array<i32>} : memref<8x512xf32, #tpu.memory_space<vmem>>, vector<1x16xf32>,
    %get3A_1674 = vector.shape_cast %get3A_1673 : vector<1x16xf32> to vector<16xf32>
    %add3A_1675 = arith.addf %get3A_1669, %get3A_1674 : vector<16xf32>
    %get3A_1676 = arith.constant 2 : i32
    %get3A_1677 = arith.index_cast %get3A_1676 : i32 to index
    %get3A_1678 = arith.constant 192 : index
    %get3A_1679 = tpu.vector_load %arg4[%get3A_1677, %get3A_1678] {strides = array<i32>} : memref<8x512xf32, #tpu.memory_space<vmem>>, vector<1x16xf32>,
    %get3A_1680 = vector.shape_cast %get3A_1679 : vector<1x16xf32> to vector<16xf32>
    %add3A_1681 = arith.addf %add3A_1675, %get3A_1680 : vector<16xf32>
    %get3A_1682 = arith.constant 3 : i32
    %get3A_1683 = arith.index_cast %get3A_1682 : i32 to index
    %get3A_1684 = arith.constant 192 : index
    %get3A_1685 = tpu.vector_load %arg4[%get3A_1683, %get3A_1684] {strides = array<i32>} : memref<8x512xf32, #tpu.memory_space<vmem>>, vector<1x16xf32>,
    %get3A_1686 = vector.shape_cast %get3A_1685 : vector<1x16xf32> to vector<16xf32>
    %add3A_1687 = arith.addf %add3A_1681, %get3A_1686 : vector<16xf32>
    %get3A_1688 = arith.constant 4 : i32
    %get3A_1689 = arith.index_cast %get3A_1688 : i32 to index
    %get3A_1690 = arith.constant 192 : index
    %get3A_1691 = tpu.vector_load %arg4[%get3A_1689, %get3A_1690] {strides = array<i32>} : memref<8x512xf32, #tpu.memory_space<vmem>>, vector<1x16xf32>,
    %get3A_1692 = vector.shape_cast %get3A_1691 : vector<1x16xf32> to vector<16xf32>
    %add3A_1693 = arith.addf %add3A_1687, %get3A_1692 : vector<16xf32>
    %get3A_1694 = arith.constant 5 : i32
    %get3A_1695 = arith.index_cast %get3A_1694 : i32 to index
    %get3A_1696 = arith.constant 192 : index
    %get3A_1697 = tpu.vector_load %arg4[%get3A_1695, %get3A_1696] {strides = array<i32>} : memref<8x512xf32, #tpu.memory_space<vmem>>, vector<1x16xf32>,
    %get3A_1698 = vector.shape_cast %get3A_1697 : vector<1x16xf32> to vector<16xf32>
    %add3A_1699 = arith.addf %add3A_1693, %get3A_1698 : vector<16xf32>
    %get3A_1700 = arith.constant 6 : i32
    %get3A_1701 = arith.index_cast %get3A_1700 : i32 to index
    %get3A_1702 = arith.constant 192 : index
    %get3A_1703 = tpu.vector_load %arg4[%get3A_1701, %get3A_1702] {strides = array<i32>} : memref<8x512xf32, #tpu.memory_space<vmem>>, vector<1x16xf32>,
    %get3A_1704 = vector.shape_cast %get3A_1703 : vector<1x16xf32> to vector<16xf32>
    %add3A_1705 = arith.addf %add3A_1699, %get3A_1704 : vector<16xf32>
    %get3A_1706 = arith.constant 7 : i32
    %get3A_1707 = arith.index_cast %get3A_1706 : i32 to index
    %get3A_1708 = arith.constant 192 : index
    %get3A_1709 = tpu.vector_load %arg4[%get3A_1707, %get3A_1708] {strides = array<i32>} : memref<8x512xf32, #tpu.memory_space<vmem>>, vector<1x16xf32>,
    %get3A_1710 = vector.shape_cast %get3A_1709 : vector<1x16xf32> to vector<16xf32>
    %add3A_1711 = arith.addf %add3A_1705, %get3A_1710 : vector<16xf32>
    %swap3A_1712 = arith.constant 0 : i32
    %swap3A_1713 = arith.index_cast %swap3A_1712 : i32 to index
    %swap3A_1714 = arith.constant 192 : index
    %swap3A_1715 = tpu.vector_load %arg5[%swap3A_1713, %swap3A_1714] {strides = array<i32>} : memref<12x512xf32, #tpu.memory_space<vmem>>, vector<1x16xf32>,
    %swap3A_1716 = vector.shape_cast %swap3A_1715 : vector<1x16xf32> to vector<16xf32>
    %swap3A_1717 = vector.shape_cast %add3A_1711 : vector<16xf32> to vector<1x16xf32>
    tpu.vector_store %arg5[%swap3A_1713, %swap3A_1714], %swap3A_1717 {strides = array<i32>} : memref<12x512xf32, #tpu.memory_space<vmem>>, vector<1x16xf32>,
    %swap3A_1718 = arith.constant 1 : i32
    %swap3A_1719 = arith.index_cast %swap3A_1718 : i32 to index
    %swap3A_1720 = arith.constant 192 : index
    %swap3A_1721 = tpu.vector_load %arg5[%swap3A_1719, %swap3A_1720] {strides = array<i32>} : memref<12x512xf32, #tpu.memory_space<vmem>>, vector<1x16xf32>,
    %swap3A_1722 = vector.shape_cast %swap3A_1721 : vector<1x16xf32> to vector<16xf32>
    %swap3A_1723 = vector.shape_cast %add3A_1711 : vector<16xf32> to vector<1x16xf32>
    tpu.vector_store %arg5[%swap3A_1719, %swap3A_1720], %swap3A_1723 {strides = array<i32>} : memref<12x512xf32, #tpu.memory_space<vmem>>, vector<1x16xf32>,
    %swap3A_1724 = arith.constant 2 : i32
    %swap3A_1725 = arith.index_cast %swap3A_1724 : i32 to index
    %swap3A_1726 = arith.constant 192 : index
    %swap3A_1727 = tpu.vector_load %arg5[%swap3A_1725, %swap3A_1726] {strides = array<i32>} : memref<12x512xf32, #tpu.memory_space<vmem>>, vector<1x16xf32>,
    %swap3A_1728 = vector.shape_cast %swap3A_1727 : vector<1x16xf32> to vector<16xf32>
    %swap3A_1729 = vector.shape_cast %add3A_1711 : vector<16xf32> to vector<1x16xf32>
    tpu.vector_store %arg5[%swap3A_1725, %swap3A_1726], %swap3A_1729 {strides = array<i32>} : memref<12x512xf32, #tpu.memory_space<vmem>>, vector<1x16xf32>,
    %swap3A_1730 = arith.constant 3 : i32
    %swap3A_1731 = arith.index_cast %swap3A_1730 : i32 to index
    %swap3A_1732 = arith.constant 192 : index
    %swap3A_1733 = tpu.vector_load %arg5[%swap3A_1731, %swap3A_1732] {strides = array<i32>} : memref<12x512xf32, #tpu.memory_space<vmem>>, vector<1x16xf32>,
    %swap3A_1734 = vector.shape_cast %swap3A_1733 : vector<1x16xf32> to vector<16xf32>
    %swap3A_1735 = vector.shape_cast %add3A_1711 : vector<16xf32> to vector<1x16xf32>
    tpu.vector_store %arg5[%swap3A_1731, %swap3A_1732], %swap3A_1735 {strides = array<i32>} : memref<12x512xf32, #tpu.memory_space<vmem>>, vector<1x16xf32>,
    %swap3A_1736 = arith.constant 4 : i32
    %swap3A_1737 = arith.index_cast %swap3A_1736 : i32 to index
    %swap3A_1738 = arith.constant 192 : index
    %swap3A_1739 = tpu.vector_load %arg5[%swap3A_1737, %swap3A_1738] {strides = array<i32>} : memref<12x512xf32, #tpu.memory_space<vmem>>, vector<1x16xf32>,
    %swap3A_1740 = vector.shape_cast %swap3A_1739 : vector<1x16xf32> to vector<16xf32>
    %swap3A_1741 = vector.shape_cast %add3A_1711 : vector<16xf32> to vector<1x16xf32>
    tpu.vector_store %arg5[%swap3A_1737, %swap3A_1738], %swap3A_1741 {strides = array<i32>} : memref<12x512xf32, #tpu.memory_space<vmem>>, vector<1x16xf32>,
    %swap3A_1742 = arith.constant 5 : i32
    %swap3A_1743 = arith.index_cast %swap3A_1742 : i32 to index
    %swap3A_1744 = arith.constant 192 : index
    %swap3A_1745 = tpu.vector_load %arg5[%swap3A_1743, %swap3A_1744] {strides = array<i32>} : memref<12x512xf32, #tpu.memory_space<vmem>>, vector<1x16xf32>,
    %swap3A_1746 = vector.shape_cast %swap3A_1745 : vector<1x16xf32> to vector<16xf32>
    %swap3A_1747 = vector.shape_cast %add3A_1711 : vector<16xf32> to vector<1x16xf32>
    tpu.vector_store %arg5[%swap3A_1743, %swap3A_1744], %swap3A_1747 {strides = array<i32>} : memref<12x512xf32, #tpu.memory_space<vmem>>, vector<1x16xf32>,
    %swap3A_1748 = arith.constant 6 : i32
    %swap3A_1749 = arith.index_cast %swap3A_1748 : i32 to index
    %swap3A_1750 = arith.constant 192 : index
    %swap3A_1751 = tpu.vector_load %arg5[%swap3A_1749, %swap3A_1750] {strides = array<i32>} : memref<12x512xf32, #tpu.memory_space<vmem>>, vector<1x16xf32>,
    %swap3A_1752 = vector.shape_cast %swap3A_1751 : vector<1x16xf32> to vector<16xf32>
    %swap3A_1753 = vector.shape_cast %add3A_1711 : vector<16xf32> to vector<1x16xf32>
    tpu.vector_store %arg5[%swap3A_1749, %swap3A_1750], %swap3A_1753 {strides = array<i32>} : memref<12x512xf32, #tpu.memory_space<vmem>>, vector<1x16xf32>,
    %swap3A_1754 = arith.constant 7 : i32
    %swap3A_1755 = arith.index_cast %swap3A_1754 : i32 to index
    %swap3A_1756 = arith.constant 192 : index
    %swap3A_1757 = tpu.vector_load %arg5[%swap3A_1755, %swap3A_1756] {strides = array<i32>} : memref<12x512xf32, #tpu.memory_space<vmem>>, vector<1x16xf32>,
    %swap3A_1758 = vector.shape_cast %swap3A_1757 : vector<1x16xf32> to vector<16xf32>
    %swap3A_1759 = vector.shape_cast %add3A_1711 : vector<16xf32> to vector<1x16xf32>
    tpu.vector_store %arg5[%swap3A_1755, %swap3A_1756], %swap3A_1759 {strides = array<i32>} : memref<12x512xf32, #tpu.memory_space<vmem>>, vector<1x16xf32>,
    %swap3A_1760 = arith.constant 8 : i32
    %swap3A_1761 = arith.index_cast %swap3A_1760 : i32 to index
    %swap3A_1762 = arith.constant 192 : index
    %swap3A_1763 = tpu.vector_load %arg5[%swap3A_1761, %swap3A_1762] {strides = array<i32>} : memref<12x512xf32, #tpu.memory_space<vmem>>, vector<1x16xf32>,
    %swap3A_1764 = vector.shape_cast %swap3A_1763 : vector<1x16xf32> to vector<16xf32>
    %swap3A_1765 = vector.shape_cast %add3A_1711 : vector<16xf32> to vector<1x16xf32>
    tpu.vector_store %arg5[%swap3A_1761, %swap3A_1762], %swap3A_1765 {strides = array<i32>} : memref<12x512xf32, #tpu.memory_space<vmem>>, vector<1x16xf32>,
    %swap3A_1766 = arith.constant 9 : i32
    %swap3A_1767 = arith.index_cast %swap3A_1766 : i32 to index
    %swap3A_1768 = arith.constant 192 : index
    %swap3A_1769 = tpu.vector_load %arg5[%swap3A_1767, %swap3A_1768] {strides = array<i32>} : memref<12x512xf32, #tpu.memory_space<vmem>>, vector<1x16xf32>,
    %swap3A_1770 = vector.shape_cast %swap3A_1769 : vector<1x16xf32> to vector<16xf32>
    %swap3A_1771 = vector.shape_cast %add3A_1711 : vector<16xf32> to vector<1x16xf32>
    tpu.vector_store %arg5[%swap3A_1767, %swap3A_1768], %swap3A_1771 {strides = array<i32>} : memref<12x512xf32, #tpu.memory_space<vmem>>, vector<1x16xf32>,
    %swap3A_1772 = arith.constant 10 : i32
    %swap3A_1773 = arith.index_cast %swap3A_1772 : i32 to index
    %swap3A_1774 = arith.constant 192 : index
    %swap3A_1775 = tpu.vector_load %arg5[%swap3A_1773, %swap3A_1774] {strides = array<i32>} : memref<12x512xf32, #tpu.memory_space<vmem>>, vector<1x16xf32>,
    %swap3A_1776 = vector.shape_cast %swap3A_1775 : vector<1x16xf32> to vector<16xf32>
    %swap3A_1777 = vector.shape_cast %add3A_1711 : vector<16xf32> to vector<1x16xf32>
    tpu.vector_store %arg5[%swap3A_1773, %swap3A_1774], %swap3A_1777 {strides = array<i32>} : memref<12x512xf32, #tpu.memory_space<vmem>>, vector<1x16xf32>,
    %swap3A_1778 = arith.constant 11 : i32
    %swap3A_1779 = arith.index_cast %swap3A_1778 : i32 to index
    %swap3A_1780 = arith.constant 192 : index
    %swap3A_1781 = tpu.vector_load %arg5[%swap3A_1779, %swap3A_1780] {strides = array<i32>} : memref<12x512xf32, #tpu.memory_space<vmem>>, vector<1x16xf32>,
    %swap3A_1782 = vector.shape_cast %swap3A_1781 : vector<1x16xf32> to vector<16xf32>
    %swap3A_1783 = vector.shape_cast %add3A_1711 : vector<16xf32> to vector<1x16xf32>
    tpu.vector_store %arg5[%swap3A_1779, %swap3A_1780], %swap3A_1783 {strides = array<i32>} : memref<12x512xf32, #tpu.memory_space<vmem>>, vector<1x16xf32>,
    %get3A_1784 = arith.constant 0 : i32
    %get3A_1785 = arith.index_cast %get3A_1784 : i32 to index
    %get3A_1786 = arith.constant 208 : index
    %get3A_1787 = tpu.vector_load %arg4[%get3A_1785, %get3A_1786] {strides = array<i32>} : memref<8x512xf32, #tpu.memory_space<vmem>>, vector<1x16xf32>,
    %get3A_1788 = vector.shape_cast %get3A_1787 : vector<1x16xf32> to vector<16xf32>
    %get3A_1789 = arith.constant 1 : i32
    %get3A_1790 = arith.index_cast %get3A_1789 : i32 to index
    %get3A_1791 = arith.constant 208 : index
    %get3A_1792 = tpu.vector_load %arg4[%get3A_1790, %get3A_1791] {strides = array<i32>} : memref<8x512xf32, #tpu.memory_space<vmem>>, vector<1x16xf32>,
    %get3A_1793 = vector.shape_cast %get3A_1792 : vector<1x16xf32> to vector<16xf32>
    %add3A_1794 = arith.addf %get3A_1788, %get3A_1793 : vector<16xf32>
    %get3A_1795 = arith.constant 2 : i32
    %get3A_1796 = arith.index_cast %get3A_1795 : i32 to index
    %get3A_1797 = arith.constant 208 : index
    %get3A_1798 = tpu.vector_load %arg4[%get3A_1796, %get3A_1797] {strides = array<i32>} : memref<8x512xf32, #tpu.memory_space<vmem>>, vector<1x16xf32>,
    %get3A_1799 = vector.shape_cast %get3A_1798 : vector<1x16xf32> to vector<16xf32>
    %add3A_1800 = arith.addf %add3A_1794, %get3A_1799 : vector<16xf32>
    %get3A_1801 = arith.constant 3 : i32
    %get3A_1802 = arith.index_cast %get3A_1801 : i32 to index
    %get3A_1803 = arith.constant 208 : index
    %get3A_1804 = tpu.vector_load %arg4[%get3A_1802, %get3A_1803] {strides = array<i32>} : memref<8x512xf32, #tpu.memory_space<vmem>>, vector<1x16xf32>,
    %get3A_1805 = vector.shape_cast %get3A_1804 : vector<1x16xf32> to vector<16xf32>
    %add3A_1806 = arith.addf %add3A_1800, %get3A_1805 : vector<16xf32>
    %get3A_1807 = arith.constant 4 : i32
    %get3A_1808 = arith.index_cast %get3A_1807 : i32 to index
    %get3A_1809 = arith.constant 208 : index
    %get3A_1810 = tpu.vector_load %arg4[%get3A_1808, %get3A_1809] {strides = array<i32>} : memref<8x512xf32, #tpu.memory_space<vmem>>, vector<1x16xf32>,
    %get3A_1811 = vector.shape_cast %get3A_1810 : vector<1x16xf32> to vector<16xf32>
    %add3A_1812 = arith.addf %add3A_1806, %get3A_1811 : vector<16xf32>
    %get3A_1813 = arith.constant 5 : i32
    %get3A_1814 = arith.index_cast %get3A_1813 : i32 to index
    %get3A_1815 = arith.constant 208 : index
    %get3A_1816 = tpu.vector_load %arg4[%get3A_1814, %get3A_1815] {strides = array<i32>} : memref<8x512xf32, #tpu.memory_space<vmem>>, vector<1x16xf32>,
    %get3A_1817 = vector.shape_cast %get3A_1816 : vector<1x16xf32> to vector<16xf32>
    %add3A_1818 = arith.addf %add3A_1812, %get3A_1817 : vector<16xf32>
    %get3A_1819 = arith.constant 6 : i32
    %get3A_1820 = arith.index_cast %get3A_1819 : i32 to index
    %get3A_1821 = arith.constant 208 : index
    %get3A_1822 = tpu.vector_load %arg4[%get3A_1820, %get3A_1821] {strides = array<i32>} : memref<8x512xf32, #tpu.memory_space<vmem>>, vector<1x16xf32>,
    %get3A_1823 = vector.shape_cast %get3A_1822 : vector<1x16xf32> to vector<16xf32>
    %add3A_1824 = arith.addf %add3A_1818, %get3A_1823 : vector<16xf32>
    %get3A_1825 = arith.constant 7 : i32
    %get3A_1826 = arith.index_cast %get3A_1825 : i32 to index
    %get3A_1827 = arith.constant 208 : index
    %get3A_1828 = tpu.vector_load %arg4[%get3A_1826, %get3A_1827] {strides = array<i32>} : memref<8x512xf32, #tpu.memory_space<vmem>>, vector<1x16xf32>,
    %get3A_1829 = vector.shape_cast %get3A_1828 : vector<1x16xf32> to vector<16xf32>
    %add3A_1830 = arith.addf %add3A_1824, %get3A_1829 : vector<16xf32>
    %swap3A_1831 = arith.constant 0 : i32
    %swap3A_1832 = arith.index_cast %swap3A_1831 : i32 to index
    %swap3A_1833 = arith.constant 208 : index
    %swap3A_1834 = tpu.vector_load %arg5[%swap3A_1832, %swap3A_1833] {strides = array<i32>} : memref<12x512xf32, #tpu.memory_space<vmem>>, vector<1x16xf32>,
    %swap3A_1835 = vector.shape_cast %swap3A_1834 : vector<1x16xf32> to vector<16xf32>
    %swap3A_1836 = vector.shape_cast %add3A_1830 : vector<16xf32> to vector<1x16xf32>
    tpu.vector_store %arg5[%swap3A_1832, %swap3A_1833], %swap3A_1836 {strides = array<i32>} : memref<12x512xf32, #tpu.memory_space<vmem>>, vector<1x16xf32>,
    %swap3A_1837 = arith.constant 1 : i32
    %swap3A_1838 = arith.index_cast %swap3A_1837 : i32 to index
    %swap3A_1839 = arith.constant 208 : index
    %swap3A_1840 = tpu.vector_load %arg5[%swap3A_1838, %swap3A_1839] {strides = array<i32>} : memref<12x512xf32, #tpu.memory_space<vmem>>, vector<1x16xf32>,
    %swap3A_1841 = vector.shape_cast %swap3A_1840 : vector<1x16xf32> to vector<16xf32>
    %swap3A_1842 = vector.shape_cast %add3A_1830 : vector<16xf32> to vector<1x16xf32>
    tpu.vector_store %arg5[%swap3A_1838, %swap3A_1839], %swap3A_1842 {strides = array<i32>} : memref<12x512xf32, #tpu.memory_space<vmem>>, vector<1x16xf32>,
    %swap3A_1843 = arith.constant 2 : i32
    %swap3A_1844 = arith.index_cast %swap3A_1843 : i32 to index
    %swap3A_1845 = arith.constant 208 : index
    %swap3A_1846 = tpu.vector_load %arg5[%swap3A_1844, %swap3A_1845] {strides = array<i32>} : memref<12x512xf32, #tpu.memory_space<vmem>>, vector<1x16xf32>,
    %swap3A_1847 = vector.shape_cast %swap3A_1846 : vector<1x16xf32> to vector<16xf32>
    %swap3A_1848 = vector.shape_cast %add3A_1830 : vector<16xf32> to vector<1x16xf32>
    tpu.vector_store %arg5[%swap3A_1844, %swap3A_1845], %swap3A_1848 {strides = array<i32>} : memref<12x512xf32, #tpu.memory_space<vmem>>, vector<1x16xf32>,
    %swap3A_1849 = arith.constant 3 : i32
    %swap3A_1850 = arith.index_cast %swap3A_1849 : i32 to index
    %swap3A_1851 = arith.constant 208 : index
    %swap3A_1852 = tpu.vector_load %arg5[%swap3A_1850, %swap3A_1851] {strides = array<i32>} : memref<12x512xf32, #tpu.memory_space<vmem>>, vector<1x16xf32>,
    %swap3A_1853 = vector.shape_cast %swap3A_1852 : vector<1x16xf32> to vector<16xf32>
    %swap3A_1854 = vector.shape_cast %add3A_1830 : vector<16xf32> to vector<1x16xf32>
    tpu.vector_store %arg5[%swap3A_1850, %swap3A_1851], %swap3A_1854 {strides = array<i32>} : memref<12x512xf32, #tpu.memory_space<vmem>>, vector<1x16xf32>,
    %swap3A_1855 = arith.constant 4 : i32
    %swap3A_1856 = arith.index_cast %swap3A_1855 : i32 to index
    %swap3A_1857 = arith.constant 208 : index
    %swap3A_1858 = tpu.vector_load %arg5[%swap3A_1856, %swap3A_1857] {strides = array<i32>} : memref<12x512xf32, #tpu.memory_space<vmem>>, vector<1x16xf32>,
    %swap3A_1859 = vector.shape_cast %swap3A_1858 : vector<1x16xf32> to vector<16xf32>
    %swap3A_1860 = vector.shape_cast %add3A_1830 : vector<16xf32> to vector<1x16xf32>
    tpu.vector_store %arg5[%swap3A_1856, %swap3A_1857], %swap3A_1860 {strides = array<i32>} : memref<12x512xf32, #tpu.memory_space<vmem>>, vector<1x16xf32>,
    %swap3A_1861 = arith.constant 5 : i32
    %swap3A_1862 = arith.index_cast %swap3A_1861 : i32 to index
    %swap3A_1863 = arith.constant 208 : index
    %swap3A_1864 = tpu.vector_load %arg5[%swap3A_1862, %swap3A_1863] {strides = array<i32>} : memref<12x512xf32, #tpu.memory_space<vmem>>, vector<1x16xf32>,
    %swap3A_1865 = vector.shape_cast %swap3A_1864 : vector<1x16xf32> to vector<16xf32>
    %swap3A_1866 = vector.shape_cast %add3A_1830 : vector<16xf32> to vector<1x16xf32>
    tpu.vector_store %arg5[%swap3A_1862, %swap3A_1863], %swap3A_1866 {strides = array<i32>} : memref<12x512xf32, #tpu.memory_space<vmem>>, vector<1x16xf32>,
    %swap3A_1867 = arith.constant 6 : i32
    %swap3A_1868 = arith.index_cast %swap3A_1867 : i32 to index
    %swap3A_1869 = arith.constant 208 : index
    %swap3A_1870 = tpu.vector_load %arg5[%swap3A_1868, %swap3A_1869] {strides = array<i32>} : memref<12x512xf32, #tpu.memory_space<vmem>>, vector<1x16xf32>,
    %swap3A_1871 = vector.shape_cast %swap3A_1870 : vector<1x16xf32> to vector<16xf32>
    %swap3A_1872 = vector.shape_cast %add3A_1830 : vector<16xf32> to vector<1x16xf32>
    tpu.vector_store %arg5[%swap3A_1868, %swap3A_1869], %swap3A_1872 {strides = array<i32>} : memref<12x512xf32, #tpu.memory_space<vmem>>, vector<1x16xf32>,
    %swap3A_1873 = arith.constant 7 : i32
    %swap3A_1874 = arith.index_cast %swap3A_1873 : i32 to index
    %swap3A_1875 = arith.constant 208 : index
    %swap3A_1876 = tpu.vector_load %arg5[%swap3A_1874, %swap3A_1875] {strides = array<i32>} : memref<12x512xf32, #tpu.memory_space<vmem>>, vector<1x16xf32>,
    %swap3A_1877 = vector.shape_cast %swap3A_1876 : vector<1x16xf32> to vector<16xf32>
    %swap3A_1878 = vector.shape_cast %add3A_1830 : vector<16xf32> to vector<1x16xf32>
    tpu.vector_store %arg5[%swap3A_1874, %swap3A_1875], %swap3A_1878 {strides = array<i32>} : memref<12x512xf32, #tpu.memory_space<vmem>>, vector<1x16xf32>,
    %swap3A_1879 = arith.constant 8 : i32
    %swap3A_1880 = arith.index_cast %swap3A_1879 : i32 to index
    %swap3A_1881 = arith.constant 208 : index
    %swap3A_1882 = tpu.vector_load %arg5[%swap3A_1880, %swap3A_1881] {strides = array<i32>} : memref<12x512xf32, #tpu.memory_space<vmem>>, vector<1x16xf32>,
    %swap3A_1883 = vector.shape_cast %swap3A_1882 : vector<1x16xf32> to vector<16xf32>
    %swap3A_1884 = vector.shape_cast %add3A_1830 : vector<16xf32> to vector<1x16xf32>
    tpu.vector_store %arg5[%swap3A_1880, %swap3A_1881], %swap3A_1884 {strides = array<i32>} : memref<12x512xf32, #tpu.memory_space<vmem>>, vector<1x16xf32>,
    %swap3A_1885 = arith.constant 9 : i32
    %swap3A_1886 = arith.index_cast %swap3A_1885 : i32 to index
    %swap3A_1887 = arith.constant 208 : index
    %swap3A_1888 = tpu.vector_load %arg5[%swap3A_1886, %swap3A_1887] {strides = array<i32>} : memref<12x512xf32, #tpu.memory_space<vmem>>, vector<1x16xf32>,
    %swap3A_1889 = vector.shape_cast %swap3A_1888 : vector<1x16xf32> to vector<16xf32>
    %swap3A_1890 = vector.shape_cast %add3A_1830 : vector<16xf32> to vector<1x16xf32>
    tpu.vector_store %arg5[%swap3A_1886, %swap3A_1887], %swap3A_1890 {strides = array<i32>} : memref<12x512xf32, #tpu.memory_space<vmem>>, vector<1x16xf32>,
    %swap3A_1891 = arith.constant 10 : i32
    %swap3A_1892 = arith.index_cast %swap3A_1891 : i32 to index
    %swap3A_1893 = arith.constant 208 : index
    %swap3A_1894 = tpu.vector_load %arg5[%swap3A_1892, %swap3A_1893] {strides = array<i32>} : memref<12x512xf32, #tpu.memory_space<vmem>>, vector<1x16xf32>,
    %swap3A_1895 = vector.shape_cast %swap3A_1894 : vector<1x16xf32> to vector<16xf32>
    %swap3A_1896 = vector.shape_cast %add3A_1830 : vector<16xf32> to vector<1x16xf32>
    tpu.vector_store %arg5[%swap3A_1892, %swap3A_1893], %swap3A_1896 {strides = array<i32>} : memref<12x512xf32, #tpu.memory_space<vmem>>, vector<1x16xf32>,
    %swap3A_1897 = arith.constant 11 : i32
    %swap3A_1898 = arith.index_cast %swap3A_1897 : i32 to index
    %swap3A_1899 = arith.constant 208 : index
    %swap3A_1900 = tpu.vector_load %arg5[%swap3A_1898, %swap3A_1899] {strides = array<i32>} : memref<12x512xf32, #tpu.memory_space<vmem>>, vector<1x16xf32>,
    %swap3A_1901 = vector.shape_cast %swap3A_1900 : vector<1x16xf32> to vector<16xf32>
    %swap3A_1902 = vector.shape_cast %add3A_1830 : vector<16xf32> to vector<1x16xf32>
    tpu.vector_store %arg5[%swap3A_1898, %swap3A_1899], %swap3A_1902 {strides = array<i32>} : memref<12x512xf32, #tpu.memory_space<vmem>>, vector<1x16xf32>,
    %get3A_1903 = arith.constant 0 : i32
    %get3A_1904 = arith.index_cast %get3A_1903 : i32 to index
    %get3A_1905 = arith.constant 224 : index
    %get3A_1906 = tpu.vector_load %arg4[%get3A_1904, %get3A_1905] {strides = array<i32>} : memref<8x512xf32, #tpu.memory_space<vmem>>, vector<1x16xf32>,
    %get3A_1907 = vector.shape_cast %get3A_1906 : vector<1x16xf32> to vector<16xf32>
    %get3A_1908 = arith.constant 1 : i32
    %get3A_1909 = arith.index_cast %get3A_1908 : i32 to index
    %get3A_1910 = arith.constant 224 : index
    %get3A_1911 = tpu.vector_load %arg4[%get3A_1909, %get3A_1910] {strides = array<i32>} : memref<8x512xf32, #tpu.memory_space<vmem>>, vector<1x16xf32>,
    %get3A_1912 = vector.shape_cast %get3A_1911 : vector<1x16xf32> to vector<16xf32>
    %add3A_1913 = arith.addf %get3A_1907, %get3A_1912 : vector<16xf32>
    %get3A_1914 = arith.constant 2 : i32
    %get3A_1915 = arith.index_cast %get3A_1914 : i32 to index
    %get3A_1916 = arith.constant 224 : index
    %get3A_1917 = tpu.vector_load %arg4[%get3A_1915, %get3A_1916] {strides = array<i32>} : memref<8x512xf32, #tpu.memory_space<vmem>>, vector<1x16xf32>,
    %get3A_1918 = vector.shape_cast %get3A_1917 : vector<1x16xf32> to vector<16xf32>
    %add3A_1919 = arith.addf %add3A_1913, %get3A_1918 : vector<16xf32>
    %get3A_1920 = arith.constant 3 : i32
    %get3A_1921 = arith.index_cast %get3A_1920 : i32 to index
    %get3A_1922 = arith.constant 224 : index
    %get3A_1923 = tpu.vector_load %arg4[%get3A_1921, %get3A_1922] {strides = array<i32>} : memref<8x512xf32, #tpu.memory_space<vmem>>, vector<1x16xf32>,
    %get3A_1924 = vector.shape_cast %get3A_1923 : vector<1x16xf32> to vector<16xf32>
    %add3A_1925 = arith.addf %add3A_1919, %get3A_1924 : vector<16xf32>
    %get3A_1926 = arith.constant 4 : i32
    %get3A_1927 = arith.index_cast %get3A_1926 : i32 to index
    %get3A_1928 = arith.constant 224 : index
    %get3A_1929 = tpu.vector_load %arg4[%get3A_1927, %get3A_1928] {strides = array<i32>} : memref<8x512xf32, #tpu.memory_space<vmem>>, vector<1x16xf32>,
    %get3A_1930 = vector.shape_cast %get3A_1929 : vector<1x16xf32> to vector<16xf32>
    %add3A_1931 = arith.addf %add3A_1925, %get3A_1930 : vector<16xf32>
    %get3A_1932 = arith.constant 5 : i32
    %get3A_1933 = arith.index_cast %get3A_1932 : i32 to index
    %get3A_1934 = arith.constant 224 : index
    %get3A_1935 = tpu.vector_load %arg4[%get3A_1933, %get3A_1934] {strides = array<i32>} : memref<8x512xf32, #tpu.memory_space<vmem>>, vector<1x16xf32>,
    %get3A_1936 = vector.shape_cast %get3A_1935 : vector<1x16xf32> to vector<16xf32>
    %add3A_1937 = arith.addf %add3A_1931, %get3A_1936 : vector<16xf32>
    %get3A_1938 = arith.constant 6 : i32
    %get3A_1939 = arith.index_cast %get3A_1938 : i32 to index
    %get3A_1940 = arith.constant 224 : index
    %get3A_1941 = tpu.vector_load %arg4[%get3A_1939, %get3A_1940] {strides = array<i32>} : memref<8x512xf32, #tpu.memory_space<vmem>>, vector<1x16xf32>,
    %get3A_1942 = vector.shape_cast %get3A_1941 : vector<1x16xf32> to vector<16xf32>
    %add3A_1943 = arith.addf %add3A_1937, %get3A_1942 : vector<16xf32>
    %get3A_1944 = arith.constant 7 : i32
    %get3A_1945 = arith.index_cast %get3A_1944 : i32 to index
    %get3A_1946 = arith.constant 224 : index
    %get3A_1947 = tpu.vector_load %arg4[%get3A_1945, %get3A_1946] {strides = array<i32>} : memref<8x512xf32, #tpu.memory_space<vmem>>, vector<1x16xf32>,
    %get3A_1948 = vector.shape_cast %get3A_1947 : vector<1x16xf32> to vector<16xf32>
    %add3A_1949 = arith.addf %add3A_1943, %get3A_1948 : vector<16xf32>
    %swap3A_1950 = arith.constant 0 : i32
    %swap3A_1951 = arith.index_cast %swap3A_1950 : i32 to index
    %swap3A_1952 = arith.constant 224 : index
    %swap3A_1953 = tpu.vector_load %arg5[%swap3A_1951, %swap3A_1952] {strides = array<i32>} : memref<12x512xf32, #tpu.memory_space<vmem>>, vector<1x16xf32>,
    %swap3A_1954 = vector.shape_cast %swap3A_1953 : vector<1x16xf32> to vector<16xf32>
    %swap3A_1955 = vector.shape_cast %add3A_1949 : vector<16xf32> to vector<1x16xf32>
    tpu.vector_store %arg5[%swap3A_1951, %swap3A_1952], %swap3A_1955 {strides = array<i32>} : memref<12x512xf32, #tpu.memory_space<vmem>>, vector<1x16xf32>,
    %swap3A_1956 = arith.constant 1 : i32
    %swap3A_1957 = arith.index_cast %swap3A_1956 : i32 to index
    %swap3A_1958 = arith.constant 224 : index
    %swap3A_1959 = tpu.vector_load %arg5[%swap3A_1957, %swap3A_1958] {strides = array<i32>} : memref<12x512xf32, #tpu.memory_space<vmem>>, vector<1x16xf32>,
    %swap3A_1960 = vector.shape_cast %swap3A_1959 : vector<1x16xf32> to vector<16xf32>
    %swap3A_1961 = vector.shape_cast %add3A_1949 : vector<16xf32> to vector<1x16xf32>
    tpu.vector_store %arg5[%swap3A_1957, %swap3A_1958], %swap3A_1961 {strides = array<i32>} : memref<12x512xf32, #tpu.memory_space<vmem>>, vector<1x16xf32>,
    %swap3A_1962 = arith.constant 2 : i32
    %swap3A_1963 = arith.index_cast %swap3A_1962 : i32 to index
    %swap3A_1964 = arith.constant 224 : index
    %swap3A_1965 = tpu.vector_load %arg5[%swap3A_1963, %swap3A_1964] {strides = array<i32>} : memref<12x512xf32, #tpu.memory_space<vmem>>, vector<1x16xf32>,
    %swap3A_1966 = vector.shape_cast %swap3A_1965 : vector<1x16xf32> to vector<16xf32>
    %swap3A_1967 = vector.shape_cast %add3A_1949 : vector<16xf32> to vector<1x16xf32>
    tpu.vector_store %arg5[%swap3A_1963, %swap3A_1964], %swap3A_1967 {strides = array<i32>} : memref<12x512xf32, #tpu.memory_space<vmem>>, vector<1x16xf32>,
    %swap3A_1968 = arith.constant 3 : i32
    %swap3A_1969 = arith.index_cast %swap3A_1968 : i32 to index
    %swap3A_1970 = arith.constant 224 : index
    %swap3A_1971 = tpu.vector_load %arg5[%swap3A_1969, %swap3A_1970] {strides = array<i32>} : memref<12x512xf32, #tpu.memory_space<vmem>>, vector<1x16xf32>,
    %swap3A_1972 = vector.shape_cast %swap3A_1971 : vector<1x16xf32> to vector<16xf32>
    %swap3A_1973 = vector.shape_cast %add3A_1949 : vector<16xf32> to vector<1x16xf32>
    tpu.vector_store %arg5[%swap3A_1969, %swap3A_1970], %swap3A_1973 {strides = array<i32>} : memref<12x512xf32, #tpu.memory_space<vmem>>, vector<1x16xf32>,
    %swap3A_1974 = arith.constant 4 : i32
    %swap3A_1975 = arith.index_cast %swap3A_1974 : i32 to index
    %swap3A_1976 = arith.constant 224 : index
    %swap3A_1977 = tpu.vector_load %arg5[%swap3A_1975, %swap3A_1976] {strides = array<i32>} : memref<12x512xf32, #tpu.memory_space<vmem>>, vector<1x16xf32>,
    %swap3A_1978 = vector.shape_cast %swap3A_1977 : vector<1x16xf32> to vector<16xf32>
    %swap3A_1979 = vector.shape_cast %add3A_1949 : vector<16xf32> to vector<1x16xf32>
    tpu.vector_store %arg5[%swap3A_1975, %swap3A_1976], %swap3A_1979 {strides = array<i32>} : memref<12x512xf32, #tpu.memory_space<vmem>>, vector<1x16xf32>,
    %swap3A_1980 = arith.constant 5 : i32
    %swap3A_1981 = arith.index_cast %swap3A_1980 : i32 to index
    %swap3A_1982 = arith.constant 224 : index
    %swap3A_1983 = tpu.vector_load %arg5[%swap3A_1981, %swap3A_1982] {strides = array<i32>} : memref<12x512xf32, #tpu.memory_space<vmem>>, vector<1x16xf32>,
    %swap3A_1984 = vector.shape_cast %swap3A_1983 : vector<1x16xf32> to vector<16xf32>
    %swap3A_1985 = vector.shape_cast %add3A_1949 : vector<16xf32> to vector<1x16xf32>
    tpu.vector_store %arg5[%swap3A_1981, %swap3A_1982], %swap3A_1985 {strides = array<i32>} : memref<12x512xf32, #tpu.memory_space<vmem>>, vector<1x16xf32>,
    %swap3A_1986 = arith.constant 6 : i32
    %swap3A_1987 = arith.index_cast %swap3A_1986 : i32 to index
    %swap3A_1988 = arith.constant 224 : index
    %swap3A_1989 = tpu.vector_load %arg5[%swap3A_1987, %swap3A_1988] {strides = array<i32>} : memref<12x512xf32, #tpu.memory_space<vmem>>, vector<1x16xf32>,
    %swap3A_1990 = vector.shape_cast %swap3A_1989 : vector<1x16xf32> to vector<16xf32>
    %swap3A_1991 = vector.shape_cast %add3A_1949 : vector<16xf32> to vector<1x16xf32>
    tpu.vector_store %arg5[%swap3A_1987, %swap3A_1988], %swap3A_1991 {strides = array<i32>} : memref<12x512xf32, #tpu.memory_space<vmem>>, vector<1x16xf32>,
    %swap3A_1992 = arith.constant 7 : i32
    %swap3A_1993 = arith.index_cast %swap3A_1992 : i32 to index
    %swap3A_1994 = arith.constant 224 : index
    %swap3A_1995 = tpu.vector_load %arg5[%swap3A_1993, %swap3A_1994] {strides = array<i32>} : memref<12x512xf32, #tpu.memory_space<vmem>>, vector<1x16xf32>,
    %swap3A_1996 = vector.shape_cast %swap3A_1995 : vector<1x16xf32> to vector<16xf32>
    %swap3A_1997 = vector.shape_cast %add3A_1949 : vector<16xf32> to vector<1x16xf32>
    tpu.vector_store %arg5[%swap3A_1993, %swap3A_1994], %swap3A_1997 {strides = array<i32>} : memref<12x512xf32, #tpu.memory_space<vmem>>, vector<1x16xf32>,
    %swap3A_1998 = arith.constant 8 : i32
    %swap3A_1999 = arith.index_cast %swap3A_1998 : i32 to index
    %swap3A_2000 = arith.constant 224 : index
    %swap3A_2001 = tpu.vector_load %arg5[%swap3A_1999, %swap3A_2000] {strides = array<i32>} : memref<12x512xf32, #tpu.memory_space<vmem>>, vector<1x16xf32>,
    %swap3A_2002 = vector.shape_cast %swap3A_2001 : vector<1x16xf32> to vector<16xf32>
    %swap3A_2003 = vector.shape_cast %add3A_1949 : vector<16xf32> to vector<1x16xf32>
    tpu.vector_store %arg5[%swap3A_1999, %swap3A_2000], %swap3A_2003 {strides = array<i32>} : memref<12x512xf32, #tpu.memory_space<vmem>>, vector<1x16xf32>,
    %swap3A_2004 = arith.constant 9 : i32
    %swap3A_2005 = arith.index_cast %swap3A_2004 : i32 to index
    %swap3A_2006 = arith.constant 224 : index
    %swap3A_2007 = tpu.vector_load %arg5[%swap3A_2005, %swap3A_2006] {strides = array<i32>} : memref<12x512xf32, #tpu.memory_space<vmem>>, vector<1x16xf32>,
    %swap3A_2008 = vector.shape_cast %swap3A_2007 : vector<1x16xf32> to vector<16xf32>
    %swap3A_2009 = vector.shape_cast %add3A_1949 : vector<16xf32> to vector<1x16xf32>
    tpu.vector_store %arg5[%swap3A_2005, %swap3A_2006], %swap3A_2009 {strides = array<i32>} : memref<12x512xf32, #tpu.memory_space<vmem>>, vector<1x16xf32>,
    %swap3A_2010 = arith.constant 10 : i32
    %swap3A_2011 = arith.index_cast %swap3A_2010 : i32 to index
    %swap3A_2012 = arith.constant 224 : index
    %swap3A_2013 = tpu.vector_load %arg5[%swap3A_2011, %swap3A_2012] {strides = array<i32>} : memref<12x512xf32, #tpu.memory_space<vmem>>, vector<1x16xf32>,
    %swap3A_2014 = vector.shape_cast %swap3A_2013 : vector<1x16xf32> to vector<16xf32>
    %swap3A_2015 = vector.shape_cast %add3A_1949 : vector<16xf32> to vector<1x16xf32>
    tpu.vector_store %arg5[%swap3A_2011, %swap3A_2012], %swap3A_2015 {strides = array<i32>} : memref<12x512xf32, #tpu.memory_space<vmem>>, vector<1x16xf32>,
    %swap3A_2016 = arith.constant 11 : i32
    %swap3A_2017 = arith.index_cast %swap3A_2016 : i32 to index
    %swap3A_2018 = arith.constant 224 : index
    %swap3A_2019 = tpu.vector_load %arg5[%swap3A_2017, %swap3A_2018] {strides = array<i32>} : memref<12x512xf32, #tpu.memory_space<vmem>>, vector<1x16xf32>,
    %swap3A_2020 = vector.shape_cast %swap3A_2019 : vector<1x16xf32> to vector<16xf32>
    %swap3A_2021 = vector.shape_cast %add3A_1949 : vector<16xf32> to vector<1x16xf32>
    tpu.vector_store %arg5[%swap3A_2017, %swap3A_2018], %swap3A_2021 {strides = array<i32>} : memref<12x512xf32, #tpu.memory_space<vmem>>, vector<1x16xf32>,
    %get3A_2022 = arith.constant 0 : i32
    %get3A_2023 = arith.index_cast %get3A_2022 : i32 to index
    %get3A_2024 = arith.constant 240 : index
    %get3A_2025 = tpu.vector_load %arg4[%get3A_2023, %get3A_2024] {strides = array<i32>} : memref<8x512xf32, #tpu.memory_space<vmem>>, vector<1x16xf32>,
    %get3A_2026 = vector.shape_cast %get3A_2025 : vector<1x16xf32> to vector<16xf32>
    %get3A_2027 = arith.constant 1 : i32
    %get3A_2028 = arith.index_cast %get3A_2027 : i32 to index
    %get3A_2029 = arith.constant 240 : index
    %get3A_2030 = tpu.vector_load %arg4[%get3A_2028, %get3A_2029] {strides = array<i32>} : memref<8x512xf32, #tpu.memory_space<vmem>>, vector<1x16xf32>,
    %get3A_2031 = vector.shape_cast %get3A_2030 : vector<1x16xf32> to vector<16xf32>
    %add3A_2032 = arith.addf %get3A_2026, %get3A_2031 : vector<16xf32>
    %get3A_2033 = arith.constant 2 : i32
    %get3A_2034 = arith.index_cast %get3A_2033 : i32 to index
    %get3A_2035 = arith.constant 240 : index
    %get3A_2036 = tpu.vector_load %arg4[%get3A_2034, %get3A_2035] {strides = array<i32>} : memref<8x512xf32, #tpu.memory_space<vmem>>, vector<1x16xf32>,
    %get3A_2037 = vector.shape_cast %get3A_2036 : vector<1x16xf32> to vector<16xf32>
    %add3A_2038 = arith.addf %add3A_2032, %get3A_2037 : vector<16xf32>
    %get3A_2039 = arith.constant 3 : i32
    %get3A_2040 = arith.index_cast %get3A_2039 : i32 to index
    %get3A_2041 = arith.constant 240 : index
    %get3A_2042 = tpu.vector_load %arg4[%get3A_2040, %get3A_2041] {strides = array<i32>} : memref<8x512xf32, #tpu.memory_space<vmem>>, vector<1x16xf32>,
    %get3A_2043 = vector.shape_cast %get3A_2042 : vector<1x16xf32> to vector<16xf32>
    %add3A_2044 = arith.addf %add3A_2038, %get3A_2043 : vector<16xf32>
    %get3A_2045 = arith.constant 4 : i32
    %get3A_2046 = arith.index_cast %get3A_2045 : i32 to index
    %get3A_2047 = arith.constant 240 : index
    %get3A_2048 = tpu.vector_load %arg4[%get3A_2046, %get3A_2047] {strides = array<i32>} : memref<8x512xf32, #tpu.memory_space<vmem>>, vector<1x16xf32>,
    %get3A_2049 = vector.shape_cast %get3A_2048 : vector<1x16xf32> to vector<16xf32>
    %add3A_2050 = arith.addf %add3A_2044, %get3A_2049 : vector<16xf32>
    %get3A_2051 = arith.constant 5 : i32
    %get3A_2052 = arith.index_cast %get3A_2051 : i32 to index
    %get3A_2053 = arith.constant 240 : index
    %get3A_2054 = tpu.vector_load %arg4[%get3A_2052, %get3A_2053] {strides = array<i32>} : memref<8x512xf32, #tpu.memory_space<vmem>>, vector<1x16xf32>,
    %get3A_2055 = vector.shape_cast %get3A_2054 : vector<1x16xf32> to vector<16xf32>
    %add3A_2056 = arith.addf %add3A_2050, %get3A_2055 : vector<16xf32>
    %get3A_2057 = arith.constant 6 : i32
    %get3A_2058 = arith.index_cast %get3A_2057 : i32 to index
    %get3A_2059 = arith.constant 240 : index
    %get3A_2060 = tpu.vector_load %arg4[%get3A_2058, %get3A_2059] {strides = array<i32>} : memref<8x512xf32, #tpu.memory_space<vmem>>, vector<1x16xf32>,
    %get3A_2061 = vector.shape_cast %get3A_2060 : vector<1x16xf32> to vector<16xf32>
    %add3A_2062 = arith.addf %add3A_2056, %get3A_2061 : vector<16xf32>
    %get3A_2063 = arith.constant 7 : i32
    %get3A_2064 = arith.index_cast %get3A_2063 : i32 to index
    %get3A_2065 = arith.constant 240 : index
    %get3A_2066 = tpu.vector_load %arg4[%get3A_2064, %get3A_2065] {strides = array<i32>} : memref<8x512xf32, #tpu.memory_space<vmem>>, vector<1x16xf32>,
    %get3A_2067 = vector.shape_cast %get3A_2066 : vector<1x16xf32> to vector<16xf32>
    %add3A_2068 = arith.addf %add3A_2062, %get3A_2067 : vector<16xf32>
    %swap3A_2069 = arith.constant 0 : i32
    %swap3A_2070 = arith.index_cast %swap3A_2069 : i32 to index
    %swap3A_2071 = arith.constant 240 : index
    %swap3A_2072 = tpu.vector_load %arg5[%swap3A_2070, %swap3A_2071] {strides = array<i32>} : memref<12x512xf32, #tpu.memory_space<vmem>>, vector<1x16xf32>,
    %swap3A_2073 = vector.shape_cast %swap3A_2072 : vector<1x16xf32> to vector<16xf32>
    %swap3A_2074 = vector.shape_cast %add3A_2068 : vector<16xf32> to vector<1x16xf32>
    tpu.vector_store %arg5[%swap3A_2070, %swap3A_2071], %swap3A_2074 {strides = array<i32>} : memref<12x512xf32, #tpu.memory_space<vmem>>, vector<1x16xf32>,
    %swap3A_2075 = arith.constant 1 : i32
    %swap3A_2076 = arith.index_cast %swap3A_2075 : i32 to index
    %swap3A_2077 = arith.constant 240 : index
    %swap3A_2078 = tpu.vector_load %arg5[%swap3A_2076, %swap3A_2077] {strides = array<i32>} : memref<12x512xf32, #tpu.memory_space<vmem>>, vector<1x16xf32>,
    %swap3A_2079 = vector.shape_cast %swap3A_2078 : vector<1x16xf32> to vector<16xf32>
    %swap3A_2080 = vector.shape_cast %add3A_2068 : vector<16xf32> to vector<1x16xf32>
    tpu.vector_store %arg5[%swap3A_2076, %swap3A_2077], %swap3A_2080 {strides = array<i32>} : memref<12x512xf32, #tpu.memory_space<vmem>>, vector<1x16xf32>,
    %swap3A_2081 = arith.constant 2 : i32
    %swap3A_2082 = arith.index_cast %swap3A_2081 : i32 to index
    %swap3A_2083 = arith.constant 240 : index
    %swap3A_2084 = tpu.vector_load %arg5[%swap3A_2082, %swap3A_2083] {strides = array<i32>} : memref<12x512xf32, #tpu.memory_space<vmem>>, vector<1x16xf32>,
    %swap3A_2085 = vector.shape_cast %swap3A_2084 : vector<1x16xf32> to vector<16xf32>
    %swap3A_2086 = vector.shape_cast %add3A_2068 : vector<16xf32> to vector<1x16xf32>
    tpu.vector_store %arg5[%swap3A_2082, %swap3A_2083], %swap3A_2086 {strides = array<i32>} : memref<12x512xf32, #tpu.memory_space<vmem>>, vector<1x16xf32>,
    %swap3A_2087 = arith.constant 3 : i32
    %swap3A_2088 = arith.index_cast %swap3A_2087 : i32 to index
    %swap3A_2089 = arith.constant 240 : index
    %swap3A_2090 = tpu.vector_load %arg5[%swap3A_2088, %swap3A_2089] {strides = array<i32>} : memref<12x512xf32, #tpu.memory_space<vmem>>, vector<1x16xf32>,
    %swap3A_2091 = vector.shape_cast %swap3A_2090 : vector<1x16xf32> to vector<16xf32>
    %swap3A_2092 = vector.shape_cast %add3A_2068 : vector<16xf32> to vector<1x16xf32>
    tpu.vector_store %arg5[%swap3A_2088, %swap3A_2089], %swap3A_2092 {strides = array<i32>} : memref<12x512xf32, #tpu.memory_space<vmem>>, vector<1x16xf32>,
    %swap3A_2093 = arith.constant 4 : i32
    %swap3A_2094 = arith.index_cast %swap3A_2093 : i32 to index
    %swap3A_2095 = arith.constant 240 : index
    %swap3A_2096 = tpu.vector_load %arg5[%swap3A_2094, %swap3A_2095] {strides = array<i32>} : memref<12x512xf32, #tpu.memory_space<vmem>>, vector<1x16xf32>,
    %swap3A_2097 = vector.shape_cast %swap3A_2096 : vector<1x16xf32> to vector<16xf32>
    %swap3A_2098 = vector.shape_cast %add3A_2068 : vector<16xf32> to vector<1x16xf32>
    tpu.vector_store %arg5[%swap3A_2094, %swap3A_2095], %swap3A_2098 {strides = array<i32>} : memref<12x512xf32, #tpu.memory_space<vmem>>, vector<1x16xf32>,
    %swap3A_2099 = arith.constant 5 : i32
    %swap3A_2100 = arith.index_cast %swap3A_2099 : i32 to index
    %swap3A_2101 = arith.constant 240 : index
    %swap3A_2102 = tpu.vector_load %arg5[%swap3A_2100, %swap3A_2101] {strides = array<i32>} : memref<12x512xf32, #tpu.memory_space<vmem>>, vector<1x16xf32>,
    %swap3A_2103 = vector.shape_cast %swap3A_2102 : vector<1x16xf32> to vector<16xf32>
    %swap3A_2104 = vector.shape_cast %add3A_2068 : vector<16xf32> to vector<1x16xf32>
    tpu.vector_store %arg5[%swap3A_2100, %swap3A_2101], %swap3A_2104 {strides = array<i32>} : memref<12x512xf32, #tpu.memory_space<vmem>>, vector<1x16xf32>,
    %swap3A_2105 = arith.constant 6 : i32
    %swap3A_2106 = arith.index_cast %swap3A_2105 : i32 to index
    %swap3A_2107 = arith.constant 240 : index
    %swap3A_2108 = tpu.vector_load %arg5[%swap3A_2106, %swap3A_2107] {strides = array<i32>} : memref<12x512xf32, #tpu.memory_space<vmem>>, vector<1x16xf32>,
    %swap3A_2109 = vector.shape_cast %swap3A_2108 : vector<1x16xf32> to vector<16xf32>
    %swap3A_2110 = vector.shape_cast %add3A_2068 : vector<16xf32> to vector<1x16xf32>
    tpu.vector_store %arg5[%swap3A_2106, %swap3A_2107], %swap3A_2110 {strides = array<i32>} : memref<12x512xf32, #tpu.memory_space<vmem>>, vector<1x16xf32>,
    %swap3A_2111 = arith.constant 7 : i32
    %swap3A_2112 = arith.index_cast %swap3A_2111 : i32 to index
    %swap3A_2113 = arith.constant 240 : index
    %swap3A_2114 = tpu.vector_load %arg5[%swap3A_2112, %swap3A_2113] {strides = array<i32>} : memref<12x512xf32, #tpu.memory_space<vmem>>, vector<1x16xf32>,
    %swap3A_2115 = vector.shape_cast %swap3A_2114 : vector<1x16xf32> to vector<16xf32>
    %swap3A_2116 = vector.shape_cast %add3A_2068 : vector<16xf32> to vector<1x16xf32>
    tpu.vector_store %arg5[%swap3A_2112, %swap3A_2113], %swap3A_2116 {strides = array<i32>} : memref<12x512xf32, #tpu.memory_space<vmem>>, vector<1x16xf32>,
    %swap3A_2117 = arith.constant 8 : i32
    %swap3A_2118 = arith.index_cast %swap3A_2117 : i32 to index
    %swap3A_2119 = arith.constant 240 : index
    %swap3A_2120 = tpu.vector_load %arg5[%swap3A_2118, %swap3A_2119] {strides = array<i32>} : memref<12x512xf32, #tpu.memory_space<vmem>>, vector<1x16xf32>,
    %swap3A_2121 = vector.shape_cast %swap3A_2120 : vector<1x16xf32> to vector<16xf32>
    %swap3A_2122 = vector.shape_cast %add3A_2068 : vector<16xf32> to vector<1x16xf32>
    tpu.vector_store %arg5[%swap3A_2118, %swap3A_2119], %swap3A_2122 {strides = array<i32>} : memref<12x512xf32, #tpu.memory_space<vmem>>, vector<1x16xf32>,
    %swap3A_2123 = arith.constant 9 : i32
    %swap3A_2124 = arith.index_cast %swap3A_2123 : i32 to index
    %swap3A_2125 = arith.constant 240 : index
    %swap3A_2126 = tpu.vector_load %arg5[%swap3A_2124, %swap3A_2125] {strides = array<i32>} : memref<12x512xf32, #tpu.memory_space<vmem>>, vector<1x16xf32>,
    %swap3A_2127 = vector.shape_cast %swap3A_2126 : vector<1x16xf32> to vector<16xf32>
    %swap3A_2128 = vector.shape_cast %add3A_2068 : vector<16xf32> to vector<1x16xf32>
    tpu.vector_store %arg5[%swap3A_2124, %swap3A_2125], %swap3A_2128 {strides = array<i32>} : memref<12x512xf32, #tpu.memory_space<vmem>>, vector<1x16xf32>,
    %swap3A_2129 = arith.constant 10 : i32
    %swap3A_2130 = arith.index_cast %swap3A_2129 : i32 to index
    %swap3A_2131 = arith.constant 240 : index
    %swap3A_2132 = tpu.vector_load %arg5[%swap3A_2130, %swap3A_2131] {strides = array<i32>} : memref<12x512xf32, #tpu.memory_space<vmem>>, vector<1x16xf32>,
    %swap3A_2133 = vector.shape_cast %swap3A_2132 : vector<1x16xf32> to vector<16xf32>
    %swap3A_2134 = vector.shape_cast %add3A_2068 : vector<16xf32> to vector<1x16xf32>
    tpu.vector_store %arg5[%swap3A_2130, %swap3A_2131], %swap3A_2134 {strides = array<i32>} : memref<12x512xf32, #tpu.memory_space<vmem>>, vector<1x16xf32>,
    %swap3A_2135 = arith.constant 11 : i32
    %swap3A_2136 = arith.index_cast %swap3A_2135 : i32 to index
    %swap3A_2137 = arith.constant 240 : index
    %swap3A_2138 = tpu.vector_load %arg5[%swap3A_2136, %swap3A_2137] {strides = array<i32>} : memref<12x512xf32, #tpu.memory_space<vmem>>, vector<1x16xf32>,
    %swap3A_2139 = vector.shape_cast %swap3A_2138 : vector<1x16xf32> to vector<16xf32>
    %swap3A_2140 = vector.shape_cast %add3A_2068 : vector<16xf32> to vector<1x16xf32>
    tpu.vector_store %arg5[%swap3A_2136, %swap3A_2137], %swap3A_2140 {strides = array<i32>} : memref<12x512xf32, #tpu.memory_space<vmem>>, vector<1x16xf32>,
    %get3A_2141 = arith.constant 0 : i32
    %get3A_2142 = arith.index_cast %get3A_2141 : i32 to index
    %get3A_2143 = arith.constant 256 : index
    %get3A_2144 = tpu.vector_load %arg4[%get3A_2142, %get3A_2143] {strides = array<i32>} : memref<8x512xf32, #tpu.memory_space<vmem>>, vector<1x16xf32>,
    %get3A_2145 = vector.shape_cast %get3A_2144 : vector<1x16xf32> to vector<16xf32>
    %get3A_2146 = arith.constant 1 : i32
    %get3A_2147 = arith.index_cast %get3A_2146 : i32 to index
    %get3A_2148 = arith.constant 256 : index
    %get3A_2149 = tpu.vector_load %arg4[%get3A_2147, %get3A_2148] {strides = array<i32>} : memref<8x512xf32, #tpu.memory_space<vmem>>, vector<1x16xf32>,
    %get3A_2150 = vector.shape_cast %get3A_2149 : vector<1x16xf32> to vector<16xf32>
    %add3A_2151 = arith.addf %get3A_2145, %get3A_2150 : vector<16xf32>
    %get3A_2152 = arith.constant 2 : i32
    %get3A_2153 = arith.index_cast %get3A_2152 : i32 to index
    %get3A_2154 = arith.constant 256 : index
    %get3A_2155 = tpu.vector_load %arg4[%get3A_2153, %get3A_2154] {strides = array<i32>} : memref<8x512xf32, #tpu.memory_space<vmem>>, vector<1x16xf32>,
    %get3A_2156 = vector.shape_cast %get3A_2155 : vector<1x16xf32> to vector<16xf32>
    %add3A_2157 = arith.addf %add3A_2151, %get3A_2156 : vector<16xf32>
    %get3A_2158 = arith.constant 3 : i32
    %get3A_2159 = arith.index_cast %get3A_2158 : i32 to index
    %get3A_2160 = arith.constant 256 : index
    %get3A_2161 = tpu.vector_load %arg4[%get3A_2159, %get3A_2160] {strides = array<i32>} : memref<8x512xf32, #tpu.memory_space<vmem>>, vector<1x16xf32>,
    %get3A_2162 = vector.shape_cast %get3A_2161 : vector<1x16xf32> to vector<16xf32>
    %add3A_2163 = arith.addf %add3A_2157, %get3A_2162 : vector<16xf32>
    %get3A_2164 = arith.constant 4 : i32
    %get3A_2165 = arith.index_cast %get3A_2164 : i32 to index
    %get3A_2166 = arith.constant 256 : index
    %get3A_2167 = tpu.vector_load %arg4[%get3A_2165, %get3A_2166] {strides = array<i32>} : memref<8x512xf32, #tpu.memory_space<vmem>>, vector<1x16xf32>,
    %get3A_2168 = vector.shape_cast %get3A_2167 : vector<1x16xf32> to vector<16xf32>
    %add3A_2169 = arith.addf %add3A_2163, %get3A_2168 : vector<16xf32>
    %get3A_2170 = arith.constant 5 : i32
    %get3A_2171 = arith.index_cast %get3A_2170 : i32 to index
    %get3A_2172 = arith.constant 256 : index
    %get3A_2173 = tpu.vector_load %arg4[%get3A_2171, %get3A_2172] {strides = array<i32>} : memref<8x512xf32, #tpu.memory_space<vmem>>, vector<1x16xf32>,
    %get3A_2174 = vector.shape_cast %get3A_2173 : vector<1x16xf32> to vector<16xf32>
    %add3A_2175 = arith.addf %add3A_2169, %get3A_2174 : vector<16xf32>
    %get3A_2176 = arith.constant 6 : i32
    %get3A_2177 = arith.index_cast %get3A_2176 : i32 to index
    %get3A_2178 = arith.constant 256 : index
    %get3A_2179 = tpu.vector_load %arg4[%get3A_2177, %get3A_2178] {strides = array<i32>} : memref<8x512xf32, #tpu.memory_space<vmem>>, vector<1x16xf32>,
    %get3A_2180 = vector.shape_cast %get3A_2179 : vector<1x16xf32> to vector<16xf32>
    %add3A_2181 = arith.addf %add3A_2175, %get3A_2180 : vector<16xf32>
    %get3A_2182 = arith.constant 7 : i32
    %get3A_2183 = arith.index_cast %get3A_2182 : i32 to index
    %get3A_2184 = arith.constant 256 : index
    %get3A_2185 = tpu.vector_load %arg4[%get3A_2183, %get3A_2184] {strides = array<i32>} : memref<8x512xf32, #tpu.memory_space<vmem>>, vector<1x16xf32>,
    %get3A_2186 = vector.shape_cast %get3A_2185 : vector<1x16xf32> to vector<16xf32>
    %add3A_2187 = arith.addf %add3A_2181, %get3A_2186 : vector<16xf32>
    %swap3A_2188 = arith.constant 0 : i32
    %swap3A_2189 = arith.index_cast %swap3A_2188 : i32 to index
    %swap3A_2190 = arith.constant 256 : index
    %swap3A_2191 = tpu.vector_load %arg5[%swap3A_2189, %swap3A_2190] {strides = array<i32>} : memref<12x512xf32, #tpu.memory_space<vmem>>, vector<1x16xf32>,
    %swap3A_2192 = vector.shape_cast %swap3A_2191 : vector<1x16xf32> to vector<16xf32>
    %swap3A_2193 = vector.shape_cast %add3A_2187 : vector<16xf32> to vector<1x16xf32>
    tpu.vector_store %arg5[%swap3A_2189, %swap3A_2190], %swap3A_2193 {strides = array<i32>} : memref<12x512xf32, #tpu.memory_space<vmem>>, vector<1x16xf32>,
    %swap3A_2194 = arith.constant 1 : i32
    %swap3A_2195 = arith.index_cast %swap3A_2194 : i32 to index
    %swap3A_2196 = arith.constant 256 : index
    %swap3A_2197 = tpu.vector_load %arg5[%swap3A_2195, %swap3A_2196] {strides = array<i32>} : memref<12x512xf32, #tpu.memory_space<vmem>>, vector<1x16xf32>,
    %swap3A_2198 = vector.shape_cast %swap3A_2197 : vector<1x16xf32> to vector<16xf32>
    %swap3A_2199 = vector.shape_cast %add3A_2187 : vector<16xf32> to vector<1x16xf32>
    tpu.vector_store %arg5[%swap3A_2195, %swap3A_2196], %swap3A_2199 {strides = array<i32>} : memref<12x512xf32, #tpu.memory_space<vmem>>, vector<1x16xf32>,
    %swap3A_2200 = arith.constant 2 : i32
    %swap3A_2201 = arith.index_cast %swap3A_2200 : i32 to index
    %swap3A_2202 = arith.constant 256 : index
    %swap3A_2203 = tpu.vector_load %arg5[%swap3A_2201, %swap3A_2202] {strides = array<i32>} : memref<12x512xf32, #tpu.memory_space<vmem>>, vector<1x16xf32>,
    %swap3A_2204 = vector.shape_cast %swap3A_2203 : vector<1x16xf32> to vector<16xf32>
    %swap3A_2205 = vector.shape_cast %add3A_2187 : vector<16xf32> to vector<1x16xf32>
    tpu.vector_store %arg5[%swap3A_2201, %swap3A_2202], %swap3A_2205 {strides = array<i32>} : memref<12x512xf32, #tpu.memory_space<vmem>>, vector<1x16xf32>,
    %swap3A_2206 = arith.constant 3 : i32
    %swap3A_2207 = arith.index_cast %swap3A_2206 : i32 to index
    %swap3A_2208 = arith.constant 256 : index
    %swap3A_2209 = tpu.vector_load %arg5[%swap3A_2207, %swap3A_2208] {strides = array<i32>} : memref<12x512xf32, #tpu.memory_space<vmem>>, vector<1x16xf32>,
    %swap3A_2210 = vector.shape_cast %swap3A_2209 : vector<1x16xf32> to vector<16xf32>
    %swap3A_2211 = vector.shape_cast %add3A_2187 : vector<16xf32> to vector<1x16xf32>
    tpu.vector_store %arg5[%swap3A_2207, %swap3A_2208], %swap3A_2211 {strides = array<i32>} : memref<12x512xf32, #tpu.memory_space<vmem>>, vector<1x16xf32>,
    %swap3A_2212 = arith.constant 4 : i32
    %swap3A_2213 = arith.index_cast %swap3A_2212 : i32 to index
    %swap3A_2214 = arith.constant 256 : index
    %swap3A_2215 = tpu.vector_load %arg5[%swap3A_2213, %swap3A_2214] {strides = array<i32>} : memref<12x512xf32, #tpu.memory_space<vmem>>, vector<1x16xf32>,
    %swap3A_2216 = vector.shape_cast %swap3A_2215 : vector<1x16xf32> to vector<16xf32>
    %swap3A_2217 = vector.shape_cast %add3A_2187 : vector<16xf32> to vector<1x16xf32>
    tpu.vector_store %arg5[%swap3A_2213, %swap3A_2214], %swap3A_2217 {strides = array<i32>} : memref<12x512xf32, #tpu.memory_space<vmem>>, vector<1x16xf32>,
    %swap3A_2218 = arith.constant 5 : i32
    %swap3A_2219 = arith.index_cast %swap3A_2218 : i32 to index
    %swap3A_2220 = arith.constant 256 : index
    %swap3A_2221 = tpu.vector_load %arg5[%swap3A_2219, %swap3A_2220] {strides = array<i32>} : memref<12x512xf32, #tpu.memory_space<vmem>>, vector<1x16xf32>,
    %swap3A_2222 = vector.shape_cast %swap3A_2221 : vector<1x16xf32> to vector<16xf32>
    %swap3A_2223 = vector.shape_cast %add3A_2187 : vector<16xf32> to vector<1x16xf32>
    tpu.vector_store %arg5[%swap3A_2219, %swap3A_2220], %swap3A_2223 {strides = array<i32>} : memref<12x512xf32, #tpu.memory_space<vmem>>, vector<1x16xf32>,
    %swap3A_2224 = arith.constant 6 : i32
    %swap3A_2225 = arith.index_cast %swap3A_2224 : i32 to index
    %swap3A_2226 = arith.constant 256 : index
    %swap3A_2227 = tpu.vector_load %arg5[%swap3A_2225, %swap3A_2226] {strides = array<i32>} : memref<12x512xf32, #tpu.memory_space<vmem>>, vector<1x16xf32>,
    %swap3A_2228 = vector.shape_cast %swap3A_2227 : vector<1x16xf32> to vector<16xf32>
    %swap3A_2229 = vector.shape_cast %add3A_2187 : vector<16xf32> to vector<1x16xf32>
    tpu.vector_store %arg5[%swap3A_2225, %swap3A_2226], %swap3A_2229 {strides = array<i32>} : memref<12x512xf32, #tpu.memory_space<vmem>>, vector<1x16xf32>,
    %swap3A_2230 = arith.constant 7 : i32
    %swap3A_2231 = arith.index_cast %swap3A_2230 : i32 to index
    %swap3A_2232 = arith.constant 256 : index
    %swap3A_2233 = tpu.vector_load %arg5[%swap3A_2231, %swap3A_2232] {strides = array<i32>} : memref<12x512xf32, #tpu.memory_space<vmem>>, vector<1x16xf32>,
    %swap3A_2234 = vector.shape_cast %swap3A_2233 : vector<1x16xf32> to vector<16xf32>
    %swap3A_2235 = vector.shape_cast %add3A_2187 : vector<16xf32> to vector<1x16xf32>
    tpu.vector_store %arg5[%swap3A_2231, %swap3A_2232], %swap3A_2235 {strides = array<i32>} : memref<12x512xf32, #tpu.memory_space<vmem>>, vector<1x16xf32>,
    %swap3A_2236 = arith.constant 8 : i32
    %swap3A_2237 = arith.index_cast %swap3A_2236 : i32 to index
    %swap3A_2238 = arith.constant 256 : index
    %swap3A_2239 = tpu.vector_load %arg5[%swap3A_2237, %swap3A_2238] {strides = array<i32>} : memref<12x512xf32, #tpu.memory_space<vmem>>, vector<1x16xf32>,
    %swap3A_2240 = vector.shape_cast %swap3A_2239 : vector<1x16xf32> to vector<16xf32>
    %swap3A_2241 = vector.shape_cast %add3A_2187 : vector<16xf32> to vector<1x16xf32>
    tpu.vector_store %arg5[%swap3A_2237, %swap3A_2238], %swap3A_2241 {strides = array<i32>} : memref<12x512xf32, #tpu.memory_space<vmem>>, vector<1x16xf32>,
    %swap3A_2242 = arith.constant 9 : i32
    %swap3A_2243 = arith.index_cast %swap3A_2242 : i32 to index
    %swap3A_2244 = arith.constant 256 : index
    %swap3A_2245 = tpu.vector_load %arg5[%swap3A_2243, %swap3A_2244] {strides = array<i32>} : memref<12x512xf32, #tpu.memory_space<vmem>>, vector<1x16xf32>,
    %swap3A_2246 = vector.shape_cast %swap3A_2245 : vector<1x16xf32> to vector<16xf32>
    %swap3A_2247 = vector.shape_cast %add3A_2187 : vector<16xf32> to vector<1x16xf32>
    tpu.vector_store %arg5[%swap3A_2243, %swap3A_2244], %swap3A_2247 {strides = array<i32>} : memref<12x512xf32, #tpu.memory_space<vmem>>, vector<1x16xf32>,
    %swap3A_2248 = arith.constant 10 : i32
    %swap3A_2249 = arith.index_cast %swap3A_2248 : i32 to index
    %swap3A_2250 = arith.constant 256 : index
    %swap3A_2251 = tpu.vector_load %arg5[%swap3A_2249, %swap3A_2250] {strides = array<i32>} : memref<12x512xf32, #tpu.memory_space<vmem>>, vector<1x16xf32>,
    %swap3A_2252 = vector.shape_cast %swap3A_2251 : vector<1x16xf32> to vector<16xf32>
    %swap3A_2253 = vector.shape_cast %add3A_2187 : vector<16xf32> to vector<1x16xf32>
    tpu.vector_store %arg5[%swap3A_2249, %swap3A_2250], %swap3A_2253 {strides = array<i32>} : memref<12x512xf32, #tpu.memory_space<vmem>>, vector<1x16xf32>,
    %swap3A_2254 = arith.constant 11 : i32
    %swap3A_2255 = arith.index_cast %swap3A_2254 : i32 to index
    %swap3A_2256 = arith.constant 256 : index
    %swap3A_2257 = tpu.vector_load %arg5[%swap3A_2255, %swap3A_2256] {strides = array<i32>} : memref<12x512xf32, #tpu.memory_space<vmem>>, vector<1x16xf32>,
    %swap3A_2258 = vector.shape_cast %swap3A_2257 : vector<1x16xf32> to vector<16xf32>
    %swap3A_2259 = vector.shape_cast %add3A_2187 : vector<16xf32> to vector<1x16xf32>
    tpu.vector_store %arg5[%swap3A_2255, %swap3A_2256], %swap3A_2259 {strides = array<i32>} : memref<12x512xf32, #tpu.memory_space<vmem>>, vector<1x16xf32>,
    %get3A_2260 = arith.constant 0 : i32
    %get3A_2261 = arith.index_cast %get3A_2260 : i32 to index
    %get3A_2262 = arith.constant 272 : index
    %get3A_2263 = tpu.vector_load %arg4[%get3A_2261, %get3A_2262] {strides = array<i32>} : memref<8x512xf32, #tpu.memory_space<vmem>>, vector<1x16xf32>,
    %get3A_2264 = vector.shape_cast %get3A_2263 : vector<1x16xf32> to vector<16xf32>
    %get3A_2265 = arith.constant 1 : i32
    %get3A_2266 = arith.index_cast %get3A_2265 : i32 to index
    %get3A_2267 = arith.constant 272 : index
    %get3A_2268 = tpu.vector_load %arg4[%get3A_2266, %get3A_2267] {strides = array<i32>} : memref<8x512xf32, #tpu.memory_space<vmem>>, vector<1x16xf32>,
    %get3A_2269 = vector.shape_cast %get3A_2268 : vector<1x16xf32> to vector<16xf32>
    %add3A_2270 = arith.addf %get3A_2264, %get3A_2269 : vector<16xf32>
    %get3A_2271 = arith.constant 2 : i32
    %get3A_2272 = arith.index_cast %get3A_2271 : i32 to index
    %get3A_2273 = arith.constant 272 : index
    %get3A_2274 = tpu.vector_load %arg4[%get3A_2272, %get3A_2273] {strides = array<i32>} : memref<8x512xf32, #tpu.memory_space<vmem>>, vector<1x16xf32>,
    %get3A_2275 = vector.shape_cast %get3A_2274 : vector<1x16xf32> to vector<16xf32>
    %add3A_2276 = arith.addf %add3A_2270, %get3A_2275 : vector<16xf32>
    %get3A_2277 = arith.constant 3 : i32
    %get3A_2278 = arith.index_cast %get3A_2277 : i32 to index
    %get3A_2279 = arith.constant 272 : index
    %get3A_2280 = tpu.vector_load %arg4[%get3A_2278, %get3A_2279] {strides = array<i32>} : memref<8x512xf32, #tpu.memory_space<vmem>>, vector<1x16xf32>,
    %get3A_2281 = vector.shape_cast %get3A_2280 : vector<1x16xf32> to vector<16xf32>
    %add3A_2282 = arith.addf %add3A_2276, %get3A_2281 : vector<16xf32>
    %get3A_2283 = arith.constant 4 : i32
    %get3A_2284 = arith.index_cast %get3A_2283 : i32 to index
    %get3A_2285 = arith.constant 272 : index
    %get3A_2286 = tpu.vector_load %arg4[%get3A_2284, %get3A_2285] {strides = array<i32>} : memref<8x512xf32, #tpu.memory_space<vmem>>, vector<1x16xf32>,
    %get3A_2287 = vector.shape_cast %get3A_2286 : vector<1x16xf32> to vector<16xf32>
    %add3A_2288 = arith.addf %add3A_2282, %get3A_2287 : vector<16xf32>
    %get3A_2289 = arith.constant 5 : i32
    %get3A_2290 = arith.index_cast %get3A_2289 : i32 to index
    %get3A_2291 = arith.constant 272 : index
    %get3A_2292 = tpu.vector_load %arg4[%get3A_2290, %get3A_2291] {strides = array<i32>} : memref<8x512xf32, #tpu.memory_space<vmem>>, vector<1x16xf32>,
    %get3A_2293 = vector.shape_cast %get3A_2292 : vector<1x16xf32> to vector<16xf32>
    %add3A_2294 = arith.addf %add3A_2288, %get3A_2293 : vector<16xf32>
    %get3A_2295 = arith.constant 6 : i32
    %get3A_2296 = arith.index_cast %get3A_2295 : i32 to index
    %get3A_2297 = arith.constant 272 : index
    %get3A_2298 = tpu.vector_load %arg4[%get3A_2296, %get3A_2297] {strides = array<i32>} : memref<8x512xf32, #tpu.memory_space<vmem>>, vector<1x16xf32>,
    %get3A_2299 = vector.shape_cast %get3A_2298 : vector<1x16xf32> to vector<16xf32>
    %add3A_2300 = arith.addf %add3A_2294, %get3A_2299 : vector<16xf32>
    %get3A_2301 = arith.constant 7 : i32
    %get3A_2302 = arith.index_cast %get3A_2301 : i32 to index
    %get3A_2303 = arith.constant 272 : index
    %get3A_2304 = tpu.vector_load %arg4[%get3A_2302, %get3A_2303] {strides = array<i32>} : memref<8x512xf32, #tpu.memory_space<vmem>>, vector<1x16xf32>,
    %get3A_2305 = vector.shape_cast %get3A_2304 : vector<1x16xf32> to vector<16xf32>
    %add3A_2306 = arith.addf %add3A_2300, %get3A_2305 : vector<16xf32>
    %swap3A_2307 = arith.constant 0 : i32
    %swap3A_2308 = arith.index_cast %swap3A_2307 : i32 to index
    %swap3A_2309 = arith.constant 272 : index
    %swap3A_2310 = tpu.vector_load %arg5[%swap3A_2308, %swap3A_2309] {strides = array<i32>} : memref<12x512xf32, #tpu.memory_space<vmem>>, vector<1x16xf32>,
    %swap3A_2311 = vector.shape_cast %swap3A_2310 : vector<1x16xf32> to vector<16xf32>
    %swap3A_2312 = vector.shape_cast %add3A_2306 : vector<16xf32> to vector<1x16xf32>
    tpu.vector_store %arg5[%swap3A_2308, %swap3A_2309], %swap3A_2312 {strides = array<i32>} : memref<12x512xf32, #tpu.memory_space<vmem>>, vector<1x16xf32>,
    %swap3A_2313 = arith.constant 1 : i32
    %swap3A_2314 = arith.index_cast %swap3A_2313 : i32 to index
    %swap3A_2315 = arith.constant 272 : index
    %swap3A_2316 = tpu.vector_load %arg5[%swap3A_2314, %swap3A_2315] {strides = array<i32>} : memref<12x512xf32, #tpu.memory_space<vmem>>, vector<1x16xf32>,
    %swap3A_2317 = vector.shape_cast %swap3A_2316 : vector<1x16xf32> to vector<16xf32>
    %swap3A_2318 = vector.shape_cast %add3A_2306 : vector<16xf32> to vector<1x16xf32>
    tpu.vector_store %arg5[%swap3A_2314, %swap3A_2315], %swap3A_2318 {strides = array<i32>} : memref<12x512xf32, #tpu.memory_space<vmem>>, vector<1x16xf32>,
    %swap3A_2319 = arith.constant 2 : i32
    %swap3A_2320 = arith.index_cast %swap3A_2319 : i32 to index
    %swap3A_2321 = arith.constant 272 : index
    %swap3A_2322 = tpu.vector_load %arg5[%swap3A_2320, %swap3A_2321] {strides = array<i32>} : memref<12x512xf32, #tpu.memory_space<vmem>>, vector<1x16xf32>,
    %swap3A_2323 = vector.shape_cast %swap3A_2322 : vector<1x16xf32> to vector<16xf32>
    %swap3A_2324 = vector.shape_cast %add3A_2306 : vector<16xf32> to vector<1x16xf32>
    tpu.vector_store %arg5[%swap3A_2320, %swap3A_2321], %swap3A_2324 {strides = array<i32>} : memref<12x512xf32, #tpu.memory_space<vmem>>, vector<1x16xf32>,
    %swap3A_2325 = arith.constant 3 : i32
    %swap3A_2326 = arith.index_cast %swap3A_2325 : i32 to index
    %swap3A_2327 = arith.constant 272 : index
    %swap3A_2328 = tpu.vector_load %arg5[%swap3A_2326, %swap3A_2327] {strides = array<i32>} : memref<12x512xf32, #tpu.memory_space<vmem>>, vector<1x16xf32>,
    %swap3A_2329 = vector.shape_cast %swap3A_2328 : vector<1x16xf32> to vector<16xf32>
    %swap3A_2330 = vector.shape_cast %add3A_2306 : vector<16xf32> to vector<1x16xf32>
    tpu.vector_store %arg5[%swap3A_2326, %swap3A_2327], %swap3A_2330 {strides = array<i32>} : memref<12x512xf32, #tpu.memory_space<vmem>>, vector<1x16xf32>,
    %swap3A_2331 = arith.constant 4 : i32
    %swap3A_2332 = arith.index_cast %swap3A_2331 : i32 to index
    %swap3A_2333 = arith.constant 272 : index
    %swap3A_2334 = tpu.vector_load %arg5[%swap3A_2332, %swap3A_2333] {strides = array<i32>} : memref<12x512xf32, #tpu.memory_space<vmem>>, vector<1x16xf32>,
    %swap3A_2335 = vector.shape_cast %swap3A_2334 : vector<1x16xf32> to vector<16xf32>
    %swap3A_2336 = vector.shape_cast %add3A_2306 : vector<16xf32> to vector<1x16xf32>
    tpu.vector_store %arg5[%swap3A_2332, %swap3A_2333], %swap3A_2336 {strides = array<i32>} : memref<12x512xf32, #tpu.memory_space<vmem>>, vector<1x16xf32>,
    %swap3A_2337 = arith.constant 5 : i32
    %swap3A_2338 = arith.index_cast %swap3A_2337 : i32 to index
    %swap3A_2339 = arith.constant 272 : index
    %swap3A_2340 = tpu.vector_load %arg5[%swap3A_2338, %swap3A_2339] {strides = array<i32>} : memref<12x512xf32, #tpu.memory_space<vmem>>, vector<1x16xf32>,
    %swap3A_2341 = vector.shape_cast %swap3A_2340 : vector<1x16xf32> to vector<16xf32>
    %swap3A_2342 = vector.shape_cast %add3A_2306 : vector<16xf32> to vector<1x16xf32>
    tpu.vector_store %arg5[%swap3A_2338, %swap3A_2339], %swap3A_2342 {strides = array<i32>} : memref<12x512xf32, #tpu.memory_space<vmem>>, vector<1x16xf32>,
    %swap3A_2343 = arith.constant 6 : i32
    %swap3A_2344 = arith.index_cast %swap3A_2343 : i32 to index
    %swap3A_2345 = arith.constant 272 : index
    %swap3A_2346 = tpu.vector_load %arg5[%swap3A_2344, %swap3A_2345] {strides = array<i32>} : memref<12x512xf32, #tpu.memory_space<vmem>>, vector<1x16xf32>,
    %swap3A_2347 = vector.shape_cast %swap3A_2346 : vector<1x16xf32> to vector<16xf32>
    %swap3A_2348 = vector.shape_cast %add3A_2306 : vector<16xf32> to vector<1x16xf32>
    tpu.vector_store %arg5[%swap3A_2344, %swap3A_2345], %swap3A_2348 {strides = array<i32>} : memref<12x512xf32, #tpu.memory_space<vmem>>, vector<1x16xf32>,
    %swap3A_2349 = arith.constant 7 : i32
    %swap3A_2350 = arith.index_cast %swap3A_2349 : i32 to index
    %swap3A_2351 = arith.constant 272 : index
    %swap3A_2352 = tpu.vector_load %arg5[%swap3A_2350, %swap3A_2351] {strides = array<i32>} : memref<12x512xf32, #tpu.memory_space<vmem>>, vector<1x16xf32>,
    %swap3A_2353 = vector.shape_cast %swap3A_2352 : vector<1x16xf32> to vector<16xf32>
    %swap3A_2354 = vector.shape_cast %add3A_2306 : vector<16xf32> to vector<1x16xf32>
    tpu.vector_store %arg5[%swap3A_2350, %swap3A_2351], %swap3A_2354 {strides = array<i32>} : memref<12x512xf32, #tpu.memory_space<vmem>>, vector<1x16xf32>,
    %swap3A_2355 = arith.constant 8 : i32
    %swap3A_2356 = arith.index_cast %swap3A_2355 : i32 to index
    %swap3A_2357 = arith.constant 272 : index
    %swap3A_2358 = tpu.vector_load %arg5[%swap3A_2356, %swap3A_2357] {strides = array<i32>} : memref<12x512xf32, #tpu.memory_space<vmem>>, vector<1x16xf32>,
    %swap3A_2359 = vector.shape_cast %swap3A_2358 : vector<1x16xf32> to vector<16xf32>
    %swap3A_2360 = vector.shape_cast %add3A_2306 : vector<16xf32> to vector<1x16xf32>
    tpu.vector_store %arg5[%swap3A_2356, %swap3A_2357], %swap3A_2360 {strides = array<i32>} : memref<12x512xf32, #tpu.memory_space<vmem>>, vector<1x16xf32>,
    %swap3A_2361 = arith.constant 9 : i32
    %swap3A_2362 = arith.index_cast %swap3A_2361 : i32 to index
    %swap3A_2363 = arith.constant 272 : index
    %swap3A_2364 = tpu.vector_load %arg5[%swap3A_2362, %swap3A_2363] {strides = array<i32>} : memref<12x512xf32, #tpu.memory_space<vmem>>, vector<1x16xf32>,
    %swap3A_2365 = vector.shape_cast %swap3A_2364 : vector<1x16xf32> to vector<16xf32>
    %swap3A_2366 = vector.shape_cast %add3A_2306 : vector<16xf32> to vector<1x16xf32>
    tpu.vector_store %arg5[%swap3A_2362, %swap3A_2363], %swap3A_2366 {strides = array<i32>} : memref<12x512xf32, #tpu.memory_space<vmem>>, vector<1x16xf32>,
    %swap3A_2367 = arith.constant 10 : i32
    %swap3A_2368 = arith.index_cast %swap3A_2367 : i32 to index
    %swap3A_2369 = arith.constant 272 : index
    %swap3A_2370 = tpu.vector_load %arg5[%swap3A_2368, %swap3A_2369] {strides = array<i32>} : memref<12x512xf32, #tpu.memory_space<vmem>>, vector<1x16xf32>,
    %swap3A_2371 = vector.shape_cast %swap3A_2370 : vector<1x16xf32> to vector<16xf32>
    %swap3A_2372 = vector.shape_cast %add3A_2306 : vector<16xf32> to vector<1x16xf32>
    tpu.vector_store %arg5[%swap3A_2368, %swap3A_2369], %swap3A_2372 {strides = array<i32>} : memref<12x512xf32, #tpu.memory_space<vmem>>, vector<1x16xf32>,
    %swap3A_2373 = arith.constant 11 : i32
    %swap3A_2374 = arith.index_cast %swap3A_2373 : i32 to index
    %swap3A_2375 = arith.constant 272 : index
    %swap3A_2376 = tpu.vector_load %arg5[%swap3A_2374, %swap3A_2375] {strides = array<i32>} : memref<12x512xf32, #tpu.memory_space<vmem>>, vector<1x16xf32>,
    %swap3A_2377 = vector.shape_cast %swap3A_2376 : vector<1x16xf32> to vector<16xf32>
    %swap3A_2378 = vector.shape_cast %add3A_2306 : vector<16xf32> to vector<1x16xf32>
    tpu.vector_store %arg5[%swap3A_2374, %swap3A_2375], %swap3A_2378 {strides = array<i32>} : memref<12x512xf32, #tpu.memory_space<vmem>>, vector<1x16xf32>,
    %get3A_2379 = arith.constant 0 : i32
    %get3A_2380 = arith.index_cast %get3A_2379 : i32 to index
    %get3A_2381 = arith.constant 288 : index
    %get3A_2382 = tpu.vector_load %arg4[%get3A_2380, %get3A_2381] {strides = array<i32>} : memref<8x512xf32, #tpu.memory_space<vmem>>, vector<1x16xf32>,
    %get3A_2383 = vector.shape_cast %get3A_2382 : vector<1x16xf32> to vector<16xf32>
    %get3A_2384 = arith.constant 1 : i32
    %get3A_2385 = arith.index_cast %get3A_2384 : i32 to index
    %get3A_2386 = arith.constant 288 : index
    %get3A_2387 = tpu.vector_load %arg4[%get3A_2385, %get3A_2386] {strides = array<i32>} : memref<8x512xf32, #tpu.memory_space<vmem>>, vector<1x16xf32>,
    %get3A_2388 = vector.shape_cast %get3A_2387 : vector<1x16xf32> to vector<16xf32>
    %add3A_2389 = arith.addf %get3A_2383, %get3A_2388 : vector<16xf32>
    %get3A_2390 = arith.constant 2 : i32
    %get3A_2391 = arith.index_cast %get3A_2390 : i32 to index
    %get3A_2392 = arith.constant 288 : index
    %get3A_2393 = tpu.vector_load %arg4[%get3A_2391, %get3A_2392] {strides = array<i32>} : memref<8x512xf32, #tpu.memory_space<vmem>>, vector<1x16xf32>,
    %get3A_2394 = vector.shape_cast %get3A_2393 : vector<1x16xf32> to vector<16xf32>
    %add3A_2395 = arith.addf %add3A_2389, %get3A_2394 : vector<16xf32>
    %get3A_2396 = arith.constant 3 : i32
    %get3A_2397 = arith.index_cast %get3A_2396 : i32 to index
    %get3A_2398 = arith.constant 288 : index
    %get3A_2399 = tpu.vector_load %arg4[%get3A_2397, %get3A_2398] {strides = array<i32>} : memref<8x512xf32, #tpu.memory_space<vmem>>, vector<1x16xf32>,
    %get3A_2400 = vector.shape_cast %get3A_2399 : vector<1x16xf32> to vector<16xf32>
    %add3A_2401 = arith.addf %add3A_2395, %get3A_2400 : vector<16xf32>
    %get3A_2402 = arith.constant 4 : i32
    %get3A_2403 = arith.index_cast %get3A_2402 : i32 to index
    %get3A_2404 = arith.constant 288 : index
    %get3A_2405 = tpu.vector_load %arg4[%get3A_2403, %get3A_2404] {strides = array<i32>} : memref<8x512xf32, #tpu.memory_space<vmem>>, vector<1x16xf32>,
    %get3A_2406 = vector.shape_cast %get3A_2405 : vector<1x16xf32> to vector<16xf32>
    %add3A_2407 = arith.addf %add3A_2401, %get3A_2406 : vector<16xf32>
    %get3A_2408 = arith.constant 5 : i32
    %get3A_2409 = arith.index_cast %get3A_2408 : i32 to index
    %get3A_2410 = arith.constant 288 : index
    %get3A_2411 = tpu.vector_load %arg4[%get3A_2409, %get3A_2410] {strides = array<i32>} : memref<8x512xf32, #tpu.memory_space<vmem>>, vector<1x16xf32>,
    %get3A_2412 = vector.shape_cast %get3A_2411 : vector<1x16xf32> to vector<16xf32>
    %add3A_2413 = arith.addf %add3A_2407, %get3A_2412 : vector<16xf32>
    %get3A_2414 = arith.constant 6 : i32
    %get3A_2415 = arith.index_cast %get3A_2414 : i32 to index
    %get3A_2416 = arith.constant 288 : index
    %get3A_2417 = tpu.vector_load %arg4[%get3A_2415, %get3A_2416] {strides = array<i32>} : memref<8x512xf32, #tpu.memory_space<vmem>>, vector<1x16xf32>,
    %get3A_2418 = vector.shape_cast %get3A_2417 : vector<1x16xf32> to vector<16xf32>
    %add3A_2419 = arith.addf %add3A_2413, %get3A_2418 : vector<16xf32>
    %get3A_2420 = arith.constant 7 : i32
    %get3A_2421 = arith.index_cast %get3A_2420 : i32 to index
    %get3A_2422 = arith.constant 288 : index
    %get3A_2423 = tpu.vector_load %arg4[%get3A_2421, %get3A_2422] {strides = array<i32>} : memref<8x512xf32, #tpu.memory_space<vmem>>, vector<1x16xf32>,
    %get3A_2424 = vector.shape_cast %get3A_2423 : vector<1x16xf32> to vector<16xf32>
    %add3A_2425 = arith.addf %add3A_2419, %get3A_2424 : vector<16xf32>
    %swap3A_2426 = arith.constant 0 : i32
    %swap3A_2427 = arith.index_cast %swap3A_2426 : i32 to index
    %swap3A_2428 = arith.constant 288 : index
    %swap3A_2429 = tpu.vector_load %arg5[%swap3A_2427, %swap3A_2428] {strides = array<i32>} : memref<12x512xf32, #tpu.memory_space<vmem>>, vector<1x16xf32>,
    %swap3A_2430 = vector.shape_cast %swap3A_2429 : vector<1x16xf32> to vector<16xf32>
    %swap3A_2431 = vector.shape_cast %add3A_2425 : vector<16xf32> to vector<1x16xf32>
    tpu.vector_store %arg5[%swap3A_2427, %swap3A_2428], %swap3A_2431 {strides = array<i32>} : memref<12x512xf32, #tpu.memory_space<vmem>>, vector<1x16xf32>,
    %swap3A_2432 = arith.constant 1 : i32
    %swap3A_2433 = arith.index_cast %swap3A_2432 : i32 to index
    %swap3A_2434 = arith.constant 288 : index
    %swap3A_2435 = tpu.vector_load %arg5[%swap3A_2433, %swap3A_2434] {strides = array<i32>} : memref<12x512xf32, #tpu.memory_space<vmem>>, vector<1x16xf32>,
    %swap3A_2436 = vector.shape_cast %swap3A_2435 : vector<1x16xf32> to vector<16xf32>
    %swap3A_2437 = vector.shape_cast %add3A_2425 : vector<16xf32> to vector<1x16xf32>
    tpu.vector_store %arg5[%swap3A_2433, %swap3A_2434], %swap3A_2437 {strides = array<i32>} : memref<12x512xf32, #tpu.memory_space<vmem>>, vector<1x16xf32>,
    %swap3A_2438 = arith.constant 2 : i32
    %swap3A_2439 = arith.index_cast %swap3A_2438 : i32 to index
    %swap3A_2440 = arith.constant 288 : index
    %swap3A_2441 = tpu.vector_load %arg5[%swap3A_2439, %swap3A_2440] {strides = array<i32>} : memref<12x512xf32, #tpu.memory_space<vmem>>, vector<1x16xf32>,
    %swap3A_2442 = vector.shape_cast %swap3A_2441 : vector<1x16xf32> to vector<16xf32>
    %swap3A_2443 = vector.shape_cast %add3A_2425 : vector<16xf32> to vector<1x16xf32>
    tpu.vector_store %arg5[%swap3A_2439, %swap3A_2440], %swap3A_2443 {strides = array<i32>} : memref<12x512xf32, #tpu.memory_space<vmem>>, vector<1x16xf32>,
    %swap3A_2444 = arith.constant 3 : i32
    %swap3A_2445 = arith.index_cast %swap3A_2444 : i32 to index
    %swap3A_2446 = arith.constant 288 : index
    %swap3A_2447 = tpu.vector_load %arg5[%swap3A_2445, %swap3A_2446] {strides = array<i32>} : memref<12x512xf32, #tpu.memory_space<vmem>>, vector<1x16xf32>,
    %swap3A_2448 = vector.shape_cast %swap3A_2447 : vector<1x16xf32> to vector<16xf32>
    %swap3A_2449 = vector.shape_cast %add3A_2425 : vector<16xf32> to vector<1x16xf32>
    tpu.vector_store %arg5[%swap3A_2445, %swap3A_2446], %swap3A_2449 {strides = array<i32>} : memref<12x512xf32, #tpu.memory_space<vmem>>, vector<1x16xf32>,
    %swap3A_2450 = arith.constant 4 : i32
    %swap3A_2451 = arith.index_cast %swap3A_2450 : i32 to index
    %swap3A_2452 = arith.constant 288 : index
    %swap3A_2453 = tpu.vector_load %arg5[%swap3A_2451, %swap3A_2452] {strides = array<i32>} : memref<12x512xf32, #tpu.memory_space<vmem>>, vector<1x16xf32>,
    %swap3A_2454 = vector.shape_cast %swap3A_2453 : vector<1x16xf32> to vector<16xf32>
    %swap3A_2455 = vector.shape_cast %add3A_2425 : vector<16xf32> to vector<1x16xf32>
    tpu.vector_store %arg5[%swap3A_2451, %swap3A_2452], %swap3A_2455 {strides = array<i32>} : memref<12x512xf32, #tpu.memory_space<vmem>>, vector<1x16xf32>,
    %swap3A_2456 = arith.constant 5 : i32
    %swap3A_2457 = arith.index_cast %swap3A_2456 : i32 to index
    %swap3A_2458 = arith.constant 288 : index
    %swap3A_2459 = tpu.vector_load %arg5[%swap3A_2457, %swap3A_2458] {strides = array<i32>} : memref<12x512xf32, #tpu.memory_space<vmem>>, vector<1x16xf32>,
    %swap3A_2460 = vector.shape_cast %swap3A_2459 : vector<1x16xf32> to vector<16xf32>
    %swap3A_2461 = vector.shape_cast %add3A_2425 : vector<16xf32> to vector<1x16xf32>
    tpu.vector_store %arg5[%swap3A_2457, %swap3A_2458], %swap3A_2461 {strides = array<i32>} : memref<12x512xf32, #tpu.memory_space<vmem>>, vector<1x16xf32>,
    %swap3A_2462 = arith.constant 6 : i32
    %swap3A_2463 = arith.index_cast %swap3A_2462 : i32 to index
    %swap3A_2464 = arith.constant 288 : index
    %swap3A_2465 = tpu.vector_load %arg5[%swap3A_2463, %swap3A_2464] {strides = array<i32>} : memref<12x512xf32, #tpu.memory_space<vmem>>, vector<1x16xf32>,
    %swap3A_2466 = vector.shape_cast %swap3A_2465 : vector<1x16xf32> to vector<16xf32>
    %swap3A_2467 = vector.shape_cast %add3A_2425 : vector<16xf32> to vector<1x16xf32>
    tpu.vector_store %arg5[%swap3A_2463, %swap3A_2464], %swap3A_2467 {strides = array<i32>} : memref<12x512xf32, #tpu.memory_space<vmem>>, vector<1x16xf32>,
    %swap3A_2468 = arith.constant 7 : i32
    %swap3A_2469 = arith.index_cast %swap3A_2468 : i32 to index
    %swap3A_2470 = arith.constant 288 : index
    %swap3A_2471 = tpu.vector_load %arg5[%swap3A_2469, %swap3A_2470] {strides = array<i32>} : memref<12x512xf32, #tpu.memory_space<vmem>>, vector<1x16xf32>,
    %swap3A_2472 = vector.shape_cast %swap3A_2471 : vector<1x16xf32> to vector<16xf32>
    %swap3A_2473 = vector.shape_cast %add3A_2425 : vector<16xf32> to vector<1x16xf32>
    tpu.vector_store %arg5[%swap3A_2469, %swap3A_2470], %swap3A_2473 {strides = array<i32>} : memref<12x512xf32, #tpu.memory_space<vmem>>, vector<1x16xf32>,
    %swap3A_2474 = arith.constant 8 : i32
    %swap3A_2475 = arith.index_cast %swap3A_2474 : i32 to index
    %swap3A_2476 = arith.constant 288 : index
    %swap3A_2477 = tpu.vector_load %arg5[%swap3A_2475, %swap3A_2476] {strides = array<i32>} : memref<12x512xf32, #tpu.memory_space<vmem>>, vector<1x16xf32>,
    %swap3A_2478 = vector.shape_cast %swap3A_2477 : vector<1x16xf32> to vector<16xf32>
    %swap3A_2479 = vector.shape_cast %add3A_2425 : vector<16xf32> to vector<1x16xf32>
    tpu.vector_store %arg5[%swap3A_2475, %swap3A_2476], %swap3A_2479 {strides = array<i32>} : memref<12x512xf32, #tpu.memory_space<vmem>>, vector<1x16xf32>,
    %swap3A_2480 = arith.constant 9 : i32
    %swap3A_2481 = arith.index_cast %swap3A_2480 : i32 to index
    %swap3A_2482 = arith.constant 288 : index
    %swap3A_2483 = tpu.vector_load %arg5[%swap3A_2481, %swap3A_2482] {strides = array<i32>} : memref<12x512xf32, #tpu.memory_space<vmem>>, vector<1x16xf32>,
    %swap3A_2484 = vector.shape_cast %swap3A_2483 : vector<1x16xf32> to vector<16xf32>
    %swap3A_2485 = vector.shape_cast %add3A_2425 : vector<16xf32> to vector<1x16xf32>
    tpu.vector_store %arg5[%swap3A_2481, %swap3A_2482], %swap3A_2485 {strides = array<i32>} : memref<12x512xf32, #tpu.memory_space<vmem>>, vector<1x16xf32>,
    %swap3A_2486 = arith.constant 10 : i32
    %swap3A_2487 = arith.index_cast %swap3A_2486 : i32 to index
    %swap3A_2488 = arith.constant 288 : index
    %swap3A_2489 = tpu.vector_load %arg5[%swap3A_2487, %swap3A_2488] {strides = array<i32>} : memref<12x512xf32, #tpu.memory_space<vmem>>, vector<1x16xf32>,
    %swap3A_2490 = vector.shape_cast %swap3A_2489 : vector<1x16xf32> to vector<16xf32>
    %swap3A_2491 = vector.shape_cast %add3A_2425 : vector<16xf32> to vector<1x16xf32>
    tpu.vector_store %arg5[%swap3A_2487, %swap3A_2488], %swap3A_2491 {strides = array<i32>} : memref<12x512xf32, #tpu.memory_space<vmem>>, vector<1x16xf32>,
    %swap3A_2492 = arith.constant 11 : i32
    %swap3A_2493 = arith.index_cast %swap3A_2492 : i32 to index
    %swap3A_2494 = arith.constant 288 : index
    %swap3A_2495 = tpu.vector_load %arg5[%swap3A_2493, %swap3A_2494] {strides = array<i32>} : memref<12x512xf32, #tpu.memory_space<vmem>>, vector<1x16xf32>,
    %swap3A_2496 = vector.shape_cast %swap3A_2495 : vector<1x16xf32> to vector<16xf32>
    %swap3A_2497 = vector.shape_cast %add3A_2425 : vector<16xf32> to vector<1x16xf32>
    tpu.vector_store %arg5[%swap3A_2493, %swap3A_2494], %swap3A_2497 {strides = array<i32>} : memref<12x512xf32, #tpu.memory_space<vmem>>, vector<1x16xf32>,
    %get3A_2498 = arith.constant 0 : i32
    %get3A_2499 = arith.index_cast %get3A_2498 : i32 to index
    %get3A_2500 = arith.constant 304 : index
    %get3A_2501 = tpu.vector_load %arg4[%get3A_2499, %get3A_2500] {strides = array<i32>} : memref<8x512xf32, #tpu.memory_space<vmem>>, vector<1x16xf32>,
    %get3A_2502 = vector.shape_cast %get3A_2501 : vector<1x16xf32> to vector<16xf32>
    %get3A_2503 = arith.constant 1 : i32
    %get3A_2504 = arith.index_cast %get3A_2503 : i32 to index
    %get3A_2505 = arith.constant 304 : index
    %get3A_2506 = tpu.vector_load %arg4[%get3A_2504, %get3A_2505] {strides = array<i32>} : memref<8x512xf32, #tpu.memory_space<vmem>>, vector<1x16xf32>,
    %get3A_2507 = vector.shape_cast %get3A_2506 : vector<1x16xf32> to vector<16xf32>
    %add3A_2508 = arith.addf %get3A_2502, %get3A_2507 : vector<16xf32>
    %get3A_2509 = arith.constant 2 : i32
    %get3A_2510 = arith.index_cast %get3A_2509 : i32 to index
    %get3A_2511 = arith.constant 304 : index
    %get3A_2512 = tpu.vector_load %arg4[%get3A_2510, %get3A_2511] {strides = array<i32>} : memref<8x512xf32, #tpu.memory_space<vmem>>, vector<1x16xf32>,
    %get3A_2513 = vector.shape_cast %get3A_2512 : vector<1x16xf32> to vector<16xf32>
    %add3A_2514 = arith.addf %add3A_2508, %get3A_2513 : vector<16xf32>
    %get3A_2515 = arith.constant 3 : i32
    %get3A_2516 = arith.index_cast %get3A_2515 : i32 to index
    %get3A_2517 = arith.constant 304 : index
    %get3A_2518 = tpu.vector_load %arg4[%get3A_2516, %get3A_2517] {strides = array<i32>} : memref<8x512xf32, #tpu.memory_space<vmem>>, vector<1x16xf32>,
    %get3A_2519 = vector.shape_cast %get3A_2518 : vector<1x16xf32> to vector<16xf32>
    %add3A_2520 = arith.addf %add3A_2514, %get3A_2519 : vector<16xf32>
    %get3A_2521 = arith.constant 4 : i32
    %get3A_2522 = arith.index_cast %get3A_2521 : i32 to index
    %get3A_2523 = arith.constant 304 : index
    %get3A_2524 = tpu.vector_load %arg4[%get3A_2522, %get3A_2523] {strides = array<i32>} : memref<8x512xf32, #tpu.memory_space<vmem>>, vector<1x16xf32>,
    %get3A_2525 = vector.shape_cast %get3A_2524 : vector<1x16xf32> to vector<16xf32>
    %add3A_2526 = arith.addf %add3A_2520, %get3A_2525 : vector<16xf32>
    %get3A_2527 = arith.constant 5 : i32
    %get3A_2528 = arith.index_cast %get3A_2527 : i32 to index
    %get3A_2529 = arith.constant 304 : index
    %get3A_2530 = tpu.vector_load %arg4[%get3A_2528, %get3A_2529] {strides = array<i32>} : memref<8x512xf32, #tpu.memory_space<vmem>>, vector<1x16xf32>,
    %get3A_2531 = vector.shape_cast %get3A_2530 : vector<1x16xf32> to vector<16xf32>
    %add3A_2532 = arith.addf %add3A_2526, %get3A_2531 : vector<16xf32>
    %get3A_2533 = arith.constant 6 : i32
    %get3A_2534 = arith.index_cast %get3A_2533 : i32 to index
    %get3A_2535 = arith.constant 304 : index
    %get3A_2536 = tpu.vector_load %arg4[%get3A_2534, %get3A_2535] {strides = array<i32>} : memref<8x512xf32, #tpu.memory_space<vmem>>, vector<1x16xf32>,
    %get3A_2537 = vector.shape_cast %get3A_2536 : vector<1x16xf32> to vector<16xf32>
    %add3A_2538 = arith.addf %add3A_2532, %get3A_2537 : vector<16xf32>
    %get3A_2539 = arith.constant 7 : i32
    %get3A_2540 = arith.index_cast %get3A_2539 : i32 to index
    %get3A_2541 = arith.constant 304 : index
    %get3A_2542 = tpu.vector_load %arg4[%get3A_2540, %get3A_2541] {strides = array<i32>} : memref<8x512xf32, #tpu.memory_space<vmem>>, vector<1x16xf32>,
    %get3A_2543 = vector.shape_cast %get3A_2542 : vector<1x16xf32> to vector<16xf32>
    %add3A_2544 = arith.addf %add3A_2538, %get3A_2543 : vector<16xf32>
    %swap3A_2545 = arith.constant 0 : i32
    %swap3A_2546 = arith.index_cast %swap3A_2545 : i32 to index
    %swap3A_2547 = arith.constant 304 : index
    %swap3A_2548 = tpu.vector_load %arg5[%swap3A_2546, %swap3A_2547] {strides = array<i32>} : memref<12x512xf32, #tpu.memory_space<vmem>>, vector<1x16xf32>,
    %swap3A_2549 = vector.shape_cast %swap3A_2548 : vector<1x16xf32> to vector<16xf32>
    %swap3A_2550 = vector.shape_cast %add3A_2544 : vector<16xf32> to vector<1x16xf32>
    tpu.vector_store %arg5[%swap3A_2546, %swap3A_2547], %swap3A_2550 {strides = array<i32>} : memref<12x512xf32, #tpu.memory_space<vmem>>, vector<1x16xf32>,
    %swap3A_2551 = arith.constant 1 : i32
    %swap3A_2552 = arith.index_cast %swap3A_2551 : i32 to index
    %swap3A_2553 = arith.constant 304 : index
    %swap3A_2554 = tpu.vector_load %arg5[%swap3A_2552, %swap3A_2553] {strides = array<i32>} : memref<12x512xf32, #tpu.memory_space<vmem>>, vector<1x16xf32>,
    %swap3A_2555 = vector.shape_cast %swap3A_2554 : vector<1x16xf32> to vector<16xf32>
    %swap3A_2556 = vector.shape_cast %add3A_2544 : vector<16xf32> to vector<1x16xf32>
    tpu.vector_store %arg5[%swap3A_2552, %swap3A_2553], %swap3A_2556 {strides = array<i32>} : memref<12x512xf32, #tpu.memory_space<vmem>>, vector<1x16xf32>,
    %swap3A_2557 = arith.constant 2 : i32
    %swap3A_2558 = arith.index_cast %swap3A_2557 : i32 to index
    %swap3A_2559 = arith.constant 304 : index
    %swap3A_2560 = tpu.vector_load %arg5[%swap3A_2558, %swap3A_2559] {strides = array<i32>} : memref<12x512xf32, #tpu.memory_space<vmem>>, vector<1x16xf32>,
    %swap3A_2561 = vector.shape_cast %swap3A_2560 : vector<1x16xf32> to vector<16xf32>
    %swap3A_2562 = vector.shape_cast %add3A_2544 : vector<16xf32> to vector<1x16xf32>
    tpu.vector_store %arg5[%swap3A_2558, %swap3A_2559], %swap3A_2562 {strides = array<i32>} : memref<12x512xf32, #tpu.memory_space<vmem>>, vector<1x16xf32>,
    %swap3A_2563 = arith.constant 3 : i32
    %swap3A_2564 = arith.index_cast %swap3A_2563 : i32 to index
    %swap3A_2565 = arith.constant 304 : index
    %swap3A_2566 = tpu.vector_load %arg5[%swap3A_2564, %swap3A_2565] {strides = array<i32>} : memref<12x512xf32, #tpu.memory_space<vmem>>, vector<1x16xf32>,
    %swap3A_2567 = vector.shape_cast %swap3A_2566 : vector<1x16xf32> to vector<16xf32>
    %swap3A_2568 = vector.shape_cast %add3A_2544 : vector<16xf32> to vector<1x16xf32>
    tpu.vector_store %arg5[%swap3A_2564, %swap3A_2565], %swap3A_2568 {strides = array<i32>} : memref<12x512xf32, #tpu.memory_space<vmem>>, vector<1x16xf32>,
    %swap3A_2569 = arith.constant 4 : i32
    %swap3A_2570 = arith.index_cast %swap3A_2569 : i32 to index
    %swap3A_2571 = arith.constant 304 : index
    %swap3A_2572 = tpu.vector_load %arg5[%swap3A_2570, %swap3A_2571] {strides = array<i32>} : memref<12x512xf32, #tpu.memory_space<vmem>>, vector<1x16xf32>,
    %swap3A_2573 = vector.shape_cast %swap3A_2572 : vector<1x16xf32> to vector<16xf32>
    %swap3A_2574 = vector.shape_cast %add3A_2544 : vector<16xf32> to vector<1x16xf32>
    tpu.vector_store %arg5[%swap3A_2570, %swap3A_2571], %swap3A_2574 {strides = array<i32>} : memref<12x512xf32, #tpu.memory_space<vmem>>, vector<1x16xf32>,
    %swap3A_2575 = arith.constant 5 : i32
    %swap3A_2576 = arith.index_cast %swap3A_2575 : i32 to index
    %swap3A_2577 = arith.constant 304 : index
    %swap3A_2578 = tpu.vector_load %arg5[%swap3A_2576, %swap3A_2577] {strides = array<i32>} : memref<12x512xf32, #tpu.memory_space<vmem>>, vector<1x16xf32>,
    %swap3A_2579 = vector.shape_cast %swap3A_2578 : vector<1x16xf32> to vector<16xf32>
    %swap3A_2580 = vector.shape_cast %add3A_2544 : vector<16xf32> to vector<1x16xf32>
    tpu.vector_store %arg5[%swap3A_2576, %swap3A_2577], %swap3A_2580 {strides = array<i32>} : memref<12x512xf32, #tpu.memory_space<vmem>>, vector<1x16xf32>,
    %swap3A_2581 = arith.constant 6 : i32
    %swap3A_2582 = arith.index_cast %swap3A_2581 : i32 to index
    %swap3A_2583 = arith.constant 304 : index
    %swap3A_2584 = tpu.vector_load %arg5[%swap3A_2582, %swap3A_2583] {strides = array<i32>} : memref<12x512xf32, #tpu.memory_space<vmem>>, vector<1x16xf32>,
    %swap3A_2585 = vector.shape_cast %swap3A_2584 : vector<1x16xf32> to vector<16xf32>
    %swap3A_2586 = vector.shape_cast %add3A_2544 : vector<16xf32> to vector<1x16xf32>
    tpu.vector_store %arg5[%swap3A_2582, %swap3A_2583], %swap3A_2586 {strides = array<i32>} : memref<12x512xf32, #tpu.memory_space<vmem>>, vector<1x16xf32>,
    %swap3A_2587 = arith.constant 7 : i32
    %swap3A_2588 = arith.index_cast %swap3A_2587 : i32 to index
    %swap3A_2589 = arith.constant 304 : index
    %swap3A_2590 = tpu.vector_load %arg5[%swap3A_2588, %swap3A_2589] {strides = array<i32>} : memref<12x512xf32, #tpu.memory_space<vmem>>, vector<1x16xf32>,
    %swap3A_2591 = vector.shape_cast %swap3A_2590 : vector<1x16xf32> to vector<16xf32>
    %swap3A_2592 = vector.shape_cast %add3A_2544 : vector<16xf32> to vector<1x16xf32>
    tpu.vector_store %arg5[%swap3A_2588, %swap3A_2589], %swap3A_2592 {strides = array<i32>} : memref<12x512xf32, #tpu.memory_space<vmem>>, vector<1x16xf32>,
    %swap3A_2593 = arith.constant 8 : i32
    %swap3A_2594 = arith.index_cast %swap3A_2593 : i32 to index
    %swap3A_2595 = arith.constant 304 : index
    %swap3A_2596 = tpu.vector_load %arg5[%swap3A_2594, %swap3A_2595] {strides = array<i32>} : memref<12x512xf32, #tpu.memory_space<vmem>>, vector<1x16xf32>,
    %swap3A_2597 = vector.shape_cast %swap3A_2596 : vector<1x16xf32> to vector<16xf32>
    %swap3A_2598 = vector.shape_cast %add3A_2544 : vector<16xf32> to vector<1x16xf32>
    tpu.vector_store %arg5[%swap3A_2594, %swap3A_2595], %swap3A_2598 {strides = array<i32>} : memref<12x512xf32, #tpu.memory_space<vmem>>, vector<1x16xf32>,
    %swap3A_2599 = arith.constant 9 : i32
    %swap3A_2600 = arith.index_cast %swap3A_2599 : i32 to index
    %swap3A_2601 = arith.constant 304 : index
    %swap3A_2602 = tpu.vector_load %arg5[%swap3A_2600, %swap3A_2601] {strides = array<i32>} : memref<12x512xf32, #tpu.memory_space<vmem>>, vector<1x16xf32>,
    %swap3A_2603 = vector.shape_cast %swap3A_2602 : vector<1x16xf32> to vector<16xf32>
    %swap3A_2604 = vector.shape_cast %add3A_2544 : vector<16xf32> to vector<1x16xf32>
    tpu.vector_store %arg5[%swap3A_2600, %swap3A_2601], %swap3A_2604 {strides = array<i32>} : memref<12x512xf32, #tpu.memory_space<vmem>>, vector<1x16xf32>,
    %swap3A_2605 = arith.constant 10 : i32
    %swap3A_2606 = arith.index_cast %swap3A_2605 : i32 to index
    %swap3A_2607 = arith.constant 304 : index
    %swap3A_2608 = tpu.vector_load %arg5[%swap3A_2606, %swap3A_2607] {strides = array<i32>} : memref<12x512xf32, #tpu.memory_space<vmem>>, vector<1x16xf32>,
    %swap3A_2609 = vector.shape_cast %swap3A_2608 : vector<1x16xf32> to vector<16xf32>
    %swap3A_2610 = vector.shape_cast %add3A_2544 : vector<16xf32> to vector<1x16xf32>
    tpu.vector_store %arg5[%swap3A_2606, %swap3A_2607], %swap3A_2610 {strides = array<i32>} : memref<12x512xf32, #tpu.memory_space<vmem>>, vector<1x16xf32>,
    %swap3A_2611 = arith.constant 11 : i32
    %swap3A_2612 = arith.index_cast %swap3A_2611 : i32 to index
    %swap3A_2613 = arith.constant 304 : index
    %swap3A_2614 = tpu.vector_load %arg5[%swap3A_2612, %swap3A_2613] {strides = array<i32>} : memref<12x512xf32, #tpu.memory_space<vmem>>, vector<1x16xf32>,
    %swap3A_2615 = vector.shape_cast %swap3A_2614 : vector<1x16xf32> to vector<16xf32>
    %swap3A_2616 = vector.shape_cast %add3A_2544 : vector<16xf32> to vector<1x16xf32>
    tpu.vector_store %arg5[%swap3A_2612, %swap3A_2613], %swap3A_2616 {strides = array<i32>} : memref<12x512xf32, #tpu.memory_space<vmem>>, vector<1x16xf32>,
    %get3A_2617 = arith.constant 0 : i32
    %get3A_2618 = arith.index_cast %get3A_2617 : i32 to index
    %get3A_2619 = arith.constant 320 : index
    %get3A_2620 = tpu.vector_load %arg4[%get3A_2618, %get3A_2619] {strides = array<i32>} : memref<8x512xf32, #tpu.memory_space<vmem>>, vector<1x16xf32>,
    %get3A_2621 = vector.shape_cast %get3A_2620 : vector<1x16xf32> to vector<16xf32>
    %get3A_2622 = arith.constant 1 : i32
    %get3A_2623 = arith.index_cast %get3A_2622 : i32 to index
    %get3A_2624 = arith.constant 320 : index
    %get3A_2625 = tpu.vector_load %arg4[%get3A_2623, %get3A_2624] {strides = array<i32>} : memref<8x512xf32, #tpu.memory_space<vmem>>, vector<1x16xf32>,
    %get3A_2626 = vector.shape_cast %get3A_2625 : vector<1x16xf32> to vector<16xf32>
    %add3A_2627 = arith.addf %get3A_2621, %get3A_2626 : vector<16xf32>
    %get3A_2628 = arith.constant 2 : i32
    %get3A_2629 = arith.index_cast %get3A_2628 : i32 to index
    %get3A_2630 = arith.constant 320 : index
    %get3A_2631 = tpu.vector_load %arg4[%get3A_2629, %get3A_2630] {strides = array<i32>} : memref<8x512xf32, #tpu.memory_space<vmem>>, vector<1x16xf32>,
    %get3A_2632 = vector.shape_cast %get3A_2631 : vector<1x16xf32> to vector<16xf32>
    %add3A_2633 = arith.addf %add3A_2627, %get3A_2632 : vector<16xf32>
    %get3A_2634 = arith.constant 3 : i32
    %get3A_2635 = arith.index_cast %get3A_2634 : i32 to index
    %get3A_2636 = arith.constant 320 : index
    %get3A_2637 = tpu.vector_load %arg4[%get3A_2635, %get3A_2636] {strides = array<i32>} : memref<8x512xf32, #tpu.memory_space<vmem>>, vector<1x16xf32>,
    %get3A_2638 = vector.shape_cast %get3A_2637 : vector<1x16xf32> to vector<16xf32>
    %add3A_2639 = arith.addf %add3A_2633, %get3A_2638 : vector<16xf32>
    %get3A_2640 = arith.constant 4 : i32
    %get3A_2641 = arith.index_cast %get3A_2640 : i32 to index
    %get3A_2642 = arith.constant 320 : index
    %get3A_2643 = tpu.vector_load %arg4[%get3A_2641, %get3A_2642] {strides = array<i32>} : memref<8x512xf32, #tpu.memory_space<vmem>>, vector<1x16xf32>,
    %get3A_2644 = vector.shape_cast %get3A_2643 : vector<1x16xf32> to vector<16xf32>
    %add3A_2645 = arith.addf %add3A_2639, %get3A_2644 : vector<16xf32>
    %get3A_2646 = arith.constant 5 : i32
    %get3A_2647 = arith.index_cast %get3A_2646 : i32 to index
    %get3A_2648 = arith.constant 320 : index
    %get3A_2649 = tpu.vector_load %arg4[%get3A_2647, %get3A_2648] {strides = array<i32>} : memref<8x512xf32, #tpu.memory_space<vmem>>, vector<1x16xf32>,
    %get3A_2650 = vector.shape_cast %get3A_2649 : vector<1x16xf32> to vector<16xf32>
    %add3A_2651 = arith.addf %add3A_2645, %get3A_2650 : vector<16xf32>
    %get3A_2652 = arith.constant 6 : i32
    %get3A_2653 = arith.index_cast %get3A_2652 : i32 to index
    %get3A_2654 = arith.constant 320 : index
    %get3A_2655 = tpu.vector_load %arg4[%get3A_2653, %get3A_2654] {strides = array<i32>} : memref<8x512xf32, #tpu.memory_space<vmem>>, vector<1x16xf32>,
    %get3A_2656 = vector.shape_cast %get3A_2655 : vector<1x16xf32> to vector<16xf32>
    %add3A_2657 = arith.addf %add3A_2651, %get3A_2656 : vector<16xf32>
    %get3A_2658 = arith.constant 7 : i32
    %get3A_2659 = arith.index_cast %get3A_2658 : i32 to index
    %get3A_2660 = arith.constant 320 : index
    %get3A_2661 = tpu.vector_load %arg4[%get3A_2659, %get3A_2660] {strides = array<i32>} : memref<8x512xf32, #tpu.memory_space<vmem>>, vector<1x16xf32>,
    %get3A_2662 = vector.shape_cast %get3A_2661 : vector<1x16xf32> to vector<16xf32>
    %add3A_2663 = arith.addf %add3A_2657, %get3A_2662 : vector<16xf32>
    %swap3A_2664 = arith.constant 0 : i32
    %swap3A_2665 = arith.index_cast %swap3A_2664 : i32 to index
    %swap3A_2666 = arith.constant 320 : index
    %swap3A_2667 = tpu.vector_load %arg5[%swap3A_2665, %swap3A_2666] {strides = array<i32>} : memref<12x512xf32, #tpu.memory_space<vmem>>, vector<1x16xf32>,
    %swap3A_2668 = vector.shape_cast %swap3A_2667 : vector<1x16xf32> to vector<16xf32>
    %swap3A_2669 = vector.shape_cast %add3A_2663 : vector<16xf32> to vector<1x16xf32>
    tpu.vector_store %arg5[%swap3A_2665, %swap3A_2666], %swap3A_2669 {strides = array<i32>} : memref<12x512xf32, #tpu.memory_space<vmem>>, vector<1x16xf32>,
    %swap3A_2670 = arith.constant 1 : i32
    %swap3A_2671 = arith.index_cast %swap3A_2670 : i32 to index
    %swap3A_2672 = arith.constant 320 : index
    %swap3A_2673 = tpu.vector_load %arg5[%swap3A_2671, %swap3A_2672] {strides = array<i32>} : memref<12x512xf32, #tpu.memory_space<vmem>>, vector<1x16xf32>,
    %swap3A_2674 = vector.shape_cast %swap3A_2673 : vector<1x16xf32> to vector<16xf32>
    %swap3A_2675 = vector.shape_cast %add3A_2663 : vector<16xf32> to vector<1x16xf32>
    tpu.vector_store %arg5[%swap3A_2671, %swap3A_2672], %swap3A_2675 {strides = array<i32>} : memref<12x512xf32, #tpu.memory_space<vmem>>, vector<1x16xf32>,
    %swap3A_2676 = arith.constant 2 : i32
    %swap3A_2677 = arith.index_cast %swap3A_2676 : i32 to index
    %swap3A_2678 = arith.constant 320 : index
    %swap3A_2679 = tpu.vector_load %arg5[%swap3A_2677, %swap3A_2678] {strides = array<i32>} : memref<12x512xf32, #tpu.memory_space<vmem>>, vector<1x16xf32>,
    %swap3A_2680 = vector.shape_cast %swap3A_2679 : vector<1x16xf32> to vector<16xf32>
    %swap3A_2681 = vector.shape_cast %add3A_2663 : vector<16xf32> to vector<1x16xf32>
    tpu.vector_store %arg5[%swap3A_2677, %swap3A_2678], %swap3A_2681 {strides = array<i32>} : memref<12x512xf32, #tpu.memory_space<vmem>>, vector<1x16xf32>,
    %swap3A_2682 = arith.constant 3 : i32
    %swap3A_2683 = arith.index_cast %swap3A_2682 : i32 to index
    %swap3A_2684 = arith.constant 320 : index
    %swap3A_2685 = tpu.vector_load %arg5[%swap3A_2683, %swap3A_2684] {strides = array<i32>} : memref<12x512xf32, #tpu.memory_space<vmem>>, vector<1x16xf32>,
    %swap3A_2686 = vector.shape_cast %swap3A_2685 : vector<1x16xf32> to vector<16xf32>
    %swap3A_2687 = vector.shape_cast %add3A_2663 : vector<16xf32> to vector<1x16xf32>
    tpu.vector_store %arg5[%swap3A_2683, %swap3A_2684], %swap3A_2687 {strides = array<i32>} : memref<12x512xf32, #tpu.memory_space<vmem>>, vector<1x16xf32>,
    %swap3A_2688 = arith.constant 4 : i32
    %swap3A_2689 = arith.index_cast %swap3A_2688 : i32 to index
    %swap3A_2690 = arith.constant 320 : index
    %swap3A_2691 = tpu.vector_load %arg5[%swap3A_2689, %swap3A_2690] {strides = array<i32>} : memref<12x512xf32, #tpu.memory_space<vmem>>, vector<1x16xf32>,
    %swap3A_2692 = vector.shape_cast %swap3A_2691 : vector<1x16xf32> to vector<16xf32>
    %swap3A_2693 = vector.shape_cast %add3A_2663 : vector<16xf32> to vector<1x16xf32>
    tpu.vector_store %arg5[%swap3A_2689, %swap3A_2690], %swap3A_2693 {strides = array<i32>} : memref<12x512xf32, #tpu.memory_space<vmem>>, vector<1x16xf32>,
    %swap3A_2694 = arith.constant 5 : i32
    %swap3A_2695 = arith.index_cast %swap3A_2694 : i32 to index
    %swap3A_2696 = arith.constant 320 : index
    %swap3A_2697 = tpu.vector_load %arg5[%swap3A_2695, %swap3A_2696] {strides = array<i32>} : memref<12x512xf32, #tpu.memory_space<vmem>>, vector<1x16xf32>,
    %swap3A_2698 = vector.shape_cast %swap3A_2697 : vector<1x16xf32> to vector<16xf32>
    %swap3A_2699 = vector.shape_cast %add3A_2663 : vector<16xf32> to vector<1x16xf32>
    tpu.vector_store %arg5[%swap3A_2695, %swap3A_2696], %swap3A_2699 {strides = array<i32>} : memref<12x512xf32, #tpu.memory_space<vmem>>, vector<1x16xf32>,
    %swap3A_2700 = arith.constant 6 : i32
    %swap3A_2701 = arith.index_cast %swap3A_2700 : i32 to index
    %swap3A_2702 = arith.constant 320 : index
    %swap3A_2703 = tpu.vector_load %arg5[%swap3A_2701, %swap3A_2702] {strides = array<i32>} : memref<12x512xf32, #tpu.memory_space<vmem>>, vector<1x16xf32>,
    %swap3A_2704 = vector.shape_cast %swap3A_2703 : vector<1x16xf32> to vector<16xf32>
    %swap3A_2705 = vector.shape_cast %add3A_2663 : vector<16xf32> to vector<1x16xf32>
    tpu.vector_store %arg5[%swap3A_2701, %swap3A_2702], %swap3A_2705 {strides = array<i32>} : memref<12x512xf32, #tpu.memory_space<vmem>>, vector<1x16xf32>,
    %swap3A_2706 = arith.constant 7 : i32
    %swap3A_2707 = arith.index_cast %swap3A_2706 : i32 to index
    %swap3A_2708 = arith.constant 320 : index
    %swap3A_2709 = tpu.vector_load %arg5[%swap3A_2707, %swap3A_2708] {strides = array<i32>} : memref<12x512xf32, #tpu.memory_space<vmem>>, vector<1x16xf32>,
    %swap3A_2710 = vector.shape_cast %swap3A_2709 : vector<1x16xf32> to vector<16xf32>
    %swap3A_2711 = vector.shape_cast %add3A_2663 : vector<16xf32> to vector<1x16xf32>
    tpu.vector_store %arg5[%swap3A_2707, %swap3A_2708], %swap3A_2711 {strides = array<i32>} : memref<12x512xf32, #tpu.memory_space<vmem>>, vector<1x16xf32>,
    %swap3A_2712 = arith.constant 8 : i32
    %swap3A_2713 = arith.index_cast %swap3A_2712 : i32 to index
    %swap3A_2714 = arith.constant 320 : index
    %swap3A_2715 = tpu.vector_load %arg5[%swap3A_2713, %swap3A_2714] {strides = array<i32>} : memref<12x512xf32, #tpu.memory_space<vmem>>, vector<1x16xf32>,
    %swap3A_2716 = vector.shape_cast %swap3A_2715 : vector<1x16xf32> to vector<16xf32>
    %swap3A_2717 = vector.shape_cast %add3A_2663 : vector<16xf32> to vector<1x16xf32>
    tpu.vector_store %arg5[%swap3A_2713, %swap3A_2714], %swap3A_2717 {strides = array<i32>} : memref<12x512xf32, #tpu.memory_space<vmem>>, vector<1x16xf32>,
    %swap3A_2718 = arith.constant 9 : i32
    %swap3A_2719 = arith.index_cast %swap3A_2718 : i32 to index
    %swap3A_2720 = arith.constant 320 : index
    %swap3A_2721 = tpu.vector_load %arg5[%swap3A_2719, %swap3A_2720] {strides = array<i32>} : memref<12x512xf32, #tpu.memory_space<vmem>>, vector<1x16xf32>,
    %swap3A_2722 = vector.shape_cast %swap3A_2721 : vector<1x16xf32> to vector<16xf32>
    %swap3A_2723 = vector.shape_cast %add3A_2663 : vector<16xf32> to vector<1x16xf32>
    tpu.vector_store %arg5[%swap3A_2719, %swap3A_2720], %swap3A_2723 {strides = array<i32>} : memref<12x512xf32, #tpu.memory_space<vmem>>, vector<1x16xf32>,
    %swap3A_2724 = arith.constant 10 : i32
    %swap3A_2725 = arith.index_cast %swap3A_2724 : i32 to index
    %swap3A_2726 = arith.constant 320 : index
    %swap3A_2727 = tpu.vector_load %arg5[%swap3A_2725, %swap3A_2726] {strides = array<i32>} : memref<12x512xf32, #tpu.memory_space<vmem>>, vector<1x16xf32>,
    %swap3A_2728 = vector.shape_cast %swap3A_2727 : vector<1x16xf32> to vector<16xf32>
    %swap3A_2729 = vector.shape_cast %add3A_2663 : vector<16xf32> to vector<1x16xf32>
    tpu.vector_store %arg5[%swap3A_2725, %swap3A_2726], %swap3A_2729 {strides = array<i32>} : memref<12x512xf32, #tpu.memory_space<vmem>>, vector<1x16xf32>,
    %swap3A_2730 = arith.constant 11 : i32
    %swap3A_2731 = arith.index_cast %swap3A_2730 : i32 to index
    %swap3A_2732 = arith.constant 320 : index
    %swap3A_2733 = tpu.vector_load %arg5[%swap3A_2731, %swap3A_2732] {strides = array<i32>} : memref<12x512xf32, #tpu.memory_space<vmem>>, vector<1x16xf32>,
    %swap3A_2734 = vector.shape_cast %swap3A_2733 : vector<1x16xf32> to vector<16xf32>
    %swap3A_2735 = vector.shape_cast %add3A_2663 : vector<16xf32> to vector<1x16xf32>
    tpu.vector_store %arg5[%swap3A_2731, %swap3A_2732], %swap3A_2735 {strides = array<i32>} : memref<12x512xf32, #tpu.memory_space<vmem>>, vector<1x16xf32>,
    %get3A_2736 = arith.constant 0 : i32
    %get3A_2737 = arith.index_cast %get3A_2736 : i32 to index
    %get3A_2738 = arith.constant 336 : index
    %get3A_2739 = tpu.vector_load %arg4[%get3A_2737, %get3A_2738] {strides = array<i32>} : memref<8x512xf32, #tpu.memory_space<vmem>>, vector<1x16xf32>,
    %get3A_2740 = vector.shape_cast %get3A_2739 : vector<1x16xf32> to vector<16xf32>
    %get3A_2741 = arith.constant 1 : i32
    %get3A_2742 = arith.index_cast %get3A_2741 : i32 to index
    %get3A_2743 = arith.constant 336 : index
    %get3A_2744 = tpu.vector_load %arg4[%get3A_2742, %get3A_2743] {strides = array<i32>} : memref<8x512xf32, #tpu.memory_space<vmem>>, vector<1x16xf32>,
    %get3A_2745 = vector.shape_cast %get3A_2744 : vector<1x16xf32> to vector<16xf32>
    %add3A_2746 = arith.addf %get3A_2740, %get3A_2745 : vector<16xf32>
    %get3A_2747 = arith.constant 2 : i32
    %get3A_2748 = arith.index_cast %get3A_2747 : i32 to index
    %get3A_2749 = arith.constant 336 : index
    %get3A_2750 = tpu.vector_load %arg4[%get3A_2748, %get3A_2749] {strides = array<i32>} : memref<8x512xf32, #tpu.memory_space<vmem>>, vector<1x16xf32>,
    %get3A_2751 = vector.shape_cast %get3A_2750 : vector<1x16xf32> to vector<16xf32>
    %add3A_2752 = arith.addf %add3A_2746, %get3A_2751 : vector<16xf32>
    %get3A_2753 = arith.constant 3 : i32
    %get3A_2754 = arith.index_cast %get3A_2753 : i32 to index
    %get3A_2755 = arith.constant 336 : index
    %get3A_2756 = tpu.vector_load %arg4[%get3A_2754, %get3A_2755] {strides = array<i32>} : memref<8x512xf32, #tpu.memory_space<vmem>>, vector<1x16xf32>,
    %get3A_2757 = vector.shape_cast %get3A_2756 : vector<1x16xf32> to vector<16xf32>
    %add3A_2758 = arith.addf %add3A_2752, %get3A_2757 : vector<16xf32>
    %get3A_2759 = arith.constant 4 : i32
    %get3A_2760 = arith.index_cast %get3A_2759 : i32 to index
    %get3A_2761 = arith.constant 336 : index
    %get3A_2762 = tpu.vector_load %arg4[%get3A_2760, %get3A_2761] {strides = array<i32>} : memref<8x512xf32, #tpu.memory_space<vmem>>, vector<1x16xf32>,
    %get3A_2763 = vector.shape_cast %get3A_2762 : vector<1x16xf32> to vector<16xf32>
    %add3A_2764 = arith.addf %add3A_2758, %get3A_2763 : vector<16xf32>
    %get3A_2765 = arith.constant 5 : i32
    %get3A_2766 = arith.index_cast %get3A_2765 : i32 to index
    %get3A_2767 = arith.constant 336 : index
    %get3A_2768 = tpu.vector_load %arg4[%get3A_2766, %get3A_2767] {strides = array<i32>} : memref<8x512xf32, #tpu.memory_space<vmem>>, vector<1x16xf32>,
    %get3A_2769 = vector.shape_cast %get3A_2768 : vector<1x16xf32> to vector<16xf32>
    %add3A_2770 = arith.addf %add3A_2764, %get3A_2769 : vector<16xf32>
    %get3A_2771 = arith.constant 6 : i32
    %get3A_2772 = arith.index_cast %get3A_2771 : i32 to index
    %get3A_2773 = arith.constant 336 : index
    %get3A_2774 = tpu.vector_load %arg4[%get3A_2772, %get3A_2773] {strides = array<i32>} : memref<8x512xf32, #tpu.memory_space<vmem>>, vector<1x16xf32>,
    %get3A_2775 = vector.shape_cast %get3A_2774 : vector<1x16xf32> to vector<16xf32>
    %add3A_2776 = arith.addf %add3A_2770, %get3A_2775 : vector<16xf32>
    %get3A_2777 = arith.constant 7 : i32
    %get3A_2778 = arith.index_cast %get3A_2777 : i32 to index
    %get3A_2779 = arith.constant 336 : index
    %get3A_2780 = tpu.vector_load %arg4[%get3A_2778, %get3A_2779] {strides = array<i32>} : memref<8x512xf32, #tpu.memory_space<vmem>>, vector<1x16xf32>,
    %get3A_2781 = vector.shape_cast %get3A_2780 : vector<1x16xf32> to vector<16xf32>
    %add3A_2782 = arith.addf %add3A_2776, %get3A_2781 : vector<16xf32>
    %swap3A_2783 = arith.constant 0 : i32
    %swap3A_2784 = arith.index_cast %swap3A_2783 : i32 to index
    %swap3A_2785 = arith.constant 336 : index
    %swap3A_2786 = tpu.vector_load %arg5[%swap3A_2784, %swap3A_2785] {strides = array<i32>} : memref<12x512xf32, #tpu.memory_space<vmem>>, vector<1x16xf32>,
    %swap3A_2787 = vector.shape_cast %swap3A_2786 : vector<1x16xf32> to vector<16xf32>
    %swap3A_2788 = vector.shape_cast %add3A_2782 : vector<16xf32> to vector<1x16xf32>
    tpu.vector_store %arg5[%swap3A_2784, %swap3A_2785], %swap3A_2788 {strides = array<i32>} : memref<12x512xf32, #tpu.memory_space<vmem>>, vector<1x16xf32>,
    %swap3A_2789 = arith.constant 1 : i32
    %swap3A_2790 = arith.index_cast %swap3A_2789 : i32 to index
    %swap3A_2791 = arith.constant 336 : index
    %swap3A_2792 = tpu.vector_load %arg5[%swap3A_2790, %swap3A_2791] {strides = array<i32>} : memref<12x512xf32, #tpu.memory_space<vmem>>, vector<1x16xf32>,
    %swap3A_2793 = vector.shape_cast %swap3A_2792 : vector<1x16xf32> to vector<16xf32>
    %swap3A_2794 = vector.shape_cast %add3A_2782 : vector<16xf32> to vector<1x16xf32>
    tpu.vector_store %arg5[%swap3A_2790, %swap3A_2791], %swap3A_2794 {strides = array<i32>} : memref<12x512xf32, #tpu.memory_space<vmem>>, vector<1x16xf32>,
    %swap3A_2795 = arith.constant 2 : i32
    %swap3A_2796 = arith.index_cast %swap3A_2795 : i32 to index
    %swap3A_2797 = arith.constant 336 : index
    %swap3A_2798 = tpu.vector_load %arg5[%swap3A_2796, %swap3A_2797] {strides = array<i32>} : memref<12x512xf32, #tpu.memory_space<vmem>>, vector<1x16xf32>,
    %swap3A_2799 = vector.shape_cast %swap3A_2798 : vector<1x16xf32> to vector<16xf32>
    %swap3A_2800 = vector.shape_cast %add3A_2782 : vector<16xf32> to vector<1x16xf32>
    tpu.vector_store %arg5[%swap3A_2796, %swap3A_2797], %swap3A_2800 {strides = array<i32>} : memref<12x512xf32, #tpu.memory_space<vmem>>, vector<1x16xf32>,
    %swap3A_2801 = arith.constant 3 : i32
    %swap3A_2802 = arith.index_cast %swap3A_2801 : i32 to index
    %swap3A_2803 = arith.constant 336 : index
    %swap3A_2804 = tpu.vector_load %arg5[%swap3A_2802, %swap3A_2803] {strides = array<i32>} : memref<12x512xf32, #tpu.memory_space<vmem>>, vector<1x16xf32>,
    %swap3A_2805 = vector.shape_cast %swap3A_2804 : vector<1x16xf32> to vector<16xf32>
    %swap3A_2806 = vector.shape_cast %add3A_2782 : vector<16xf32> to vector<1x16xf32>
    tpu.vector_store %arg5[%swap3A_2802, %swap3A_2803], %swap3A_2806 {strides = array<i32>} : memref<12x512xf32, #tpu.memory_space<vmem>>, vector<1x16xf32>,
    %swap3A_2807 = arith.constant 4 : i32
    %swap3A_2808 = arith.index_cast %swap3A_2807 : i32 to index
    %swap3A_2809 = arith.constant 336 : index
    %swap3A_2810 = tpu.vector_load %arg5[%swap3A_2808, %swap3A_2809] {strides = array<i32>} : memref<12x512xf32, #tpu.memory_space<vmem>>, vector<1x16xf32>,
    %swap3A_2811 = vector.shape_cast %swap3A_2810 : vector<1x16xf32> to vector<16xf32>
    %swap3A_2812 = vector.shape_cast %add3A_2782 : vector<16xf32> to vector<1x16xf32>
    tpu.vector_store %arg5[%swap3A_2808, %swap3A_2809], %swap3A_2812 {strides = array<i32>} : memref<12x512xf32, #tpu.memory_space<vmem>>, vector<1x16xf32>,
    %swap3A_2813 = arith.constant 5 : i32
    %swap3A_2814 = arith.index_cast %swap3A_2813 : i32 to index
    %swap3A_2815 = arith.constant 336 : index
    %swap3A_2816 = tpu.vector_load %arg5[%swap3A_2814, %swap3A_2815] {strides = array<i32>} : memref<12x512xf32, #tpu.memory_space<vmem>>, vector<1x16xf32>,
    %swap3A_2817 = vector.shape_cast %swap3A_2816 : vector<1x16xf32> to vector<16xf32>
    %swap3A_2818 = vector.shape_cast %add3A_2782 : vector<16xf32> to vector<1x16xf32>
    tpu.vector_store %arg5[%swap3A_2814, %swap3A_2815], %swap3A_2818 {strides = array<i32>} : memref<12x512xf32, #tpu.memory_space<vmem>>, vector<1x16xf32>,
    %swap3A_2819 = arith.constant 6 : i32
    %swap3A_2820 = arith.index_cast %swap3A_2819 : i32 to index
    %swap3A_2821 = arith.constant 336 : index
    %swap3A_2822 = tpu.vector_load %arg5[%swap3A_2820, %swap3A_2821] {strides = array<i32>} : memref<12x512xf32, #tpu.memory_space<vmem>>, vector<1x16xf32>,
    %swap3A_2823 = vector.shape_cast %swap3A_2822 : vector<1x16xf32> to vector<16xf32>
    %swap3A_2824 = vector.shape_cast %add3A_2782 : vector<16xf32> to vector<1x16xf32>
    tpu.vector_store %arg5[%swap3A_2820, %swap3A_2821], %swap3A_2824 {strides = array<i32>} : memref<12x512xf32, #tpu.memory_space<vmem>>, vector<1x16xf32>,
    %swap3A_2825 = arith.constant 7 : i32
    %swap3A_2826 = arith.index_cast %swap3A_2825 : i32 to index
    %swap3A_2827 = arith.constant 336 : index
    %swap3A_2828 = tpu.vector_load %arg5[%swap3A_2826, %swap3A_2827] {strides = array<i32>} : memref<12x512xf32, #tpu.memory_space<vmem>>, vector<1x16xf32>,
    %swap3A_2829 = vector.shape_cast %swap3A_2828 : vector<1x16xf32> to vector<16xf32>
    %swap3A_2830 = vector.shape_cast %add3A_2782 : vector<16xf32> to vector<1x16xf32>
    tpu.vector_store %arg5[%swap3A_2826, %swap3A_2827], %swap3A_2830 {strides = array<i32>} : memref<12x512xf32, #tpu.memory_space<vmem>>, vector<1x16xf32>,
    %swap3A_2831 = arith.constant 8 : i32
    %swap3A_2832 = arith.index_cast %swap3A_2831 : i32 to index
    %swap3A_2833 = arith.constant 336 : index
    %swap3A_2834 = tpu.vector_load %arg5[%swap3A_2832, %swap3A_2833] {strides = array<i32>} : memref<12x512xf32, #tpu.memory_space<vmem>>, vector<1x16xf32>,
    %swap3A_2835 = vector.shape_cast %swap3A_2834 : vector<1x16xf32> to vector<16xf32>
    %swap3A_2836 = vector.shape_cast %add3A_2782 : vector<16xf32> to vector<1x16xf32>
    tpu.vector_store %arg5[%swap3A_2832, %swap3A_2833], %swap3A_2836 {strides = array<i32>} : memref<12x512xf32, #tpu.memory_space<vmem>>, vector<1x16xf32>,
    %swap3A_2837 = arith.constant 9 : i32
    %swap3A_2838 = arith.index_cast %swap3A_2837 : i32 to index
    %swap3A_2839 = arith.constant 336 : index
    %swap3A_2840 = tpu.vector_load %arg5[%swap3A_2838, %swap3A_2839] {strides = array<i32>} : memref<12x512xf32, #tpu.memory_space<vmem>>, vector<1x16xf32>,
    %swap3A_2841 = vector.shape_cast %swap3A_2840 : vector<1x16xf32> to vector<16xf32>
    %swap3A_2842 = vector.shape_cast %add3A_2782 : vector<16xf32> to vector<1x16xf32>
    tpu.vector_store %arg5[%swap3A_2838, %swap3A_2839], %swap3A_2842 {strides = array<i32>} : memref<12x512xf32, #tpu.memory_space<vmem>>, vector<1x16xf32>,
    %swap3A_2843 = arith.constant 10 : i32
    %swap3A_2844 = arith.index_cast %swap3A_2843 : i32 to index
    %swap3A_2845 = arith.constant 336 : index
    %swap3A_2846 = tpu.vector_load %arg5[%swap3A_2844, %swap3A_2845] {strides = array<i32>} : memref<12x512xf32, #tpu.memory_space<vmem>>, vector<1x16xf32>,
    %swap3A_2847 = vector.shape_cast %swap3A_2846 : vector<1x16xf32> to vector<16xf32>
    %swap3A_2848 = vector.shape_cast %add3A_2782 : vector<16xf32> to vector<1x16xf32>
    tpu.vector_store %arg5[%swap3A_2844, %swap3A_2845], %swap3A_2848 {strides = array<i32>} : memref<12x512xf32, #tpu.memory_space<vmem>>, vector<1x16xf32>,
    %swap3A_2849 = arith.constant 11 : i32
    %swap3A_2850 = arith.index_cast %swap3A_2849 : i32 to index
    %swap3A_2851 = arith.constant 336 : index
    %swap3A_2852 = tpu.vector_load %arg5[%swap3A_2850, %swap3A_2851] {strides = array<i32>} : memref<12x512xf32, #tpu.memory_space<vmem>>, vector<1x16xf32>,
    %swap3A_2853 = vector.shape_cast %swap3A_2852 : vector<1x16xf32> to vector<16xf32>
    %swap3A_2854 = vector.shape_cast %add3A_2782 : vector<16xf32> to vector<1x16xf32>
    tpu.vector_store %arg5[%swap3A_2850, %swap3A_2851], %swap3A_2854 {strides = array<i32>} : memref<12x512xf32, #tpu.memory_space<vmem>>, vector<1x16xf32>,
    %get3A_2855 = arith.constant 0 : i32
    %get3A_2856 = arith.index_cast %get3A_2855 : i32 to index
    %get3A_2857 = arith.constant 352 : index
    %get3A_2858 = tpu.vector_load %arg4[%get3A_2856, %get3A_2857] {strides = array<i32>} : memref<8x512xf32, #tpu.memory_space<vmem>>, vector<1x16xf32>,
    %get3A_2859 = vector.shape_cast %get3A_2858 : vector<1x16xf32> to vector<16xf32>
    %get3A_2860 = arith.constant 1 : i32
    %get3A_2861 = arith.index_cast %get3A_2860 : i32 to index
    %get3A_2862 = arith.constant 352 : index
    %get3A_2863 = tpu.vector_load %arg4[%get3A_2861, %get3A_2862] {strides = array<i32>} : memref<8x512xf32, #tpu.memory_space<vmem>>, vector<1x16xf32>,
    %get3A_2864 = vector.shape_cast %get3A_2863 : vector<1x16xf32> to vector<16xf32>
    %add3A_2865 = arith.addf %get3A_2859, %get3A_2864 : vector<16xf32>
    %get3A_2866 = arith.constant 2 : i32
    %get3A_2867 = arith.index_cast %get3A_2866 : i32 to index
    %get3A_2868 = arith.constant 352 : index
    %get3A_2869 = tpu.vector_load %arg4[%get3A_2867, %get3A_2868] {strides = array<i32>} : memref<8x512xf32, #tpu.memory_space<vmem>>, vector<1x16xf32>,
    %get3A_2870 = vector.shape_cast %get3A_2869 : vector<1x16xf32> to vector<16xf32>
    %add3A_2871 = arith.addf %add3A_2865, %get3A_2870 : vector<16xf32>
    %get3A_2872 = arith.constant 3 : i32
    %get3A_2873 = arith.index_cast %get3A_2872 : i32 to index
    %get3A_2874 = arith.constant 352 : index
    %get3A_2875 = tpu.vector_load %arg4[%get3A_2873, %get3A_2874] {strides = array<i32>} : memref<8x512xf32, #tpu.memory_space<vmem>>, vector<1x16xf32>,
    %get3A_2876 = vector.shape_cast %get3A_2875 : vector<1x16xf32> to vector<16xf32>
    %add3A_2877 = arith.addf %add3A_2871, %get3A_2876 : vector<16xf32>
    %get3A_2878 = arith.constant 4 : i32
    %get3A_2879 = arith.index_cast %get3A_2878 : i32 to index
    %get3A_2880 = arith.constant 352 : index
    %get3A_2881 = tpu.vector_load %arg4[%get3A_2879, %get3A_2880] {strides = array<i32>} : memref<8x512xf32, #tpu.memory_space<vmem>>, vector<1x16xf32>,
    %get3A_2882 = vector.shape_cast %get3A_2881 : vector<1x16xf32> to vector<16xf32>
    %add3A_2883 = arith.addf %add3A_2877, %get3A_2882 : vector<16xf32>
    %get3A_2884 = arith.constant 5 : i32
    %get3A_2885 = arith.index_cast %get3A_2884 : i32 to index
    %get3A_2886 = arith.constant 352 : index
    %get3A_2887 = tpu.vector_load %arg4[%get3A_2885, %get3A_2886] {strides = array<i32>} : memref<8x512xf32, #tpu.memory_space<vmem>>, vector<1x16xf32>,
    %get3A_2888 = vector.shape_cast %get3A_2887 : vector<1x16xf32> to vector<16xf32>
    %add3A_2889 = arith.addf %add3A_2883, %get3A_2888 : vector<16xf32>
    %get3A_2890 = arith.constant 6 : i32
    %get3A_2891 = arith.index_cast %get3A_2890 : i32 to index
    %get3A_2892 = arith.constant 352 : index
    %get3A_2893 = tpu.vector_load %arg4[%get3A_2891, %get3A_2892] {strides = array<i32>} : memref<8x512xf32, #tpu.memory_space<vmem>>, vector<1x16xf32>,
    %get3A_2894 = vector.shape_cast %get3A_2893 : vector<1x16xf32> to vector<16xf32>
    %add3A_2895 = arith.addf %add3A_2889, %get3A_2894 : vector<16xf32>
    %get3A_2896 = arith.constant 7 : i32
    %get3A_2897 = arith.index_cast %get3A_2896 : i32 to index
    %get3A_2898 = arith.constant 352 : index
    %get3A_2899 = tpu.vector_load %arg4[%get3A_2897, %get3A_2898] {strides = array<i32>} : memref<8x512xf32, #tpu.memory_space<vmem>>, vector<1x16xf32>,
    %get3A_2900 = vector.shape_cast %get3A_2899 : vector<1x16xf32> to vector<16xf32>
    %add3A_2901 = arith.addf %add3A_2895, %get3A_2900 : vector<16xf32>
    %swap3A_2902 = arith.constant 0 : i32
    %swap3A_2903 = arith.index_cast %swap3A_2902 : i32 to index
    %swap3A_2904 = arith.constant 352 : index
    %swap3A_2905 = tpu.vector_load %arg5[%swap3A_2903, %swap3A_2904] {strides = array<i32>} : memref<12x512xf32, #tpu.memory_space<vmem>>, vector<1x16xf32>,
    %swap3A_2906 = vector.shape_cast %swap3A_2905 : vector<1x16xf32> to vector<16xf32>
    %swap3A_2907 = vector.shape_cast %add3A_2901 : vector<16xf32> to vector<1x16xf32>
    tpu.vector_store %arg5[%swap3A_2903, %swap3A_2904], %swap3A_2907 {strides = array<i32>} : memref<12x512xf32, #tpu.memory_space<vmem>>, vector<1x16xf32>,
    %swap3A_2908 = arith.constant 1 : i32
    %swap3A_2909 = arith.index_cast %swap3A_2908 : i32 to index
    %swap3A_2910 = arith.constant 352 : index
    %swap3A_2911 = tpu.vector_load %arg5[%swap3A_2909, %swap3A_2910] {strides = array<i32>} : memref<12x512xf32, #tpu.memory_space<vmem>>, vector<1x16xf32>,
    %swap3A_2912 = vector.shape_cast %swap3A_2911 : vector<1x16xf32> to vector<16xf32>
    %swap3A_2913 = vector.shape_cast %add3A_2901 : vector<16xf32> to vector<1x16xf32>
    tpu.vector_store %arg5[%swap3A_2909, %swap3A_2910], %swap3A_2913 {strides = array<i32>} : memref<12x512xf32, #tpu.memory_space<vmem>>, vector<1x16xf32>,
    %swap3A_2914 = arith.constant 2 : i32
    %swap3A_2915 = arith.index_cast %swap3A_2914 : i32 to index
    %swap3A_2916 = arith.constant 352 : index
    %swap3A_2917 = tpu.vector_load %arg5[%swap3A_2915, %swap3A_2916] {strides = array<i32>} : memref<12x512xf32, #tpu.memory_space<vmem>>, vector<1x16xf32>,
    %swap3A_2918 = vector.shape_cast %swap3A_2917 : vector<1x16xf32> to vector<16xf32>
    %swap3A_2919 = vector.shape_cast %add3A_2901 : vector<16xf32> to vector<1x16xf32>
    tpu.vector_store %arg5[%swap3A_2915, %swap3A_2916], %swap3A_2919 {strides = array<i32>} : memref<12x512xf32, #tpu.memory_space<vmem>>, vector<1x16xf32>,
    %swap3A_2920 = arith.constant 3 : i32
    %swap3A_2921 = arith.index_cast %swap3A_2920 : i32 to index
    %swap3A_2922 = arith.constant 352 : index
    %swap3A_2923 = tpu.vector_load %arg5[%swap3A_2921, %swap3A_2922] {strides = array<i32>} : memref<12x512xf32, #tpu.memory_space<vmem>>, vector<1x16xf32>,
    %swap3A_2924 = vector.shape_cast %swap3A_2923 : vector<1x16xf32> to vector<16xf32>
    %swap3A_2925 = vector.shape_cast %add3A_2901 : vector<16xf32> to vector<1x16xf32>
    tpu.vector_store %arg5[%swap3A_2921, %swap3A_2922], %swap3A_2925 {strides = array<i32>} : memref<12x512xf32, #tpu.memory_space<vmem>>, vector<1x16xf32>,
    %swap3A_2926 = arith.constant 4 : i32
    %swap3A_2927 = arith.index_cast %swap3A_2926 : i32 to index
    %swap3A_2928 = arith.constant 352 : index
    %swap3A_2929 = tpu.vector_load %arg5[%swap3A_2927, %swap3A_2928] {strides = array<i32>} : memref<12x512xf32, #tpu.memory_space<vmem>>, vector<1x16xf32>,
    %swap3A_2930 = vector.shape_cast %swap3A_2929 : vector<1x16xf32> to vector<16xf32>
    %swap3A_2931 = vector.shape_cast %add3A_2901 : vector<16xf32> to vector<1x16xf32>
    tpu.vector_store %arg5[%swap3A_2927, %swap3A_2928], %swap3A_2931 {strides = array<i32>} : memref<12x512xf32, #tpu.memory_space<vmem>>, vector<1x16xf32>,
    %swap3A_2932 = arith.constant 5 : i32
    %swap3A_2933 = arith.index_cast %swap3A_2932 : i32 to index
    %swap3A_2934 = arith.constant 352 : index
    %swap3A_2935 = tpu.vector_load %arg5[%swap3A_2933, %swap3A_2934] {strides = array<i32>} : memref<12x512xf32, #tpu.memory_space<vmem>>, vector<1x16xf32>,
    %swap3A_2936 = vector.shape_cast %swap3A_2935 : vector<1x16xf32> to vector<16xf32>
    %swap3A_2937 = vector.shape_cast %add3A_2901 : vector<16xf32> to vector<1x16xf32>
    tpu.vector_store %arg5[%swap3A_2933, %swap3A_2934], %swap3A_2937 {strides = array<i32>} : memref<12x512xf32, #tpu.memory_space<vmem>>, vector<1x16xf32>,
    %swap3A_2938 = arith.constant 6 : i32
    %swap3A_2939 = arith.index_cast %swap3A_2938 : i32 to index
    %swap3A_2940 = arith.constant 352 : index
    %swap3A_2941 = tpu.vector_load %arg5[%swap3A_2939, %swap3A_2940] {strides = array<i32>} : memref<12x512xf32, #tpu.memory_space<vmem>>, vector<1x16xf32>,
    %swap3A_2942 = vector.shape_cast %swap3A_2941 : vector<1x16xf32> to vector<16xf32>
    %swap3A_2943 = vector.shape_cast %add3A_2901 : vector<16xf32> to vector<1x16xf32>
    tpu.vector_store %arg5[%swap3A_2939, %swap3A_2940], %swap3A_2943 {strides = array<i32>} : memref<12x512xf32, #tpu.memory_space<vmem>>, vector<1x16xf32>,
    %swap3A_2944 = arith.constant 7 : i32
    %swap3A_2945 = arith.index_cast %swap3A_2944 : i32 to index
    %swap3A_2946 = arith.constant 352 : index
    %swap3A_2947 = tpu.vector_load %arg5[%swap3A_2945, %swap3A_2946] {strides = array<i32>} : memref<12x512xf32, #tpu.memory_space<vmem>>, vector<1x16xf32>,
    %swap3A_2948 = vector.shape_cast %swap3A_2947 : vector<1x16xf32> to vector<16xf32>
    %swap3A_2949 = vector.shape_cast %add3A_2901 : vector<16xf32> to vector<1x16xf32>
    tpu.vector_store %arg5[%swap3A_2945, %swap3A_2946], %swap3A_2949 {strides = array<i32>} : memref<12x512xf32, #tpu.memory_space<vmem>>, vector<1x16xf32>,
    %swap3A_2950 = arith.constant 8 : i32
    %swap3A_2951 = arith.index_cast %swap3A_2950 : i32 to index
    %swap3A_2952 = arith.constant 352 : index
    %swap3A_2953 = tpu.vector_load %arg5[%swap3A_2951, %swap3A_2952] {strides = array<i32>} : memref<12x512xf32, #tpu.memory_space<vmem>>, vector<1x16xf32>,
    %swap3A_2954 = vector.shape_cast %swap3A_2953 : vector<1x16xf32> to vector<16xf32>
    %swap3A_2955 = vector.shape_cast %add3A_2901 : vector<16xf32> to vector<1x16xf32>
    tpu.vector_store %arg5[%swap3A_2951, %swap3A_2952], %swap3A_2955 {strides = array<i32>} : memref<12x512xf32, #tpu.memory_space<vmem>>, vector<1x16xf32>,
    %swap3A_2956 = arith.constant 9 : i32
    %swap3A_2957 = arith.index_cast %swap3A_2956 : i32 to index
    %swap3A_2958 = arith.constant 352 : index
    %swap3A_2959 = tpu.vector_load %arg5[%swap3A_2957, %swap3A_2958] {strides = array<i32>} : memref<12x512xf32, #tpu.memory_space<vmem>>, vector<1x16xf32>,
    %swap3A_2960 = vector.shape_cast %swap3A_2959 : vector<1x16xf32> to vector<16xf32>
    %swap3A_2961 = vector.shape_cast %add3A_2901 : vector<16xf32> to vector<1x16xf32>
    tpu.vector_store %arg5[%swap3A_2957, %swap3A_2958], %swap3A_2961 {strides = array<i32>} : memref<12x512xf32, #tpu.memory_space<vmem>>, vector<1x16xf32>,
    %swap3A_2962 = arith.constant 10 : i32
    %swap3A_2963 = arith.index_cast %swap3A_2962 : i32 to index
    %swap3A_2964 = arith.constant 352 : index
    %swap3A_2965 = tpu.vector_load %arg5[%swap3A_2963, %swap3A_2964] {strides = array<i32>} : memref<12x512xf32, #tpu.memory_space<vmem>>, vector<1x16xf32>,
    %swap3A_2966 = vector.shape_cast %swap3A_2965 : vector<1x16xf32> to vector<16xf32>
    %swap3A_2967 = vector.shape_cast %add3A_2901 : vector<16xf32> to vector<1x16xf32>
    tpu.vector_store %arg5[%swap3A_2963, %swap3A_2964], %swap3A_2967 {strides = array<i32>} : memref<12x512xf32, #tpu.memory_space<vmem>>, vector<1x16xf32>,
    %swap3A_2968 = arith.constant 11 : i32
    %swap3A_2969 = arith.index_cast %swap3A_2968 : i32 to index
    %swap3A_2970 = arith.constant 352 : index
    %swap3A_2971 = tpu.vector_load %arg5[%swap3A_2969, %swap3A_2970] {strides = array<i32>} : memref<12x512xf32, #tpu.memory_space<vmem>>, vector<1x16xf32>,
    %swap3A_2972 = vector.shape_cast %swap3A_2971 : vector<1x16xf32> to vector<16xf32>
    %swap3A_2973 = vector.shape_cast %add3A_2901 : vector<16xf32> to vector<1x16xf32>
    tpu.vector_store %arg5[%swap3A_2969, %swap3A_2970], %swap3A_2973 {strides = array<i32>} : memref<12x512xf32, #tpu.memory_space<vmem>>, vector<1x16xf32>,
    %get3A_2974 = arith.constant 0 : i32
    %get3A_2975 = arith.index_cast %get3A_2974 : i32 to index
    %get3A_2976 = arith.constant 368 : index
    %get3A_2977 = tpu.vector_load %arg4[%get3A_2975, %get3A_2976] {strides = array<i32>} : memref<8x512xf32, #tpu.memory_space<vmem>>, vector<1x16xf32>,
    %get3A_2978 = vector.shape_cast %get3A_2977 : vector<1x16xf32> to vector<16xf32>
    %get3A_2979 = arith.constant 1 : i32
    %get3A_2980 = arith.index_cast %get3A_2979 : i32 to index
    %get3A_2981 = arith.constant 368 : index
    %get3A_2982 = tpu.vector_load %arg4[%get3A_2980, %get3A_2981] {strides = array<i32>} : memref<8x512xf32, #tpu.memory_space<vmem>>, vector<1x16xf32>,
    %get3A_2983 = vector.shape_cast %get3A_2982 : vector<1x16xf32> to vector<16xf32>
    %add3A_2984 = arith.addf %get3A_2978, %get3A_2983 : vector<16xf32>
    %get3A_2985 = arith.constant 2 : i32
    %get3A_2986 = arith.index_cast %get3A_2985 : i32 to index
    %get3A_2987 = arith.constant 368 : index
    %get3A_2988 = tpu.vector_load %arg4[%get3A_2986, %get3A_2987] {strides = array<i32>} : memref<8x512xf32, #tpu.memory_space<vmem>>, vector<1x16xf32>,
    %get3A_2989 = vector.shape_cast %get3A_2988 : vector<1x16xf32> to vector<16xf32>
    %add3A_2990 = arith.addf %add3A_2984, %get3A_2989 : vector<16xf32>
    %get3A_2991 = arith.constant 3 : i32
    %get3A_2992 = arith.index_cast %get3A_2991 : i32 to index
    %get3A_2993 = arith.constant 368 : index
    %get3A_2994 = tpu.vector_load %arg4[%get3A_2992, %get3A_2993] {strides = array<i32>} : memref<8x512xf32, #tpu.memory_space<vmem>>, vector<1x16xf32>,
    %get3A_2995 = vector.shape_cast %get3A_2994 : vector<1x16xf32> to vector<16xf32>
    %add3A_2996 = arith.addf %add3A_2990, %get3A_2995 : vector<16xf32>
    %get3A_2997 = arith.constant 4 : i32
    %get3A_2998 = arith.index_cast %get3A_2997 : i32 to index
    %get3A_2999 = arith.constant 368 : index
    %get3A_3000 = tpu.vector_load %arg4[%get3A_2998, %get3A_2999] {strides = array<i32>} : memref<8x512xf32, #tpu.memory_space<vmem>>, vector<1x16xf32>,
    %get3A_3001 = vector.shape_cast %get3A_3000 : vector<1x16xf32> to vector<16xf32>
    %add3A_3002 = arith.addf %add3A_2996, %get3A_3001 : vector<16xf32>
    %get3A_3003 = arith.constant 5 : i32
    %get3A_3004 = arith.index_cast %get3A_3003 : i32 to index
    %get3A_3005 = arith.constant 368 : index
    %get3A_3006 = tpu.vector_load %arg4[%get3A_3004, %get3A_3005] {strides = array<i32>} : memref<8x512xf32, #tpu.memory_space<vmem>>, vector<1x16xf32>,
    %get3A_3007 = vector.shape_cast %get3A_3006 : vector<1x16xf32> to vector<16xf32>
    %add3A_3008 = arith.addf %add3A_3002, %get3A_3007 : vector<16xf32>
    %get3A_3009 = arith.constant 6 : i32
    %get3A_3010 = arith.index_cast %get3A_3009 : i32 to index
    %get3A_3011 = arith.constant 368 : index
    %get3A_3012 = tpu.vector_load %arg4[%get3A_3010, %get3A_3011] {strides = array<i32>} : memref<8x512xf32, #tpu.memory_space<vmem>>, vector<1x16xf32>,
    %get3A_3013 = vector.shape_cast %get3A_3012 : vector<1x16xf32> to vector<16xf32>
    %add3A_3014 = arith.addf %add3A_3008, %get3A_3013 : vector<16xf32>
    %get3A_3015 = arith.constant 7 : i32
    %get3A_3016 = arith.index_cast %get3A_3015 : i32 to index
    %get3A_3017 = arith.constant 368 : index
    %get3A_3018 = tpu.vector_load %arg4[%get3A_3016, %get3A_3017] {strides = array<i32>} : memref<8x512xf32, #tpu.memory_space<vmem>>, vector<1x16xf32>,
    %get3A_3019 = vector.shape_cast %get3A_3018 : vector<1x16xf32> to vector<16xf32>
    %add3A_3020 = arith.addf %add3A_3014, %get3A_3019 : vector<16xf32>
    %swap3A_3021 = arith.constant 0 : i32
    %swap3A_3022 = arith.index_cast %swap3A_3021 : i32 to index
    %swap3A_3023 = arith.constant 368 : index
    %swap3A_3024 = tpu.vector_load %arg5[%swap3A_3022, %swap3A_3023] {strides = array<i32>} : memref<12x512xf32, #tpu.memory_space<vmem>>, vector<1x16xf32>,
    %swap3A_3025 = vector.shape_cast %swap3A_3024 : vector<1x16xf32> to vector<16xf32>
    %swap3A_3026 = vector.shape_cast %add3A_3020 : vector<16xf32> to vector<1x16xf32>
    tpu.vector_store %arg5[%swap3A_3022, %swap3A_3023], %swap3A_3026 {strides = array<i32>} : memref<12x512xf32, #tpu.memory_space<vmem>>, vector<1x16xf32>,
    %swap3A_3027 = arith.constant 1 : i32
    %swap3A_3028 = arith.index_cast %swap3A_3027 : i32 to index
    %swap3A_3029 = arith.constant 368 : index
    %swap3A_3030 = tpu.vector_load %arg5[%swap3A_3028, %swap3A_3029] {strides = array<i32>} : memref<12x512xf32, #tpu.memory_space<vmem>>, vector<1x16xf32>,
    %swap3A_3031 = vector.shape_cast %swap3A_3030 : vector<1x16xf32> to vector<16xf32>
    %swap3A_3032 = vector.shape_cast %add3A_3020 : vector<16xf32> to vector<1x16xf32>
    tpu.vector_store %arg5[%swap3A_3028, %swap3A_3029], %swap3A_3032 {strides = array<i32>} : memref<12x512xf32, #tpu.memory_space<vmem>>, vector<1x16xf32>,
    %swap3A_3033 = arith.constant 2 : i32
    %swap3A_3034 = arith.index_cast %swap3A_3033 : i32 to index
    %swap3A_3035 = arith.constant 368 : index
    %swap3A_3036 = tpu.vector_load %arg5[%swap3A_3034, %swap3A_3035] {strides = array<i32>} : memref<12x512xf32, #tpu.memory_space<vmem>>, vector<1x16xf32>,
    %swap3A_3037 = vector.shape_cast %swap3A_3036 : vector<1x16xf32> to vector<16xf32>
    %swap3A_3038 = vector.shape_cast %add3A_3020 : vector<16xf32> to vector<1x16xf32>
    tpu.vector_store %arg5[%swap3A_3034, %swap3A_3035], %swap3A_3038 {strides = array<i32>} : memref<12x512xf32, #tpu.memory_space<vmem>>, vector<1x16xf32>,
    %swap3A_3039 = arith.constant 3 : i32
    %swap3A_3040 = arith.index_cast %swap3A_3039 : i32 to index
    %swap3A_3041 = arith.constant 368 : index
    %swap3A_3042 = tpu.vector_load %arg5[%swap3A_3040, %swap3A_3041] {strides = array<i32>} : memref<12x512xf32, #tpu.memory_space<vmem>>, vector<1x16xf32>,
    %swap3A_3043 = vector.shape_cast %swap3A_3042 : vector<1x16xf32> to vector<16xf32>
    %swap3A_3044 = vector.shape_cast %add3A_3020 : vector<16xf32> to vector<1x16xf32>
    tpu.vector_store %arg5[%swap3A_3040, %swap3A_3041], %swap3A_3044 {strides = array<i32>} : memref<12x512xf32, #tpu.memory_space<vmem>>, vector<1x16xf32>,
    %swap3A_3045 = arith.constant 4 : i32
    %swap3A_3046 = arith.index_cast %swap3A_3045 : i32 to index
    %swap3A_3047 = arith.constant 368 : index
    %swap3A_3048 = tpu.vector_load %arg5[%swap3A_3046, %swap3A_3047] {strides = array<i32>} : memref<12x512xf32, #tpu.memory_space<vmem>>, vector<1x16xf32>,
    %swap3A_3049 = vector.shape_cast %swap3A_3048 : vector<1x16xf32> to vector<16xf32>
    %swap3A_3050 = vector.shape_cast %add3A_3020 : vector<16xf32> to vector<1x16xf32>
    tpu.vector_store %arg5[%swap3A_3046, %swap3A_3047], %swap3A_3050 {strides = array<i32>} : memref<12x512xf32, #tpu.memory_space<vmem>>, vector<1x16xf32>,
    %swap3A_3051 = arith.constant 5 : i32
    %swap3A_3052 = arith.index_cast %swap3A_3051 : i32 to index
    %swap3A_3053 = arith.constant 368 : index
    %swap3A_3054 = tpu.vector_load %arg5[%swap3A_3052, %swap3A_3053] {strides = array<i32>} : memref<12x512xf32, #tpu.memory_space<vmem>>, vector<1x16xf32>,
    %swap3A_3055 = vector.shape_cast %swap3A_3054 : vector<1x16xf32> to vector<16xf32>
    %swap3A_3056 = vector.shape_cast %add3A_3020 : vector<16xf32> to vector<1x16xf32>
    tpu.vector_store %arg5[%swap3A_3052, %swap3A_3053], %swap3A_3056 {strides = array<i32>} : memref<12x512xf32, #tpu.memory_space<vmem>>, vector<1x16xf32>,
    %swap3A_3057 = arith.constant 6 : i32
    %swap3A_3058 = arith.index_cast %swap3A_3057 : i32 to index
    %swap3A_3059 = arith.constant 368 : index
    %swap3A_3060 = tpu.vector_load %arg5[%swap3A_3058, %swap3A_3059] {strides = array<i32>} : memref<12x512xf32, #tpu.memory_space<vmem>>, vector<1x16xf32>,
    %swap3A_3061 = vector.shape_cast %swap3A_3060 : vector<1x16xf32> to vector<16xf32>
    %swap3A_3062 = vector.shape_cast %add3A_3020 : vector<16xf32> to vector<1x16xf32>
    tpu.vector_store %arg5[%swap3A_3058, %swap3A_3059], %swap3A_3062 {strides = array<i32>} : memref<12x512xf32, #tpu.memory_space<vmem>>, vector<1x16xf32>,
    %swap3A_3063 = arith.constant 7 : i32
    %swap3A_3064 = arith.index_cast %swap3A_3063 : i32 to index
    %swap3A_3065 = arith.constant 368 : index
    %swap3A_3066 = tpu.vector_load %arg5[%swap3A_3064, %swap3A_3065] {strides = array<i32>} : memref<12x512xf32, #tpu.memory_space<vmem>>, vector<1x16xf32>,
    %swap3A_3067 = vector.shape_cast %swap3A_3066 : vector<1x16xf32> to vector<16xf32>
    %swap3A_3068 = vector.shape_cast %add3A_3020 : vector<16xf32> to vector<1x16xf32>
    tpu.vector_store %arg5[%swap3A_3064, %swap3A_3065], %swap3A_3068 {strides = array<i32>} : memref<12x512xf32, #tpu.memory_space<vmem>>, vector<1x16xf32>,
    %swap3A_3069 = arith.constant 8 : i32
    %swap3A_3070 = arith.index_cast %swap3A_3069 : i32 to index
    %swap3A_3071 = arith.constant 368 : index
    %swap3A_3072 = tpu.vector_load %arg5[%swap3A_3070, %swap3A_3071] {strides = array<i32>} : memref<12x512xf32, #tpu.memory_space<vmem>>, vector<1x16xf32>,
    %swap3A_3073 = vector.shape_cast %swap3A_3072 : vector<1x16xf32> to vector<16xf32>
    %swap3A_3074 = vector.shape_cast %add3A_3020 : vector<16xf32> to vector<1x16xf32>
    tpu.vector_store %arg5[%swap3A_3070, %swap3A_3071], %swap3A_3074 {strides = array<i32>} : memref<12x512xf32, #tpu.memory_space<vmem>>, vector<1x16xf32>,
    %swap3A_3075 = arith.constant 9 : i32
    %swap3A_3076 = arith.index_cast %swap3A_3075 : i32 to index
    %swap3A_3077 = arith.constant 368 : index
    %swap3A_3078 = tpu.vector_load %arg5[%swap3A_3076, %swap3A_3077] {strides = array<i32>} : memref<12x512xf32, #tpu.memory_space<vmem>>, vector<1x16xf32>,
    %swap3A_3079 = vector.shape_cast %swap3A_3078 : vector<1x16xf32> to vector<16xf32>
    %swap3A_3080 = vector.shape_cast %add3A_3020 : vector<16xf32> to vector<1x16xf32>
    tpu.vector_store %arg5[%swap3A_3076, %swap3A_3077], %swap3A_3080 {strides = array<i32>} : memref<12x512xf32, #tpu.memory_space<vmem>>, vector<1x16xf32>,
    %swap3A_3081 = arith.constant 10 : i32
    %swap3A_3082 = arith.index_cast %swap3A_3081 : i32 to index
    %swap3A_3083 = arith.constant 368 : index
    %swap3A_3084 = tpu.vector_load %arg5[%swap3A_3082, %swap3A_3083] {strides = array<i32>} : memref<12x512xf32, #tpu.memory_space<vmem>>, vector<1x16xf32>,
    %swap3A_3085 = vector.shape_cast %swap3A_3084 : vector<1x16xf32> to vector<16xf32>
    %swap3A_3086 = vector.shape_cast %add3A_3020 : vector<16xf32> to vector<1x16xf32>
    tpu.vector_store %arg5[%swap3A_3082, %swap3A_3083], %swap3A_3086 {strides = array<i32>} : memref<12x512xf32, #tpu.memory_space<vmem>>, vector<1x16xf32>,
    %swap3A_3087 = arith.constant 11 : i32
    %swap3A_3088 = arith.index_cast %swap3A_3087 : i32 to index
    %swap3A_3089 = arith.constant 368 : index
    %swap3A_3090 = tpu.vector_load %arg5[%swap3A_3088, %swap3A_3089] {strides = array<i32>} : memref<12x512xf32, #tpu.memory_space<vmem>>, vector<1x16xf32>,
    %swap3A_3091 = vector.shape_cast %swap3A_3090 : vector<1x16xf32> to vector<16xf32>
    %swap3A_3092 = vector.shape_cast %add3A_3020 : vector<16xf32> to vector<1x16xf32>
    tpu.vector_store %arg5[%swap3A_3088, %swap3A_3089], %swap3A_3092 {strides = array<i32>} : memref<12x512xf32, #tpu.memory_space<vmem>>, vector<1x16xf32>,
    %get3A_3093 = arith.constant 0 : i32
    %get3A_3094 = arith.index_cast %get3A_3093 : i32 to index
    %get3A_3095 = arith.constant 384 : index
    %get3A_3096 = tpu.vector_load %arg4[%get3A_3094, %get3A_3095] {strides = array<i32>} : memref<8x512xf32, #tpu.memory_space<vmem>>, vector<1x16xf32>,
    %get3A_3097 = vector.shape_cast %get3A_3096 : vector<1x16xf32> to vector<16xf32>
    %get3A_3098 = arith.constant 1 : i32
    %get3A_3099 = arith.index_cast %get3A_3098 : i32 to index
    %get3A_3100 = arith.constant 384 : index
    %get3A_3101 = tpu.vector_load %arg4[%get3A_3099, %get3A_3100] {strides = array<i32>} : memref<8x512xf32, #tpu.memory_space<vmem>>, vector<1x16xf32>,
    %get3A_3102 = vector.shape_cast %get3A_3101 : vector<1x16xf32> to vector<16xf32>
    %add3A_3103 = arith.addf %get3A_3097, %get3A_3102 : vector<16xf32>
    %get3A_3104 = arith.constant 2 : i32
    %get3A_3105 = arith.index_cast %get3A_3104 : i32 to index
    %get3A_3106 = arith.constant 384 : index
    %get3A_3107 = tpu.vector_load %arg4[%get3A_3105, %get3A_3106] {strides = array<i32>} : memref<8x512xf32, #tpu.memory_space<vmem>>, vector<1x16xf32>,
    %get3A_3108 = vector.shape_cast %get3A_3107 : vector<1x16xf32> to vector<16xf32>
    %add3A_3109 = arith.addf %add3A_3103, %get3A_3108 : vector<16xf32>
    %get3A_3110 = arith.constant 3 : i32
    %get3A_3111 = arith.index_cast %get3A_3110 : i32 to index
    %get3A_3112 = arith.constant 384 : index
    %get3A_3113 = tpu.vector_load %arg4[%get3A_3111, %get3A_3112] {strides = array<i32>} : memref<8x512xf32, #tpu.memory_space<vmem>>, vector<1x16xf32>,
    %get3A_3114 = vector.shape_cast %get3A_3113 : vector<1x16xf32> to vector<16xf32>
    %add3A_3115 = arith.addf %add3A_3109, %get3A_3114 : vector<16xf32>
    %get3A_3116 = arith.constant 4 : i32
    %get3A_3117 = arith.index_cast %get3A_3116 : i32 to index
    %get3A_3118 = arith.constant 384 : index
    %get3A_3119 = tpu.vector_load %arg4[%get3A_3117, %get3A_3118] {strides = array<i32>} : memref<8x512xf32, #tpu.memory_space<vmem>>, vector<1x16xf32>,
    %get3A_3120 = vector.shape_cast %get3A_3119 : vector<1x16xf32> to vector<16xf32>
    %add3A_3121 = arith.addf %add3A_3115, %get3A_3120 : vector<16xf32>
    %get3A_3122 = arith.constant 5 : i32
    %get3A_3123 = arith.index_cast %get3A_3122 : i32 to index
    %get3A_3124 = arith.constant 384 : index
    %get3A_3125 = tpu.vector_load %arg4[%get3A_3123, %get3A_3124] {strides = array<i32>} : memref<8x512xf32, #tpu.memory_space<vmem>>, vector<1x16xf32>,
    %get3A_3126 = vector.shape_cast %get3A_3125 : vector<1x16xf32> to vector<16xf32>
    %add3A_3127 = arith.addf %add3A_3121, %get3A_3126 : vector<16xf32>
    %get3A_3128 = arith.constant 6 : i32
    %get3A_3129 = arith.index_cast %get3A_3128 : i32 to index
    %get3A_3130 = arith.constant 384 : index
    %get3A_3131 = tpu.vector_load %arg4[%get3A_3129, %get3A_3130] {strides = array<i32>} : memref<8x512xf32, #tpu.memory_space<vmem>>, vector<1x16xf32>,
    %get3A_3132 = vector.shape_cast %get3A_3131 : vector<1x16xf32> to vector<16xf32>
    %add3A_3133 = arith.addf %add3A_3127, %get3A_3132 : vector<16xf32>
    %get3A_3134 = arith.constant 7 : i32
    %get3A_3135 = arith.index_cast %get3A_3134 : i32 to index
    %get3A_3136 = arith.constant 384 : index
    %get3A_3137 = tpu.vector_load %arg4[%get3A_3135, %get3A_3136] {strides = array<i32>} : memref<8x512xf32, #tpu.memory_space<vmem>>, vector<1x16xf32>,
    %get3A_3138 = vector.shape_cast %get3A_3137 : vector<1x16xf32> to vector<16xf32>
    %add3A_3139 = arith.addf %add3A_3133, %get3A_3138 : vector<16xf32>
    %swap3A_3140 = arith.constant 0 : i32
    %swap3A_3141 = arith.index_cast %swap3A_3140 : i32 to index
    %swap3A_3142 = arith.constant 384 : index
    %swap3A_3143 = tpu.vector_load %arg5[%swap3A_3141, %swap3A_3142] {strides = array<i32>} : memref<12x512xf32, #tpu.memory_space<vmem>>, vector<1x16xf32>,
    %swap3A_3144 = vector.shape_cast %swap3A_3143 : vector<1x16xf32> to vector<16xf32>
    %swap3A_3145 = vector.shape_cast %add3A_3139 : vector<16xf32> to vector<1x16xf32>
    tpu.vector_store %arg5[%swap3A_3141, %swap3A_3142], %swap3A_3145 {strides = array<i32>} : memref<12x512xf32, #tpu.memory_space<vmem>>, vector<1x16xf32>,
    %swap3A_3146 = arith.constant 1 : i32
    %swap3A_3147 = arith.index_cast %swap3A_3146 : i32 to index
    %swap3A_3148 = arith.constant 384 : index
    %swap3A_3149 = tpu.vector_load %arg5[%swap3A_3147, %swap3A_3148] {strides = array<i32>} : memref<12x512xf32, #tpu.memory_space<vmem>>, vector<1x16xf32>,
    %swap3A_3150 = vector.shape_cast %swap3A_3149 : vector<1x16xf32> to vector<16xf32>
    %swap3A_3151 = vector.shape_cast %add3A_3139 : vector<16xf32> to vector<1x16xf32>
    tpu.vector_store %arg5[%swap3A_3147, %swap3A_3148], %swap3A_3151 {strides = array<i32>} : memref<12x512xf32, #tpu.memory_space<vmem>>, vector<1x16xf32>,
    %swap3A_3152 = arith.constant 2 : i32
    %swap3A_3153 = arith.index_cast %swap3A_3152 : i32 to index
    %swap3A_3154 = arith.constant 384 : index
    %swap3A_3155 = tpu.vector_load %arg5[%swap3A_3153, %swap3A_3154] {strides = array<i32>} : memref<12x512xf32, #tpu.memory_space<vmem>>, vector<1x16xf32>,
    %swap3A_3156 = vector.shape_cast %swap3A_3155 : vector<1x16xf32> to vector<16xf32>
    %swap3A_3157 = vector.shape_cast %add3A_3139 : vector<16xf32> to vector<1x16xf32>
    tpu.vector_store %arg5[%swap3A_3153, %swap3A_3154], %swap3A_3157 {strides = array<i32>} : memref<12x512xf32, #tpu.memory_space<vmem>>, vector<1x16xf32>,
    %swap3A_3158 = arith.constant 3 : i32
    %swap3A_3159 = arith.index_cast %swap3A_3158 : i32 to index
    %swap3A_3160 = arith.constant 384 : index
    %swap3A_3161 = tpu.vector_load %arg5[%swap3A_3159, %swap3A_3160] {strides = array<i32>} : memref<12x512xf32, #tpu.memory_space<vmem>>, vector<1x16xf32>,
    %swap3A_3162 = vector.shape_cast %swap3A_3161 : vector<1x16xf32> to vector<16xf32>
    %swap3A_3163 = vector.shape_cast %add3A_3139 : vector<16xf32> to vector<1x16xf32>
    tpu.vector_store %arg5[%swap3A_3159, %swap3A_3160], %swap3A_3163 {strides = array<i32>} : memref<12x512xf32, #tpu.memory_space<vmem>>, vector<1x16xf32>,
    %swap3A_3164 = arith.constant 4 : i32
    %swap3A_3165 = arith.index_cast %swap3A_3164 : i32 to index
    %swap3A_3166 = arith.constant 384 : index
    %swap3A_3167 = tpu.vector_load %arg5[%swap3A_3165, %swap3A_3166] {strides = array<i32>} : memref<12x512xf32, #tpu.memory_space<vmem>>, vector<1x16xf32>,
    %swap3A_3168 = vector.shape_cast %swap3A_3167 : vector<1x16xf32> to vector<16xf32>
    %swap3A_3169 = vector.shape_cast %add3A_3139 : vector<16xf32> to vector<1x16xf32>
    tpu.vector_store %arg5[%swap3A_3165, %swap3A_3166], %swap3A_3169 {strides = array<i32>} : memref<12x512xf32, #tpu.memory_space<vmem>>, vector<1x16xf32>,
    %swap3A_3170 = arith.constant 5 : i32
    %swap3A_3171 = arith.index_cast %swap3A_3170 : i32 to index
    %swap3A_3172 = arith.constant 384 : index
    %swap3A_3173 = tpu.vector_load %arg5[%swap3A_3171, %swap3A_3172] {strides = array<i32>} : memref<12x512xf32, #tpu.memory_space<vmem>>, vector<1x16xf32>,
    %swap3A_3174 = vector.shape_cast %swap3A_3173 : vector<1x16xf32> to vector<16xf32>
    %swap3A_3175 = vector.shape_cast %add3A_3139 : vector<16xf32> to vector<1x16xf32>
    tpu.vector_store %arg5[%swap3A_3171, %swap3A_3172], %swap3A_3175 {strides = array<i32>} : memref<12x512xf32, #tpu.memory_space<vmem>>, vector<1x16xf32>,
    %swap3A_3176 = arith.constant 6 : i32
    %swap3A_3177 = arith.index_cast %swap3A_3176 : i32 to index
    %swap3A_3178 = arith.constant 384 : index
    %swap3A_3179 = tpu.vector_load %arg5[%swap3A_3177, %swap3A_3178] {strides = array<i32>} : memref<12x512xf32, #tpu.memory_space<vmem>>, vector<1x16xf32>,
    %swap3A_3180 = vector.shape_cast %swap3A_3179 : vector<1x16xf32> to vector<16xf32>
    %swap3A_3181 = vector.shape_cast %add3A_3139 : vector<16xf32> to vector<1x16xf32>
    tpu.vector_store %arg5[%swap3A_3177, %swap3A_3178], %swap3A_3181 {strides = array<i32>} : memref<12x512xf32, #tpu.memory_space<vmem>>, vector<1x16xf32>,
    %swap3A_3182 = arith.constant 7 : i32
    %swap3A_3183 = arith.index_cast %swap3A_3182 : i32 to index
    %swap3A_3184 = arith.constant 384 : index
    %swap3A_3185 = tpu.vector_load %arg5[%swap3A_3183, %swap3A_3184] {strides = array<i32>} : memref<12x512xf32, #tpu.memory_space<vmem>>, vector<1x16xf32>,
    %swap3A_3186 = vector.shape_cast %swap3A_3185 : vector<1x16xf32> to vector<16xf32>
    %swap3A_3187 = vector.shape_cast %add3A_3139 : vector<16xf32> to vector<1x16xf32>
    tpu.vector_store %arg5[%swap3A_3183, %swap3A_3184], %swap3A_3187 {strides = array<i32>} : memref<12x512xf32, #tpu.memory_space<vmem>>, vector<1x16xf32>,
    %swap3A_3188 = arith.constant 8 : i32
    %swap3A_3189 = arith.index_cast %swap3A_3188 : i32 to index
    %swap3A_3190 = arith.constant 384 : index
    %swap3A_3191 = tpu.vector_load %arg5[%swap3A_3189, %swap3A_3190] {strides = array<i32>} : memref<12x512xf32, #tpu.memory_space<vmem>>, vector<1x16xf32>,
    %swap3A_3192 = vector.shape_cast %swap3A_3191 : vector<1x16xf32> to vector<16xf32>
    %swap3A_3193 = vector.shape_cast %add3A_3139 : vector<16xf32> to vector<1x16xf32>
    tpu.vector_store %arg5[%swap3A_3189, %swap3A_3190], %swap3A_3193 {strides = array<i32>} : memref<12x512xf32, #tpu.memory_space<vmem>>, vector<1x16xf32>,
    %swap3A_3194 = arith.constant 9 : i32
    %swap3A_3195 = arith.index_cast %swap3A_3194 : i32 to index
    %swap3A_3196 = arith.constant 384 : index
    %swap3A_3197 = tpu.vector_load %arg5[%swap3A_3195, %swap3A_3196] {strides = array<i32>} : memref<12x512xf32, #tpu.memory_space<vmem>>, vector<1x16xf32>,
    %swap3A_3198 = vector.shape_cast %swap3A_3197 : vector<1x16xf32> to vector<16xf32>
    %swap3A_3199 = vector.shape_cast %add3A_3139 : vector<16xf32> to vector<1x16xf32>
    tpu.vector_store %arg5[%swap3A_3195, %swap3A_3196], %swap3A_3199 {strides = array<i32>} : memref<12x512xf32, #tpu.memory_space<vmem>>, vector<1x16xf32>,
    %swap3A_3200 = arith.constant 10 : i32
    %swap3A_3201 = arith.index_cast %swap3A_3200 : i32 to index
    %swap3A_3202 = arith.constant 384 : index
    %swap3A_3203 = tpu.vector_load %arg5[%swap3A_3201, %swap3A_3202] {strides = array<i32>} : memref<12x512xf32, #tpu.memory_space<vmem>>, vector<1x16xf32>,
    %swap3A_3204 = vector.shape_cast %swap3A_3203 : vector<1x16xf32> to vector<16xf32>
    %swap3A_3205 = vector.shape_cast %add3A_3139 : vector<16xf32> to vector<1x16xf32>
    tpu.vector_store %arg5[%swap3A_3201, %swap3A_3202], %swap3A_3205 {strides = array<i32>} : memref<12x512xf32, #tpu.memory_space<vmem>>, vector<1x16xf32>,
    %swap3A_3206 = arith.constant 11 : i32
    %swap3A_3207 = arith.index_cast %swap3A_3206 : i32 to index
    %swap3A_3208 = arith.constant 384 : index
    %swap3A_3209 = tpu.vector_load %arg5[%swap3A_3207, %swap3A_3208] {strides = array<i32>} : memref<12x512xf32, #tpu.memory_space<vmem>>, vector<1x16xf32>,
    %swap3A_3210 = vector.shape_cast %swap3A_3209 : vector<1x16xf32> to vector<16xf32>
    %swap3A_3211 = vector.shape_cast %add3A_3139 : vector<16xf32> to vector<1x16xf32>
    tpu.vector_store %arg5[%swap3A_3207, %swap3A_3208], %swap3A_3211 {strides = array<i32>} : memref<12x512xf32, #tpu.memory_space<vmem>>, vector<1x16xf32>,
    %get3A_3212 = arith.constant 0 : i32
    %get3A_3213 = arith.index_cast %get3A_3212 : i32 to index
    %get3A_3214 = arith.constant 400 : index
    %get3A_3215 = tpu.vector_load %arg4[%get3A_3213, %get3A_3214] {strides = array<i32>} : memref<8x512xf32, #tpu.memory_space<vmem>>, vector<1x16xf32>,
    %get3A_3216 = vector.shape_cast %get3A_3215 : vector<1x16xf32> to vector<16xf32>
    %get3A_3217 = arith.constant 1 : i32
    %get3A_3218 = arith.index_cast %get3A_3217 : i32 to index
    %get3A_3219 = arith.constant 400 : index
    %get3A_3220 = tpu.vector_load %arg4[%get3A_3218, %get3A_3219] {strides = array<i32>} : memref<8x512xf32, #tpu.memory_space<vmem>>, vector<1x16xf32>,
    %get3A_3221 = vector.shape_cast %get3A_3220 : vector<1x16xf32> to vector<16xf32>
    %add3A_3222 = arith.addf %get3A_3216, %get3A_3221 : vector<16xf32>
    %get3A_3223 = arith.constant 2 : i32
    %get3A_3224 = arith.index_cast %get3A_3223 : i32 to index
    %get3A_3225 = arith.constant 400 : index
    %get3A_3226 = tpu.vector_load %arg4[%get3A_3224, %get3A_3225] {strides = array<i32>} : memref<8x512xf32, #tpu.memory_space<vmem>>, vector<1x16xf32>,
    %get3A_3227 = vector.shape_cast %get3A_3226 : vector<1x16xf32> to vector<16xf32>
    %add3A_3228 = arith.addf %add3A_3222, %get3A_3227 : vector<16xf32>
    %get3A_3229 = arith.constant 3 : i32
    %get3A_3230 = arith.index_cast %get3A_3229 : i32 to index
    %get3A_3231 = arith.constant 400 : index
    %get3A_3232 = tpu.vector_load %arg4[%get3A_3230, %get3A_3231] {strides = array<i32>} : memref<8x512xf32, #tpu.memory_space<vmem>>, vector<1x16xf32>,
    %get3A_3233 = vector.shape_cast %get3A_3232 : vector<1x16xf32> to vector<16xf32>
    %add3A_3234 = arith.addf %add3A_3228, %get3A_3233 : vector<16xf32>
    %get3A_3235 = arith.constant 4 : i32
    %get3A_3236 = arith.index_cast %get3A_3235 : i32 to index
    %get3A_3237 = arith.constant 400 : index
    %get3A_3238 = tpu.vector_load %arg4[%get3A_3236, %get3A_3237] {strides = array<i32>} : memref<8x512xf32, #tpu.memory_space<vmem>>, vector<1x16xf32>,
    %get3A_3239 = vector.shape_cast %get3A_3238 : vector<1x16xf32> to vector<16xf32>
    %add3A_3240 = arith.addf %add3A_3234, %get3A_3239 : vector<16xf32>
    %get3A_3241 = arith.constant 5 : i32
    %get3A_3242 = arith.index_cast %get3A_3241 : i32 to index
    %get3A_3243 = arith.constant 400 : index
    %get3A_3244 = tpu.vector_load %arg4[%get3A_3242, %get3A_3243] {strides = array<i32>} : memref<8x512xf32, #tpu.memory_space<vmem>>, vector<1x16xf32>,
    %get3A_3245 = vector.shape_cast %get3A_3244 : vector<1x16xf32> to vector<16xf32>
    %add3A_3246 = arith.addf %add3A_3240, %get3A_3245 : vector<16xf32>
    %get3A_3247 = arith.constant 6 : i32
    %get3A_3248 = arith.index_cast %get3A_3247 : i32 to index
    %get3A_3249 = arith.constant 400 : index
    %get3A_3250 = tpu.vector_load %arg4[%get3A_3248, %get3A_3249] {strides = array<i32>} : memref<8x512xf32, #tpu.memory_space<vmem>>, vector<1x16xf32>,
    %get3A_3251 = vector.shape_cast %get3A_3250 : vector<1x16xf32> to vector<16xf32>
    %add3A_3252 = arith.addf %add3A_3246, %get3A_3251 : vector<16xf32>
    %get3A_3253 = arith.constant 7 : i32
    %get3A_3254 = arith.index_cast %get3A_3253 : i32 to index
    %get3A_3255 = arith.constant 400 : index
    %get3A_3256 = tpu.vector_load %arg4[%get3A_3254, %get3A_3255] {strides = array<i32>} : memref<8x512xf32, #tpu.memory_space<vmem>>, vector<1x16xf32>,
    %get3A_3257 = vector.shape_cast %get3A_3256 : vector<1x16xf32> to vector<16xf32>
    %add3A_3258 = arith.addf %add3A_3252, %get3A_3257 : vector<16xf32>
    %swap3A_3259 = arith.constant 0 : i32
    %swap3A_3260 = arith.index_cast %swap3A_3259 : i32 to index
    %swap3A_3261 = arith.constant 400 : index
    %swap3A_3262 = tpu.vector_load %arg5[%swap3A_3260, %swap3A_3261] {strides = array<i32>} : memref<12x512xf32, #tpu.memory_space<vmem>>, vector<1x16xf32>,
    %swap3A_3263 = vector.shape_cast %swap3A_3262 : vector<1x16xf32> to vector<16xf32>
    %swap3A_3264 = vector.shape_cast %add3A_3258 : vector<16xf32> to vector<1x16xf32>
    tpu.vector_store %arg5[%swap3A_3260, %swap3A_3261], %swap3A_3264 {strides = array<i32>} : memref<12x512xf32, #tpu.memory_space<vmem>>, vector<1x16xf32>,
    %swap3A_3265 = arith.constant 1 : i32
    %swap3A_3266 = arith.index_cast %swap3A_3265 : i32 to index
    %swap3A_3267 = arith.constant 400 : index
    %swap3A_3268 = tpu.vector_load %arg5[%swap3A_3266, %swap3A_3267] {strides = array<i32>} : memref<12x512xf32, #tpu.memory_space<vmem>>, vector<1x16xf32>,
    %swap3A_3269 = vector.shape_cast %swap3A_3268 : vector<1x16xf32> to vector<16xf32>
    %swap3A_3270 = vector.shape_cast %add3A_3258 : vector<16xf32> to vector<1x16xf32>
    tpu.vector_store %arg5[%swap3A_3266, %swap3A_3267], %swap3A_3270 {strides = array<i32>} : memref<12x512xf32, #tpu.memory_space<vmem>>, vector<1x16xf32>,
    %swap3A_3271 = arith.constant 2 : i32
    %swap3A_3272 = arith.index_cast %swap3A_3271 : i32 to index
    %swap3A_3273 = arith.constant 400 : index
    %swap3A_3274 = tpu.vector_load %arg5[%swap3A_3272, %swap3A_3273] {strides = array<i32>} : memref<12x512xf32, #tpu.memory_space<vmem>>, vector<1x16xf32>,
    %swap3A_3275 = vector.shape_cast %swap3A_3274 : vector<1x16xf32> to vector<16xf32>
    %swap3A_3276 = vector.shape_cast %add3A_3258 : vector<16xf32> to vector<1x16xf32>
    tpu.vector_store %arg5[%swap3A_3272, %swap3A_3273], %swap3A_3276 {strides = array<i32>} : memref<12x512xf32, #tpu.memory_space<vmem>>, vector<1x16xf32>,
    %swap3A_3277 = arith.constant 3 : i32
    %swap3A_3278 = arith.index_cast %swap3A_3277 : i32 to index
    %swap3A_3279 = arith.constant 400 : index
    %swap3A_3280 = tpu.vector_load %arg5[%swap3A_3278, %swap3A_3279] {strides = array<i32>} : memref<12x512xf32, #tpu.memory_space<vmem>>, vector<1x16xf32>,
    %swap3A_3281 = vector.shape_cast %swap3A_3280 : vector<1x16xf32> to vector<16xf32>
    %swap3A_3282 = vector.shape_cast %add3A_3258 : vector<16xf32> to vector<1x16xf32>
    tpu.vector_store %arg5[%swap3A_3278, %swap3A_3279], %swap3A_3282 {strides = array<i32>} : memref<12x512xf32, #tpu.memory_space<vmem>>, vector<1x16xf32>,
    %swap3A_3283 = arith.constant 4 : i32
    %swap3A_3284 = arith.index_cast %swap3A_3283 : i32 to index
    %swap3A_3285 = arith.constant 400 : index
    %swap3A_3286 = tpu.vector_load %arg5[%swap3A_3284, %swap3A_3285] {strides = array<i32>} : memref<12x512xf32, #tpu.memory_space<vmem>>, vector<1x16xf32>,
    %swap3A_3287 = vector.shape_cast %swap3A_3286 : vector<1x16xf32> to vector<16xf32>
    %swap3A_3288 = vector.shape_cast %add3A_3258 : vector<16xf32> to vector<1x16xf32>
    tpu.vector_store %arg5[%swap3A_3284, %swap3A_3285], %swap3A_3288 {strides = array<i32>} : memref<12x512xf32, #tpu.memory_space<vmem>>, vector<1x16xf32>,
    %swap3A_3289 = arith.constant 5 : i32
    %swap3A_3290 = arith.index_cast %swap3A_3289 : i32 to index
    %swap3A_3291 = arith.constant 400 : index
    %swap3A_3292 = tpu.vector_load %arg5[%swap3A_3290, %swap3A_3291] {strides = array<i32>} : memref<12x512xf32, #tpu.memory_space<vmem>>, vector<1x16xf32>,
    %swap3A_3293 = vector.shape_cast %swap3A_3292 : vector<1x16xf32> to vector<16xf32>
    %swap3A_3294 = vector.shape_cast %add3A_3258 : vector<16xf32> to vector<1x16xf32>
    tpu.vector_store %arg5[%swap3A_3290, %swap3A_3291], %swap3A_3294 {strides = array<i32>} : memref<12x512xf32, #tpu.memory_space<vmem>>, vector<1x16xf32>,
    %swap3A_3295 = arith.constant 6 : i32
    %swap3A_3296 = arith.index_cast %swap3A_3295 : i32 to index
    %swap3A_3297 = arith.constant 400 : index
    %swap3A_3298 = tpu.vector_load %arg5[%swap3A_3296, %swap3A_3297] {strides = array<i32>} : memref<12x512xf32, #tpu.memory_space<vmem>>, vector<1x16xf32>,
    %swap3A_3299 = vector.shape_cast %swap3A_3298 : vector<1x16xf32> to vector<16xf32>
    %swap3A_3300 = vector.shape_cast %add3A_3258 : vector<16xf32> to vector<1x16xf32>
    tpu.vector_store %arg5[%swap3A_3296, %swap3A_3297], %swap3A_3300 {strides = array<i32>} : memref<12x512xf32, #tpu.memory_space<vmem>>, vector<1x16xf32>,
    %swap3A_3301 = arith.constant 7 : i32
    %swap3A_3302 = arith.index_cast %swap3A_3301 : i32 to index
    %swap3A_3303 = arith.constant 400 : index
    %swap3A_3304 = tpu.vector_load %arg5[%swap3A_3302, %swap3A_3303] {strides = array<i32>} : memref<12x512xf32, #tpu.memory_space<vmem>>, vector<1x16xf32>,
    %swap3A_3305 = vector.shape_cast %swap3A_3304 : vector<1x16xf32> to vector<16xf32>
    %swap3A_3306 = vector.shape_cast %add3A_3258 : vector<16xf32> to vector<1x16xf32>
    tpu.vector_store %arg5[%swap3A_3302, %swap3A_3303], %swap3A_3306 {strides = array<i32>} : memref<12x512xf32, #tpu.memory_space<vmem>>, vector<1x16xf32>,
    %swap3A_3307 = arith.constant 8 : i32
    %swap3A_3308 = arith.index_cast %swap3A_3307 : i32 to index
    %swap3A_3309 = arith.constant 400 : index
    %swap3A_3310 = tpu.vector_load %arg5[%swap3A_3308, %swap3A_3309] {strides = array<i32>} : memref<12x512xf32, #tpu.memory_space<vmem>>, vector<1x16xf32>,
    %swap3A_3311 = vector.shape_cast %swap3A_3310 : vector<1x16xf32> to vector<16xf32>
    %swap3A_3312 = vector.shape_cast %add3A_3258 : vector<16xf32> to vector<1x16xf32>
    tpu.vector_store %arg5[%swap3A_3308, %swap3A_3309], %swap3A_3312 {strides = array<i32>} : memref<12x512xf32, #tpu.memory_space<vmem>>, vector<1x16xf32>,
    %swap3A_3313 = arith.constant 9 : i32
    %swap3A_3314 = arith.index_cast %swap3A_3313 : i32 to index
    %swap3A_3315 = arith.constant 400 : index
    %swap3A_3316 = tpu.vector_load %arg5[%swap3A_3314, %swap3A_3315] {strides = array<i32>} : memref<12x512xf32, #tpu.memory_space<vmem>>, vector<1x16xf32>,
    %swap3A_3317 = vector.shape_cast %swap3A_3316 : vector<1x16xf32> to vector<16xf32>
    %swap3A_3318 = vector.shape_cast %add3A_3258 : vector<16xf32> to vector<1x16xf32>
    tpu.vector_store %arg5[%swap3A_3314, %swap3A_3315], %swap3A_3318 {strides = array<i32>} : memref<12x512xf32, #tpu.memory_space<vmem>>, vector<1x16xf32>,
    %swap3A_3319 = arith.constant 10 : i32
    %swap3A_3320 = arith.index_cast %swap3A_3319 : i32 to index
    %swap3A_3321 = arith.constant 400 : index
    %swap3A_3322 = tpu.vector_load %arg5[%swap3A_3320, %swap3A_3321] {strides = array<i32>} : memref<12x512xf32, #tpu.memory_space<vmem>>, vector<1x16xf32>,
    %swap3A_3323 = vector.shape_cast %swap3A_3322 : vector<1x16xf32> to vector<16xf32>
    %swap3A_3324 = vector.shape_cast %add3A_3258 : vector<16xf32> to vector<1x16xf32>
    tpu.vector_store %arg5[%swap3A_3320, %swap3A_3321], %swap3A_3324 {strides = array<i32>} : memref<12x512xf32, #tpu.memory_space<vmem>>, vector<1x16xf32>,
    %swap3A_3325 = arith.constant 11 : i32
    %swap3A_3326 = arith.index_cast %swap3A_3325 : i32 to index
    %swap3A_3327 = arith.constant 400 : index
    %swap3A_3328 = tpu.vector_load %arg5[%swap3A_3326, %swap3A_3327] {strides = array<i32>} : memref<12x512xf32, #tpu.memory_space<vmem>>, vector<1x16xf32>,
    %swap3A_3329 = vector.shape_cast %swap3A_3328 : vector<1x16xf32> to vector<16xf32>
    %swap3A_3330 = vector.shape_cast %add3A_3258 : vector<16xf32> to vector<1x16xf32>
    tpu.vector_store %arg5[%swap3A_3326, %swap3A_3327], %swap3A_3330 {strides = array<i32>} : memref<12x512xf32, #tpu.memory_space<vmem>>, vector<1x16xf32>,
    %get3A_3331 = arith.constant 0 : i32
    %get3A_3332 = arith.index_cast %get3A_3331 : i32 to index
    %get3A_3333 = arith.constant 416 : index
    %get3A_3334 = tpu.vector_load %arg4[%get3A_3332, %get3A_3333] {strides = array<i32>} : memref<8x512xf32, #tpu.memory_space<vmem>>, vector<1x16xf32>,
    %get3A_3335 = vector.shape_cast %get3A_3334 : vector<1x16xf32> to vector<16xf32>
    %get3A_3336 = arith.constant 1 : i32
    %get3A_3337 = arith.index_cast %get3A_3336 : i32 to index
    %get3A_3338 = arith.constant 416 : index
    %get3A_3339 = tpu.vector_load %arg4[%get3A_3337, %get3A_3338] {strides = array<i32>} : memref<8x512xf32, #tpu.memory_space<vmem>>, vector<1x16xf32>,
    %get3A_3340 = vector.shape_cast %get3A_3339 : vector<1x16xf32> to vector<16xf32>
    %add3A_3341 = arith.addf %get3A_3335, %get3A_3340 : vector<16xf32>
    %get3A_3342 = arith.constant 2 : i32
    %get3A_3343 = arith.index_cast %get3A_3342 : i32 to index
    %get3A_3344 = arith.constant 416 : index
    %get3A_3345 = tpu.vector_load %arg4[%get3A_3343, %get3A_3344] {strides = array<i32>} : memref<8x512xf32, #tpu.memory_space<vmem>>, vector<1x16xf32>,
    %get3A_3346 = vector.shape_cast %get3A_3345 : vector<1x16xf32> to vector<16xf32>
    %add3A_3347 = arith.addf %add3A_3341, %get3A_3346 : vector<16xf32>
    %get3A_3348 = arith.constant 3 : i32
    %get3A_3349 = arith.index_cast %get3A_3348 : i32 to index
    %get3A_3350 = arith.constant 416 : index
    %get3A_3351 = tpu.vector_load %arg4[%get3A_3349, %get3A_3350] {strides = array<i32>} : memref<8x512xf32, #tpu.memory_space<vmem>>, vector<1x16xf32>,
    %get3A_3352 = vector.shape_cast %get3A_3351 : vector<1x16xf32> to vector<16xf32>
    %add3A_3353 = arith.addf %add3A_3347, %get3A_3352 : vector<16xf32>
    %get3A_3354 = arith.constant 4 : i32
    %get3A_3355 = arith.index_cast %get3A_3354 : i32 to index
    %get3A_3356 = arith.constant 416 : index
    %get3A_3357 = tpu.vector_load %arg4[%get3A_3355, %get3A_3356] {strides = array<i32>} : memref<8x512xf32, #tpu.memory_space<vmem>>, vector<1x16xf32>,
    %get3A_3358 = vector.shape_cast %get3A_3357 : vector<1x16xf32> to vector<16xf32>
    %add3A_3359 = arith.addf %add3A_3353, %get3A_3358 : vector<16xf32>
    %get3A_3360 = arith.constant 5 : i32
    %get3A_3361 = arith.index_cast %get3A_3360 : i32 to index
    %get3A_3362 = arith.constant 416 : index
    %get3A_3363 = tpu.vector_load %arg4[%get3A_3361, %get3A_3362] {strides = array<i32>} : memref<8x512xf32, #tpu.memory_space<vmem>>, vector<1x16xf32>,
    %get3A_3364 = vector.shape_cast %get3A_3363 : vector<1x16xf32> to vector<16xf32>
    %add3A_3365 = arith.addf %add3A_3359, %get3A_3364 : vector<16xf32>
    %get3A_3366 = arith.constant 6 : i32
    %get3A_3367 = arith.index_cast %get3A_3366 : i32 to index
    %get3A_3368 = arith.constant 416 : index
    %get3A_3369 = tpu.vector_load %arg4[%get3A_3367, %get3A_3368] {strides = array<i32>} : memref<8x512xf32, #tpu.memory_space<vmem>>, vector<1x16xf32>,
    %get3A_3370 = vector.shape_cast %get3A_3369 : vector<1x16xf32> to vector<16xf32>
    %add3A_3371 = arith.addf %add3A_3365, %get3A_3370 : vector<16xf32>
    %get3A_3372 = arith.constant 7 : i32
    %get3A_3373 = arith.index_cast %get3A_3372 : i32 to index
    %get3A_3374 = arith.constant 416 : index
    %get3A_3375 = tpu.vector_load %arg4[%get3A_3373, %get3A_3374] {strides = array<i32>} : memref<8x512xf32, #tpu.memory_space<vmem>>, vector<1x16xf32>,
    %get3A_3376 = vector.shape_cast %get3A_3375 : vector<1x16xf32> to vector<16xf32>
    %add3A_3377 = arith.addf %add3A_3371, %get3A_3376 : vector<16xf32>
    %swap3A_3378 = arith.constant 0 : i32
    %swap3A_3379 = arith.index_cast %swap3A_3378 : i32 to index
    %swap3A_3380 = arith.constant 416 : index
    %swap3A_3381 = tpu.vector_load %arg5[%swap3A_3379, %swap3A_3380] {strides = array<i32>} : memref<12x512xf32, #tpu.memory_space<vmem>>, vector<1x16xf32>,
    %swap3A_3382 = vector.shape_cast %swap3A_3381 : vector<1x16xf32> to vector<16xf32>
    %swap3A_3383 = vector.shape_cast %add3A_3377 : vector<16xf32> to vector<1x16xf32>
    tpu.vector_store %arg5[%swap3A_3379, %swap3A_3380], %swap3A_3383 {strides = array<i32>} : memref<12x512xf32, #tpu.memory_space<vmem>>, vector<1x16xf32>,
    %swap3A_3384 = arith.constant 1 : i32
    %swap3A_3385 = arith.index_cast %swap3A_3384 : i32 to index
    %swap3A_3386 = arith.constant 416 : index
    %swap3A_3387 = tpu.vector_load %arg5[%swap3A_3385, %swap3A_3386] {strides = array<i32>} : memref<12x512xf32, #tpu.memory_space<vmem>>, vector<1x16xf32>,
    %swap3A_3388 = vector.shape_cast %swap3A_3387 : vector<1x16xf32> to vector<16xf32>
    %swap3A_3389 = vector.shape_cast %add3A_3377 : vector<16xf32> to vector<1x16xf32>
    tpu.vector_store %arg5[%swap3A_3385, %swap3A_3386], %swap3A_3389 {strides = array<i32>} : memref<12x512xf32, #tpu.memory_space<vmem>>, vector<1x16xf32>,
    %swap3A_3390 = arith.constant 2 : i32
    %swap3A_3391 = arith.index_cast %swap3A_3390 : i32 to index
    %swap3A_3392 = arith.constant 416 : index
    %swap3A_3393 = tpu.vector_load %arg5[%swap3A_3391, %swap3A_3392] {strides = array<i32>} : memref<12x512xf32, #tpu.memory_space<vmem>>, vector<1x16xf32>,
    %swap3A_3394 = vector.shape_cast %swap3A_3393 : vector<1x16xf32> to vector<16xf32>
    %swap3A_3395 = vector.shape_cast %add3A_3377 : vector<16xf32> to vector<1x16xf32>
    tpu.vector_store %arg5[%swap3A_3391, %swap3A_3392], %swap3A_3395 {strides = array<i32>} : memref<12x512xf32, #tpu.memory_space<vmem>>, vector<1x16xf32>,
    %swap3A_3396 = arith.constant 3 : i32
    %swap3A_3397 = arith.index_cast %swap3A_3396 : i32 to index
    %swap3A_3398 = arith.constant 416 : index
    %swap3A_3399 = tpu.vector_load %arg5[%swap3A_3397, %swap3A_3398] {strides = array<i32>} : memref<12x512xf32, #tpu.memory_space<vmem>>, vector<1x16xf32>,
    %swap3A_3400 = vector.shape_cast %swap3A_3399 : vector<1x16xf32> to vector<16xf32>
    %swap3A_3401 = vector.shape_cast %add3A_3377 : vector<16xf32> to vector<1x16xf32>
    tpu.vector_store %arg5[%swap3A_3397, %swap3A_3398], %swap3A_3401 {strides = array<i32>} : memref<12x512xf32, #tpu.memory_space<vmem>>, vector<1x16xf32>,
    %swap3A_3402 = arith.constant 4 : i32
    %swap3A_3403 = arith.index_cast %swap3A_3402 : i32 to index
    %swap3A_3404 = arith.constant 416 : index
    %swap3A_3405 = tpu.vector_load %arg5[%swap3A_3403, %swap3A_3404] {strides = array<i32>} : memref<12x512xf32, #tpu.memory_space<vmem>>, vector<1x16xf32>,
    %swap3A_3406 = vector.shape_cast %swap3A_3405 : vector<1x16xf32> to vector<16xf32>
    %swap3A_3407 = vector.shape_cast %add3A_3377 : vector<16xf32> to vector<1x16xf32>
    tpu.vector_store %arg5[%swap3A_3403, %swap3A_3404], %swap3A_3407 {strides = array<i32>} : memref<12x512xf32, #tpu.memory_space<vmem>>, vector<1x16xf32>,
    %swap3A_3408 = arith.constant 5 : i32
    %swap3A_3409 = arith.index_cast %swap3A_3408 : i32 to index
    %swap3A_3410 = arith.constant 416 : index
    %swap3A_3411 = tpu.vector_load %arg5[%swap3A_3409, %swap3A_3410] {strides = array<i32>} : memref<12x512xf32, #tpu.memory_space<vmem>>, vector<1x16xf32>,
    %swap3A_3412 = vector.shape_cast %swap3A_3411 : vector<1x16xf32> to vector<16xf32>
    %swap3A_3413 = vector.shape_cast %add3A_3377 : vector<16xf32> to vector<1x16xf32>
    tpu.vector_store %arg5[%swap3A_3409, %swap3A_3410], %swap3A_3413 {strides = array<i32>} : memref<12x512xf32, #tpu.memory_space<vmem>>, vector<1x16xf32>,
    %swap3A_3414 = arith.constant 6 : i32
    %swap3A_3415 = arith.index_cast %swap3A_3414 : i32 to index
    %swap3A_3416 = arith.constant 416 : index
    %swap3A_3417 = tpu.vector_load %arg5[%swap3A_3415, %swap3A_3416] {strides = array<i32>} : memref<12x512xf32, #tpu.memory_space<vmem>>, vector<1x16xf32>,
    %swap3A_3418 = vector.shape_cast %swap3A_3417 : vector<1x16xf32> to vector<16xf32>
    %swap3A_3419 = vector.shape_cast %add3A_3377 : vector<16xf32> to vector<1x16xf32>
    tpu.vector_store %arg5[%swap3A_3415, %swap3A_3416], %swap3A_3419 {strides = array<i32>} : memref<12x512xf32, #tpu.memory_space<vmem>>, vector<1x16xf32>,
    %swap3A_3420 = arith.constant 7 : i32
    %swap3A_3421 = arith.index_cast %swap3A_3420 : i32 to index
    %swap3A_3422 = arith.constant 416 : index
    %swap3A_3423 = tpu.vector_load %arg5[%swap3A_3421, %swap3A_3422] {strides = array<i32>} : memref<12x512xf32, #tpu.memory_space<vmem>>, vector<1x16xf32>,
    %swap3A_3424 = vector.shape_cast %swap3A_3423 : vector<1x16xf32> to vector<16xf32>
    %swap3A_3425 = vector.shape_cast %add3A_3377 : vector<16xf32> to vector<1x16xf32>
    tpu.vector_store %arg5[%swap3A_3421, %swap3A_3422], %swap3A_3425 {strides = array<i32>} : memref<12x512xf32, #tpu.memory_space<vmem>>, vector<1x16xf32>,
    %swap3A_3426 = arith.constant 8 : i32
    %swap3A_3427 = arith.index_cast %swap3A_3426 : i32 to index
    %swap3A_3428 = arith.constant 416 : index
    %swap3A_3429 = tpu.vector_load %arg5[%swap3A_3427, %swap3A_3428] {strides = array<i32>} : memref<12x512xf32, #tpu.memory_space<vmem>>, vector<1x16xf32>,
    %swap3A_3430 = vector.shape_cast %swap3A_3429 : vector<1x16xf32> to vector<16xf32>
    %swap3A_3431 = vector.shape_cast %add3A_3377 : vector<16xf32> to vector<1x16xf32>
    tpu.vector_store %arg5[%swap3A_3427, %swap3A_3428], %swap3A_3431 {strides = array<i32>} : memref<12x512xf32, #tpu.memory_space<vmem>>, vector<1x16xf32>,
    %swap3A_3432 = arith.constant 9 : i32
    %swap3A_3433 = arith.index_cast %swap3A_3432 : i32 to index
    %swap3A_3434 = arith.constant 416 : index
    %swap3A_3435 = tpu.vector_load %arg5[%swap3A_3433, %swap3A_3434] {strides = array<i32>} : memref<12x512xf32, #tpu.memory_space<vmem>>, vector<1x16xf32>,
    %swap3A_3436 = vector.shape_cast %swap3A_3435 : vector<1x16xf32> to vector<16xf32>
    %swap3A_3437 = vector.shape_cast %add3A_3377 : vector<16xf32> to vector<1x16xf32>
    tpu.vector_store %arg5[%swap3A_3433, %swap3A_3434], %swap3A_3437 {strides = array<i32>} : memref<12x512xf32, #tpu.memory_space<vmem>>, vector<1x16xf32>,
    %swap3A_3438 = arith.constant 10 : i32
    %swap3A_3439 = arith.index_cast %swap3A_3438 : i32 to index
    %swap3A_3440 = arith.constant 416 : index
    %swap3A_3441 = tpu.vector_load %arg5[%swap3A_3439, %swap3A_3440] {strides = array<i32>} : memref<12x512xf32, #tpu.memory_space<vmem>>, vector<1x16xf32>,
    %swap3A_3442 = vector.shape_cast %swap3A_3441 : vector<1x16xf32> to vector<16xf32>
    %swap3A_3443 = vector.shape_cast %add3A_3377 : vector<16xf32> to vector<1x16xf32>
    tpu.vector_store %arg5[%swap3A_3439, %swap3A_3440], %swap3A_3443 {strides = array<i32>} : memref<12x512xf32, #tpu.memory_space<vmem>>, vector<1x16xf32>,
    %swap3A_3444 = arith.constant 11 : i32
    %swap3A_3445 = arith.index_cast %swap3A_3444 : i32 to index
    %swap3A_3446 = arith.constant 416 : index
    %swap3A_3447 = tpu.vector_load %arg5[%swap3A_3445, %swap3A_3446] {strides = array<i32>} : memref<12x512xf32, #tpu.memory_space<vmem>>, vector<1x16xf32>,
    %swap3A_3448 = vector.shape_cast %swap3A_3447 : vector<1x16xf32> to vector<16xf32>
    %swap3A_3449 = vector.shape_cast %add3A_3377 : vector<16xf32> to vector<1x16xf32>
    tpu.vector_store %arg5[%swap3A_3445, %swap3A_3446], %swap3A_3449 {strides = array<i32>} : memref<12x512xf32, #tpu.memory_space<vmem>>, vector<1x16xf32>,
    %get3A_3450 = arith.constant 0 : i32
    %get3A_3451 = arith.index_cast %get3A_3450 : i32 to index
    %get3A_3452 = arith.constant 432 : index
    %get3A_3453 = tpu.vector_load %arg4[%get3A_3451, %get3A_3452] {strides = array<i32>} : memref<8x512xf32, #tpu.memory_space<vmem>>, vector<1x16xf32>,
    %get3A_3454 = vector.shape_cast %get3A_3453 : vector<1x16xf32> to vector<16xf32>
    %get3A_3455 = arith.constant 1 : i32
    %get3A_3456 = arith.index_cast %get3A_3455 : i32 to index
    %get3A_3457 = arith.constant 432 : index
    %get3A_3458 = tpu.vector_load %arg4[%get3A_3456, %get3A_3457] {strides = array<i32>} : memref<8x512xf32, #tpu.memory_space<vmem>>, vector<1x16xf32>,
    %get3A_3459 = vector.shape_cast %get3A_3458 : vector<1x16xf32> to vector<16xf32>
    %add3A_3460 = arith.addf %get3A_3454, %get3A_3459 : vector<16xf32>
    %get3A_3461 = arith.constant 2 : i32
    %get3A_3462 = arith.index_cast %get3A_3461 : i32 to index
    %get3A_3463 = arith.constant 432 : index
    %get3A_3464 = tpu.vector_load %arg4[%get3A_3462, %get3A_3463] {strides = array<i32>} : memref<8x512xf32, #tpu.memory_space<vmem>>, vector<1x16xf32>,
    %get3A_3465 = vector.shape_cast %get3A_3464 : vector<1x16xf32> to vector<16xf32>
    %add3A_3466 = arith.addf %add3A_3460, %get3A_3465 : vector<16xf32>
    %get3A_3467 = arith.constant 3 : i32
    %get3A_3468 = arith.index_cast %get3A_3467 : i32 to index
    %get3A_3469 = arith.constant 432 : index
    %get3A_3470 = tpu.vector_load %arg4[%get3A_3468, %get3A_3469] {strides = array<i32>} : memref<8x512xf32, #tpu.memory_space<vmem>>, vector<1x16xf32>,
    %get3A_3471 = vector.shape_cast %get3A_3470 : vector<1x16xf32> to vector<16xf32>
    %add3A_3472 = arith.addf %add3A_3466, %get3A_3471 : vector<16xf32>
    %get3A_3473 = arith.constant 4 : i32
    %get3A_3474 = arith.index_cast %get3A_3473 : i32 to index
    %get3A_3475 = arith.constant 432 : index
    %get3A_3476 = tpu.vector_load %arg4[%get3A_3474, %get3A_3475] {strides = array<i32>} : memref<8x512xf32, #tpu.memory_space<vmem>>, vector<1x16xf32>,
    %get3A_3477 = vector.shape_cast %get3A_3476 : vector<1x16xf32> to vector<16xf32>
    %add3A_3478 = arith.addf %add3A_3472, %get3A_3477 : vector<16xf32>
    %get3A_3479 = arith.constant 5 : i32
    %get3A_3480 = arith.index_cast %get3A_3479 : i32 to index
    %get3A_3481 = arith.constant 432 : index
    %get3A_3482 = tpu.vector_load %arg4[%get3A_3480, %get3A_3481] {strides = array<i32>} : memref<8x512xf32, #tpu.memory_space<vmem>>, vector<1x16xf32>,
    %get3A_3483 = vector.shape_cast %get3A_3482 : vector<1x16xf32> to vector<16xf32>
    %add3A_3484 = arith.addf %add3A_3478, %get3A_3483 : vector<16xf32>
    %get3A_3485 = arith.constant 6 : i32
    %get3A_3486 = arith.index_cast %get3A_3485 : i32 to index
    %get3A_3487 = arith.constant 432 : index
    %get3A_3488 = tpu.vector_load %arg4[%get3A_3486, %get3A_3487] {strides = array<i32>} : memref<8x512xf32, #tpu.memory_space<vmem>>, vector<1x16xf32>,
    %get3A_3489 = vector.shape_cast %get3A_3488 : vector<1x16xf32> to vector<16xf32>
    %add3A_3490 = arith.addf %add3A_3484, %get3A_3489 : vector<16xf32>
    %get3A_3491 = arith.constant 7 : i32
    %get3A_3492 = arith.index_cast %get3A_3491 : i32 to index
    %get3A_3493 = arith.constant 432 : index
    %get3A_3494 = tpu.vector_load %arg4[%get3A_3492, %get3A_3493] {strides = array<i32>} : memref<8x512xf32, #tpu.memory_space<vmem>>, vector<1x16xf32>,
    %get3A_3495 = vector.shape_cast %get3A_3494 : vector<1x16xf32> to vector<16xf32>
    %add3A_3496 = arith.addf %add3A_3490, %get3A_3495 : vector<16xf32>
    %swap3A_3497 = arith.constant 0 : i32
    %swap3A_3498 = arith.index_cast %swap3A_3497 : i32 to index
    %swap3A_3499 = arith.constant 432 : index
    %swap3A_3500 = tpu.vector_load %arg5[%swap3A_3498, %swap3A_3499] {strides = array<i32>} : memref<12x512xf32, #tpu.memory_space<vmem>>, vector<1x16xf32>,
    %swap3A_3501 = vector.shape_cast %swap3A_3500 : vector<1x16xf32> to vector<16xf32>
    %swap3A_3502 = vector.shape_cast %add3A_3496 : vector<16xf32> to vector<1x16xf32>
    tpu.vector_store %arg5[%swap3A_3498, %swap3A_3499], %swap3A_3502 {strides = array<i32>} : memref<12x512xf32, #tpu.memory_space<vmem>>, vector<1x16xf32>,
    %swap3A_3503 = arith.constant 1 : i32
    %swap3A_3504 = arith.index_cast %swap3A_3503 : i32 to index
    %swap3A_3505 = arith.constant 432 : index
    %swap3A_3506 = tpu.vector_load %arg5[%swap3A_3504, %swap3A_3505] {strides = array<i32>} : memref<12x512xf32, #tpu.memory_space<vmem>>, vector<1x16xf32>,
    %swap3A_3507 = vector.shape_cast %swap3A_3506 : vector<1x16xf32> to vector<16xf32>
    %swap3A_3508 = vector.shape_cast %add3A_3496 : vector<16xf32> to vector<1x16xf32>
    tpu.vector_store %arg5[%swap3A_3504, %swap3A_3505], %swap3A_3508 {strides = array<i32>} : memref<12x512xf32, #tpu.memory_space<vmem>>, vector<1x16xf32>,
    %swap3A_3509 = arith.constant 2 : i32
    %swap3A_3510 = arith.index_cast %swap3A_3509 : i32 to index
    %swap3A_3511 = arith.constant 432 : index
    %swap3A_3512 = tpu.vector_load %arg5[%swap3A_3510, %swap3A_3511] {strides = array<i32>} : memref<12x512xf32, #tpu.memory_space<vmem>>, vector<1x16xf32>,
    %swap3A_3513 = vector.shape_cast %swap3A_3512 : vector<1x16xf32> to vector<16xf32>
    %swap3A_3514 = vector.shape_cast %add3A_3496 : vector<16xf32> to vector<1x16xf32>
    tpu.vector_store %arg5[%swap3A_3510, %swap3A_3511], %swap3A_3514 {strides = array<i32>} : memref<12x512xf32, #tpu.memory_space<vmem>>, vector<1x16xf32>,
    %swap3A_3515 = arith.constant 3 : i32
    %swap3A_3516 = arith.index_cast %swap3A_3515 : i32 to index
    %swap3A_3517 = arith.constant 432 : index
    %swap3A_3518 = tpu.vector_load %arg5[%swap3A_3516, %swap3A_3517] {strides = array<i32>} : memref<12x512xf32, #tpu.memory_space<vmem>>, vector<1x16xf32>,
    %swap3A_3519 = vector.shape_cast %swap3A_3518 : vector<1x16xf32> to vector<16xf32>
    %swap3A_3520 = vector.shape_cast %add3A_3496 : vector<16xf32> to vector<1x16xf32>
    tpu.vector_store %arg5[%swap3A_3516, %swap3A_3517], %swap3A_3520 {strides = array<i32>} : memref<12x512xf32, #tpu.memory_space<vmem>>, vector<1x16xf32>,
    %swap3A_3521 = arith.constant 4 : i32
    %swap3A_3522 = arith.index_cast %swap3A_3521 : i32 to index
    %swap3A_3523 = arith.constant 432 : index
    %swap3A_3524 = tpu.vector_load %arg5[%swap3A_3522, %swap3A_3523] {strides = array<i32>} : memref<12x512xf32, #tpu.memory_space<vmem>>, vector<1x16xf32>,
    %swap3A_3525 = vector.shape_cast %swap3A_3524 : vector<1x16xf32> to vector<16xf32>
    %swap3A_3526 = vector.shape_cast %add3A_3496 : vector<16xf32> to vector<1x16xf32>
    tpu.vector_store %arg5[%swap3A_3522, %swap3A_3523], %swap3A_3526 {strides = array<i32>} : memref<12x512xf32, #tpu.memory_space<vmem>>, vector<1x16xf32>,
    %swap3A_3527 = arith.constant 5 : i32
    %swap3A_3528 = arith.index_cast %swap3A_3527 : i32 to index
    %swap3A_3529 = arith.constant 432 : index
    %swap3A_3530 = tpu.vector_load %arg5[%swap3A_3528, %swap3A_3529] {strides = array<i32>} : memref<12x512xf32, #tpu.memory_space<vmem>>, vector<1x16xf32>,
    %swap3A_3531 = vector.shape_cast %swap3A_3530 : vector<1x16xf32> to vector<16xf32>
    %swap3A_3532 = vector.shape_cast %add3A_3496 : vector<16xf32> to vector<1x16xf32>
    tpu.vector_store %arg5[%swap3A_3528, %swap3A_3529], %swap3A_3532 {strides = array<i32>} : memref<12x512xf32, #tpu.memory_space<vmem>>, vector<1x16xf32>,
    %swap3A_3533 = arith.constant 6 : i32
    %swap3A_3534 = arith.index_cast %swap3A_3533 : i32 to index
    %swap3A_3535 = arith.constant 432 : index
    %swap3A_3536 = tpu.vector_load %arg5[%swap3A_3534, %swap3A_3535] {strides = array<i32>} : memref<12x512xf32, #tpu.memory_space<vmem>>, vector<1x16xf32>,
    %swap3A_3537 = vector.shape_cast %swap3A_3536 : vector<1x16xf32> to vector<16xf32>
    %swap3A_3538 = vector.shape_cast %add3A_3496 : vector<16xf32> to vector<1x16xf32>
    tpu.vector_store %arg5[%swap3A_3534, %swap3A_3535], %swap3A_3538 {strides = array<i32>} : memref<12x512xf32, #tpu.memory_space<vmem>>, vector<1x16xf32>,
    %swap3A_3539 = arith.constant 7 : i32
    %swap3A_3540 = arith.index_cast %swap3A_3539 : i32 to index
    %swap3A_3541 = arith.constant 432 : index
    %swap3A_3542 = tpu.vector_load %arg5[%swap3A_3540, %swap3A_3541] {strides = array<i32>} : memref<12x512xf32, #tpu.memory_space<vmem>>, vector<1x16xf32>,
    %swap3A_3543 = vector.shape_cast %swap3A_3542 : vector<1x16xf32> to vector<16xf32>
    %swap3A_3544 = vector.shape_cast %add3A_3496 : vector<16xf32> to vector<1x16xf32>
    tpu.vector_store %arg5[%swap3A_3540, %swap3A_3541], %swap3A_3544 {strides = array<i32>} : memref<12x512xf32, #tpu.memory_space<vmem>>, vector<1x16xf32>,
    %swap3A_3545 = arith.constant 8 : i32
    %swap3A_3546 = arith.index_cast %swap3A_3545 : i32 to index
    %swap3A_3547 = arith.constant 432 : index
    %swap3A_3548 = tpu.vector_load %arg5[%swap3A_3546, %swap3A_3547] {strides = array<i32>} : memref<12x512xf32, #tpu.memory_space<vmem>>, vector<1x16xf32>,
    %swap3A_3549 = vector.shape_cast %swap3A_3548 : vector<1x16xf32> to vector<16xf32>
    %swap3A_3550 = vector.shape_cast %add3A_3496 : vector<16xf32> to vector<1x16xf32>
    tpu.vector_store %arg5[%swap3A_3546, %swap3A_3547], %swap3A_3550 {strides = array<i32>} : memref<12x512xf32, #tpu.memory_space<vmem>>, vector<1x16xf32>,
    %swap3A_3551 = arith.constant 9 : i32
    %swap3A_3552 = arith.index_cast %swap3A_3551 : i32 to index
    %swap3A_3553 = arith.constant 432 : index
    %swap3A_3554 = tpu.vector_load %arg5[%swap3A_3552, %swap3A_3553] {strides = array<i32>} : memref<12x512xf32, #tpu.memory_space<vmem>>, vector<1x16xf32>,
    %swap3A_3555 = vector.shape_cast %swap3A_3554 : vector<1x16xf32> to vector<16xf32>
    %swap3A_3556 = vector.shape_cast %add3A_3496 : vector<16xf32> to vector<1x16xf32>
    tpu.vector_store %arg5[%swap3A_3552, %swap3A_3553], %swap3A_3556 {strides = array<i32>} : memref<12x512xf32, #tpu.memory_space<vmem>>, vector<1x16xf32>,
    %swap3A_3557 = arith.constant 10 : i32
    %swap3A_3558 = arith.index_cast %swap3A_3557 : i32 to index
    %swap3A_3559 = arith.constant 432 : index
    %swap3A_3560 = tpu.vector_load %arg5[%swap3A_3558, %swap3A_3559] {strides = array<i32>} : memref<12x512xf32, #tpu.memory_space<vmem>>, vector<1x16xf32>,
    %swap3A_3561 = vector.shape_cast %swap3A_3560 : vector<1x16xf32> to vector<16xf32>
    %swap3A_3562 = vector.shape_cast %add3A_3496 : vector<16xf32> to vector<1x16xf32>
    tpu.vector_store %arg5[%swap3A_3558, %swap3A_3559], %swap3A_3562 {strides = array<i32>} : memref<12x512xf32, #tpu.memory_space<vmem>>, vector<1x16xf32>,
    %swap3A_3563 = arith.constant 11 : i32
    %swap3A_3564 = arith.index_cast %swap3A_3563 : i32 to index
    %swap3A_3565 = arith.constant 432 : index
    %swap3A_3566 = tpu.vector_load %arg5[%swap3A_3564, %swap3A_3565] {strides = array<i32>} : memref<12x512xf32, #tpu.memory_space<vmem>>, vector<1x16xf32>,
    %swap3A_3567 = vector.shape_cast %swap3A_3566 : vector<1x16xf32> to vector<16xf32>
    %swap3A_3568 = vector.shape_cast %add3A_3496 : vector<16xf32> to vector<1x16xf32>
    tpu.vector_store %arg5[%swap3A_3564, %swap3A_3565], %swap3A_3568 {strides = array<i32>} : memref<12x512xf32, #tpu.memory_space<vmem>>, vector<1x16xf32>,
    %get3A_3569 = arith.constant 0 : i32
    %get3A_3570 = arith.index_cast %get3A_3569 : i32 to index
    %get3A_3571 = arith.constant 448 : index
    %get3A_3572 = tpu.vector_load %arg4[%get3A_3570, %get3A_3571] {strides = array<i32>} : memref<8x512xf32, #tpu.memory_space<vmem>>, vector<1x16xf32>,
    %get3A_3573 = vector.shape_cast %get3A_3572 : vector<1x16xf32> to vector<16xf32>
    %get3A_3574 = arith.constant 1 : i32
    %get3A_3575 = arith.index_cast %get3A_3574 : i32 to index
    %get3A_3576 = arith.constant 448 : index
    %get3A_3577 = tpu.vector_load %arg4[%get3A_3575, %get3A_3576] {strides = array<i32>} : memref<8x512xf32, #tpu.memory_space<vmem>>, vector<1x16xf32>,
    %get3A_3578 = vector.shape_cast %get3A_3577 : vector<1x16xf32> to vector<16xf32>
    %add3A_3579 = arith.addf %get3A_3573, %get3A_3578 : vector<16xf32>
    %get3A_3580 = arith.constant 2 : i32
    %get3A_3581 = arith.index_cast %get3A_3580 : i32 to index
    %get3A_3582 = arith.constant 448 : index
    %get3A_3583 = tpu.vector_load %arg4[%get3A_3581, %get3A_3582] {strides = array<i32>} : memref<8x512xf32, #tpu.memory_space<vmem>>, vector<1x16xf32>,
    %get3A_3584 = vector.shape_cast %get3A_3583 : vector<1x16xf32> to vector<16xf32>
    %add3A_3585 = arith.addf %add3A_3579, %get3A_3584 : vector<16xf32>
    %get3A_3586 = arith.constant 3 : i32
    %get3A_3587 = arith.index_cast %get3A_3586 : i32 to index
    %get3A_3588 = arith.constant 448 : index
    %get3A_3589 = tpu.vector_load %arg4[%get3A_3587, %get3A_3588] {strides = array<i32>} : memref<8x512xf32, #tpu.memory_space<vmem>>, vector<1x16xf32>,
    %get3A_3590 = vector.shape_cast %get3A_3589 : vector<1x16xf32> to vector<16xf32>
    %add3A_3591 = arith.addf %add3A_3585, %get3A_3590 : vector<16xf32>
    %get3A_3592 = arith.constant 4 : i32
    %get3A_3593 = arith.index_cast %get3A_3592 : i32 to index
    %get3A_3594 = arith.constant 448 : index
    %get3A_3595 = tpu.vector_load %arg4[%get3A_3593, %get3A_3594] {strides = array<i32>} : memref<8x512xf32, #tpu.memory_space<vmem>>, vector<1x16xf32>,
    %get3A_3596 = vector.shape_cast %get3A_3595 : vector<1x16xf32> to vector<16xf32>
    %add3A_3597 = arith.addf %add3A_3591, %get3A_3596 : vector<16xf32>
    %get3A_3598 = arith.constant 5 : i32
    %get3A_3599 = arith.index_cast %get3A_3598 : i32 to index
    %get3A_3600 = arith.constant 448 : index
    %get3A_3601 = tpu.vector_load %arg4[%get3A_3599, %get3A_3600] {strides = array<i32>} : memref<8x512xf32, #tpu.memory_space<vmem>>, vector<1x16xf32>,
    %get3A_3602 = vector.shape_cast %get3A_3601 : vector<1x16xf32> to vector<16xf32>
    %add3A_3603 = arith.addf %add3A_3597, %get3A_3602 : vector<16xf32>
    %get3A_3604 = arith.constant 6 : i32
    %get3A_3605 = arith.index_cast %get3A_3604 : i32 to index
    %get3A_3606 = arith.constant 448 : index
    %get3A_3607 = tpu.vector_load %arg4[%get3A_3605, %get3A_3606] {strides = array<i32>} : memref<8x512xf32, #tpu.memory_space<vmem>>, vector<1x16xf32>,
    %get3A_3608 = vector.shape_cast %get3A_3607 : vector<1x16xf32> to vector<16xf32>
    %add3A_3609 = arith.addf %add3A_3603, %get3A_3608 : vector<16xf32>
    %get3A_3610 = arith.constant 7 : i32
    %get3A_3611 = arith.index_cast %get3A_3610 : i32 to index
    %get3A_3612 = arith.constant 448 : index
    %get3A_3613 = tpu.vector_load %arg4[%get3A_3611, %get3A_3612] {strides = array<i32>} : memref<8x512xf32, #tpu.memory_space<vmem>>, vector<1x16xf32>,
    %get3A_3614 = vector.shape_cast %get3A_3613 : vector<1x16xf32> to vector<16xf32>
    %add3A_3615 = arith.addf %add3A_3609, %get3A_3614 : vector<16xf32>
    %swap3A_3616 = arith.constant 0 : i32
    %swap3A_3617 = arith.index_cast %swap3A_3616 : i32 to index
    %swap3A_3618 = arith.constant 448 : index
    %swap3A_3619 = tpu.vector_load %arg5[%swap3A_3617, %swap3A_3618] {strides = array<i32>} : memref<12x512xf32, #tpu.memory_space<vmem>>, vector<1x16xf32>,
    %swap3A_3620 = vector.shape_cast %swap3A_3619 : vector<1x16xf32> to vector<16xf32>
    %swap3A_3621 = vector.shape_cast %add3A_3615 : vector<16xf32> to vector<1x16xf32>
    tpu.vector_store %arg5[%swap3A_3617, %swap3A_3618], %swap3A_3621 {strides = array<i32>} : memref<12x512xf32, #tpu.memory_space<vmem>>, vector<1x16xf32>,
    %swap3A_3622 = arith.constant 1 : i32
    %swap3A_3623 = arith.index_cast %swap3A_3622 : i32 to index
    %swap3A_3624 = arith.constant 448 : index
    %swap3A_3625 = tpu.vector_load %arg5[%swap3A_3623, %swap3A_3624] {strides = array<i32>} : memref<12x512xf32, #tpu.memory_space<vmem>>, vector<1x16xf32>,
    %swap3A_3626 = vector.shape_cast %swap3A_3625 : vector<1x16xf32> to vector<16xf32>
    %swap3A_3627 = vector.shape_cast %add3A_3615 : vector<16xf32> to vector<1x16xf32>
    tpu.vector_store %arg5[%swap3A_3623, %swap3A_3624], %swap3A_3627 {strides = array<i32>} : memref<12x512xf32, #tpu.memory_space<vmem>>, vector<1x16xf32>,
    %swap3A_3628 = arith.constant 2 : i32
    %swap3A_3629 = arith.index_cast %swap3A_3628 : i32 to index
    %swap3A_3630 = arith.constant 448 : index
    %swap3A_3631 = tpu.vector_load %arg5[%swap3A_3629, %swap3A_3630] {strides = array<i32>} : memref<12x512xf32, #tpu.memory_space<vmem>>, vector<1x16xf32>,
    %swap3A_3632 = vector.shape_cast %swap3A_3631 : vector<1x16xf32> to vector<16xf32>
    %swap3A_3633 = vector.shape_cast %add3A_3615 : vector<16xf32> to vector<1x16xf32>
    tpu.vector_store %arg5[%swap3A_3629, %swap3A_3630], %swap3A_3633 {strides = array<i32>} : memref<12x512xf32, #tpu.memory_space<vmem>>, vector<1x16xf32>,
    %swap3A_3634 = arith.constant 3 : i32
    %swap3A_3635 = arith.index_cast %swap3A_3634 : i32 to index
    %swap3A_3636 = arith.constant 448 : index
    %swap3A_3637 = tpu.vector_load %arg5[%swap3A_3635, %swap3A_3636] {strides = array<i32>} : memref<12x512xf32, #tpu.memory_space<vmem>>, vector<1x16xf32>,
    %swap3A_3638 = vector.shape_cast %swap3A_3637 : vector<1x16xf32> to vector<16xf32>
    %swap3A_3639 = vector.shape_cast %add3A_3615 : vector<16xf32> to vector<1x16xf32>
    tpu.vector_store %arg5[%swap3A_3635, %swap3A_3636], %swap3A_3639 {strides = array<i32>} : memref<12x512xf32, #tpu.memory_space<vmem>>, vector<1x16xf32>,
    %swap3A_3640 = arith.constant 4 : i32
    %swap3A_3641 = arith.index_cast %swap3A_3640 : i32 to index
    %swap3A_3642 = arith.constant 448 : index
    %swap3A_3643 = tpu.vector_load %arg5[%swap3A_3641, %swap3A_3642] {strides = array<i32>} : memref<12x512xf32, #tpu.memory_space<vmem>>, vector<1x16xf32>,
    %swap3A_3644 = vector.shape_cast %swap3A_3643 : vector<1x16xf32> to vector<16xf32>
    %swap3A_3645 = vector.shape_cast %add3A_3615 : vector<16xf32> to vector<1x16xf32>
    tpu.vector_store %arg5[%swap3A_3641, %swap3A_3642], %swap3A_3645 {strides = array<i32>} : memref<12x512xf32, #tpu.memory_space<vmem>>, vector<1x16xf32>,
    %swap3A_3646 = arith.constant 5 : i32
    %swap3A_3647 = arith.index_cast %swap3A_3646 : i32 to index
    %swap3A_3648 = arith.constant 448 : index
    %swap3A_3649 = tpu.vector_load %arg5[%swap3A_3647, %swap3A_3648] {strides = array<i32>} : memref<12x512xf32, #tpu.memory_space<vmem>>, vector<1x16xf32>,
    %swap3A_3650 = vector.shape_cast %swap3A_3649 : vector<1x16xf32> to vector<16xf32>
    %swap3A_3651 = vector.shape_cast %add3A_3615 : vector<16xf32> to vector<1x16xf32>
    tpu.vector_store %arg5[%swap3A_3647, %swap3A_3648], %swap3A_3651 {strides = array<i32>} : memref<12x512xf32, #tpu.memory_space<vmem>>, vector<1x16xf32>,
    %swap3A_3652 = arith.constant 6 : i32
    %swap3A_3653 = arith.index_cast %swap3A_3652 : i32 to index
    %swap3A_3654 = arith.constant 448 : index
    %swap3A_3655 = tpu.vector_load %arg5[%swap3A_3653, %swap3A_3654] {strides = array<i32>} : memref<12x512xf32, #tpu.memory_space<vmem>>, vector<1x16xf32>,
    %swap3A_3656 = vector.shape_cast %swap3A_3655 : vector<1x16xf32> to vector<16xf32>
    %swap3A_3657 = vector.shape_cast %add3A_3615 : vector<16xf32> to vector<1x16xf32>
    tpu.vector_store %arg5[%swap3A_3653, %swap3A_3654], %swap3A_3657 {strides = array<i32>} : memref<12x512xf32, #tpu.memory_space<vmem>>, vector<1x16xf32>,
    %swap3A_3658 = arith.constant 7 : i32
    %swap3A_3659 = arith.index_cast %swap3A_3658 : i32 to index
    %swap3A_3660 = arith.constant 448 : index
    %swap3A_3661 = tpu.vector_load %arg5[%swap3A_3659, %swap3A_3660] {strides = array<i32>} : memref<12x512xf32, #tpu.memory_space<vmem>>, vector<1x16xf32>,
    %swap3A_3662 = vector.shape_cast %swap3A_3661 : vector<1x16xf32> to vector<16xf32>
    %swap3A_3663 = vector.shape_cast %add3A_3615 : vector<16xf32> to vector<1x16xf32>
    tpu.vector_store %arg5[%swap3A_3659, %swap3A_3660], %swap3A_3663 {strides = array<i32>} : memref<12x512xf32, #tpu.memory_space<vmem>>, vector<1x16xf32>,
    %swap3A_3664 = arith.constant 8 : i32
    %swap3A_3665 = arith.index_cast %swap3A_3664 : i32 to index
    %swap3A_3666 = arith.constant 448 : index
    %swap3A_3667 = tpu.vector_load %arg5[%swap3A_3665, %swap3A_3666] {strides = array<i32>} : memref<12x512xf32, #tpu.memory_space<vmem>>, vector<1x16xf32>,
    %swap3A_3668 = vector.shape_cast %swap3A_3667 : vector<1x16xf32> to vector<16xf32>
    %swap3A_3669 = vector.shape_cast %add3A_3615 : vector<16xf32> to vector<1x16xf32>
    tpu.vector_store %arg5[%swap3A_3665, %swap3A_3666], %swap3A_3669 {strides = array<i32>} : memref<12x512xf32, #tpu.memory_space<vmem>>, vector<1x16xf32>,
    %swap3A_3670 = arith.constant 9 : i32
    %swap3A_3671 = arith.index_cast %swap3A_3670 : i32 to index
    %swap3A_3672 = arith.constant 448 : index
    %swap3A_3673 = tpu.vector_load %arg5[%swap3A_3671, %swap3A_3672] {strides = array<i32>} : memref<12x512xf32, #tpu.memory_space<vmem>>, vector<1x16xf32>,
    %swap3A_3674 = vector.shape_cast %swap3A_3673 : vector<1x16xf32> to vector<16xf32>
    %swap3A_3675 = vector.shape_cast %add3A_3615 : vector<16xf32> to vector<1x16xf32>
    tpu.vector_store %arg5[%swap3A_3671, %swap3A_3672], %swap3A_3675 {strides = array<i32>} : memref<12x512xf32, #tpu.memory_space<vmem>>, vector<1x16xf32>,
    %swap3A_3676 = arith.constant 10 : i32
    %swap3A_3677 = arith.index_cast %swap3A_3676 : i32 to index
    %swap3A_3678 = arith.constant 448 : index
    %swap3A_3679 = tpu.vector_load %arg5[%swap3A_3677, %swap3A_3678] {strides = array<i32>} : memref<12x512xf32, #tpu.memory_space<vmem>>, vector<1x16xf32>,
    %swap3A_3680 = vector.shape_cast %swap3A_3679 : vector<1x16xf32> to vector<16xf32>
    %swap3A_3681 = vector.shape_cast %add3A_3615 : vector<16xf32> to vector<1x16xf32>
    tpu.vector_store %arg5[%swap3A_3677, %swap3A_3678], %swap3A_3681 {strides = array<i32>} : memref<12x512xf32, #tpu.memory_space<vmem>>, vector<1x16xf32>,
    %swap3A_3682 = arith.constant 11 : i32
    %swap3A_3683 = arith.index_cast %swap3A_3682 : i32 to index
    %swap3A_3684 = arith.constant 448 : index
    %swap3A_3685 = tpu.vector_load %arg5[%swap3A_3683, %swap3A_3684] {strides = array<i32>} : memref<12x512xf32, #tpu.memory_space<vmem>>, vector<1x16xf32>,
    %swap3A_3686 = vector.shape_cast %swap3A_3685 : vector<1x16xf32> to vector<16xf32>
    %swap3A_3687 = vector.shape_cast %add3A_3615 : vector<16xf32> to vector<1x16xf32>
    tpu.vector_store %arg5[%swap3A_3683, %swap3A_3684], %swap3A_3687 {strides = array<i32>} : memref<12x512xf32, #tpu.memory_space<vmem>>, vector<1x16xf32>,
    %get3A_3688 = arith.constant 0 : i32
    %get3A_3689 = arith.index_cast %get3A_3688 : i32 to index
    %get3A_3690 = arith.constant 464 : index
    %get3A_3691 = tpu.vector_load %arg4[%get3A_3689, %get3A_3690] {strides = array<i32>} : memref<8x512xf32, #tpu.memory_space<vmem>>, vector<1x16xf32>,
    %get3A_3692 = vector.shape_cast %get3A_3691 : vector<1x16xf32> to vector<16xf32>
    %get3A_3693 = arith.constant 1 : i32
    %get3A_3694 = arith.index_cast %get3A_3693 : i32 to index
    %get3A_3695 = arith.constant 464 : index
    %get3A_3696 = tpu.vector_load %arg4[%get3A_3694, %get3A_3695] {strides = array<i32>} : memref<8x512xf32, #tpu.memory_space<vmem>>, vector<1x16xf32>,
    %get3A_3697 = vector.shape_cast %get3A_3696 : vector<1x16xf32> to vector<16xf32>
    %add3A_3698 = arith.addf %get3A_3692, %get3A_3697 : vector<16xf32>
    %get3A_3699 = arith.constant 2 : i32
    %get3A_3700 = arith.index_cast %get3A_3699 : i32 to index
    %get3A_3701 = arith.constant 464 : index
    %get3A_3702 = tpu.vector_load %arg4[%get3A_3700, %get3A_3701] {strides = array<i32>} : memref<8x512xf32, #tpu.memory_space<vmem>>, vector<1x16xf32>,
    %get3A_3703 = vector.shape_cast %get3A_3702 : vector<1x16xf32> to vector<16xf32>
    %add3A_3704 = arith.addf %add3A_3698, %get3A_3703 : vector<16xf32>
    %get3A_3705 = arith.constant 3 : i32
    %get3A_3706 = arith.index_cast %get3A_3705 : i32 to index
    %get3A_3707 = arith.constant 464 : index
    %get3A_3708 = tpu.vector_load %arg4[%get3A_3706, %get3A_3707] {strides = array<i32>} : memref<8x512xf32, #tpu.memory_space<vmem>>, vector<1x16xf32>,
    %get3A_3709 = vector.shape_cast %get3A_3708 : vector<1x16xf32> to vector<16xf32>
    %add3A_3710 = arith.addf %add3A_3704, %get3A_3709 : vector<16xf32>
    %get3A_3711 = arith.constant 4 : i32
    %get3A_3712 = arith.index_cast %get3A_3711 : i32 to index
    %get3A_3713 = arith.constant 464 : index
    %get3A_3714 = tpu.vector_load %arg4[%get3A_3712, %get3A_3713] {strides = array<i32>} : memref<8x512xf32, #tpu.memory_space<vmem>>, vector<1x16xf32>,
    %get3A_3715 = vector.shape_cast %get3A_3714 : vector<1x16xf32> to vector<16xf32>
    %add3A_3716 = arith.addf %add3A_3710, %get3A_3715 : vector<16xf32>
    %get3A_3717 = arith.constant 5 : i32
    %get3A_3718 = arith.index_cast %get3A_3717 : i32 to index
    %get3A_3719 = arith.constant 464 : index
    %get3A_3720 = tpu.vector_load %arg4[%get3A_3718, %get3A_3719] {strides = array<i32>} : memref<8x512xf32, #tpu.memory_space<vmem>>, vector<1x16xf32>,
    %get3A_3721 = vector.shape_cast %get3A_3720 : vector<1x16xf32> to vector<16xf32>
    %add3A_3722 = arith.addf %add3A_3716, %get3A_3721 : vector<16xf32>
    %get3A_3723 = arith.constant 6 : i32
    %get3A_3724 = arith.index_cast %get3A_3723 : i32 to index
    %get3A_3725 = arith.constant 464 : index
    %get3A_3726 = tpu.vector_load %arg4[%get3A_3724, %get3A_3725] {strides = array<i32>} : memref<8x512xf32, #tpu.memory_space<vmem>>, vector<1x16xf32>,
    %get3A_3727 = vector.shape_cast %get3A_3726 : vector<1x16xf32> to vector<16xf32>
    %add3A_3728 = arith.addf %add3A_3722, %get3A_3727 : vector<16xf32>
    %get3A_3729 = arith.constant 7 : i32
    %get3A_3730 = arith.index_cast %get3A_3729 : i32 to index
    %get3A_3731 = arith.constant 464 : index
    %get3A_3732 = tpu.vector_load %arg4[%get3A_3730, %get3A_3731] {strides = array<i32>} : memref<8x512xf32, #tpu.memory_space<vmem>>, vector<1x16xf32>,
    %get3A_3733 = vector.shape_cast %get3A_3732 : vector<1x16xf32> to vector<16xf32>
    %add3A_3734 = arith.addf %add3A_3728, %get3A_3733 : vector<16xf32>
    %swap3A_3735 = arith.constant 0 : i32
    %swap3A_3736 = arith.index_cast %swap3A_3735 : i32 to index
    %swap3A_3737 = arith.constant 464 : index
    %swap3A_3738 = tpu.vector_load %arg5[%swap3A_3736, %swap3A_3737] {strides = array<i32>} : memref<12x512xf32, #tpu.memory_space<vmem>>, vector<1x16xf32>,
    %swap3A_3739 = vector.shape_cast %swap3A_3738 : vector<1x16xf32> to vector<16xf32>
    %swap3A_3740 = vector.shape_cast %add3A_3734 : vector<16xf32> to vector<1x16xf32>
    tpu.vector_store %arg5[%swap3A_3736, %swap3A_3737], %swap3A_3740 {strides = array<i32>} : memref<12x512xf32, #tpu.memory_space<vmem>>, vector<1x16xf32>,
    %swap3A_3741 = arith.constant 1 : i32
    %swap3A_3742 = arith.index_cast %swap3A_3741 : i32 to index
    %swap3A_3743 = arith.constant 464 : index
    %swap3A_3744 = tpu.vector_load %arg5[%swap3A_3742, %swap3A_3743] {strides = array<i32>} : memref<12x512xf32, #tpu.memory_space<vmem>>, vector<1x16xf32>,
    %swap3A_3745 = vector.shape_cast %swap3A_3744 : vector<1x16xf32> to vector<16xf32>
    %swap3A_3746 = vector.shape_cast %add3A_3734 : vector<16xf32> to vector<1x16xf32>
    tpu.vector_store %arg5[%swap3A_3742, %swap3A_3743], %swap3A_3746 {strides = array<i32>} : memref<12x512xf32, #tpu.memory_space<vmem>>, vector<1x16xf32>,
    %swap3A_3747 = arith.constant 2 : i32
    %swap3A_3748 = arith.index_cast %swap3A_3747 : i32 to index
    %swap3A_3749 = arith.constant 464 : index
    %swap3A_3750 = tpu.vector_load %arg5[%swap3A_3748, %swap3A_3749] {strides = array<i32>} : memref<12x512xf32, #tpu.memory_space<vmem>>, vector<1x16xf32>,
    %swap3A_3751 = vector.shape_cast %swap3A_3750 : vector<1x16xf32> to vector<16xf32>
    %swap3A_3752 = vector.shape_cast %add3A_3734 : vector<16xf32> to vector<1x16xf32>
    tpu.vector_store %arg5[%swap3A_3748, %swap3A_3749], %swap3A_3752 {strides = array<i32>} : memref<12x512xf32, #tpu.memory_space<vmem>>, vector<1x16xf32>,
    %swap3A_3753 = arith.constant 3 : i32
    %swap3A_3754 = arith.index_cast %swap3A_3753 : i32 to index
    %swap3A_3755 = arith.constant 464 : index
    %swap3A_3756 = tpu.vector_load %arg5[%swap3A_3754, %swap3A_3755] {strides = array<i32>} : memref<12x512xf32, #tpu.memory_space<vmem>>, vector<1x16xf32>,
    %swap3A_3757 = vector.shape_cast %swap3A_3756 : vector<1x16xf32> to vector<16xf32>
    %swap3A_3758 = vector.shape_cast %add3A_3734 : vector<16xf32> to vector<1x16xf32>
    tpu.vector_store %arg5[%swap3A_3754, %swap3A_3755], %swap3A_3758 {strides = array<i32>} : memref<12x512xf32, #tpu.memory_space<vmem>>, vector<1x16xf32>,
    %swap3A_3759 = arith.constant 4 : i32
    %swap3A_3760 = arith.index_cast %swap3A_3759 : i32 to index
    %swap3A_3761 = arith.constant 464 : index
    %swap3A_3762 = tpu.vector_load %arg5[%swap3A_3760, %swap3A_3761] {strides = array<i32>} : memref<12x512xf32, #tpu.memory_space<vmem>>, vector<1x16xf32>,
    %swap3A_3763 = vector.shape_cast %swap3A_3762 : vector<1x16xf32> to vector<16xf32>
    %swap3A_3764 = vector.shape_cast %add3A_3734 : vector<16xf32> to vector<1x16xf32>
    tpu.vector_store %arg5[%swap3A_3760, %swap3A_3761], %swap3A_3764 {strides = array<i32>} : memref<12x512xf32, #tpu.memory_space<vmem>>, vector<1x16xf32>,
    %swap3A_3765 = arith.constant 5 : i32
    %swap3A_3766 = arith.index_cast %swap3A_3765 : i32 to index
    %swap3A_3767 = arith.constant 464 : index
    %swap3A_3768 = tpu.vector_load %arg5[%swap3A_3766, %swap3A_3767] {strides = array<i32>} : memref<12x512xf32, #tpu.memory_space<vmem>>, vector<1x16xf32>,
    %swap3A_3769 = vector.shape_cast %swap3A_3768 : vector<1x16xf32> to vector<16xf32>
    %swap3A_3770 = vector.shape_cast %add3A_3734 : vector<16xf32> to vector<1x16xf32>
    tpu.vector_store %arg5[%swap3A_3766, %swap3A_3767], %swap3A_3770 {strides = array<i32>} : memref<12x512xf32, #tpu.memory_space<vmem>>, vector<1x16xf32>,
    %swap3A_3771 = arith.constant 6 : i32
    %swap3A_3772 = arith.index_cast %swap3A_3771 : i32 to index
    %swap3A_3773 = arith.constant 464 : index
    %swap3A_3774 = tpu.vector_load %arg5[%swap3A_3772, %swap3A_3773] {strides = array<i32>} : memref<12x512xf32, #tpu.memory_space<vmem>>, vector<1x16xf32>,
    %swap3A_3775 = vector.shape_cast %swap3A_3774 : vector<1x16xf32> to vector<16xf32>
    %swap3A_3776 = vector.shape_cast %add3A_3734 : vector<16xf32> to vector<1x16xf32>
    tpu.vector_store %arg5[%swap3A_3772, %swap3A_3773], %swap3A_3776 {strides = array<i32>} : memref<12x512xf32, #tpu.memory_space<vmem>>, vector<1x16xf32>,
    %swap3A_3777 = arith.constant 7 : i32
    %swap3A_3778 = arith.index_cast %swap3A_3777 : i32 to index
    %swap3A_3779 = arith.constant 464 : index
    %swap3A_3780 = tpu.vector_load %arg5[%swap3A_3778, %swap3A_3779] {strides = array<i32>} : memref<12x512xf32, #tpu.memory_space<vmem>>, vector<1x16xf32>,
    %swap3A_3781 = vector.shape_cast %swap3A_3780 : vector<1x16xf32> to vector<16xf32>
    %swap3A_3782 = vector.shape_cast %add3A_3734 : vector<16xf32> to vector<1x16xf32>
    tpu.vector_store %arg5[%swap3A_3778, %swap3A_3779], %swap3A_3782 {strides = array<i32>} : memref<12x512xf32, #tpu.memory_space<vmem>>, vector<1x16xf32>,
    %swap3A_3783 = arith.constant 8 : i32
    %swap3A_3784 = arith.index_cast %swap3A_3783 : i32 to index
    %swap3A_3785 = arith.constant 464 : index
    %swap3A_3786 = tpu.vector_load %arg5[%swap3A_3784, %swap3A_3785] {strides = array<i32>} : memref<12x512xf32, #tpu.memory_space<vmem>>, vector<1x16xf32>,
    %swap3A_3787 = vector.shape_cast %swap3A_3786 : vector<1x16xf32> to vector<16xf32>
    %swap3A_3788 = vector.shape_cast %add3A_3734 : vector<16xf32> to vector<1x16xf32>
    tpu.vector_store %arg5[%swap3A_3784, %swap3A_3785], %swap3A_3788 {strides = array<i32>} : memref<12x512xf32, #tpu.memory_space<vmem>>, vector<1x16xf32>,
    %swap3A_3789 = arith.constant 9 : i32
    %swap3A_3790 = arith.index_cast %swap3A_3789 : i32 to index
    %swap3A_3791 = arith.constant 464 : index
    %swap3A_3792 = tpu.vector_load %arg5[%swap3A_3790, %swap3A_3791] {strides = array<i32>} : memref<12x512xf32, #tpu.memory_space<vmem>>, vector<1x16xf32>,
    %swap3A_3793 = vector.shape_cast %swap3A_3792 : vector<1x16xf32> to vector<16xf32>
    %swap3A_3794 = vector.shape_cast %add3A_3734 : vector<16xf32> to vector<1x16xf32>
    tpu.vector_store %arg5[%swap3A_3790, %swap3A_3791], %swap3A_3794 {strides = array<i32>} : memref<12x512xf32, #tpu.memory_space<vmem>>, vector<1x16xf32>,
    %swap3A_3795 = arith.constant 10 : i32
    %swap3A_3796 = arith.index_cast %swap3A_3795 : i32 to index
    %swap3A_3797 = arith.constant 464 : index
    %swap3A_3798 = tpu.vector_load %arg5[%swap3A_3796, %swap3A_3797] {strides = array<i32>} : memref<12x512xf32, #tpu.memory_space<vmem>>, vector<1x16xf32>,
    %swap3A_3799 = vector.shape_cast %swap3A_3798 : vector<1x16xf32> to vector<16xf32>
    %swap3A_3800 = vector.shape_cast %add3A_3734 : vector<16xf32> to vector<1x16xf32>
    tpu.vector_store %arg5[%swap3A_3796, %swap3A_3797], %swap3A_3800 {strides = array<i32>} : memref<12x512xf32, #tpu.memory_space<vmem>>, vector<1x16xf32>,
    %swap3A_3801 = arith.constant 11 : i32
    %swap3A_3802 = arith.index_cast %swap3A_3801 : i32 to index
    %swap3A_3803 = arith.constant 464 : index
    %swap3A_3804 = tpu.vector_load %arg5[%swap3A_3802, %swap3A_3803] {strides = array<i32>} : memref<12x512xf32, #tpu.memory_space<vmem>>, vector<1x16xf32>,
    %swap3A_3805 = vector.shape_cast %swap3A_3804 : vector<1x16xf32> to vector<16xf32>
    %swap3A_3806 = vector.shape_cast %add3A_3734 : vector<16xf32> to vector<1x16xf32>
    tpu.vector_store %arg5[%swap3A_3802, %swap3A_3803], %swap3A_3806 {strides = array<i32>} : memref<12x512xf32, #tpu.memory_space<vmem>>, vector<1x16xf32>,
    %get3A_3807 = arith.constant 0 : i32
    %get3A_3808 = arith.index_cast %get3A_3807 : i32 to index
    %get3A_3809 = arith.constant 480 : index
    %get3A_3810 = tpu.vector_load %arg4[%get3A_3808, %get3A_3809] {strides = array<i32>} : memref<8x512xf32, #tpu.memory_space<vmem>>, vector<1x16xf32>,
    %get3A_3811 = vector.shape_cast %get3A_3810 : vector<1x16xf32> to vector<16xf32>
    %get3A_3812 = arith.constant 1 : i32
    %get3A_3813 = arith.index_cast %get3A_3812 : i32 to index
    %get3A_3814 = arith.constant 480 : index
    %get3A_3815 = tpu.vector_load %arg4[%get3A_3813, %get3A_3814] {strides = array<i32>} : memref<8x512xf32, #tpu.memory_space<vmem>>, vector<1x16xf32>,
    %get3A_3816 = vector.shape_cast %get3A_3815 : vector<1x16xf32> to vector<16xf32>
    %add3A_3817 = arith.addf %get3A_3811, %get3A_3816 : vector<16xf32>
    %get3A_3818 = arith.constant 2 : i32
    %get3A_3819 = arith.index_cast %get3A_3818 : i32 to index
    %get3A_3820 = arith.constant 480 : index
    %get3A_3821 = tpu.vector_load %arg4[%get3A_3819, %get3A_3820] {strides = array<i32>} : memref<8x512xf32, #tpu.memory_space<vmem>>, vector<1x16xf32>,
    %get3A_3822 = vector.shape_cast %get3A_3821 : vector<1x16xf32> to vector<16xf32>
    %add3A_3823 = arith.addf %add3A_3817, %get3A_3822 : vector<16xf32>
    %get3A_3824 = arith.constant 3 : i32
    %get3A_3825 = arith.index_cast %get3A_3824 : i32 to index
    %get3A_3826 = arith.constant 480 : index
    %get3A_3827 = tpu.vector_load %arg4[%get3A_3825, %get3A_3826] {strides = array<i32>} : memref<8x512xf32, #tpu.memory_space<vmem>>, vector<1x16xf32>,
    %get3A_3828 = vector.shape_cast %get3A_3827 : vector<1x16xf32> to vector<16xf32>
    %add3A_3829 = arith.addf %add3A_3823, %get3A_3828 : vector<16xf32>
    %get3A_3830 = arith.constant 4 : i32
    %get3A_3831 = arith.index_cast %get3A_3830 : i32 to index
    %get3A_3832 = arith.constant 480 : index
    %get3A_3833 = tpu.vector_load %arg4[%get3A_3831, %get3A_3832] {strides = array<i32>} : memref<8x512xf32, #tpu.memory_space<vmem>>, vector<1x16xf32>,
    %get3A_3834 = vector.shape_cast %get3A_3833 : vector<1x16xf32> to vector<16xf32>
    %add3A_3835 = arith.addf %add3A_3829, %get3A_3834 : vector<16xf32>
    %get3A_3836 = arith.constant 5 : i32
    %get3A_3837 = arith.index_cast %get3A_3836 : i32 to index
    %get3A_3838 = arith.constant 480 : index
    %get3A_3839 = tpu.vector_load %arg4[%get3A_3837, %get3A_3838] {strides = array<i32>} : memref<8x512xf32, #tpu.memory_space<vmem>>, vector<1x16xf32>,
    %get3A_3840 = vector.shape_cast %get3A_3839 : vector<1x16xf32> to vector<16xf32>
    %add3A_3841 = arith.addf %add3A_3835, %get3A_3840 : vector<16xf32>
    %get3A_3842 = arith.constant 6 : i32
    %get3A_3843 = arith.index_cast %get3A_3842 : i32 to index
    %get3A_3844 = arith.constant 480 : index
    %get3A_3845 = tpu.vector_load %arg4[%get3A_3843, %get3A_3844] {strides = array<i32>} : memref<8x512xf32, #tpu.memory_space<vmem>>, vector<1x16xf32>,
    %get3A_3846 = vector.shape_cast %get3A_3845 : vector<1x16xf32> to vector<16xf32>
    %add3A_3847 = arith.addf %add3A_3841, %get3A_3846 : vector<16xf32>
    %get3A_3848 = arith.constant 7 : i32
    %get3A_3849 = arith.index_cast %get3A_3848 : i32 to index
    %get3A_3850 = arith.constant 480 : index
    %get3A_3851 = tpu.vector_load %arg4[%get3A_3849, %get3A_3850] {strides = array<i32>} : memref<8x512xf32, #tpu.memory_space<vmem>>, vector<1x16xf32>,
    %get3A_3852 = vector.shape_cast %get3A_3851 : vector<1x16xf32> to vector<16xf32>
    %add3A_3853 = arith.addf %add3A_3847, %get3A_3852 : vector<16xf32>
    %swap3A_3854 = arith.constant 0 : i32
    %swap3A_3855 = arith.index_cast %swap3A_3854 : i32 to index
    %swap3A_3856 = arith.constant 480 : index
    %swap3A_3857 = tpu.vector_load %arg5[%swap3A_3855, %swap3A_3856] {strides = array<i32>} : memref<12x512xf32, #tpu.memory_space<vmem>>, vector<1x16xf32>,
    %swap3A_3858 = vector.shape_cast %swap3A_3857 : vector<1x16xf32> to vector<16xf32>
    %swap3A_3859 = vector.shape_cast %add3A_3853 : vector<16xf32> to vector<1x16xf32>
    tpu.vector_store %arg5[%swap3A_3855, %swap3A_3856], %swap3A_3859 {strides = array<i32>} : memref<12x512xf32, #tpu.memory_space<vmem>>, vector<1x16xf32>,
    %swap3A_3860 = arith.constant 1 : i32
    %swap3A_3861 = arith.index_cast %swap3A_3860 : i32 to index
    %swap3A_3862 = arith.constant 480 : index
    %swap3A_3863 = tpu.vector_load %arg5[%swap3A_3861, %swap3A_3862] {strides = array<i32>} : memref<12x512xf32, #tpu.memory_space<vmem>>, vector<1x16xf32>,
    %swap3A_3864 = vector.shape_cast %swap3A_3863 : vector<1x16xf32> to vector<16xf32>
    %swap3A_3865 = vector.shape_cast %add3A_3853 : vector<16xf32> to vector<1x16xf32>
    tpu.vector_store %arg5[%swap3A_3861, %swap3A_3862], %swap3A_3865 {strides = array<i32>} : memref<12x512xf32, #tpu.memory_space<vmem>>, vector<1x16xf32>,
    %swap3A_3866 = arith.constant 2 : i32
    %swap3A_3867 = arith.index_cast %swap3A_3866 : i32 to index
    %swap3A_3868 = arith.constant 480 : index
    %swap3A_3869 = tpu.vector_load %arg5[%swap3A_3867, %swap3A_3868] {strides = array<i32>} : memref<12x512xf32, #tpu.memory_space<vmem>>, vector<1x16xf32>,
    %swap3A_3870 = vector.shape_cast %swap3A_3869 : vector<1x16xf32> to vector<16xf32>
    %swap3A_3871 = vector.shape_cast %add3A_3853 : vector<16xf32> to vector<1x16xf32>
    tpu.vector_store %arg5[%swap3A_3867, %swap3A_3868], %swap3A_3871 {strides = array<i32>} : memref<12x512xf32, #tpu.memory_space<vmem>>, vector<1x16xf32>,
    %swap3A_3872 = arith.constant 3 : i32
    %swap3A_3873 = arith.index_cast %swap3A_3872 : i32 to index
    %swap3A_3874 = arith.constant 480 : index
    %swap3A_3875 = tpu.vector_load %arg5[%swap3A_3873, %swap3A_3874] {strides = array<i32>} : memref<12x512xf32, #tpu.memory_space<vmem>>, vector<1x16xf32>,
    %swap3A_3876 = vector.shape_cast %swap3A_3875 : vector<1x16xf32> to vector<16xf32>
    %swap3A_3877 = vector.shape_cast %add3A_3853 : vector<16xf32> to vector<1x16xf32>
    tpu.vector_store %arg5[%swap3A_3873, %swap3A_3874], %swap3A_3877 {strides = array<i32>} : memref<12x512xf32, #tpu.memory_space<vmem>>, vector<1x16xf32>,
    %swap3A_3878 = arith.constant 4 : i32
    %swap3A_3879 = arith.index_cast %swap3A_3878 : i32 to index
    %swap3A_3880 = arith.constant 480 : index
    %swap3A_3881 = tpu.vector_load %arg5[%swap3A_3879, %swap3A_3880] {strides = array<i32>} : memref<12x512xf32, #tpu.memory_space<vmem>>, vector<1x16xf32>,
    %swap3A_3882 = vector.shape_cast %swap3A_3881 : vector<1x16xf32> to vector<16xf32>
    %swap3A_3883 = vector.shape_cast %add3A_3853 : vector<16xf32> to vector<1x16xf32>
    tpu.vector_store %arg5[%swap3A_3879, %swap3A_3880], %swap3A_3883 {strides = array<i32>} : memref<12x512xf32, #tpu.memory_space<vmem>>, vector<1x16xf32>,
    %swap3A_3884 = arith.constant 5 : i32
    %swap3A_3885 = arith.index_cast %swap3A_3884 : i32 to index
    %swap3A_3886 = arith.constant 480 : index
    %swap3A_3887 = tpu.vector_load %arg5[%swap3A_3885, %swap3A_3886] {strides = array<i32>} : memref<12x512xf32, #tpu.memory_space<vmem>>, vector<1x16xf32>,
    %swap3A_3888 = vector.shape_cast %swap3A_3887 : vector<1x16xf32> to vector<16xf32>
    %swap3A_3889 = vector.shape_cast %add3A_3853 : vector<16xf32> to vector<1x16xf32>
    tpu.vector_store %arg5[%swap3A_3885, %swap3A_3886], %swap3A_3889 {strides = array<i32>} : memref<12x512xf32, #tpu.memory_space<vmem>>, vector<1x16xf32>,
    %swap3A_3890 = arith.constant 6 : i32
    %swap3A_3891 = arith.index_cast %swap3A_3890 : i32 to index
    %swap3A_3892 = arith.constant 480 : index
    %swap3A_3893 = tpu.vector_load %arg5[%swap3A_3891, %swap3A_3892] {strides = array<i32>} : memref<12x512xf32, #tpu.memory_space<vmem>>, vector<1x16xf32>,
    %swap3A_3894 = vector.shape_cast %swap3A_3893 : vector<1x16xf32> to vector<16xf32>
    %swap3A_3895 = vector.shape_cast %add3A_3853 : vector<16xf32> to vector<1x16xf32>
    tpu.vector_store %arg5[%swap3A_3891, %swap3A_3892], %swap3A_3895 {strides = array<i32>} : memref<12x512xf32, #tpu.memory_space<vmem>>, vector<1x16xf32>,
    %swap3A_3896 = arith.constant 7 : i32
    %swap3A_3897 = arith.index_cast %swap3A_3896 : i32 to index
    %swap3A_3898 = arith.constant 480 : index
    %swap3A_3899 = tpu.vector_load %arg5[%swap3A_3897, %swap3A_3898] {strides = array<i32>} : memref<12x512xf32, #tpu.memory_space<vmem>>, vector<1x16xf32>,
    %swap3A_3900 = vector.shape_cast %swap3A_3899 : vector<1x16xf32> to vector<16xf32>
    %swap3A_3901 = vector.shape_cast %add3A_3853 : vector<16xf32> to vector<1x16xf32>
    tpu.vector_store %arg5[%swap3A_3897, %swap3A_3898], %swap3A_3901 {strides = array<i32>} : memref<12x512xf32, #tpu.memory_space<vmem>>, vector<1x16xf32>,
    %swap3A_3902 = arith.constant 8 : i32
    %swap3A_3903 = arith.index_cast %swap3A_3902 : i32 to index
    %swap3A_3904 = arith.constant 480 : index
    %swap3A_3905 = tpu.vector_load %arg5[%swap3A_3903, %swap3A_3904] {strides = array<i32>} : memref<12x512xf32, #tpu.memory_space<vmem>>, vector<1x16xf32>,
    %swap3A_3906 = vector.shape_cast %swap3A_3905 : vector<1x16xf32> to vector<16xf32>
    %swap3A_3907 = vector.shape_cast %add3A_3853 : vector<16xf32> to vector<1x16xf32>
    tpu.vector_store %arg5[%swap3A_3903, %swap3A_3904], %swap3A_3907 {strides = array<i32>} : memref<12x512xf32, #tpu.memory_space<vmem>>, vector<1x16xf32>,
    %swap3A_3908 = arith.constant 9 : i32
    %swap3A_3909 = arith.index_cast %swap3A_3908 : i32 to index
    %swap3A_3910 = arith.constant 480 : index
    %swap3A_3911 = tpu.vector_load %arg5[%swap3A_3909, %swap3A_3910] {strides = array<i32>} : memref<12x512xf32, #tpu.memory_space<vmem>>, vector<1x16xf32>,
    %swap3A_3912 = vector.shape_cast %swap3A_3911 : vector<1x16xf32> to vector<16xf32>
    %swap3A_3913 = vector.shape_cast %add3A_3853 : vector<16xf32> to vector<1x16xf32>
    tpu.vector_store %arg5[%swap3A_3909, %swap3A_3910], %swap3A_3913 {strides = array<i32>} : memref<12x512xf32, #tpu.memory_space<vmem>>, vector<1x16xf32>,
    %swap3A_3914 = arith.constant 10 : i32
    %swap3A_3915 = arith.index_cast %swap3A_3914 : i32 to index
    %swap3A_3916 = arith.constant 480 : index
    %swap3A_3917 = tpu.vector_load %arg5[%swap3A_3915, %swap3A_3916] {strides = array<i32>} : memref<12x512xf32, #tpu.memory_space<vmem>>, vector<1x16xf32>,
    %swap3A_3918 = vector.shape_cast %swap3A_3917 : vector<1x16xf32> to vector<16xf32>
    %swap3A_3919 = vector.shape_cast %add3A_3853 : vector<16xf32> to vector<1x16xf32>
    tpu.vector_store %arg5[%swap3A_3915, %swap3A_3916], %swap3A_3919 {strides = array<i32>} : memref<12x512xf32, #tpu.memory_space<vmem>>, vector<1x16xf32>,
    %swap3A_3920 = arith.constant 11 : i32
    %swap3A_3921 = arith.index_cast %swap3A_3920 : i32 to index
    %swap3A_3922 = arith.constant 480 : index
    %swap3A_3923 = tpu.vector_load %arg5[%swap3A_3921, %swap3A_3922] {strides = array<i32>} : memref<12x512xf32, #tpu.memory_space<vmem>>, vector<1x16xf32>,
    %swap3A_3924 = vector.shape_cast %swap3A_3923 : vector<1x16xf32> to vector<16xf32>
    %swap3A_3925 = vector.shape_cast %add3A_3853 : vector<16xf32> to vector<1x16xf32>
    tpu.vector_store %arg5[%swap3A_3921, %swap3A_3922], %swap3A_3925 {strides = array<i32>} : memref<12x512xf32, #tpu.memory_space<vmem>>, vector<1x16xf32>,
    %get3A_3926 = arith.constant 0 : i32
    %get3A_3927 = arith.index_cast %get3A_3926 : i32 to index
    %get3A_3928 = arith.constant 496 : index
    %get3A_3929 = tpu.vector_load %arg4[%get3A_3927, %get3A_3928] {strides = array<i32>} : memref<8x512xf32, #tpu.memory_space<vmem>>, vector<1x16xf32>,
    %get3A_3930 = vector.shape_cast %get3A_3929 : vector<1x16xf32> to vector<16xf32>
    %get3A_3931 = arith.constant 1 : i32
    %get3A_3932 = arith.index_cast %get3A_3931 : i32 to index
    %get3A_3933 = arith.constant 496 : index
    %get3A_3934 = tpu.vector_load %arg4[%get3A_3932, %get3A_3933] {strides = array<i32>} : memref<8x512xf32, #tpu.memory_space<vmem>>, vector<1x16xf32>,
    %get3A_3935 = vector.shape_cast %get3A_3934 : vector<1x16xf32> to vector<16xf32>
    %add3A_3936 = arith.addf %get3A_3930, %get3A_3935 : vector<16xf32>
    %get3A_3937 = arith.constant 2 : i32
    %get3A_3938 = arith.index_cast %get3A_3937 : i32 to index
    %get3A_3939 = arith.constant 496 : index
    %get3A_3940 = tpu.vector_load %arg4[%get3A_3938, %get3A_3939] {strides = array<i32>} : memref<8x512xf32, #tpu.memory_space<vmem>>, vector<1x16xf32>,
    %get3A_3941 = vector.shape_cast %get3A_3940 : vector<1x16xf32> to vector<16xf32>
    %add3A_3942 = arith.addf %add3A_3936, %get3A_3941 : vector<16xf32>
    %get3A_3943 = arith.constant 3 : i32
    %get3A_3944 = arith.index_cast %get3A_3943 : i32 to index
    %get3A_3945 = arith.constant 496 : index
    %get3A_3946 = tpu.vector_load %arg4[%get3A_3944, %get3A_3945] {strides = array<i32>} : memref<8x512xf32, #tpu.memory_space<vmem>>, vector<1x16xf32>,
    %get3A_3947 = vector.shape_cast %get3A_3946 : vector<1x16xf32> to vector<16xf32>
    %add3A_3948 = arith.addf %add3A_3942, %get3A_3947 : vector<16xf32>
    %get3A_3949 = arith.constant 4 : i32
    %get3A_3950 = arith.index_cast %get3A_3949 : i32 to index
    %get3A_3951 = arith.constant 496 : index
    %get3A_3952 = tpu.vector_load %arg4[%get3A_3950, %get3A_3951] {strides = array<i32>} : memref<8x512xf32, #tpu.memory_space<vmem>>, vector<1x16xf32>,
    %get3A_3953 = vector.shape_cast %get3A_3952 : vector<1x16xf32> to vector<16xf32>
    %add3A_3954 = arith.addf %add3A_3948, %get3A_3953 : vector<16xf32>
    %get3A_3955 = arith.constant 5 : i32
    %get3A_3956 = arith.index_cast %get3A_3955 : i32 to index
    %get3A_3957 = arith.constant 496 : index
    %get3A_3958 = tpu.vector_load %arg4[%get3A_3956, %get3A_3957] {strides = array<i32>} : memref<8x512xf32, #tpu.memory_space<vmem>>, vector<1x16xf32>,
    %get3A_3959 = vector.shape_cast %get3A_3958 : vector<1x16xf32> to vector<16xf32>
    %add3A_3960 = arith.addf %add3A_3954, %get3A_3959 : vector<16xf32>
    %get3A_3961 = arith.constant 6 : i32
    %get3A_3962 = arith.index_cast %get3A_3961 : i32 to index
    %get3A_3963 = arith.constant 496 : index
    %get3A_3964 = tpu.vector_load %arg4[%get3A_3962, %get3A_3963] {strides = array<i32>} : memref<8x512xf32, #tpu.memory_space<vmem>>, vector<1x16xf32>,
    %get3A_3965 = vector.shape_cast %get3A_3964 : vector<1x16xf32> to vector<16xf32>
    %add3A_3966 = arith.addf %add3A_3960, %get3A_3965 : vector<16xf32>
    %get3A_3967 = arith.constant 7 : i32
    %get3A_3968 = arith.index_cast %get3A_3967 : i32 to index
    %get3A_3969 = arith.constant 496 : index
    %get3A_3970 = tpu.vector_load %arg4[%get3A_3968, %get3A_3969] {strides = array<i32>} : memref<8x512xf32, #tpu.memory_space<vmem>>, vector<1x16xf32>,
    %get3A_3971 = vector.shape_cast %get3A_3970 : vector<1x16xf32> to vector<16xf32>
    %add3A_3972 = arith.addf %add3A_3966, %get3A_3971 : vector<16xf32>
    %swap3A_3973 = arith.constant 0 : i32
    %swap3A_3974 = arith.index_cast %swap3A_3973 : i32 to index
    %swap3A_3975 = arith.constant 496 : index
    %swap3A_3976 = tpu.vector_load %arg5[%swap3A_3974, %swap3A_3975] {strides = array<i32>} : memref<12x512xf32, #tpu.memory_space<vmem>>, vector<1x16xf32>,
    %swap3A_3977 = vector.shape_cast %swap3A_3976 : vector<1x16xf32> to vector<16xf32>
    %swap3A_3978 = vector.shape_cast %add3A_3972 : vector<16xf32> to vector<1x16xf32>
    tpu.vector_store %arg5[%swap3A_3974, %swap3A_3975], %swap3A_3978 {strides = array<i32>} : memref<12x512xf32, #tpu.memory_space<vmem>>, vector<1x16xf32>,
    %swap3A_3979 = arith.constant 1 : i32
    %swap3A_3980 = arith.index_cast %swap3A_3979 : i32 to index
    %swap3A_3981 = arith.constant 496 : index
    %swap3A_3982 = tpu.vector_load %arg5[%swap3A_3980, %swap3A_3981] {strides = array<i32>} : memref<12x512xf32, #tpu.memory_space<vmem>>, vector<1x16xf32>,
    %swap3A_3983 = vector.shape_cast %swap3A_3982 : vector<1x16xf32> to vector<16xf32>
    %swap3A_3984 = vector.shape_cast %add3A_3972 : vector<16xf32> to vector<1x16xf32>
    tpu.vector_store %arg5[%swap3A_3980, %swap3A_3981], %swap3A_3984 {strides = array<i32>} : memref<12x512xf32, #tpu.memory_space<vmem>>, vector<1x16xf32>,
    %swap3A_3985 = arith.constant 2 : i32
    %swap3A_3986 = arith.index_cast %swap3A_3985 : i32 to index
    %swap3A_3987 = arith.constant 496 : index
    %swap3A_3988 = tpu.vector_load %arg5[%swap3A_3986, %swap3A_3987] {strides = array<i32>} : memref<12x512xf32, #tpu.memory_space<vmem>>, vector<1x16xf32>,
    %swap3A_3989 = vector.shape_cast %swap3A_3988 : vector<1x16xf32> to vector<16xf32>
    %swap3A_3990 = vector.shape_cast %add3A_3972 : vector<16xf32> to vector<1x16xf32>
    tpu.vector_store %arg5[%swap3A_3986, %swap3A_3987], %swap3A_3990 {strides = array<i32>} : memref<12x512xf32, #tpu.memory_space<vmem>>, vector<1x16xf32>,
    %swap3A_3991 = arith.constant 3 : i32
    %swap3A_3992 = arith.index_cast %swap3A_3991 : i32 to index
    %swap3A_3993 = arith.constant 496 : index
    %swap3A_3994 = tpu.vector_load %arg5[%swap3A_3992, %swap3A_3993] {strides = array<i32>} : memref<12x512xf32, #tpu.memory_space<vmem>>, vector<1x16xf32>,
    %swap3A_3995 = vector.shape_cast %swap3A_3994 : vector<1x16xf32> to vector<16xf32>
    %swap3A_3996 = vector.shape_cast %add3A_3972 : vector<16xf32> to vector<1x16xf32>
    tpu.vector_store %arg5[%swap3A_3992, %swap3A_3993], %swap3A_3996 {strides = array<i32>} : memref<12x512xf32, #tpu.memory_space<vmem>>, vector<1x16xf32>,
    %swap3A_3997 = arith.constant 4 : i32
    %swap3A_3998 = arith.index_cast %swap3A_3997 : i32 to index
    %swap3A_3999 = arith.constant 496 : index
    %swap3A_4000 = tpu.vector_load %arg5[%swap3A_3998, %swap3A_3999] {strides = array<i32>} : memref<12x512xf32, #tpu.memory_space<vmem>>, vector<1x16xf32>,
    %swap3A_4001 = vector.shape_cast %swap3A_4000 : vector<1x16xf32> to vector<16xf32>
    %swap3A_4002 = vector.shape_cast %add3A_3972 : vector<16xf32> to vector<1x16xf32>
    tpu.vector_store %arg5[%swap3A_3998, %swap3A_3999], %swap3A_4002 {strides = array<i32>} : memref<12x512xf32, #tpu.memory_space<vmem>>, vector<1x16xf32>,
    %swap3A_4003 = arith.constant 5 : i32
    %swap3A_4004 = arith.index_cast %swap3A_4003 : i32 to index
    %swap3A_4005 = arith.constant 496 : index
    %swap3A_4006 = tpu.vector_load %arg5[%swap3A_4004, %swap3A_4005] {strides = array<i32>} : memref<12x512xf32, #tpu.memory_space<vmem>>, vector<1x16xf32>,
    %swap3A_4007 = vector.shape_cast %swap3A_4006 : vector<1x16xf32> to vector<16xf32>
    %swap3A_4008 = vector.shape_cast %add3A_3972 : vector<16xf32> to vector<1x16xf32>
    tpu.vector_store %arg5[%swap3A_4004, %swap3A_4005], %swap3A_4008 {strides = array<i32>} : memref<12x512xf32, #tpu.memory_space<vmem>>, vector<1x16xf32>,
    %swap3A_4009 = arith.constant 6 : i32
    %swap3A_4010 = arith.index_cast %swap3A_4009 : i32 to index
    %swap3A_4011 = arith.constant 496 : index
    %swap3A_4012 = tpu.vector_load %arg5[%swap3A_4010, %swap3A_4011] {strides = array<i32>} : memref<12x512xf32, #tpu.memory_space<vmem>>, vector<1x16xf32>,
    %swap3A_4013 = vector.shape_cast %swap3A_4012 : vector<1x16xf32> to vector<16xf32>
    %swap3A_4014 = vector.shape_cast %add3A_3972 : vector<16xf32> to vector<1x16xf32>
    tpu.vector_store %arg5[%swap3A_4010, %swap3A_4011], %swap3A_4014 {strides = array<i32>} : memref<12x512xf32, #tpu.memory_space<vmem>>, vector<1x16xf32>,
    %swap3A_4015 = arith.constant 7 : i32
    %swap3A_4016 = arith.index_cast %swap3A_4015 : i32 to index
    %swap3A_4017 = arith.constant 496 : index
    %swap3A_4018 = tpu.vector_load %arg5[%swap3A_4016, %swap3A_4017] {strides = array<i32>} : memref<12x512xf32, #tpu.memory_space<vmem>>, vector<1x16xf32>,
    %swap3A_4019 = vector.shape_cast %swap3A_4018 : vector<1x16xf32> to vector<16xf32>
    %swap3A_4020 = vector.shape_cast %add3A_3972 : vector<16xf32> to vector<1x16xf32>
    tpu.vector_store %arg5[%swap3A_4016, %swap3A_4017], %swap3A_4020 {strides = array<i32>} : memref<12x512xf32, #tpu.memory_space<vmem>>, vector<1x16xf32>,
    %swap3A_4021 = arith.constant 8 : i32
    %swap3A_4022 = arith.index_cast %swap3A_4021 : i32 to index
    %swap3A_4023 = arith.constant 496 : index
    %swap3A_4024 = tpu.vector_load %arg5[%swap3A_4022, %swap3A_4023] {strides = array<i32>} : memref<12x512xf32, #tpu.memory_space<vmem>>, vector<1x16xf32>,
    %swap3A_4025 = vector.shape_cast %swap3A_4024 : vector<1x16xf32> to vector<16xf32>
    %swap3A_4026 = vector.shape_cast %add3A_3972 : vector<16xf32> to vector<1x16xf32>
    tpu.vector_store %arg5[%swap3A_4022, %swap3A_4023], %swap3A_4026 {strides = array<i32>} : memref<12x512xf32, #tpu.memory_space<vmem>>, vector<1x16xf32>,
    %swap3A_4027 = arith.constant 9 : i32
    %swap3A_4028 = arith.index_cast %swap3A_4027 : i32 to index
    %swap3A_4029 = arith.constant 496 : index
    %swap3A_4030 = tpu.vector_load %arg5[%swap3A_4028, %swap3A_4029] {strides = array<i32>} : memref<12x512xf32, #tpu.memory_space<vmem>>, vector<1x16xf32>,
    %swap3A_4031 = vector.shape_cast %swap3A_4030 : vector<1x16xf32> to vector<16xf32>
    %swap3A_4032 = vector.shape_cast %add3A_3972 : vector<16xf32> to vector<1x16xf32>
    tpu.vector_store %arg5[%swap3A_4028, %swap3A_4029], %swap3A_4032 {strides = array<i32>} : memref<12x512xf32, #tpu.memory_space<vmem>>, vector<1x16xf32>,
    %swap3A_4033 = arith.constant 10 : i32
    %swap3A_4034 = arith.index_cast %swap3A_4033 : i32 to index
    %swap3A_4035 = arith.constant 496 : index
    %swap3A_4036 = tpu.vector_load %arg5[%swap3A_4034, %swap3A_4035] {strides = array<i32>} : memref<12x512xf32, #tpu.memory_space<vmem>>, vector<1x16xf32>,
    %swap3A_4037 = vector.shape_cast %swap3A_4036 : vector<1x16xf32> to vector<16xf32>
    %swap3A_4038 = vector.shape_cast %add3A_3972 : vector<16xf32> to vector<1x16xf32>
    tpu.vector_store %arg5[%swap3A_4034, %swap3A_4035], %swap3A_4038 {strides = array<i32>} : memref<12x512xf32, #tpu.memory_space<vmem>>, vector<1x16xf32>,
    %swap3A_4039 = arith.constant 11 : i32
    %swap3A_4040 = arith.index_cast %swap3A_4039 : i32 to index
    %swap3A_4041 = arith.constant 496 : index
    %swap3A_4042 = tpu.vector_load %arg5[%swap3A_4040, %swap3A_4041] {strides = array<i32>} : memref<12x512xf32, #tpu.memory_space<vmem>>, vector<1x16xf32>,
    %swap3A_4043 = vector.shape_cast %swap3A_4042 : vector<1x16xf32> to vector<16xf32>
    %swap3A_4044 = vector.shape_cast %add3A_3972 : vector<16xf32> to vector<1x16xf32>
    tpu.vector_store %arg5[%swap3A_4040, %swap3A_4041], %swap3A_4044 {strides = array<i32>} : memref<12x512xf32, #tpu.memory_space<vmem>>, vector<1x16xf32>,
    %run_scoped3A = arith.constant 0 : i32
    "tpu.region"() ({
      %run_scoped3A_4045 = tpu.sem_alloc : memref<!tpu.dma_semaphore, #tpu.memory_space<semaphore_mem>>
      %dma_start3A_4046 = arith.constant 0 : i32
      %dma_start3A_4047 = tpu.memref_slice %arg3[%select_n3A, %run_scoped3A, %dma_start3A_4046, %mul3A_32] : memref<8x1x12x2048xf32, #tpu.memory_space<hbm>> -> memref<1x1x12x512xf32, #tpu.memory_space<hbm>>
      %dma_start3A_4048 = tpu.memref_squeeze %dma_start3A_4047 : memref<1x1x12x512xf32, #tpu.memory_space<hbm>> -> memref<12x512xf32, #tpu.memory_space<hbm>>
      %dma_start3A_4049 = arith.constant 0 : i32
      %dma_start3A_4050 = tpu.memref_slice %arg3[%select_n3A, %run_scoped3A, %dma_start3A_4049, %mul3A_32] : memref<8x1x12x2048xf32, #tpu.memory_space<hbm>> -> memref<1x1x12x512xf32, #tpu.memory_space<hbm>>
      %dma_start3A_4051 = tpu.memref_squeeze %dma_start3A_4050 : memref<1x1x12x512xf32, #tpu.memory_space<hbm>> -> memref<12x512xf32, #tpu.memory_space<hbm>>
      tpu.enqueue_dma source(%arg5 : memref<12x512xf32, #tpu.memory_space<vmem>>) target(%dma_start3A_4051 : memref<12x512xf32, #tpu.memory_space<hbm>>) target_semaphore(%run_scoped3A_4045 : memref<!tpu.dma_semaphore, #tpu.memory_space<semaphore_mem>>)
      %dma_wait3A_4052 = arith.constant 0 : i32
      %dma_wait3A_4053 = tpu.memref_slice %arg3[%select_n3A, %run_scoped3A, %dma_wait3A_4052, %mul3A_32] : memref<8x1x12x2048xf32, #tpu.memory_space<hbm>> -> memref<1x1x12x512xf32, #tpu.memory_space<hbm>>
      %dma_wait3A_4054 = tpu.memref_squeeze %dma_wait3A_4053 : memref<1x1x12x512xf32, #tpu.memory_space<hbm>> -> memref<12x512xf32, #tpu.memory_space<hbm>>
      %dma_wait3A_4055 = arith.constant 0 : i32
      %dma_wait3A_4056 = tpu.memref_slice %arg3[%select_n3A, %run_scoped3A, %dma_wait3A_4055, %mul3A_32] : memref<8x1x12x2048xf32, #tpu.memory_space<hbm>> -> memref<1x1x12x512xf32, #tpu.memory_space<hbm>>
      %dma_wait3A_4057 = tpu.memref_squeeze %dma_wait3A_4056 : memref<1x1x12x512xf32, #tpu.memory_space<hbm>> -> memref<12x512xf32, #tpu.memory_space<hbm>>
      tpu.wait_dma2 semaphore(%run_scoped3A_4045 : memref<!tpu.dma_semaphore, #tpu.memory_space<semaphore_mem>>) src(%arg5 : memref<12x512xf32, #tpu.memory_space<vmem>>) dst(%dma_wait3A_4057 : memref<12x512xf32, #tpu.memory_space<hbm>>)
      tpu.yield
    }) : () -> ()
    return
  }
}

</mosaic_0001>

<sc_bundles>
// kernel: kernel.3.cloned.1.call-start
scs
__scs_entry_jumppad:
0x0: {  	(pc) =	sbr.rel $0x88, $3  }
0x1: {  	(tag) =	ssettag $0x0;
	lr =	simm.s32 $0x1  }
0x2: {  	[smem:$0x3FA0] =	sst lr;
	_ =	strace $0xD0000000  }
0x3: {  	_ = 	snop  }
0x4: {  	_ = 	snop  }
0x5: {  	_ = 	snop  }
0x6: {  	_ = 	snop  }
0x7: {  	_ = 	snop  }
__scs_overlays_trampoline_lowered:
0x8: {  	[smem:$0x3FAF] =	sst s0  }
0x9: {  	[smem:$0x3FB0] =	sst s1  }
0xa: {  	[smem:$0x3FB1] =	sst s2  }
0xb: {  	[smem:$0x3FB2] =	sst s3  }
0xc: {  	[smem:$0x3FB3] =	sst s4  }
0xd: {  	[smem:$0x3FB4] =	sst s5  }
0xe: {  	[smem:$0x3FB5] =	sst s6  }
0xf: {  	[smem:$0x3FB6] =	sst s7  }
0x10: {  	[smem:$0x3FB7] =	sst s8  }
0x11: {  	[smem:$0x3FB8] =	sst s9;
	s0 =	simm.s32 @!p0 $0x0  }
0x12: {  	s1 =	sld [smem:$0x3F9E];
	s0 =	simm.s32 @p0 $0x1  }
0x13: {  	[smem:$0x3FB9] =	sst s0;
	s0 =	simm.s32 @!p1 $0x0  }
0x14: {  	s2 =	sld [smem:$0x3F9D];
	s0 =	simm.s32 @p1 $0x1  }
0x15: {  	[smem:$0x3FBA] =	sst s0;
	s0 =	simm.s32 @!p2 $0x0  }
0x16: {  	s3 =	sld [smem:$0x3FDB];
	s0 =	simm.s32 @p2 $0x1  }
0x17: {  	s4 =	simm.s32 $0x1BF5;
	[smem:$0x3FBC] =	sst s0  }
0x18: {  	s0 =	sld [smem:$0x3F9F];
	_ =	swait.ge [sflag:s4], $0x0  }
0x19: {  	s7 =	sld [smem:$0x3FA0]  }
0x1a: {  	s8 =	sadd.s32 $0xFFFFE003, lr  }
0x1b: {  	s9 =	sadd.s32 $0xFFFFFEF7, lr;
	s5 =	simm.s32 $0xFFFFFFFF;
	p2 =	slt.u32 s8, $0xFFFFF086  }
0x1c: {  	p1 =	slt.u32 s9, $0xF7A;
	s5 =	simm.s32 @!p2 $0x0  }
0x1d: {  	s5 =	simm.s32 @p1 $0x1;
	p0 =	seq.s32 s7, s2  }
0x1e: {  	s7 =	smul.u32 @!p0 $0xF7A, s2;
	p2 =	seq.s32 @!p0 s5, $0x0  }
0x1f: {  	s9 =	smul.u32 $0xF7A, s1;
	s8 =	simm.s32 @!p0 $0x1BF5;
	p2 =	por !p2, p0  }
0x20: {  	[sflag:s8] =	ssyncset.s32 @!p0 $0xFFFFF086;
	s6 =	sadd.s32 @!p0 s3, s7;
	s7 =	simm.s32 @!p0 $0x108  }
0x21: {  	s3 =	sadd.s32 s3, s9;
	s6 =	sadd.s32 @!p0 $0x88, s6;
	s7 =	simm.s32 @p2 $0x1082  }
0x22: {  	[simem:s7], [sflag:s8] =	dma.local @!p0 [hbm:s6], $0xF7A  }
0x23: {  	s9 =	sor.u32 $0xD0000000, s2;
	s6 =	simm.s32 $0x108;
	_ =	swait.ge @!p0 [sflag:s8], $0x0  }
0x24: {  	s3 =	sadd.s32 $0x88, s3;
	s6 =	simm.s32 @!p1 $0x1082;
	[sflag:s4] =	ssyncset.s32 $0xFFFFF086  }
0x25: {  	[simem:s6], [sflag:s4] =	dma.local [hbm:s3], $0xF7A  }
0x26: {  	[smem:$0x3FA0] =	sst s1;
	(tag) =	ssettag s2;
	_ =	strace s9  }
0x27: {  	s1 =	sld [smem:$0x3FB0]  }
0x28: {  	s2 =	sld [smem:$0x3FB1]  }
0x29: {  	s4 =	sld [smem:$0x3FB3]  }
0x2a: {  	p0 =	seq.s32 s5, $0x0;
	s5 =	sld [smem:$0x3FB4]  }
0x2b: {  	s6 =	sld [smem:$0x3FB5]  }
0x2c: {  	s7 =	sld [smem:$0x3FB6]  }
0x2d: {  	s3 =	simm.s32 $0x108;
	s8 =	sld [smem:$0x3FB7]  }
0x2e: {  	s3 =	simm.s32 @!p0 $0x1082;
	s9 =	sld [smem:$0x3FB8]  }
0x2f: {  	lr =	sadd.s32 s0, s3;
	s0 =	sld [smem:$0x3FAF]  }
0x30: {  	s3 =	sld [smem:$0x3FB2]  }
0x31: {  	[smem:$0x3FBB] =	sst s10  }
0x32: {  	s10 =	sld [smem:$0x3FB9];
	_ =	sdelay $0x3  }
0x33: {  	p0 =	seq.s32 s10, $0x1;
	s10 =	sld [smem:$0x3FBB];
	_ =	sdelay $0x3  }
0x34: {  	[smem:$0x3FBB] =	sst s10  }
0x35: {  	s10 =	sld [smem:$0x3FBA];
	_ =	sdelay $0x3  }
0x36: {  	p1 =	seq.s32 s10, $0x1;
	s10 =	sld [smem:$0x3FBB];
	_ =	sdelay $0x3  }
0x37: {  	[smem:$0x3FBB] =	sst s10  }
0x38: {  	s10 =	sld [smem:$0x3FBC]  }
0x39: {  	_ = 	snop;
	(pc) =	sbr.ind lr, $3  }
0x3a: {  	_ = 	snop  }
0x3b: {  	_ = 	snop  }
0x3c: {  	p2 =	seq.s32 s10, $0x1;
	s10 =	sld [smem:$0x3FBB]  }
0x3d: {  	_ =	shalt  }
0x3e: {  	_ =	shalt  }
0x3f: {  	_ =	shalt  }
0x40: {  	_ =	shalt  }
0x41: {  	_ =	shalt  }
0x42: {  	_ =	shalt  }
0x43: {  	_ =	shalt  }
0x44: {  	_ =	shalt  }
0x45: {  	_ =	shalt  }
0x46: {  	_ =	shalt  }
0x47: {  	_ =	shalt  }
0x48: {  	_ =	shalt  }
0x49: {  	_ =	shalt  }
0x4a: {  	_ =	shalt  }
0x4b: {  	_ =	shalt  }
0x4c: {  	_ =	shalt  }
0x4d: {  	_ =	shalt  }
0x4e: {  	_ =	shalt  }
0x4f: {  	_ =	shalt  }
0x50: {  	_ =	shalt  }
0x51: {  	_ =	shalt  }
0x52: {  	_ =	shalt  }
0x53: {  	_ =	shalt  }
0x54: {  	_ =	shalt  }
0x55: {  	_ =	shalt  }
0x56: {  	_ =	shalt  }
0x57: {  	_ =	shalt  }
0x58: {  	_ =	shalt  }
0x59: {  	_ =	shalt  }
0x5a: {  	_ =	shalt  }
0x5b: {  	_ =	shalt  }
0x5c: {  	_ =	shalt  }
0x5d: {  	_ =	shalt  }
0x5e: {  	_ =	shalt  }
0x5f: {  	_ =	shalt  }
0x60: {  	_ =	shalt  }
0x61: {  	_ =	shalt  }
0x62: {  	_ =	shalt  }
0x63: {  	_ =	shalt  }
0x64: {  	_ =	shalt  }
0x65: {  	_ =	shalt  }
0x66: {  	_ =	shalt  }
0x67: {  	_ =	shalt  }
0x68: {  	_ =	shalt  }
0x69: {  	_ =	shalt  }
0x6a: {  	_ =	shalt  }
0x6b: {  	_ =	shalt  }
0x6c: {  	_ =	shalt  }
0x6d: {  	_ =	shalt  }
0x6e: {  	_ =	shalt  }
0x6f: {  	_ =	shalt  }
0x70: {  	_ =	shalt  }
0x71: {  	_ =	shalt  }
0x72: {  	_ =	shalt  }
0x73: {  	_ =	shalt  }
0x74: {  	_ =	shalt  }
0x75: {  	_ =	shalt  }
0x76: {  	_ =	shalt  }
0x77: {  	_ =	shalt  }
0x78: {  	_ =	shalt  }
0x79: {  	_ =	shalt  }
0x7a: {  	_ =	shalt  }
0x7b: {  	_ =	shalt  }
0x7c: {  	_ =	shalt  }
0x7d: {  	_ =	shalt  }
0x7e: {  	_ =	shalt  }
0x7f: {  	_ =	shalt  }
0x80: {  	_ =	shalt  }
0x81: {  	_ =	shalt  }
0x82: {  	_ =	shalt  }
0x83: {  	_ =	shalt  }
0x84: {  	_ =	shalt  }
0x85: {  	_ =	shalt  }
0x86: {  	_ =	shalt  }
0x87: {  	_ =	shalt  }
.Lfunc_end0:
.L_simem_size_0:
called_computation_lowered:
.L_overlay_start_0:
0x88: {  	s2 =	sld [smem:$0x3FD9]  }
0x89: {  	s3 =	sld [smem:$0x3FFE];
	_ =	sdelay $0x1  }
0x8a: {  	s1 =	srdreg.scid  }
0x8b: {  	s0 =	sand.u32 $0x1, s1  }
0x8c: {  	s18 =	sshll.u32 s0, $0xA;
	s2 =	sadd.s32 s3, s2  }
0x8d: {  	s2 =	sadd.s32 s2, s18  }
0x8e: {  	[smem:$0x3FC7] =	sst s2  }
0x8f: {  	_ = 	snop  }
0x90: {  	s2 =	sld [smem:$0x3FC9]  }
0x91: {  	s19 =	sld [smem:$0x3FD0];
	(tm) =	ssettm $0x1  }
0x92: {  	s4 =	sld [smem:$0x3FFB];
	_ =	sdelay $0x3  }
0x93: {  	_ =	strace s4  }
0x94: {  	s4 =	sld [smem:$0x3FFC];
	_ =	sdelay $0x3  }
0x95: {  	_ =	strace s4  }
0x96: {  	s4 =	sld [smem:$0x3FFD];
	_ =	sdelay $0x3  }
0x97: {  	_ =	strace s4  }
0x98: {  	_ =	strace $0x8FFFFFFF  }
0x99: {  	s20 =	sld [smem:$0x3FDB];
	_ =	sdelay $0x1  }
0x9a: {  	s5 =	simm.s32 $_scs_section_size  }
0x9b: {  	s6 =	simm.s32 $_size__tile_overlayer_lowered;
	s7 =	simm.s32 $_tile_overlayer_lowered  }
0x9c: {  	s23 =	simm.s32 $0x1BFF;
	s22 =	sshll.u32 s7, $0x1;
	s4 =	sadd.s32 s5, s20  }
0x9d: {  	s8 =	simm.s32 $0x0;
	s21 =	sshll.u32 s6, $0x1;
	s6 =	sadd.s32 s22, s4  }
0x9e: {  	[timem:s8], [sflag:s23] =	dma.local [hbm:s6], s21  }
0x9f: {  	_ =	swait.ge [sflag:s23], s21  }
0xa0: {  	s5 =	ssub.s32 $0x0, s21;
	[sflag:s23] =	ssyncset.done $0x0  }
0xa1: {  	[sflag:s23] =	ssyncadd.s32 s5;
	_ =	sdelay $0x1  }
0xa2: {  	s24 =	simm.s32 $0x1B8B  }
0xa3: {  	_ =	swait.ge [sflag:s24], $0x1  }
0xa4: {  	[sflag:s24] =	ssyncset.done $0x0  }
0xa5: {  	s25 =	simm.s32 $0x1B8E;
	[sflag:s24] =	ssyncadd.s32 $0xFFFFFFFF  }
0xa6: {  	s26 =	simm.s32 $execute0_lowered;
	[smem:$0x3FD2] =	sst s25  }
0xa7: {  	s5 =	sshll.u32 s26, $0x1;
	_ =	strace $0x80000046;
	[dreg:$0x1] =	wrdreg $0xFFFFFFFF  }
0xa8: {  	s28 =	simm.s32 $_size_execute0_lowered;
	s4 =	sadd.s32 s4, s5;
	[dreg:$0x0] =	wrdreg $0x0  }
0xa9: {  	s5 =	sshll.u32 s28, $0x1;
	[dreg:$0x2] =	wrdreg s4  }
0xaa: {  	[dreg:$0x3] =	wrdreg s5  }
0xab: {  	[dreg:$0x4] =	wrdreg $0xC0  }
0xac: {  	_ =	task [dreg:s8], $0x5FFFF  }
0xad: {  	[dreg:$0x1] =	wrdreg $0xFFFFFFFF  }
0xae: {  	[dreg:$0x0] =	wrdreg $0x60  }
0xaf: {  	[dreg:$0x2] =	wrdreg s2  }
0xb0: {  	[dreg:$0x3] =	wrdreg s19  }
0xb1: {  	[dreg:$0x4] =	wrdreg $0x9  }
0xb2: {  	_ =	task.clear_ibuf [dreg:s8], $0x5FFFF;
	_ =	strace $0x90000046  }
0xb3: {  	s29 =	simm.s32 $0x9;
	_ =	strace $0x80000048  }
0xb4: {  	_ =	swait.ge [sflag:s29], $0x1  }
0xb5: {  	[sflag:s29] =	ssyncadd.s32 $0xFFFFFFFF  }
0xb6: {  	_ =	strace $0x90000048  }
0xb7: {  	_ =	sfence  }
0xb8: {  	s30 =	sld [smem:$0x0];
	_ =	sdelay $0x2  }
0xb9: {  	s31 =	sshll.u32 s1, $0xD;
	s1 =	sshrl.u32 s1, $0x2  }
0xba: {  	s3 =	sand.u32 $0x4000, s31;
	s1 =	sadd.s32 s1, s30  }
0xbb: {  	s0 =	sor.u32 s3, s0;
	s1 =	sshll.u32 s1, $0x11  }
0xbc: {  	s0 =	sor.u32 s1, s0  }
0xbd: {  	s0 =	sadd.s32 $0x8F2B, s0  }
0xbe: {  	[sflag:s0] =	ssyncadd.remote.s32 $0x1  }
0xbf: {  	_ =	sfence.sel $0xFFFF  }
0xc0: {  	[dreg:$0x0] =	wrdreg $0xFFFFFFFF;
	(pc) =	sbr.abs _section_cstart, $3  }
0xc1: {  	[dreg:$0x1] =	wrdreg $0xFFFFFFFF  }
0xc2: {  	_ =	task.clear_ibuf [dreg:s8], $0x2FFFF;
	_ =	strace $0x9FFFFFFF  }
0xc3: {  	(tm) =	ssettm $0x7FFFFFFF  }
tec
execute0_lowered:
.L_overlay_start_1:
0x0: {  	(tag) =	ssettag $0x1  }
0x1: {  	s0 =	stileid.u32;
	s5 =	rddreg [dreg:$0x0]  }
0x2: {  	s1 =	srdreg.scid;
	s11 =	rddreg [dreg:$0x1];
	s14 =	simm.s32 $0x400  }
0x3: {  	s15 =	simm.s32 $0x600;
	s16 =	simm.s32 $0x800;
	s17 =	simm.s32 $0xA00  }
0x4: {  	s18 =	simm.s32 $0xC00;
	s19 =	simm.s32 $0xE00;
	s20 =	simm.s32 $0x1  }
0x5: {  	s21 =	simm.s32 $0x1000;
	s22 =	simm.s32 $0x2;
	s4 =	sshrl.u32 s0, $0x1  }
0x6: {  	s2 =	sshll.u32 s0, $0x1;
	s3 =	sand.u32 $0x1, s1;
	s6 =	smul.u32 $0x44F000, s4  }
0x7: {  	s31 =	sand.u32 $0x2, s2;
	s2 =	simm.s32 $0x0;
	s13 =	smul.u32 $0x6000, s4  }
0x8: {  	s1 =	sor.u32 s3, s31;
	[smem:$0x7FF] =	sst s2;
	s3 =	ssub.s32 $0x2, s3  }
0x9: {  	s9 =	sshll.u32 s1, $0x9;
	s1 =	rddreg [dreg:$0x2];
	_ =	strace $0x80000047  }
0xa: {  	s7 =	sshrl.u32 s3, $0x1;
	s6 =	sor.u32 s6, s9;
	s13 =	sor.u32 s13, s9  }
0xb: {  	s12 =	ssub.s32 s3, s7;
	s6 =	sshrl.u32 s6, $0x3;
	s13 =	sshrl.u32 s13, $0x3  }
0xc: {  	s12 =	smax.u32 s12, $0x1;
	s10 =	sadd.s32 s5, s6;
	s11 =	sadd.s32 s11, s13  }
0xd: {  	s13 =	simm.s32 $0x200;
	s3 =	sadd.s32 $0xB00, s10;
	s4 =	sadd.s32 $0x1600, s10  }
0xe: {  	s5 =	sadd.s32 $0x2C00, s10;
	s6 =	sadd.s32 $0x5800, s10;
	s7 =	sadd.s32 $0xB000, s10  }
0xf: {  	s8 =	sadd.s32 $0x16000, s10;
	s9 =	sadd.s32 $0x2C000, s10;
	s10 =	sadd.s32 $0x58000, s10  }
.LBB2_1:
0x10: {  	[tilespmem:s2], [sflag:$0x1] =	stream.linear.gather [hbm4b:s3+s2], $0x200, $0x38;
	[tilespmem:$0x2800] =	vst v63  }
0x11: {  	_ = 	snop  }
0x12: {  	[tilespmem:s13], [sflag:$0x1] =	stream.linear.gather [hbm4b:s4+s2], $0x200, $0x38;
	[tilespmem:$0x2800] =	vst v63  }
0x13: {  	_ = 	snop  }
0x14: {  	[tilespmem:s14], [sflag:$0x1] =	stream.linear.gather [hbm4b:s5+s2], $0x200, $0x38;
	[tilespmem:$0x2800] =	vst v63  }
0x15: {  	_ = 	snop  }
0x16: {  	[tilespmem:s15], [sflag:$0x1] =	stream.linear.gather [hbm4b:s6+s2], $0x200, $0x38;
	[tilespmem:$0x2800] =	vst v63  }
0x17: {  	_ = 	snop  }
0x18: {  	[tilespmem:s16], [sflag:$0x1] =	stream.linear.gather [hbm4b:s7+s2], $0x200, $0x38;
	[tilespmem:$0x2800] =	vst v63  }
0x19: {  	_ = 	snop  }
0x1a: {  	[tilespmem:s17], [sflag:$0x1] =	stream.linear.gather [hbm4b:s8+s2], $0x200, $0x38;
	[tilespmem:$0x2800] =	vst v63  }
0x1b: {  	_ = 	snop  }
0x1c: {  	[tilespmem:s18], [sflag:$0x1] =	stream.linear.gather [hbm4b:s9+s2], $0x200, $0x38;
	[tilespmem:$0x2800] =	vst v63  }
0x1d: {  	_ = 	snop  }
0x1e: {  	[tilespmem:s19], [sflag:$0x1] =	stream.linear.gather [hbm4b:s10+s2], $0x200, $0x38;
	[tilespmem:$0x2800] =	vst v63  }
0x1f: {  	_ =	swait.ge [sflag:s20], $0x200  }
0x20: {  	[sflag:s20] =	ssyncset.done $0x0  }
0x21: {  	[sflag:s20] =	ssyncadd.s32 $0xFFFFFE00  }
0x22: {  	_ =	swait.ge [sflag:s20], $0x200  }
0x23: {  	[sflag:s20] =	ssyncset.done $0x0  }
0x24: {  	[sflag:s20] =	ssyncadd.s32 $0xFFFFFE00  }
0x25: {  	_ =	swait.ge [sflag:s20], $0x200  }
0x26: {  	[sflag:s20] =	ssyncset.done $0x0  }
0x27: {  	[sflag:s20] =	ssyncadd.s32 $0xFFFFFE00  }
0x28: {  	_ =	swait.ge [sflag:s20], $0x200  }
0x29: {  	[sflag:s20] =	ssyncset.done $0x0  }
0x2a: {  	[sflag:s20] =	ssyncadd.s32 $0xFFFFFE00  }
0x2b: {  	_ =	swait.ge [sflag:s20], $0x200  }
0x2c: {  	[sflag:s20] =	ssyncset.done $0x0  }
0x2d: {  	[sflag:s20] =	ssyncadd.s32 $0xFFFFFE00  }
0x2e: {  	_ =	swait.ge [sflag:s20], $0x200  }
0x2f: {  	[sflag:s20] =	ssyncset.done $0x0  }
0x30: {  	[sflag:s20] =	ssyncadd.s32 $0xFFFFFE00  }
0x31: {  	_ =	swait.ge [sflag:s20], $0x200  }
0x32: {  	[sflag:s20] =	ssyncset.done $0x0  }
0x33: {  	[sflag:s20] =	ssyncadd.s32 $0xFFFFFE00  }
0x34: {  	_ =	swait.ge [sflag:s20], $0x200  }
0x35: {  	[sflag:s20] =	ssyncset.done $0x0  }
0x36: {  	[sflag:s20] =	ssyncadd.s32 $0xFFFFFE00  }
0x37: {  	v0 =	vld [tilespmem:$0x0]  }
0x38: {  	v1 =	vld [tilespmem:$0x200];
	_ =	sdelay $0x1  }
0x39: {  	v2 =	vld [tilespmem:$0x400];
	_ =	sdelay $0x1  }
0x3a: {  	v3 =	vld [tilespmem:$0x600]  }
0x3b: {  	v0 =	vadd.f32 v1, v0  }
0x3c: {  	v45 =	vld [tilespmem:$0x800]  }
0x3d: {  	v0 =	vadd.f32 v2, v0  }
0x3e: {  	v46 =	vld [tilespmem:$0xA00]  }
0x3f: {  	v47 =	vld [tilespmem:$0xC00];
	v0 =	vadd.f32 v3, v0  }
0x40: {  	v4 =	vld [tilespmem:$0xE00]  }
0x41: {  	v48 =	vld [tilespmem:$0x10];
	v0 =	vadd.f32 v45, v0  }
0x42: {  	v5 =	vld [tilespmem:$0x210]  }
0x43: {  	v0 =	vadd.f32 v46, v0  }
0x44: {  	v49 =	vld [tilespmem:$0x410]  }
0x45: {  	v0 =	vadd.f32 v47, v0  }
0x46: {  	v50 =	vld [tilespmem:$0x610]  }
0x47: {  	v1 =	vadd.f32 v5, v48;
	v0 =	vadd.f32 v4, v0  }
0x48: {  	v51 =	vld [tilespmem:$0x810]  }
0x49: {  	v1 =	vadd.f32 v49, v1;
	[tilespmem:$0x1000] =	vst v0  }
0x4a: {  	v52 =	vld [tilespmem:$0xA10];
	[tilespmem:$0x1200] =	vst v0  }
0x4b: {  	v53 =	vld [tilespmem:$0xC10];
	v1 =	vadd.f32 v50, v1;
	[tilespmem:$0x1400] =	vst v0  }
0x4c: {  	v54 =	vld [tilespmem:$0xE10];
	[tilespmem:$0x1600] =	vst v0  }
0x4d: {  	v55 =	vld [tilespmem:$0x20];
	v1 =	vadd.f32 v51, v1;
	[tilespmem:$0x1800] =	vst v0  }
0x4e: {  	v6 =	vld [tilespmem:$0x220];
	[tilespmem:$0x1A00] =	vst v0  }
0x4f: {  	v1 =	vadd.f32 v52, v1;
	[tilespmem:$0x1C00] =	vst v0  }
0x50: {  	v56 =	vld [tilespmem:$0x420];
	[tilespmem:$0x1E00] =	vst v0  }
0x51: {  	v1 =	vadd.f32 v53, v1;
	[tilespmem:$0x2000] =	vst v0  }
0x52: {  	v57 =	vld [tilespmem:$0x620];
	[tilespmem:$0x2200] =	vst v0  }
0x53: {  	v1 =	vadd.f32 v54, v1;
	v4 =	vadd.f32 v6, v55;
	[tilespmem:$0x2400] =	vst v0  }
0x54: {  	v58 =	vld [tilespmem:$0x820];
	[tilespmem:$0x2600] =	vst v0  }
0x55: {  	[tilespmem:$0x1010] =	vst v1;
	v2 =	vadd.f32 v56, v4  }
0x56: {  	v59 =	vld [tilespmem:$0xA20];
	[tilespmem:$0x1210] =	vst v1  }
0x57: {  	v60 =	vld [tilespmem:$0xC20];
	[tilespmem:$0x1410] =	vst v1;
	v2 =	vadd.f32 v57, v2  }
0x58: {  	v61 =	vld [tilespmem:$0xE20];
	[tilespmem:$0x1610] =	vst v1  }
0x59: {  	v62 =	vld [tilespmem:$0x30];
	[tilespmem:$0x1810] =	vst v1;
	v0 =	vadd.f32 v58, v2  }
0x5a: {  	v63 =	vld [tilespmem:$0x230];
	[tilespmem:$0x1A10] =	vst v1  }
0x5b: {  	[tilespmem:$0x1C10] =	vst v1;
	v0 =	vadd.f32 v59, v0  }
0x5c: {  	v9 =	vld [tilespmem:$0x430];
	[tilespmem:$0x1E10] =	vst v1  }
0x5d: {  	[tilespmem:$0x2010] =	vst v1;
	v0 =	vadd.f32 v60, v0  }
0x5e: {  	v10 =	vld [tilespmem:$0x630];
	[tilespmem:$0x2210] =	vst v1  }
0x5f: {  	[tilespmem:$0x2410] =	vst v1;
	v2 =	vadd.f32 v63, v62;
	v0 =	vadd.f32 v61, v0  }
0x60: {  	v11 =	vld [tilespmem:$0x830];
	[tilespmem:$0x2610] =	vst v1  }
0x61: {  	v2 =	vadd.f32 v9, v2;
	[tilespmem:$0x1020] =	vst v0  }
0x62: {  	v12 =	vld [tilespmem:$0xA30];
	[tilespmem:$0x1220] =	vst v0  }
0x63: {  	v13 =	vld [tilespmem:$0xC30];
	v2 =	vadd.f32 v10, v2;
	[tilespmem:$0x1420] =	vst v0  }
0x64: {  	v14 =	vld [tilespmem:$0xE30];
	[tilespmem:$0x1620] =	vst v0  }
0x65: {  	v15 =	vld [tilespmem:$0x40];
	v1 =	vadd.f32 v11, v2;
	[tilespmem:$0x1820] =	vst v0  }
0x66: {  	v16 =	vld [tilespmem:$0x240];
	[tilespmem:$0x1A20] =	vst v0  }
0x67: {  	[tilespmem:$0x1C20] =	vst v0;
	v1 =	vadd.f32 v12, v1  }
0x68: {  	v17 =	vld [tilespmem:$0x440];
	[tilespmem:$0x1E20] =	vst v0  }
0x69: {  	[tilespmem:$0x2020] =	vst v0;
	v1 =	vadd.f32 v13, v1  }
0x6a: {  	v18 =	vld [tilespmem:$0x640];
	[tilespmem:$0x2220] =	vst v0  }
0x6b: {  	v2 =	vadd.f32 v16, v15;
	[tilespmem:$0x2420] =	vst v0;
	v1 =	vadd.f32 v14, v1  }
0x6c: {  	v19 =	vld [tilespmem:$0x840];
	[tilespmem:$0x2620] =	vst v0  }
0x6d: {  	v2 =	vadd.f32 v17, v2;
	[tilespmem:$0x1030] =	vst v1  }
0x6e: {  	v20 =	vld [tilespmem:$0xA40];
	[tilespmem:$0x1230] =	vst v1  }
0x6f: {  	v21 =	vld [tilespmem:$0xC40];
	v2 =	vadd.f32 v18, v2;
	[tilespmem:$0x1430] =	vst v1  }
0x70: {  	v22 =	vld [tilespmem:$0xE40];
	[tilespmem:$0x1630] =	vst v1  }
0x71: {  	v23 =	vld [tilespmem:$0x50];
	v0 =	vadd.f32 v19, v2;
	[tilespmem:$0x1830] =	vst v1  }
0x72: {  	v24 =	vld [tilespmem:$0x250];
	[tilespmem:$0x1A30] =	vst v1  }
0x73: {  	[tilespmem:$0x1C30] =	vst v1;
	v0 =	vadd.f32 v20, v0  }
0x74: {  	v25 =	vld [tilespmem:$0x450];
	[tilespmem:$0x1E30] =	vst v1  }
0x75: {  	[tilespmem:$0x2030] =	vst v1;
	v0 =	vadd.f32 v21, v0  }
0x76: {  	v26 =	vld [tilespmem:$0x650];
	[tilespmem:$0x2230] =	vst v1  }
0x77: {  	v2 =	vadd.f32 v24, v23;
	[tilespmem:$0x2430] =	vst v1;
	v0 =	vadd.f32 v22, v0  }
0x78: {  	v27 =	vld [tilespmem:$0x850];
	[tilespmem:$0x2630] =	vst v1  }
0x79: {  	v2 =	vadd.f32 v25, v2;
	[tilespmem:$0x1040] =	vst v0  }
0x7a: {  	v28 =	vld [tilespmem:$0xA50];
	[tilespmem:$0x1240] =	vst v0  }
0x7b: {  	v29 =	vld [tilespmem:$0xC50];
	v2 =	vadd.f32 v26, v2;
	[tilespmem:$0x1440] =	vst v0  }
0x7c: {  	v30 =	vld [tilespmem:$0xE50];
	[tilespmem:$0x1640] =	vst v0  }
0x7d: {  	v31 =	vld [tilespmem:$0x60];
	v1 =	vadd.f32 v27, v2;
	[tilespmem:$0x1840] =	vst v0  }
0x7e: {  	v32 =	vld [tilespmem:$0x260];
	[tilespmem:$0x1A40] =	vst v0  }
0x7f: {  	[tilespmem:$0x1C40] =	vst v0;
	v1 =	vadd.f32 v28, v1  }
0x80: {  	v33 =	vld [tilespmem:$0x460];
	[tilespmem:$0x1E40] =	vst v0  }
0x81: {  	[tilespmem:$0x2040] =	vst v0;
	v1 =	vadd.f32 v29, v1  }
0x82: {  	v34 =	vld [tilespmem:$0x660];
	[tilespmem:$0x2240] =	vst v0  }
0x83: {  	v2 =	vadd.f32 v32, v31;
	[tilespmem:$0x2440] =	vst v0;
	v1 =	vadd.f32 v30, v1  }
0x84: {  	v35 =	vld [tilespmem:$0x860];
	[tilespmem:$0x2640] =	vst v0  }
0x85: {  	v2 =	vadd.f32 v33, v2;
	[tilespmem:$0x1050] =	vst v1  }
0x86: {  	v36 =	vld [tilespmem:$0xA60];
	[tilespmem:$0x1250] =	vst v1  }
0x87: {  	v2 =	vadd.f32 v34, v2;
	[tilespmem:$0x1450] =	vst v1  }
0x88: {  	v37 =	vld [tilespmem:$0xC60];
	[tilespmem:$0x1650] =	vst v1  }
0x89: {  	v0 =	vadd.f32 v35, v2;
	[tilespmem:$0x1850] =	vst v1  }
0x8a: {  	v38 =	vld [tilespmem:$0xE60];
	[tilespmem:$0x1A50] =	vst v1  }
0x8b: {  	[tilespmem:$0x1C50] =	vst v1;
	v0 =	vadd.f32 v36, v0  }
0x8c: {  	[tilespmem:$0x1E50] =	vst v1  }
0x8d: {  	[tilespmem:$0x2050] =	vst v1;
	v0 =	vadd.f32 v37, v0  }
0x8e: {  	[tilespmem:$0x2250] =	vst v1  }
0x8f: {  	[tilespmem:$0x2450] =	vst v1;
	v0 =	vadd.f32 v38, v0  }
0x90: {  	[tilespmem:$0x2650] =	vst v1  }
0x91: {  	[tilespmem:$0x1060] =	vst v0  }
0x92: {  	[tilespmem:$0x1260] =	vst v0  }
0x93: {  	[tilespmem:$0x1460] =	vst v0  }
0x94: {  	[tilespmem:$0x1660] =	vst v0  }
0x95: {  	[tilespmem:$0x1860] =	vst v0  }
0x96: {  	[tilespmem:$0x1A60] =	vst v0  }
0x97: {  	[tilespmem:$0x1C60] =	vst v0  }
0x98: {  	v39 =	vld [tilespmem:$0x70];
	[tilespmem:$0x1E60] =	vst v0  }
0x99: {  	v40 =	vld [tilespmem:$0x270];
	[tilespmem:$0x2060] =	vst v0  }
0x9a: {  	[tilespmem:$0x2260] =	vst v0  }
0x9b: {  	v41 =	vld [tilespmem:$0x470];
	[tilespmem:$0x2460] =	vst v0  }
0x9c: {  	[tilespmem:$0x2660] =	vst v0  }
0x9d: {  	v0 =	vld [tilespmem:$0x670]  }
0x9e: {  	v1 =	vadd.f32 v40, v39  }
0x9f: {  	v42 =	vld [tilespmem:$0x870]  }
0xa0: {  	v1 =	vadd.f32 v41, v1  }
0xa1: {  	v43 =	vld [tilespmem:$0xA70]  }
0xa2: {  	v44 =	vld [tilespmem:$0xC70];
	v0 =	vadd.f32 v0, v1  }
0xa3: {  	v45 =	vld [tilespmem:$0xE70]  }
0xa4: {  	v46 =	vld [tilespmem:$0x80];
	v0 =	vadd.f32 v42, v0  }
0xa5: {  	v47 =	vld [tilespmem:$0x280]  }
0xa6: {  	v0 =	vadd.f32 v43, v0  }
0xa7: {  	v48 =	vld [tilespmem:$0x480]  }
0xa8: {  	v0 =	vadd.f32 v44, v0  }
0xa9: {  	v49 =	vld [tilespmem:$0x680]  }
0xaa: {  	v2 =	vadd.f32 v47, v46;
	v0 =	vadd.f32 v45, v0  }
0xab: {  	v50 =	vld [tilespmem:$0x880]  }
0xac: {  	v2 =	vadd.f32 v48, v2;
	[tilespmem:$0x1070] =	vst v0  }
0xad: {  	v51 =	vld [tilespmem:$0xA80];
	[tilespmem:$0x1270] =	vst v0  }
0xae: {  	v52 =	vld [tilespmem:$0xC80];
	v1 =	vadd.f32 v49, v2;
	[tilespmem:$0x1470] =	vst v0  }
0xaf: {  	v53 =	vld [tilespmem:$0xE80];
	[tilespmem:$0x1670] =	vst v0  }
0xb0: {  	v54 =	vld [tilespmem:$0x90];
	v1 =	vadd.f32 v50, v1;
	[tilespmem:$0x1870] =	vst v0  }
0xb1: {  	v55 =	vld [tilespmem:$0x290];
	[tilespmem:$0x1A70] =	vst v0  }
0xb2: {  	v1 =	vadd.f32 v51, v1;
	[tilespmem:$0x1C70] =	vst v0  }
0xb3: {  	v56 =	vld [tilespmem:$0x490];
	[tilespmem:$0x1E70] =	vst v0  }
0xb4: {  	[tilespmem:$0x2070] =	vst v0;
	v1 =	vadd.f32 v52, v1  }
0xb5: {  	v57 =	vld [tilespmem:$0x690];
	[tilespmem:$0x2270] =	vst v0  }
0xb6: {  	v4 =	vadd.f32 v55, v54;
	[tilespmem:$0x2470] =	vst v0;
	v1 =	vadd.f32 v53, v1  }
0xb7: {  	v58 =	vld [tilespmem:$0x890];
	[tilespmem:$0x2670] =	vst v0  }
0xb8: {  	v3 =	vadd.f32 v56, v4;
	[tilespmem:$0x1080] =	vst v1  }
0xb9: {  	v59 =	vld [tilespmem:$0xA90];
	[tilespmem:$0x1280] =	vst v1  }
0xba: {  	v60 =	vld [tilespmem:$0xC90];
	v2 =	vadd.f32 v57, v3;
	[tilespmem:$0x1480] =	vst v1  }
0xbb: {  	v61 =	vld [tilespmem:$0xE90];
	[tilespmem:$0x1680] =	vst v1  }
0xbc: {  	v62 =	vld [tilespmem:$0xA0];
	v0 =	vadd.f32 v58, v2;
	[tilespmem:$0x1880] =	vst v1  }
0xbd: {  	v63 =	vld [tilespmem:$0x2A0];
	[tilespmem:$0x1A80] =	vst v1  }
0xbe: {  	v0 =	vadd.f32 v59, v0;
	[tilespmem:$0x1C80] =	vst v1  }
0xbf: {  	v8 =	vld [tilespmem:$0x4A0];
	[tilespmem:$0x1E80] =	vst v1  }
0xc0: {  	[tilespmem:$0x2080] =	vst v1;
	v0 =	vadd.f32 v60, v0  }
0xc1: {  	v9 =	vld [tilespmem:$0x6A0];
	[tilespmem:$0x2280] =	vst v1  }
0xc2: {  	v2 =	vadd.f32 v63, v62;
	[tilespmem:$0x2480] =	vst v1;
	v0 =	vadd.f32 v61, v0  }
0xc3: {  	v10 =	vld [tilespmem:$0x8A0];
	[tilespmem:$0x2680] =	vst v1  }
0xc4: {  	v2 =	vadd.f32 v8, v2;
	[tilespmem:$0x1090] =	vst v0  }
0xc5: {  	v11 =	vld [tilespmem:$0xAA0];
	[tilespmem:$0x1290] =	vst v0  }
0xc6: {  	v12 =	vld [tilespmem:$0xCA0];
	v2 =	vadd.f32 v9, v2;
	[tilespmem:$0x1490] =	vst v0  }
0xc7: {  	v13 =	vld [tilespmem:$0xEA0];
	[tilespmem:$0x1690] =	vst v0  }
0xc8: {  	v14 =	vld [tilespmem:$0xB0];
	v1 =	vadd.f32 v10, v2;
	[tilespmem:$0x1890] =	vst v0  }
0xc9: {  	v15 =	vld [tilespmem:$0x2B0];
	[tilespmem:$0x1A90] =	vst v0  }
0xca: {  	[tilespmem:$0x1C90] =	vst v0;
	v1 =	vadd.f32 v11, v1  }
0xcb: {  	v16 =	vld [tilespmem:$0x4B0];
	[tilespmem:$0x1E90] =	vst v0  }
0xcc: {  	[tilespmem:$0x2090] =	vst v0;
	v1 =	vadd.f32 v12, v1  }
0xcd: {  	v17 =	vld [tilespmem:$0x6B0];
	[tilespmem:$0x2290] =	vst v0  }
0xce: {  	v2 =	vadd.f32 v15, v14;
	[tilespmem:$0x2490] =	vst v0;
	v1 =	vadd.f32 v13, v1  }
0xcf: {  	v18 =	vld [tilespmem:$0x8B0];
	[tilespmem:$0x2690] =	vst v0  }
0xd0: {  	v2 =	vadd.f32 v16, v2;
	[tilespmem:$0x10A0] =	vst v1  }
0xd1: {  	v19 =	vld [tilespmem:$0xAB0];
	[tilespmem:$0x12A0] =	vst v1  }
0xd2: {  	v20 =	vld [tilespmem:$0xCB0];
	v2 =	vadd.f32 v17, v2;
	[tilespmem:$0x14A0] =	vst v1  }
0xd3: {  	v21 =	vld [tilespmem:$0xEB0];
	[tilespmem:$0x16A0] =	vst v1  }
0xd4: {  	v22 =	vld [tilespmem:$0xC0];
	v0 =	vadd.f32 v18, v2;
	[tilespmem:$0x18A0] =	vst v1  }
0xd5: {  	v23 =	vld [tilespmem:$0x2C0];
	[tilespmem:$0x1AA0] =	vst v1  }
0xd6: {  	[tilespmem:$0x1CA0] =	vst v1;
	v0 =	vadd.f32 v19, v0  }
0xd7: {  	v24 =	vld [tilespmem:$0x4C0];
	[tilespmem:$0x1EA0] =	vst v1  }
0xd8: {  	[tilespmem:$0x20A0] =	vst v1;
	v0 =	vadd.f32 v20, v0  }
0xd9: {  	v25 =	vld [tilespmem:$0x6C0];
	[tilespmem:$0x22A0] =	vst v1  }
0xda: {  	v2 =	vadd.f32 v23, v22;
	[tilespmem:$0x24A0] =	vst v1;
	v0 =	vadd.f32 v21, v0  }
0xdb: {  	v26 =	vld [tilespmem:$0x8C0];
	[tilespmem:$0x26A0] =	vst v1  }
0xdc: {  	v2 =	vadd.f32 v24, v2;
	[tilespmem:$0x10B0] =	vst v0  }
0xdd: {  	v27 =	vld [tilespmem:$0xAC0];
	[tilespmem:$0x12B0] =	vst v0  }
0xde: {  	v28 =	vld [tilespmem:$0xCC0];
	v2 =	vadd.f32 v25, v2;
	[tilespmem:$0x14B0] =	vst v0  }
0xdf: {  	v29 =	vld [tilespmem:$0xEC0];
	[tilespmem:$0x16B0] =	vst v0  }
0xe0: {  	v30 =	vld [tilespmem:$0xD0];
	v1 =	vadd.f32 v26, v2;
	[tilespmem:$0x18B0] =	vst v0  }
0xe1: {  	v31 =	vld [tilespmem:$0x2D0];
	[tilespmem:$0x1AB0] =	vst v0  }
0xe2: {  	[tilespmem:$0x1CB0] =	vst v0;
	v1 =	vadd.f32 v27, v1  }
0xe3: {  	v32 =	vld [tilespmem:$0x4D0];
	[tilespmem:$0x1EB0] =	vst v0  }
0xe4: {  	[tilespmem:$0x20B0] =	vst v0;
	v1 =	vadd.f32 v28, v1  }
0xe5: {  	v33 =	vld [tilespmem:$0x6D0];
	[tilespmem:$0x22B0] =	vst v0  }
0xe6: {  	v2 =	vadd.f32 v31, v30;
	[tilespmem:$0x24B0] =	vst v0;
	v1 =	vadd.f32 v29, v1  }
0xe7: {  	v34 =	vld [tilespmem:$0x8D0];
	[tilespmem:$0x26B0] =	vst v0  }
0xe8: {  	v2 =	vadd.f32 v32, v2;
	[tilespmem:$0x10C0] =	vst v1  }
0xe9: {  	v35 =	vld [tilespmem:$0xAD0];
	[tilespmem:$0x12C0] =	vst v1  }
0xea: {  	v36 =	vld [tilespmem:$0xCD0];
	v2 =	vadd.f32 v33, v2;
	[tilespmem:$0x14C0] =	vst v1  }
0xeb: {  	v37 =	vld [tilespmem:$0xED0];
	[tilespmem:$0x16C0] =	vst v1  }
0xec: {  	v38 =	vld [tilespmem:$0xE0];
	v0 =	vadd.f32 v34, v2;
	[tilespmem:$0x18C0] =	vst v1  }
0xed: {  	v39 =	vld [tilespmem:$0x2E0];
	[tilespmem:$0x1AC0] =	vst v1  }
0xee: {  	[tilespmem:$0x1CC0] =	vst v1;
	v0 =	vadd.f32 v35, v0  }
0xef: {  	v40 =	vld [tilespmem:$0x4E0];
	[tilespmem:$0x1EC0] =	vst v1  }
0xf0: {  	[tilespmem:$0x20C0] =	vst v1;
	v0 =	vadd.f32 v36, v0  }
0xf1: {  	v41 =	vld [tilespmem:$0x6E0];
	[tilespmem:$0x22C0] =	vst v1  }
0xf2: {  	v2 =	vadd.f32 v39, v38;
	[tilespmem:$0x24C0] =	vst v1;
	v0 =	vadd.f32 v37, v0  }
0xf3: {  	v42 =	vld [tilespmem:$0x8E0];
	[tilespmem:$0x26C0] =	vst v1  }
0xf4: {  	v2 =	vadd.f32 v40, v2;
	[tilespmem:$0x10D0] =	vst v0  }
0xf5: {  	v43 =	vld [tilespmem:$0xAE0];
	[tilespmem:$0x12D0] =	vst v0  }
0xf6: {  	v46 =	vld [tilespmem:$0xF0];
	v2 =	vadd.f32 v41, v2;
	[tilespmem:$0x14D0] =	vst v0  }
0xf7: {  	v44 =	vld [tilespmem:$0xCE0];
	[tilespmem:$0x16D0] =	vst v0  }
0xf8: {  	v47 =	vld [tilespmem:$0x2F0];
	v1 =	vadd.f32 v42, v2;
	[tilespmem:$0x18D0] =	vst v0  }
0xf9: {  	v45 =	vld [tilespmem:$0xEE0];
	[tilespmem:$0x1AD0] =	vst v0  }
0xfa: {  	[tilespmem:$0x1CD0] =	vst v0;
	v1 =	vadd.f32 v43, v1  }
0xfb: {  	v48 =	vld [tilespmem:$0x4F0];
	[tilespmem:$0x1ED0] =	vst v0  }
0xfc: {  	[tilespmem:$0x20D0] =	vst v0;
	v1 =	vadd.f32 v44, v1  }
0xfd: {  	v49 =	vld [tilespmem:$0x6F0];
	[tilespmem:$0x22D0] =	vst v0  }
0xfe: {  	v2 =	vadd.f32 v47, v46;
	[tilespmem:$0x24D0] =	vst v0;
	v1 =	vadd.f32 v45, v1  }
0xff: {  	v50 =	vld [tilespmem:$0x8F0];
	[tilespmem:$0x26D0] =	vst v0  }
0x100: {  	v2 =	vadd.f32 v48, v2;
	[tilespmem:$0x10E0] =	vst v1  }
0x101: {  	v51 =	vld [tilespmem:$0xAF0];
	[tilespmem:$0x12E0] =	vst v1  }
0x102: {  	v54 =	vld [tilespmem:$0x100];
	v2 =	vadd.f32 v49, v2;
	[tilespmem:$0x14E0] =	vst v1  }
0x103: {  	v52 =	vld [tilespmem:$0xCF0];
	[tilespmem:$0x16E0] =	vst v1  }
0x104: {  	v55 =	vld [tilespmem:$0x300];
	v0 =	vadd.f32 v50, v2;
	[tilespmem:$0x18E0] =	vst v1  }
0x105: {  	v53 =	vld [tilespmem:$0xEF0];
	[tilespmem:$0x1AE0] =	vst v1  }
0x106: {  	[tilespmem:$0x1CE0] =	vst v1;
	v0 =	vadd.f32 v51, v0  }
0x107: {  	v56 =	vld [tilespmem:$0x500];
	[tilespmem:$0x1EE0] =	vst v1  }
0x108: {  	[tilespmem:$0x20E0] =	vst v1;
	v0 =	vadd.f32 v52, v0  }
0x109: {  	v57 =	vld [tilespmem:$0x700];
	[tilespmem:$0x22E0] =	vst v1  }
0x10a: {  	v2 =	vadd.f32 v55, v54;
	[tilespmem:$0x24E0] =	vst v1;
	v0 =	vadd.f32 v53, v0  }
0x10b: {  	v58 =	vld [tilespmem:$0x900];
	[tilespmem:$0x26E0] =	vst v1  }
0x10c: {  	v2 =	vadd.f32 v56, v2;
	[tilespmem:$0x10F0] =	vst v0  }
0x10d: {  	v59 =	vld [tilespmem:$0xB00];
	[tilespmem:$0x12F0] =	vst v0  }
0x10e: {  	v62 =	vld [tilespmem:$0x110];
	v2 =	vadd.f32 v57, v2;
	[tilespmem:$0x14F0] =	vst v0  }
0x10f: {  	v60 =	vld [tilespmem:$0xD00];
	[tilespmem:$0x16F0] =	vst v0  }
0x110: {  	v63 =	vld [tilespmem:$0x310];
	v1 =	vadd.f32 v58, v2;
	[tilespmem:$0x18F0] =	vst v0  }
0x111: {  	v61 =	vld [tilespmem:$0xF00];
	[tilespmem:$0x1AF0] =	vst v0  }
0x112: {  	[tilespmem:$0x1CF0] =	vst v0;
	v1 =	vadd.f32 v59, v1  }
0x113: {  	v8 =	vld [tilespmem:$0x510];
	[tilespmem:$0x1EF0] =	vst v0  }
0x114: {  	[tilespmem:$0x20F0] =	vst v0;
	v1 =	vadd.f32 v60, v1  }
0x115: {  	v9 =	vld [tilespmem:$0x710];
	[tilespmem:$0x22F0] =	vst v0  }
0x116: {  	v2 =	vadd.f32 v63, v62;
	[tilespmem:$0x24F0] =	vst v0;
	v1 =	vadd.f32 v61, v1  }
0x117: {  	v10 =	vld [tilespmem:$0x910];
	[tilespmem:$0x26F0] =	vst v0  }
0x118: {  	v2 =	vadd.f32 v8, v2;
	[tilespmem:$0x1100] =	vst v1  }
0x119: {  	v11 =	vld [tilespmem:$0xB10];
	[tilespmem:$0x1300] =	vst v1  }
0x11a: {  	v14 =	vld [tilespmem:$0x120];
	v2 =	vadd.f32 v9, v2;
	[tilespmem:$0x1500] =	vst v1  }
0x11b: {  	v12 =	vld [tilespmem:$0xD10];
	[tilespmem:$0x1700] =	vst v1  }
0x11c: {  	v15 =	vld [tilespmem:$0x320];
	v0 =	vadd.f32 v10, v2;
	[tilespmem:$0x1900] =	vst v1  }
0x11d: {  	v13 =	vld [tilespmem:$0xF10];
	[tilespmem:$0x1B00] =	vst v1  }
0x11e: {  	[tilespmem:$0x1D00] =	vst v1;
	v0 =	vadd.f32 v11, v0  }
0x11f: {  	v16 =	vld [tilespmem:$0x520];
	[tilespmem:$0x1F00] =	vst v1  }
0x120: {  	[tilespmem:$0x2100] =	vst v1;
	v0 =	vadd.f32 v12, v0  }
0x121: {  	v17 =	vld [tilespmem:$0x720];
	[tilespmem:$0x2300] =	vst v1  }
0x122: {  	v2 =	vadd.f32 v15, v14;
	[tilespmem:$0x2500] =	vst v1;
	v0 =	vadd.f32 v13, v0  }
0x123: {  	v18 =	vld [tilespmem:$0x920];
	[tilespmem:$0x2700] =	vst v1  }
0x124: {  	v2 =	vadd.f32 v16, v2;
	[tilespmem:$0x1110] =	vst v0  }
0x125: {  	v19 =	vld [tilespmem:$0xB20];
	[tilespmem:$0x1310] =	vst v0  }
0x126: {  	v22 =	vld [tilespmem:$0x130];
	v2 =	vadd.f32 v17, v2;
	[tilespmem:$0x1510] =	vst v0  }
0x127: {  	v20 =	vld [tilespmem:$0xD20];
	[tilespmem:$0x1710] =	vst v0  }
0x128: {  	v23 =	vld [tilespmem:$0x330];
	v1 =	vadd.f32 v18, v2;
	[tilespmem:$0x1910] =	vst v0  }
0x129: {  	v21 =	vld [tilespmem:$0xF20];
	[tilespmem:$0x1B10] =	vst v0  }
0x12a: {  	[tilespmem:$0x1D10] =	vst v0;
	v1 =	vadd.f32 v19, v1  }
0x12b: {  	v24 =	vld [tilespmem:$0x530];
	[tilespmem:$0x1F10] =	vst v0  }
0x12c: {  	[tilespmem:$0x2110] =	vst v0;
	v1 =	vadd.f32 v20, v1  }
0x12d: {  	v25 =	vld [tilespmem:$0x730];
	[tilespmem:$0x2310] =	vst v0  }
0x12e: {  	v2 =	vadd.f32 v23, v22;
	[tilespmem:$0x2510] =	vst v0;
	v1 =	vadd.f32 v21, v1  }
0x12f: {  	v26 =	vld [tilespmem:$0x930];
	[tilespmem:$0x2710] =	vst v0  }
0x130: {  	v2 =	vadd.f32 v24, v2;
	[tilespmem:$0x1120] =	vst v1  }
0x131: {  	v27 =	vld [tilespmem:$0xB30];
	[tilespmem:$0x1320] =	vst v1  }
0x132: {  	v30 =	vld [tilespmem:$0x140];
	v2 =	vadd.f32 v25, v2;
	[tilespmem:$0x1520] =	vst v1  }
0x133: {  	v28 =	vld [tilespmem:$0xD30];
	[tilespmem:$0x1720] =	vst v1  }
0x134: {  	v31 =	vld [tilespmem:$0x340];
	v0 =	vadd.f32 v26, v2;
	[tilespmem:$0x1920] =	vst v1  }
0x135: {  	v29 =	vld [tilespmem:$0xF30];
	[tilespmem:$0x1B20] =	vst v1  }
0x136: {  	[tilespmem:$0x1D20] =	vst v1;
	v0 =	vadd.f32 v27, v0  }
0x137: {  	v32 =	vld [tilespmem:$0x540];
	[tilespmem:$0x1F20] =	vst v1  }
0x138: {  	[tilespmem:$0x2120] =	vst v1;
	v0 =	vadd.f32 v28, v0  }
0x139: {  	v33 =	vld [tilespmem:$0x740];
	[tilespmem:$0x2320] =	vst v1  }
0x13a: {  	v2 =	vadd.f32 v31, v30;
	[tilespmem:$0x2520] =	vst v1;
	v0 =	vadd.f32 v29, v0  }
0x13b: {  	v34 =	vld [tilespmem:$0x940];
	[tilespmem:$0x2720] =	vst v1  }
0x13c: {  	v2 =	vadd.f32 v32, v2;
	[tilespmem:$0x1130] =	vst v0  }
0x13d: {  	v35 =	vld [tilespmem:$0xB40];
	[tilespmem:$0x1330] =	vst v0  }
0x13e: {  	v38 =	vld [tilespmem:$0x150];
	v2 =	vadd.f32 v33, v2;
	[tilespmem:$0x1530] =	vst v0  }
0x13f: {  	v36 =	vld [tilespmem:$0xD40];
	[tilespmem:$0x1730] =	vst v0  }
0x140: {  	v39 =	vld [tilespmem:$0x350];
	v1 =	vadd.f32 v34, v2;
	[tilespmem:$0x1930] =	vst v0  }
0x141: {  	v37 =	vld [tilespmem:$0xF40];
	[tilespmem:$0x1B30] =	vst v0  }
0x142: {  	[tilespmem:$0x1D30] =	vst v0;
	v1 =	vadd.f32 v35, v1  }
0x143: {  	v40 =	vld [tilespmem:$0x550];
	[tilespmem:$0x1F30] =	vst v0  }
0x144: {  	[tilespmem:$0x2130] =	vst v0;
	v1 =	vadd.f32 v36, v1  }
0x145: {  	v41 =	vld [tilespmem:$0x750];
	[tilespmem:$0x2330] =	vst v0  }
0x146: {  	v2 =	vadd.f32 v39, v38;
	[tilespmem:$0x2530] =	vst v0;
	v1 =	vadd.f32 v37, v1  }
0x147: {  	v42 =	vld [tilespmem:$0x950];
	[tilespmem:$0x2730] =	vst v0  }
0x148: {  	v2 =	vadd.f32 v40, v2;
	[tilespmem:$0x1140] =	vst v1  }
0x149: {  	v43 =	vld [tilespmem:$0xB50];
	[tilespmem:$0x1340] =	vst v1  }
0x14a: {  	v46 =	vld [tilespmem:$0x160];
	v2 =	vadd.f32 v41, v2;
	[tilespmem:$0x1540] =	vst v1  }
0x14b: {  	v44 =	vld [tilespmem:$0xD50];
	[tilespmem:$0x1740] =	vst v1  }
0x14c: {  	v47 =	vld [tilespmem:$0x360];
	v0 =	vadd.f32 v42, v2;
	[tilespmem:$0x1940] =	vst v1  }
0x14d: {  	v45 =	vld [tilespmem:$0xF50];
	[tilespmem:$0x1B40] =	vst v1  }
0x14e: {  	[tilespmem:$0x1D40] =	vst v1;
	v0 =	vadd.f32 v43, v0  }
0x14f: {  	v48 =	vld [tilespmem:$0x560];
	[tilespmem:$0x1F40] =	vst v1  }
0x150: {  	[tilespmem:$0x2140] =	vst v1;
	v0 =	vadd.f32 v44, v0  }
0x151: {  	v49 =	vld [tilespmem:$0x760];
	[tilespmem:$0x2340] =	vst v1  }
0x152: {  	v2 =	vadd.f32 v47, v46;
	[tilespmem:$0x2540] =	vst v1;
	v0 =	vadd.f32 v45, v0  }
0x153: {  	v50 =	vld [tilespmem:$0x960];
	[tilespmem:$0x2740] =	vst v1  }
0x154: {  	v2 =	vadd.f32 v48, v2;
	[tilespmem:$0x1150] =	vst v0  }
0x155: {  	v51 =	vld [tilespmem:$0xB60];
	[tilespmem:$0x1350] =	vst v0  }
0x156: {  	v54 =	vld [tilespmem:$0x170];
	v2 =	vadd.f32 v49, v2;
	[tilespmem:$0x1550] =	vst v0  }
0x157: {  	v52 =	vld [tilespmem:$0xD60];
	[tilespmem:$0x1750] =	vst v0  }
0x158: {  	v55 =	vld [tilespmem:$0x370];
	v1 =	vadd.f32 v50, v2;
	[tilespmem:$0x1950] =	vst v0  }
0x159: {  	v53 =	vld [tilespmem:$0xF60];
	[tilespmem:$0x1B50] =	vst v0  }
0x15a: {  	[tilespmem:$0x1D50] =	vst v0;
	v1 =	vadd.f32 v51, v1  }
0x15b: {  	v56 =	vld [tilespmem:$0x570];
	[tilespmem:$0x1F50] =	vst v0  }
0x15c: {  	[tilespmem:$0x2150] =	vst v0;
	v1 =	vadd.f32 v52, v1  }
0x15d: {  	v57 =	vld [tilespmem:$0x770];
	[tilespmem:$0x2350] =	vst v0  }
0x15e: {  	v2 =	vadd.f32 v55, v54;
	[tilespmem:$0x2550] =	vst v0;
	v1 =	vadd.f32 v53, v1  }
0x15f: {  	v58 =	vld [tilespmem:$0x970];
	[tilespmem:$0x2750] =	vst v0  }
0x160: {  	v2 =	vadd.f32 v56, v2;
	[tilespmem:$0x1160] =	vst v1  }
0x161: {  	v59 =	vld [tilespmem:$0xB70];
	[tilespmem:$0x1360] =	vst v1  }
0x162: {  	v62 =	vld [tilespmem:$0x180];
	v2 =	vadd.f32 v57, v2;
	[tilespmem:$0x1560] =	vst v1  }
0x163: {  	v60 =	vld [tilespmem:$0xD70];
	[tilespmem:$0x1760] =	vst v1  }
0x164: {  	v63 =	vld [tilespmem:$0x380];
	v0 =	vadd.f32 v58, v2;
	[tilespmem:$0x1960] =	vst v1  }
0x165: {  	v61 =	vld [tilespmem:$0xF70];
	[tilespmem:$0x1B60] =	vst v1  }
0x166: {  	[tilespmem:$0x1D60] =	vst v1;
	v0 =	vadd.f32 v59, v0  }
0x167: {  	v8 =	vld [tilespmem:$0x580];
	[tilespmem:$0x1F60] =	vst v1  }
0x168: {  	[tilespmem:$0x2160] =	vst v1;
	v0 =	vadd.f32 v60, v0  }
0x169: {  	v9 =	vld [tilespmem:$0x780];
	[tilespmem:$0x2360] =	vst v1  }
0x16a: {  	v2 =	vadd.f32 v63, v62;
	[tilespmem:$0x2560] =	vst v1;
	v0 =	vadd.f32 v61, v0  }
0x16b: {  	v10 =	vld [tilespmem:$0x980];
	[tilespmem:$0x2760] =	vst v1  }
0x16c: {  	v2 =	vadd.f32 v8, v2;
	[tilespmem:$0x1170] =	vst v0  }
0x16d: {  	v11 =	vld [tilespmem:$0xB80];
	[tilespmem:$0x1370] =	vst v0  }
0x16e: {  	v14 =	vld [tilespmem:$0x190];
	v2 =	vadd.f32 v9, v2;
	[tilespmem:$0x1570] =	vst v0  }
0x16f: {  	v12 =	vld [tilespmem:$0xD80];
	[tilespmem:$0x1770] =	vst v0  }
0x170: {  	v15 =	vld [tilespmem:$0x390];
	v1 =	vadd.f32 v10, v2;
	[tilespmem:$0x1970] =	vst v0  }
0x171: {  	v13 =	vld [tilespmem:$0xF80];
	[tilespmem:$0x1B70] =	vst v0  }
0x172: {  	[tilespmem:$0x1D70] =	vst v0;
	v1 =	vadd.f32 v11, v1  }
0x173: {  	v16 =	vld [tilespmem:$0x590];
	[tilespmem:$0x1F70] =	vst v0  }
0x174: {  	[tilespmem:$0x2170] =	vst v0;
	v1 =	vadd.f32 v12, v1  }
0x175: {  	v17 =	vld [tilespmem:$0x790];
	[tilespmem:$0x2370] =	vst v0  }
0x176: {  	v2 =	vadd.f32 v15, v14;
	[tilespmem:$0x2570] =	vst v0;
	v1 =	vadd.f32 v13, v1  }
0x177: {  	v18 =	vld [tilespmem:$0x990];
	[tilespmem:$0x2770] =	vst v0  }
0x178: {  	v2 =	vadd.f32 v16, v2;
	[tilespmem:$0x1180] =	vst v1  }
0x179: {  	v19 =	vld [tilespmem:$0xB90];
	[tilespmem:$0x1380] =	vst v1  }
0x17a: {  	v22 =	vld [tilespmem:$0x1A0];
	v2 =	vadd.f32 v17, v2;
	[tilespmem:$0x1580] =	vst v1  }
0x17b: {  	v20 =	vld [tilespmem:$0xD90];
	[tilespmem:$0x1780] =	vst v1  }
0x17c: {  	v23 =	vld [tilespmem:$0x3A0];
	v0 =	vadd.f32 v18, v2;
	[tilespmem:$0x1980] =	vst v1  }
0x17d: {  	v21 =	vld [tilespmem:$0xF90];
	[tilespmem:$0x1B80] =	vst v1  }
0x17e: {  	[tilespmem:$0x1D80] =	vst v1;
	v0 =	vadd.f32 v19, v0  }
0x17f: {  	v24 =	vld [tilespmem:$0x5A0];
	[tilespmem:$0x1F80] =	vst v1  }
0x180: {  	[tilespmem:$0x2180] =	vst v1;
	v0 =	vadd.f32 v20, v0  }
0x181: {  	v25 =	vld [tilespmem:$0x7A0];
	[tilespmem:$0x2380] =	vst v1  }
0x182: {  	v2 =	vadd.f32 v23, v22;
	[tilespmem:$0x2580] =	vst v1;
	v0 =	vadd.f32 v21, v0  }
0x183: {  	v26 =	vld [tilespmem:$0x9A0];
	[tilespmem:$0x2780] =	vst v1  }
0x184: {  	v2 =	vadd.f32 v24, v2;
	[tilespmem:$0x1190] =	vst v0  }
0x185: {  	v27 =	vld [tilespmem:$0xBA0];
	[tilespmem:$0x1390] =	vst v0  }
0x186: {  	v7 =	vld [tilespmem:$0x3B0];
	v2 =	vadd.f32 v25, v2;
	[tilespmem:$0x1590] =	vst v0  }
0x187: {  	v28 =	vld [tilespmem:$0xDA0];
	[tilespmem:$0x1790] =	vst v0  }
0x188: {  	v30 =	vld [tilespmem:$0x1B0];
	v2 =	vadd.f32 v26, v2;
	[tilespmem:$0x1990] =	vst v0  }
0x189: {  	v29 =	vld [tilespmem:$0xFA0];
	[tilespmem:$0x1B90] =	vst v0  }
0x18a: {  	[tilespmem:$0x1D90] =	vst v0;
	v1 =	vadd.f32 v27, v2  }
0x18b: {  	v31 =	vld [tilespmem:$0x5B0];
	[tilespmem:$0x1F90] =	vst v0  }
0x18c: {  	[tilespmem:$0x2190] =	vst v0;
	v1 =	vadd.f32 v28, v1  }
0x18d: {  	v8 =	vld [tilespmem:$0x7B0];
	[tilespmem:$0x2390] =	vst v0  }
0x18e: {  	v3 =	vadd.f32 v7, v30;
	[tilespmem:$0x2590] =	vst v0;
	v1 =	vadd.f32 v29, v1  }
0x18f: {  	v32 =	vld [tilespmem:$0x9B0];
	[tilespmem:$0x2790] =	vst v0  }
0x190: {  	v3 =	vadd.f32 v31, v3;
	[tilespmem:$0x11A0] =	vst v1  }
0x191: {  	v9 =	vld [tilespmem:$0xBB0];
	[tilespmem:$0x13A0] =	vst v1  }
0x192: {  	v33 =	vld [tilespmem:$0xDB0];
	v3 =	vadd.f32 v8, v3;
	[tilespmem:$0x15A0] =	vst v1  }
0x193: {  	v40 =	vld [tilespmem:$0x1E0];
	[tilespmem:$0x17A0] =	vst v1  }
0x194: {  	v10 =	vld [tilespmem:$0xFB0];
	v2 =	vadd.f32 v32, v3;
	[tilespmem:$0x19A0] =	vst v1  }
0x195: {  	v13 =	vld [tilespmem:$0x3E0];
	[tilespmem:$0x1BA0] =	vst v1  }
0x196: {  	v2 =	vadd.f32 v9, v2;
	[tilespmem:$0x1DA0] =	vst v1  }
0x197: {  	v41 =	vld [tilespmem:$0x5E0];
	[tilespmem:$0x1FA0] =	vst v1  }
0x198: {  	v2 =	vadd.f32 v33, v2;
	[tilespmem:$0x21A0] =	vst v1  }
0x199: {  	v42 =	vld [tilespmem:$0x7E0];
	[tilespmem:$0x23A0] =	vst v1  }
0x19a: {  	v45 =	vadd.f32 v13, v40;
	[tilespmem:$0x25A0] =	vst v1;
	v2 =	vadd.f32 v10, v2  }
0x19b: {  	v46 =	vld [tilespmem:$0x9E0];
	[tilespmem:$0x27A0] =	vst v1  }
0x19c: {  	v4 =	vadd.f32 v41, v45;
	[tilespmem:$0x11B0] =	vst v2  }
0x19d: {  	v48 =	vld [tilespmem:$0xBE0];
	[tilespmem:$0x13B0] =	vst v2  }
0x19e: {  	v34 =	vld [tilespmem:$0x1D0];
	v4 =	vadd.f32 v42, v4;
	[tilespmem:$0x15B0] =	vst v2  }
0x19f: {  	v50 =	vld [tilespmem:$0xDE0];
	[tilespmem:$0x17B0] =	vst v2  }
0x1a0: {  	v35 =	vld [tilespmem:$0x3D0];
	v4 =	vadd.f32 v46, v4;
	[tilespmem:$0x19B0] =	vst v2  }
0x1a1: {  	v52 =	vld [tilespmem:$0xFE0];
	[tilespmem:$0x1BB0] =	vst v2  }
0x1a2: {  	v4 =	vadd.f32 v48, v4;
	[tilespmem:$0x1DB0] =	vst v2  }
0x1a3: {  	v36 =	vld [tilespmem:$0x5D0];
	[tilespmem:$0x1FB0] =	vst v2  }
0x1a4: {  	v4 =	vadd.f32 v50, v4;
	[tilespmem:$0x21B0] =	vst v2  }
0x1a5: {  	v37 =	vld [tilespmem:$0x7D0];
	[tilespmem:$0x23B0] =	vst v2  }
0x1a6: {  	v0 =	vadd.f32 v35, v34;
	[tilespmem:$0x25B0] =	vst v2;
	v4 =	vadd.f32 v52, v4  }
0x1a7: {  	v38 =	vld [tilespmem:$0x9D0];
	[tilespmem:$0x27B0] =	vst v2  }
0x1a8: {  	v0 =	vadd.f32 v36, v0;
	[tilespmem:$0x19E0] =	vst v4  }
0x1a9: {  	v11 =	vld [tilespmem:$0xBD0];
	[tilespmem:$0x1FE0] =	vst v4  }
0x1aa: {  	v39 =	vld [tilespmem:$0xDD0];
	v0 =	vadd.f32 v37, v0;
	[tilespmem:$0x23E0] =	vst v4  }
0x1ab: {  	v43 =	vld [tilespmem:$0x1F0];
	[tilespmem:$0x25E0] =	vst v4  }
0x1ac: {  	v44 =	vld [tilespmem:$0x3F0];
	v0 =	vadd.f32 v38, v0;
	[tilespmem:$0x27E0] =	vst v4  }
0x1ad: {  	v12 =	vld [tilespmem:$0xFD0];
	[tilespmem:$0x21E0] =	vst v4  }
0x1ae: {  	v0 =	vadd.f32 v11, v0;
	[tilespmem:$0x1BE0] =	vst v4  }
0x1af: {  	v47 =	vld [tilespmem:$0x5F0];
	[tilespmem:$0x1DE0] =	vst v4  }
0x1b0: {  	v0 =	vadd.f32 v39, v0;
	[tilespmem:$0x11E0] =	vst v4  }
0x1b1: {  	v49 =	vld [tilespmem:$0x7F0];
	[tilespmem:$0x17E0] =	vst v4  }
0x1b2: {  	v1 =	vadd.f32 v44, v43;
	[tilespmem:$0x15E0] =	vst v4;
	v0 =	vadd.f32 v12, v0  }
0x1b3: {  	v51 =	vld [tilespmem:$0x9F0];
	[tilespmem:$0x13E0] =	vst v4  }
0x1b4: {  	v1 =	vadd.f32 v47, v1;
	[tilespmem:$0x11D0] =	vst v0  }
0x1b5: {  	v53 =	vld [tilespmem:$0xBF0];
	[tilespmem:$0x13D0] =	vst v0  }
0x1b6: {  	v54 =	vld [tilespmem:$0xDF0];
	v1 =	vadd.f32 v49, v1;
	[tilespmem:$0x19D0] =	vst v0  }
0x1b7: {  	v55 =	vld [tilespmem:$0xFF0];
	[tilespmem:$0x27D0] =	vst v0  }
0x1b8: {  	v56 =	vld [tilespmem:$0x1C0];
	v1 =	vadd.f32 v51, v1;
	[tilespmem:$0x25D0] =	vst v0  }
0x1b9: {  	v57 =	vld [tilespmem:$0x3C0];
	[tilespmem:$0x23D0] =	vst v0  }
0x1ba: {  	v1 =	vadd.f32 v53, v1;
	[tilespmem:$0x21D0] =	vst v0  }
0x1bb: {  	v58 =	vld [tilespmem:$0x5C0];
	[tilespmem:$0x1FD0] =	vst v0  }
0x1bc: {  	[tilespmem:$0x1DD0] =	vst v0;
	v1 =	vadd.f32 v54, v1  }
0x1bd: {  	v59 =	vld [tilespmem:$0x7C0];
	[tilespmem:$0x1BD0] =	vst v0  }
0x1be: {  	v2 =	vadd.f32 v57, v56;
	[tilespmem:$0x15D0] =	vst v0;
	v1 =	vadd.f32 v55, v1  }
0x1bf: {  	v60 =	vld [tilespmem:$0x9C0];
	[tilespmem:$0x17D0] =	vst v0  }
0x1c0: {  	v2 =	vadd.f32 v58, v2;
	[tilespmem:$0x1FF0] =	vst v1  }
0x1c1: {  	v61 =	vld [tilespmem:$0xBC0];
	[tilespmem:$0x1DF0] =	vst v1  }
0x1c2: {  	v2 =	vadd.f32 v59, v2;
	[tilespmem:$0x1BF0] =	vst v1  }
0x1c3: {  	v62 =	vld [tilespmem:$0xDC0];
	[tilespmem:$0x19F0] =	vst v1  }
0x1c4: {  	v2 =	vadd.f32 v60, v2;
	[tilespmem:$0x17F0] =	vst v1  }
0x1c5: {  	v63 =	vld [tilespmem:$0xFC0];
	[tilespmem:$0x15F0] =	vst v1  }
0x1c6: {  	v2 =	vadd.f32 v61, v2;
	[tilespmem:$0x13F0] =	vst v1  }
0x1c7: {  	[tilespmem:$0x11F0] =	vst v1  }
0x1c8: {  	v2 =	vadd.f32 v62, v2;
	[tilespmem:$0x21F0] =	vst v1  }
0x1c9: {  	[tilespmem:$0x23F0] =	vst v1  }
0x1ca: {  	[tilespmem:$0x25F0] =	vst v1;
	v2 =	vadd.f32 v63, v2  }
0x1cb: {  	[tilespmem:$0x27F0] =	vst v1  }
0x1cc: {  	[tilespmem:$0x11C0] =	vst v2  }
0x1cd: {  	[tilespmem:$0x13C0] =	vst v2  }
0x1ce: {  	[tilespmem:$0x15C0] =	vst v2  }
0x1cf: {  	[tilespmem:$0x27C0] =	vst v2  }
0x1d0: {  	[tilespmem:$0x25C0] =	vst v2  }
0x1d1: {  	[tilespmem:$0x23C0] =	vst v2  }
0x1d2: {  	[tilespmem:$0x21C0] =	vst v2  }
0x1d3: {  	[tilespmem:$0x1FC0] =	vst v2  }
0x1d4: {  	[tilespmem:$0x1DC0] =	vst v2  }
0x1d5: {  	[tilespmem:$0x1BC0] =	vst v2  }
0x1d6: {  	p0 =	sne.s32 s12, $0x1;
	[tilespmem:$0x19C0] =	vst v2  }
.Ltmp0:
0x1d7: {  	[tilespmem:$0x17C0] =	vst v2;
	(pc) =	sbr.rel @p0 .LBB2_1-.Ltmp0, $4  }
0x1d8: {  	[hbm4b:s11+s13] =	stream.strided.scatter [tilespmem:s21], [sflag:$0x2], $0x1800, s16, s13, $0x38;
	[tilespmem:$0x2800] =	vst v63  }
0x1d9: {  	_ =	swait.ge [sflag:s22], $0x1800  }
0x1da: {  	[sflag:s22] =	ssyncset.done $0x0  }
0x1db: {  	s12 =	sadd.s32 $0xFFFFFFFF, s12;
	[sflag:s22] =	ssyncadd.s32 $0xFFFFE800  }
0x1dc: {  	_ =	sfence.sel $0x180000  }
0x1dd: {  	[bflag:$0x0] =	sbarrier.arrive $0xFFFF  }
0x1de: {  	p0 =	sne.s32 s0, $0x0;
	_ =	strace $0x90000047  }
0x1df: {  	s0 =	sadd.s32 @!p0 $0x100000, s1;
	[bflag:$0x2] =	sbarrier.arrive $0xFFFF  }
0x1e0: {  	[sflag:s0] =	ssyncadd.tile.s32 @!p0 $0x1;
	_ =	shalt  }
.Lfunc_end2:
_tile_overlayer_lowered:
.L_overlay_start_2:
0x1e1: {  	(tag) =	ssettag $0x2  }
0x1e2: {  	s0 =	rddreg [dreg:$0x0];
	s2 =	stileid.u32  }
0x1e3: {  	s1 =	rddreg [dreg:$0x1];
	p0 =	sne.s32 s2, $0x0  }
0x1e4: {  	s3 =	rddreg [dreg:$0x2];
	[bflag:$0x3] =	sbarrier.arrive $0xFFFF;
	s2 =	simm.s32 @!p0 $0x1C02  }
0x1e5: {  	[timem:s3], [sflag:s2] =	dma.local @!p0 [hbm:s0], s1  }
0x1e6: {  	s0 =	simm.s32 @!p0 $0x2  }
0x1e7: {  	_ =	swait.ge @!p0 [sflag:s0], s1  }
0x1e8: {  	s1 =	ssub.s32 @!p0 $0x0, s1;
	[sflag:s0] =	ssyncset.done @!p0 $0x0  }
0x1e9: {  	[sflag:s0] =	ssyncadd.s32 @!p0 s1  }
0x1ea: {  	[bflag:$0x3] =	sbarrier.arrive $0xFFFF  }
0x1eb: {  	_ =	shalt  }

</sc_bundles>
